<compile_context>
chip_gen: v7x
topology: tpu7x:2x2x1
jax: 0.10.2.dev20260603
libtpu: 0.0.44.dev20260713+nightly
codegen_flags: <defaults>
</compile_context>

<pallas_src>
import functools

import jax
import jax.numpy as jnp
from jax import lax
from jax.experimental import pallas as pl
from jax.experimental.pallas import tpu as pltpu
from jax.experimental.pallas import tpu_sc as plsc

NC, NS, L = 2, 16, 16
NW = NC * NS
R = 147456
NROWS = 384
ROWS_PER_W = NROWS // NW
K = 2949
CH = 12288
NCHUNK = R // CH
UNROLL = 4
NB1, NB2, NB3 = 2048, 2048, 1024
HIST_WORDS = NB1
CAP = 32768


def _sc_body(x_hbm, out_hbm, hist, buf0, buf1, cand, res, sem0, sem1):
    wid = lax.axis_index("s") * NC + lax.axis_index("c")
    lane = lax.iota(jnp.int32, L)
    lane_u = lax.iota(jnp.uint32, L)
    zero16i = jnp.zeros((L,), jnp.int32)
    zero16f = jnp.zeros((L,), jnp.float32)
    ones16i = jnp.full((L,), 1, jnp.int32)

    def monotone_key(xv):
        u = plsc.bitcast(xv, jnp.uint32)
        s = plsc.bitcast(
            lax.shift_right_arithmetic(plsc.bitcast(xv, jnp.int32), 31),
            jnp.uint32)
        return u ^ (s | jnp.uint32(0x80000000))

    def clear_hist():
        @plsc.parallel_loop(0, HIST_WORDS // L, unroll=8)
        def _(i):
            hist[pl.ds(i * L, L)] = zero16i

    def stream_pass(base, vec_fn, carry):
        def dma(c, buf, sem):
            return pltpu.make_async_copy(
                x_hbm.at[pl.ds(base + c * CH, CH)], buf, sem)

        dma(0, buf0, sem0).start()
        dma(1, buf1, sem1).start()

        def chunk(buf, carry):
            @plsc.parallel_loop(0, CH // L, unroll=UNROLL, carry=carry)
            def out(j, c):
                xv = buf[pl.ds(j * L, L)]
                return vec_fn(xv, c)
            return out

        def step(i, carry):
            dma(2 * i, buf0, sem0).wait()
            carry = chunk(buf0, carry)

            @pl.when(i < NCHUNK // 2 - 1)
            def _():
                dma(2 * i + 2, buf0, sem0).start()

            dma(2 * i + 1, buf1, sem1).wait()
            carry = chunk(buf1, carry)

            @pl.when(i < NCHUNK // 2 - 1)
            def _():
                dma(2 * i + 3, buf1, sem1).start()

            return carry

        return lax.fori_loop(0, NCHUNK // 2, step, carry)

    def find_pivot(nb, kk):
        nch = nb // L
        nsup = nch // L

        above = jnp.int32(0)
        chosen_s = jnp.int32(0)
        s_sup = jnp.int32(0)
        for j in range(nsup - 1, -1, -1):
            acc = hist[pl.ds(j * (L * L), L)]
            for t in range(1, L):
                acc = acc + hist[pl.ds(j * (L * L) + t * L, L)]
            ss = jnp.sum(acc)
            hit = jnp.logical_and(above < kk, above + ss >= kk)
            chosen_s = jnp.where(hit, jnp.int32(j), chosen_s)
            s_sup = jnp.where(hit, above, s_sup)
            above = above + ss

        def scan(j, carry):
            above, chosen, s_chunk = carry
            c = chosen_s * L + (L - 1 - j)
            acc = hist[pl.ds(c * L, L)]
            sc_ = jnp.sum(acc)
            hit = jnp.logical_and(above < kk, above + sc_ >= kk)
            chosen = jnp.where(hit, c, chosen)
            s_chunk = jnp.where(hit, above, s_chunk)
            return above + sc_, chosen, s_chunk
        _, chosen, s_chunk = lax.fori_loop(
            0, L, scan, (s_sup, jnp.int32(0), jnp.int32(0)))

        t16 = hist[pl.ds(chosen * L, L)]
        pref = plsc.cumsum(t16)
        tot = jnp.sum(t16)
        s_j = s_chunk + (tot - pref)
        hit = jnp.logical_and(s_j < kk, s_j + t16 >= kk)
        j_local = jnp.sum(jnp.where(hit, lane, zero16i))
        s_level = jnp.sum(jnp.where(hit, s_j, zero16i))
        c_level = jnp.sum(jnp.where(hit, t16, zero16i))
        return chosen * L + j_local, s_level, c_level

    def inv_key(keyv):
        neg = keyv < jnp.uint32(0x80000000)
        bits = jnp.where(neg, ~keyv, keyv ^ jnp.uint32(0x80000000))
        return plsc.bitcast(bits, jnp.float32)

    def row_body(i, _):
        row = wid * ROWS_PER_W + i
        base = row * R

        clear_hist()

        def vec1(xv, carry):
            key = monotone_key(xv)
            b = plsc.bitcast(key >> jnp.uint32(21), jnp.int32)
            plsc.addupdate_scatter(hist, [b], ones16i)
            return carry
        stream_pass(base, vec1, jnp.int32(0))
        b1, s1, c1 = find_pivot(NB1, jnp.int32(K))
        b1u = b1.astype(jnp.uint32)
        k2 = jnp.int32(K) - s1

        def vec2(xv, carry):
            acc, offv = carry
            key = monotone_key(xv)
            hi = key >> jnp.uint32(21)
            inb = hi == b1u
            maski = jnp.where(inb, ones16i, zero16i)
            pos = offv + (plsc.cumsum(maski) - maski)
            plsc.store_scatter(cand, [jnp.minimum(pos, CAP)], xv, mask=inb)
            npop = plsc.all_reduce_population_count(inb)
            return acc + jnp.where(hi > b1u, xv, zero16f), offv + npop
        acc1, _ = stream_pass(base, vec2, (zero16f, zero16i))
        sum_above1 = jnp.sum(acc1)

        pad_off = jnp.minimum(c1, jnp.int32(CAP))
        padv = plsc.bitcast(jnp.full((L,), -1, jnp.int32), jnp.float32)
        plsc.store_scatter(cand, [pad_off + lane], padv)
        nloc = (c1 + jnp.int32(L - 1)) // jnp.int32(L)
        in_cap = c1 <= jnp.int32(CAP)

        clear_hist()

        def level2_local(_):
            def body(j, acc):
                xv = cand[pl.ds(j * L, L)]
                key = monotone_key(xv)
                b = plsc.bitcast((key >> jnp.uint32(10)) & jnp.uint32(0x7FF),
                                 jnp.int32)
                plsc.addupdate_scatter(hist, [b], ones16i)
                return acc
            return lax.fori_loop(0, nloc, body, jnp.int32(0))

        def level2_stream(_):
            def vec2h(xv, acc):
                key = monotone_key(xv)
                hi = key >> jnp.uint32(21)
                b = plsc.bitcast((key >> jnp.uint32(10)) & jnp.uint32(0x7FF),
                                 jnp.int32)
                plsc.addupdate_scatter(hist, [b], ones16i,
                                       mask=hi == b1u)
                return acc
            return stream_pass(base, vec2h, jnp.int32(0))

        lax.cond(in_cap, level2_local, level2_stream, jnp.int32(0))
        b2, s2, _ = find_pivot(NB2, k2)
        k3 = k2 - s2
        pref2 = (b1u << jnp.uint32(11)) | b2.astype(jnp.uint32)

        clear_hist()
        top1 = (b1u << jnp.uint32(11)) | jnp.uint32(0x7FF)

        def level3_local(_):
            def body(j, acc):
                xv = cand[pl.ds(j * L, L)]
                key = monotone_key(xv)
                kp = key >> jnp.uint32(10)
                b = plsc.bitcast(key & jnp.uint32(0x3FF), jnp.int32)
                plsc.addupdate_scatter(hist, [b], ones16i,
                                       mask=kp == pref2)
                return acc + jnp.where(kp > pref2, xv, zero16f)
            acc2 = lax.fori_loop(0, nloc, body, zero16f)
            return jnp.sum(acc2)

        def level3_stream(_):
            def vec3(xv, acc):
                key = monotone_key(xv)
                kp = key >> jnp.uint32(10)
                b = plsc.bitcast(key & jnp.uint32(0x3FF), jnp.int32)
                plsc.addupdate_scatter(hist, [b], ones16i,
                                       mask=kp == pref2)
                mid = jnp.logical_and(kp > pref2, kp <= top1)
                return acc + jnp.where(mid, xv, zero16f)
            acc2 = stream_pass(base, vec3, zero16f)
            return jnp.sum(acc2)

        sum_above2 = lax.cond(in_cap, level3_local, level3_stream,
                              jnp.int32(0))
        b3, s3, _ = find_pivot(NB3, k3)

        pref_full = pref2 << jnp.uint32(10)

        def rec(c, acc):
            j = c * L + lane
            cnt = hist[pl.ds(c * L, L)]
            keyv = pref_full | plsc.bitcast(j, jnp.uint32)
            val = inv_key(keyv)
            sel = jnp.where(j > b3, cnt.astype(jnp.float32) * val, zero16f)
            return acc + sel
        acc3 = lax.fori_loop(0, NB3 // L, rec, zero16f)
        sum3 = jnp.sum(acc3)

        tvec = inv_key(jnp.broadcast_to(pref_full, (L,))
                       | plsc.bitcast(jnp.broadcast_to(b3, (L,)), jnp.uint32))
        n_rem = (jnp.int32(K) - (s1 + s2 + s3)).astype(jnp.float32)
        tie = jnp.sum(jnp.where(lane == 0, n_rem * tvec, zero16f))

        mean = (sum_above1 + sum_above2 + sum3 + tie) * jnp.float32(1.0 / K)
        res[...] = jnp.broadcast_to(mean, (L,))
        pltpu.sync_copy(res, out_hbm.at[row])
        return 0

    lax.fori_loop(0, ROWS_PER_W, row_body, 0)


@jax.jit
def _sc_topk_mean(xf):
    mesh = plsc.VectorSubcoreMesh(core_axis_name="c", subcore_axis_name="s")
    fn = pl.kernel(
        _sc_body,
        out_type=jax.ShapeDtypeStruct((NROWS, L), jnp.float32),
        mesh=mesh,
        compiler_params=pltpu.CompilerParams(needs_layout_passes=False),
        scratch_types=[
            pltpu.VMEM((HIST_WORDS,), jnp.int32),
            pltpu.VMEM((CH,), jnp.float32),
            pltpu.VMEM((CH,), jnp.float32),
            pltpu.VMEM((CAP + L,), jnp.float32),
            pltpu.VMEM((L,), jnp.float32),
            pltpu.SemaphoreType.DMA,
            pltpu.SemaphoreType.DMA,
        ],
    )
    return fn(xf)


def kernel(x):
    b, h, w, c = x.shape
    xf = x.reshape(-1)
    out = _sc_topk_mean(xf)
    return out[:, 0].reshape(b, c)

# --- scband reference (transcript-rebuilt; emitter-appended) ---
"""Pipeline reference for scband-top-tpercent-aggregation-44736379355578 (READ-ONLY COPY).

The authoritative reference and input builder live on the scoring server;
editing this copy changes nothing except your own understanding.
"""

import jax, jax.numpy as jnp
import numpy as np

PERCENT_T = 2.0

def setup_inputs(seed: int = 0) -> dict:
    key = jax.random.key(seed)
    x = jax.random.normal(key, (4, 384, 384, 96), dtype=jnp.float32)
    return {"x": x}

def reference(x):
    # x: [B, H, W, num_class]
    b = x.shape[0]
    h, w, num_class = x.shape[1], x.shape[2], x.shape[3]
    # tf.keras.layers.Reshape((num_class, -1)) is a raw row-major reshape
    # of [B, h, w, num_class] -> [B, num_class, h*w] (no transpose).
    x_flatten = jnp.reshape(x, (b, num_class, h * w))
    top_t = int(round(h * w * (PERCENT_T / 100.0)))
    selected_area, _ = jax.lax.top_k(x_flatten, top_t)
    out = jnp.mean(selected_area, axis=2)
    return out

if __name__ == "__main__":
    import jax
    _d = setup_inputs()
    print(jax.jit(kernel)(*tuple(_d.values())))

</pallas_src>

<mosaic_0001>
#map = affine_map<(d0, d1) -> (0)>
#map1 = affine_map<(d0, d1) -> (0, 0)>
module attributes {stable_mosaic.version = 14 : i64} {
  func.func @_sc_body(%arg0: i32, %arg1: i32, %arg2: memref<56623104xf32, #tpu.memory_space<hbm>>, %arg3: memref<384x16xf32, #tpu.memory_space<hbm>>, %arg4: memref<2048xi32, #tpu.memory_space<vmem>>, %arg5: memref<12288xf32, #tpu.memory_space<vmem>>, %arg6: memref<12288xf32, #tpu.memory_space<vmem>>, %arg7: memref<32784xf32, #tpu.memory_space<vmem>>, %arg8: memref<16xf32, #tpu.memory_space<vmem>>, %arg9: memref<!tpu.dma_semaphore, #tpu.memory_space<semaphore_mem>>, %arg10: memref<!tpu.dma_semaphore, #tpu.memory_space<semaphore_mem>>) attributes {dimension_semantics = [#tpu.dimension_semantics<core_parallel>, #tpu.dimension_semantics<subcore_parallel>], iteration_bounds = array<i64: 2, 16>, scalar_prefetch = 0 : i64, scratch_operands = 7 : i64, tpu.core_type = #tpu.core_type<sc_vector_subcore>, window_params = [{transform_indices = #map}, {transform_indices = #map1}]} {
    %mul3A = arith.constant 2 : i32
    %mul3A_0 = arith.muli %arg1, %mul3A : i32
    %add3A = arith.addi %mul3A_0, %arg0 : i32
    %iota3A = tpu.iota {dimensions = array<i32: 0>} : vector<16xi32>
    %iota3A_1 = tpu.iota {dimensions = array<i32: 0>} : vector<16xi32>
    %broadcast_in_dim3A = arith.constant 0 : i32
    %broadcast_in_dim3A_2 = vector.broadcast %broadcast_in_dim3A : i32 to vector<16xi32>
    %broadcast_in_dim3A_3 = arith.constant 0.000000e+00 : f32
    %broadcast_in_dim3A_4 = vector.broadcast %broadcast_in_dim3A_3 : f32 to vector<16xf32>
    %broadcast_in_dim3A_5 = arith.constant 1 : i32
    %broadcast_in_dim3A_6 = vector.broadcast %broadcast_in_dim3A_5 : i32 to vector<16xi32>
    %scan3A = arith.constant 0 : i32
    %scan3A_7 = arith.constant 0 : i32
    %scan3A_8 = arith.constant 12 : i32
    %scan3A_9 = arith.addi %scan3A_7, %scan3A_8 : i32
    %scan3A_10 = arith.constant 1 : i32
    %scan3A_11 = scf.for %scan3A_13 = %scan3A_7 to %scan3A_9 step %scan3A_10 iter_args(%scan3A_14 = %scan3A) -> (i32)  : i32 {
      %mul3A_15 = arith.constant 12 : i32
      %mul3A_16 = arith.muli %add3A, %mul3A_15 : i32
      %add3A_17 = arith.addi %mul3A_16, %scan3A_13 : i32
      %mul3A_18 = arith.constant 147456 : i32
      %mul3A_19 = arith.muli %add3A_17, %mul3A_18 : i32
      %parallel_loop3A = arith.constant 0 : i32
      %parallel_loop3A_20 = arith.constant 128 : i32
      %parallel_loop3A_21 = arith.constant 1 : i32
      scf.for %parallel_loop3A_1499 = %parallel_loop3A to %parallel_loop3A_20 step %parallel_loop3A_21  : i32 {
        %parallel_loop3A_1500 = arith.constant 16 : i32
        %parallel_loop3A_1501 = arith.muli %parallel_loop3A_1499, %parallel_loop3A_1500 : i32
        %parallel_loop3A_1502 = arith.index_cast %parallel_loop3A_1501 : i32 to index
        %parallel_loop3A_1503 = tpu.vector_load %arg4[%parallel_loop3A_1502] {strides = array<i32>} : memref<2048xi32, #tpu.memory_space<vmem>>, vector<16xi32>,
        tpu.vector_store %arg4[%parallel_loop3A_1502], %broadcast_in_dim3A_2 {strides = array<i32>} : memref<2048xi32, #tpu.memory_space<vmem>>, vector<16xi32>,
      } {sc.loop_unroll_factor = 8 : i64, sc.parallel_access}
      %add3A_22 = arith.constant 0 : i32
      %add3A_23 = arith.addi %mul3A_19, %add3A_22 : i32
      %dma_start3A = tpu.memref_slice %arg2[%add3A_23] : memref<56623104xf32, #tpu.memory_space<hbm>> -> memref<12288xf32, #tpu.memory_space<hbm>>
      %dma_start3A_24 = tpu.memref_slice %arg2[%add3A_23] : memref<56623104xf32, #tpu.memory_space<hbm>> -> memref<12288xf32, #tpu.memory_space<hbm>>
      tpu.enqueue_dma source(%dma_start3A_24 : memref<12288xf32, #tpu.memory_space<hbm>>) target(%arg5 : memref<12288xf32, #tpu.memory_space<vmem>>) target_semaphore(%arg9 : memref<!tpu.dma_semaphore, #tpu.memory_space<semaphore_mem>>)
      %add3A_25 = arith.constant 12288 : i32
      %add3A_26 = arith.addi %mul3A_19, %add3A_25 : i32
      %dma_start3A_27 = tpu.memref_slice %arg2[%add3A_26] : memref<56623104xf32, #tpu.memory_space<hbm>> -> memref<12288xf32, #tpu.memory_space<hbm>>
      %dma_start3A_28 = tpu.memref_slice %arg2[%add3A_26] : memref<56623104xf32, #tpu.memory_space<hbm>> -> memref<12288xf32, #tpu.memory_space<hbm>>
      tpu.enqueue_dma source(%dma_start3A_28 : memref<12288xf32, #tpu.memory_space<hbm>>) target(%arg6 : memref<12288xf32, #tpu.memory_space<vmem>>) target_semaphore(%arg10 : memref<!tpu.dma_semaphore, #tpu.memory_space<semaphore_mem>>)
      %scan3A_29 = arith.constant 0 : i32
      %scan3A_30 = arith.constant 0 : i32
      %scan3A_31 = arith.constant 6 : i32
      %scan3A_32 = arith.addi %scan3A_30, %scan3A_31 : i32
      %scan3A_33 = arith.constant 1 : i32
      %scan3A_34 = scf.for %scan3A_1499 = %scan3A_30 to %scan3A_32 step %scan3A_33 iter_args(%scan3A_1500 = %scan3A_29) -> (i32)  : i32 {
        %mul3A_1501 = arith.constant 2 : i32
        %mul3A_1502 = arith.muli %mul3A_1501, %scan3A_1499 : i32
        %mul3A_1503 = arith.constant 12288 : i32
        %mul3A_1504 = arith.muli %mul3A_1502, %mul3A_1503 : i32
        %add3A_1505 = arith.addi %mul3A_19, %mul3A_1504 : i32
        %dma_wait3A = tpu.memref_slice %arg2[%add3A_1505] : memref<56623104xf32, #tpu.memory_space<hbm>> -> memref<12288xf32, #tpu.memory_space<hbm>>
        %dma_wait3A_1506 = tpu.memref_slice %arg2[%add3A_1505] : memref<56623104xf32, #tpu.memory_space<hbm>> -> memref<12288xf32, #tpu.memory_space<hbm>>
        tpu.wait_dma2 semaphore(%arg9 : memref<!tpu.dma_semaphore, #tpu.memory_space<semaphore_mem>>) src(%dma_wait3A_1506 : memref<12288xf32, #tpu.memory_space<hbm>>) dst(%arg5 : memref<12288xf32, #tpu.memory_space<vmem>>)
        %parallel_loop3A_1507 = arith.constant 0 : i32
        %parallel_loop3A_1508 = arith.constant 768 : i32
        %parallel_loop3A_1509 = arith.constant 1 : i32
        %parallel_loop3A_1510 = scf.for %parallel_loop3A_1534 = %parallel_loop3A_1507 to %parallel_loop3A_1508 step %parallel_loop3A_1509 iter_args(%parallel_loop3A_1535 = %scan3A_1500) -> (i32)  : i32 {
          %parallel_loop3A_1536 = arith.constant 16 : i32
          %parallel_loop3A_1537 = arith.muli %parallel_loop3A_1534, %parallel_loop3A_1536 : i32
          %parallel_loop3A_1538 = arith.index_cast %parallel_loop3A_1537 : i32 to index
          %parallel_loop3A_1539 = tpu.vector_load %arg5[%parallel_loop3A_1538] {strides = array<i32>} : memref<12288xf32, #tpu.memory_space<vmem>>, vector<16xf32>,
          %parallel_loop3A_1540 = vector.bitcast %parallel_loop3A_1539 : vector<16xf32> to vector<16xi32>
          %parallel_loop3A_1541 = vector.bitcast %parallel_loop3A_1539 : vector<16xf32> to vector<16xi32>
          %parallel_loop3A_1542 = arith.constant 31 : i32
          %parallel_loop3A_1543 = vector.broadcast %parallel_loop3A_1542 : i32 to vector<16xi32>
          %parallel_loop3A_1544 = arith.shrsi %parallel_loop3A_1541, %parallel_loop3A_1543 : vector<16xi32>
          %parallel_loop3A_1545 = vector.bitcast %parallel_loop3A_1544 : vector<16xi32> to vector<16xi32>
          %parallel_loop3A_1546 = arith.constant -2147483648 : i32
          %parallel_loop3A_1547 = vector.broadcast %parallel_loop3A_1546 : i32 to vector<16xi32>
          %parallel_loop3A_1548 = arith.ori %parallel_loop3A_1545, %parallel_loop3A_1547 : vector<16xi32>
          %parallel_loop3A_1549 = arith.xori %parallel_loop3A_1540, %parallel_loop3A_1548 : vector<16xi32>
          %parallel_loop3A_1550 = arith.constant 21 : i32
          %parallel_loop3A_1551 = vector.broadcast %parallel_loop3A_1550 : i32 to vector<16xi32>
          %parallel_loop3A_1552 = arith.shrui %parallel_loop3A_1549, %parallel_loop3A_1551 : vector<16xi32>
          %parallel_loop3A_1553 = vector.bitcast %parallel_loop3A_1552 : vector<16xi32> to vector<16xi32>
          tpu.vector_store_idx %arg4[%parallel_loop3A_1553], %broadcast_in_dim3A_6 {add = true} : memref<2048xi32, #tpu.memory_space<vmem>>[vector<16xi32>], vector<16xi32>,
          scf.yield %parallel_loop3A_1535 : i32
        } {sc.loop_unroll_factor = 4 : i64, sc.parallel_access}
        %lt3A_1511 = arith.constant 5 : i32
        %lt3A_1512 = arith.cmpi slt, %scan3A_1499, %lt3A_1511 : i32
        %convert_element_type3A_1513 = arith.extui %lt3A_1512 : i1 to i32
        %cond3A_1514 = arith.constant 0 : i32
        %cond3A_1515 = arith.cmpi ne, %convert_element_type3A_1513, %cond3A_1514 : i32
        scf.if %cond3A_1515 {
          %mul3A_1534 = arith.constant 2 : i32
          %mul3A_1535 = arith.muli %mul3A_1534, %scan3A_1499 : i32
          %add3A_1536 = arith.constant 2 : i32
          %add3A_1537 = arith.addi %mul3A_1535, %add3A_1536 : i32
          %mul3A_1538 = arith.constant 12288 : i32
          %mul3A_1539 = arith.muli %add3A_1537, %mul3A_1538 : i32
          %add3A_1540 = arith.addi %mul3A_19, %mul3A_1539 : i32
          %dma_start3A_1541 = tpu.memref_slice %arg2[%add3A_1540] : memref<56623104xf32, #tpu.memory_space<hbm>> -> memref<12288xf32, #tpu.memory_space<hbm>>
          %dma_start3A_1542 = tpu.memref_slice %arg2[%add3A_1540] : memref<56623104xf32, #tpu.memory_space<hbm>> -> memref<12288xf32, #tpu.memory_space<hbm>>
          tpu.enqueue_dma source(%dma_start3A_1542 : memref<12288xf32, #tpu.memory_space<hbm>>) target(%arg5 : memref<12288xf32, #tpu.memory_space<vmem>>) target_semaphore(%arg9 : memref<!tpu.dma_semaphore, #tpu.memory_space<semaphore_mem>>)
        } else {
        }
        %mul3A_1516 = arith.constant 2 : i32
        %mul3A_1517 = arith.muli %mul3A_1516, %scan3A_1499 : i32
        %add3A_1518 = arith.constant 1 : i32
        %add3A_1519 = arith.addi %mul3A_1517, %add3A_1518 : i32
        %mul3A_1520 = arith.constant 12288 : i32
        %mul3A_1521 = arith.muli %add3A_1519, %mul3A_1520 : i32
        %add3A_1522 = arith.addi %mul3A_19, %mul3A_1521 : i32
        %dma_wait3A_1523 = tpu.memref_slice %arg2[%add3A_1522] : memref<56623104xf32, #tpu.memory_space<hbm>> -> memref<12288xf32, #tpu.memory_space<hbm>>
        %dma_wait3A_1524 = tpu.memref_slice %arg2[%add3A_1522] : memref<56623104xf32, #tpu.memory_space<hbm>> -> memref<12288xf32, #tpu.memory_space<hbm>>
        tpu.wait_dma2 semaphore(%arg10 : memref<!tpu.dma_semaphore, #tpu.memory_space<semaphore_mem>>) src(%dma_wait3A_1524 : memref<12288xf32, #tpu.memory_space<hbm>>) dst(%arg6 : memref<12288xf32, #tpu.memory_space<vmem>>)
        %parallel_loop3A_1525 = arith.constant 0 : i32
        %parallel_loop3A_1526 = arith.constant 768 : i32
        %parallel_loop3A_1527 = arith.constant 1 : i32
        %parallel_loop3A_1528 = scf.for %parallel_loop3A_1534 = %parallel_loop3A_1525 to %parallel_loop3A_1526 step %parallel_loop3A_1527 iter_args(%parallel_loop3A_1535 = %parallel_loop3A_1510) -> (i32)  : i32 {
          %parallel_loop3A_1536 = arith.constant 16 : i32
          %parallel_loop3A_1537 = arith.muli %parallel_loop3A_1534, %parallel_loop3A_1536 : i32
          %parallel_loop3A_1538 = arith.index_cast %parallel_loop3A_1537 : i32 to index
          %parallel_loop3A_1539 = tpu.vector_load %arg6[%parallel_loop3A_1538] {strides = array<i32>} : memref<12288xf32, #tpu.memory_space<vmem>>, vector<16xf32>,
          %parallel_loop3A_1540 = vector.bitcast %parallel_loop3A_1539 : vector<16xf32> to vector<16xi32>
          %parallel_loop3A_1541 = vector.bitcast %parallel_loop3A_1539 : vector<16xf32> to vector<16xi32>
          %parallel_loop3A_1542 = arith.constant 31 : i32
          %parallel_loop3A_1543 = vector.broadcast %parallel_loop3A_1542 : i32 to vector<16xi32>
          %parallel_loop3A_1544 = arith.shrsi %parallel_loop3A_1541, %parallel_loop3A_1543 : vector<16xi32>
          %parallel_loop3A_1545 = vector.bitcast %parallel_loop3A_1544 : vector<16xi32> to vector<16xi32>
          %parallel_loop3A_1546 = arith.constant -2147483648 : i32
          %parallel_loop3A_1547 = vector.broadcast %parallel_loop3A_1546 : i32 to vector<16xi32>
          %parallel_loop3A_1548 = arith.ori %parallel_loop3A_1545, %parallel_loop3A_1547 : vector<16xi32>
          %parallel_loop3A_1549 = arith.xori %parallel_loop3A_1540, %parallel_loop3A_1548 : vector<16xi32>
          %parallel_loop3A_1550 = arith.constant 21 : i32
          %parallel_loop3A_1551 = vector.broadcast %parallel_loop3A_1550 : i32 to vector<16xi32>
          %parallel_loop3A_1552 = arith.shrui %parallel_loop3A_1549, %parallel_loop3A_1551 : vector<16xi32>
          %parallel_loop3A_1553 = vector.bitcast %parallel_loop3A_1552 : vector<16xi32> to vector<16xi32>
          tpu.vector_store_idx %arg4[%parallel_loop3A_1553], %broadcast_in_dim3A_6 {add = true} : memref<2048xi32, #tpu.memory_space<vmem>>[vector<16xi32>], vector<16xi32>,
          scf.yield %parallel_loop3A_1535 : i32
        } {sc.loop_unroll_factor = 4 : i64, sc.parallel_access}
        %lt3A_1529 = arith.constant 5 : i32
        %lt3A_1530 = arith.cmpi slt, %scan3A_1499, %lt3A_1529 : i32
        %convert_element_type3A_1531 = arith.extui %lt3A_1530 : i1 to i32
        %cond3A_1532 = arith.constant 0 : i32
        %cond3A_1533 = arith.cmpi ne, %convert_element_type3A_1531, %cond3A_1532 : i32
        scf.if %cond3A_1533 {
          %mul3A_1534 = arith.constant 2 : i32
          %mul3A_1535 = arith.muli %mul3A_1534, %scan3A_1499 : i32
          %add3A_1536 = arith.constant 3 : i32
          %add3A_1537 = arith.addi %mul3A_1535, %add3A_1536 : i32
          %mul3A_1538 = arith.constant 12288 : i32
          %mul3A_1539 = arith.muli %add3A_1537, %mul3A_1538 : i32
          %add3A_1540 = arith.addi %mul3A_19, %mul3A_1539 : i32
          %dma_start3A_1541 = tpu.memref_slice %arg2[%add3A_1540] : memref<56623104xf32, #tpu.memory_space<hbm>> -> memref<12288xf32, #tpu.memory_space<hbm>>
          %dma_start3A_1542 = tpu.memref_slice %arg2[%add3A_1540] : memref<56623104xf32, #tpu.memory_space<hbm>> -> memref<12288xf32, #tpu.memory_space<hbm>>
          tpu.enqueue_dma source(%dma_start3A_1542 : memref<12288xf32, #tpu.memory_space<hbm>>) target(%arg6 : memref<12288xf32, #tpu.memory_space<vmem>>) target_semaphore(%arg10 : memref<!tpu.dma_semaphore, #tpu.memory_space<semaphore_mem>>)
        } else {
        }
        scf.yield %parallel_loop3A_1528 : i32
      }
      %scan3A_35 = arith.constant 6 : i32
      %get3A = arith.constant 1792 : index
      %get3A_36 = tpu.vector_load %arg4[%get3A] {strides = array<i32>} : memref<2048xi32, #tpu.memory_space<vmem>>, vector<16xi32>,
      %get3A_37 = arith.constant 1808 : index
      %get3A_38 = tpu.vector_load %arg4[%get3A_37] {strides = array<i32>} : memref<2048xi32, #tpu.memory_space<vmem>>, vector<16xi32>,
      %add3A_39 = arith.addi %get3A_36, %get3A_38 : vector<16xi32>
      %get3A_40 = arith.constant 1824 : index
      %get3A_41 = tpu.vector_load %arg4[%get3A_40] {strides = array<i32>} : memref<2048xi32, #tpu.memory_space<vmem>>, vector<16xi32>,
      %add3A_42 = arith.addi %add3A_39, %get3A_41 : vector<16xi32>
      %get3A_43 = arith.constant 1840 : index
      %get3A_44 = tpu.vector_load %arg4[%get3A_43] {strides = array<i32>} : memref<2048xi32, #tpu.memory_space<vmem>>, vector<16xi32>,
      %add3A_45 = arith.addi %add3A_42, %get3A_44 : vector<16xi32>
      %get3A_46 = arith.constant 1856 : index
      %get3A_47 = tpu.vector_load %arg4[%get3A_46] {strides = array<i32>} : memref<2048xi32, #tpu.memory_space<vmem>>, vector<16xi32>,
      %add3A_48 = arith.addi %add3A_45, %get3A_47 : vector<16xi32>
      %get3A_49 = arith.constant 1872 : index
      %get3A_50 = tpu.vector_load %arg4[%get3A_49] {strides = array<i32>} : memref<2048xi32, #tpu.memory_space<vmem>>, vector<16xi32>,
      %add3A_51 = arith.addi %add3A_48, %get3A_50 : vector<16xi32>
      %get3A_52 = arith.constant 1888 : index
      %get3A_53 = tpu.vector_load %arg4[%get3A_52] {strides = array<i32>} : memref<2048xi32, #tpu.memory_space<vmem>>, vector<16xi32>,
      %add3A_54 = arith.addi %add3A_51, %get3A_53 : vector<16xi32>
      %get3A_55 = arith.constant 1904 : index
      %get3A_56 = tpu.vector_load %arg4[%get3A_55] {strides = array<i32>} : memref<2048xi32, #tpu.memory_space<vmem>>, vector<16xi32>,
      %add3A_57 = arith.addi %add3A_54, %get3A_56 : vector<16xi32>
      %get3A_58 = arith.constant 1920 : index
      %get3A_59 = tpu.vector_load %arg4[%get3A_58] {strides = array<i32>} : memref<2048xi32, #tpu.memory_space<vmem>>, vector<16xi32>,
      %add3A_60 = arith.addi %add3A_57, %get3A_59 : vector<16xi32>
      %get3A_61 = arith.constant 1936 : index
      %get3A_62 = tpu.vector_load %arg4[%get3A_61] {strides = array<i32>} : memref<2048xi32, #tpu.memory_space<vmem>>, vector<16xi32>,
      %add3A_63 = arith.addi %add3A_60, %get3A_62 : vector<16xi32>
      %get3A_64 = arith.constant 1952 : index
      %get3A_65 = tpu.vector_load %arg4[%get3A_64] {strides = array<i32>} : memref<2048xi32, #tpu.memory_space<vmem>>, vector<16xi32>,
      %add3A_66 = arith.addi %add3A_63, %get3A_65 : vector<16xi32>
      %get3A_67 = arith.constant 1968 : index
      %get3A_68 = tpu.vector_load %arg4[%get3A_67] {strides = array<i32>} : memref<2048xi32, #tpu.memory_space<vmem>>, vector<16xi32>,
      %add3A_69 = arith.addi %add3A_66, %get3A_68 : vector<16xi32>
      %get3A_70 = arith.constant 1984 : index
      %get3A_71 = tpu.vector_load %arg4[%get3A_70] {strides = array<i32>} : memref<2048xi32, #tpu.memory_space<vmem>>, vector<16xi32>,
      %add3A_72 = arith.addi %add3A_69, %get3A_71 : vector<16xi32>
      %get3A_73 = arith.constant 2000 : index
      %get3A_74 = tpu.vector_load %arg4[%get3A_73] {strides = array<i32>} : memref<2048xi32, #tpu.memory_space<vmem>>, vector<16xi32>,
      %add3A_75 = arith.addi %add3A_72, %get3A_74 : vector<16xi32>
      %get3A_76 = arith.constant 2016 : index
      %get3A_77 = tpu.vector_load %arg4[%get3A_76] {strides = array<i32>} : memref<2048xi32, #tpu.memory_space<vmem>>, vector<16xi32>,
      %add3A_78 = arith.addi %add3A_75, %get3A_77 : vector<16xi32>
      %get3A_79 = arith.constant 2032 : index
      %get3A_80 = tpu.vector_load %arg4[%get3A_79] {strides = array<i32>} : memref<2048xi32, #tpu.memory_space<vmem>>, vector<16xi32>,
      %add3A_81 = arith.addi %add3A_78, %get3A_80 : vector<16xi32>
      %reduce_sum3A = arith.constant true
      %reduce_sum3A_82 = vector.broadcast %reduce_sum3A : i1 to vector<16xi1>
      %reduce_sum3A_83 = tpu.scan <sum>, %add3A_81 masked %reduce_sum3A_82 : vector<16xi32>, vector<16xi1> -> vector<16xi32>
      %reduce_sum3A_84 = vector.extract %reduce_sum3A_83[15] : i32 from vector<16xi32>
      %lt3A = arith.constant 0 : i32
      %lt3A_85 = arith.constant 2949 : i32
      %lt3A_86 = arith.cmpi slt, %lt3A, %lt3A_85 : i32
      %add3A_87 = arith.constant 0 : i32
      %add3A_88 = arith.addi %add3A_87, %reduce_sum3A_84 : i32
      %ge3A = arith.constant 2949 : i32
      %ge3A_89 = arith.cmpi sge, %add3A_88, %ge3A : i32
      %and3A = arith.andi %lt3A_86, %ge3A_89 : i1
      %jit3A = arith.constant 7 : i32
      %jit3A_90 = arith.constant 0 : i32
      %select_n3A = arith.select %and3A, %jit3A, %jit3A_90 : i32
      %jit3A_91 = arith.constant 0 : i32
      %jit3A_92 = arith.constant 0 : i32
      %select_n3A_93 = arith.select %and3A, %jit3A_91, %jit3A_92 : i32
      %add3A_94 = arith.constant 0 : i32
      %add3A_95 = arith.addi %add3A_94, %reduce_sum3A_84 : i32
      %get3A_96 = arith.constant 1536 : index
      %get3A_97 = tpu.vector_load %arg4[%get3A_96] {strides = array<i32>} : memref<2048xi32, #tpu.memory_space<vmem>>, vector<16xi32>,
      %get3A_98 = arith.constant 1552 : index
      %get3A_99 = tpu.vector_load %arg4[%get3A_98] {strides = array<i32>} : memref<2048xi32, #tpu.memory_space<vmem>>, vector<16xi32>,
      %add3A_100 = arith.addi %get3A_97, %get3A_99 : vector<16xi32>
      %get3A_101 = arith.constant 1568 : index
      %get3A_102 = tpu.vector_load %arg4[%get3A_101] {strides = array<i32>} : memref<2048xi32, #tpu.memory_space<vmem>>, vector<16xi32>,
      %add3A_103 = arith.addi %add3A_100, %get3A_102 : vector<16xi32>
      %get3A_104 = arith.constant 1584 : index
      %get3A_105 = tpu.vector_load %arg4[%get3A_104] {strides = array<i32>} : memref<2048xi32, #tpu.memory_space<vmem>>, vector<16xi32>,
      %add3A_106 = arith.addi %add3A_103, %get3A_105 : vector<16xi32>
      %get3A_107 = arith.constant 1600 : index
      %get3A_108 = tpu.vector_load %arg4[%get3A_107] {strides = array<i32>} : memref<2048xi32, #tpu.memory_space<vmem>>, vector<16xi32>,
      %add3A_109 = arith.addi %add3A_106, %get3A_108 : vector<16xi32>
      %get3A_110 = arith.constant 1616 : index
      %get3A_111 = tpu.vector_load %arg4[%get3A_110] {strides = array<i32>} : memref<2048xi32, #tpu.memory_space<vmem>>, vector<16xi32>,
      %add3A_112 = arith.addi %add3A_109, %get3A_111 : vector<16xi32>
      %get3A_113 = arith.constant 1632 : index
      %get3A_114 = tpu.vector_load %arg4[%get3A_113] {strides = array<i32>} : memref<2048xi32, #tpu.memory_space<vmem>>, vector<16xi32>,
      %add3A_115 = arith.addi %add3A_112, %get3A_114 : vector<16xi32>
      %get3A_116 = arith.constant 1648 : index
      %get3A_117 = tpu.vector_load %arg4[%get3A_116] {strides = array<i32>} : memref<2048xi32, #tpu.memory_space<vmem>>, vector<16xi32>,
      %add3A_118 = arith.addi %add3A_115, %get3A_117 : vector<16xi32>
      %get3A_119 = arith.constant 1664 : index
      %get3A_120 = tpu.vector_load %arg4[%get3A_119] {strides = array<i32>} : memref<2048xi32, #tpu.memory_space<vmem>>, vector<16xi32>,
      %add3A_121 = arith.addi %add3A_118, %get3A_120 : vector<16xi32>
      %get3A_122 = arith.constant 1680 : index
      %get3A_123 = tpu.vector_load %arg4[%get3A_122] {strides = array<i32>} : memref<2048xi32, #tpu.memory_space<vmem>>, vector<16xi32>,
      %add3A_124 = arith.addi %add3A_121, %get3A_123 : vector<16xi32>
      %get3A_125 = arith.constant 1696 : index
      %get3A_126 = tpu.vector_load %arg4[%get3A_125] {strides = array<i32>} : memref<2048xi32, #tpu.memory_space<vmem>>, vector<16xi32>,
      %add3A_127 = arith.addi %add3A_124, %get3A_126 : vector<16xi32>
      %get3A_128 = arith.constant 1712 : index
      %get3A_129 = tpu.vector_load %arg4[%get3A_128] {strides = array<i32>} : memref<2048xi32, #tpu.memory_space<vmem>>, vector<16xi32>,
      %add3A_130 = arith.addi %add3A_127, %get3A_129 : vector<16xi32>
      %get3A_131 = arith.constant 1728 : index
      %get3A_132 = tpu.vector_load %arg4[%get3A_131] {strides = array<i32>} : memref<2048xi32, #tpu.memory_space<vmem>>, vector<16xi32>,
      %add3A_133 = arith.addi %add3A_130, %get3A_132 : vector<16xi32>
      %get3A_134 = arith.constant 1744 : index
      %get3A_135 = tpu.vector_load %arg4[%get3A_134] {strides = array<i32>} : memref<2048xi32, #tpu.memory_space<vmem>>, vector<16xi32>,
      %add3A_136 = arith.addi %add3A_133, %get3A_135 : vector<16xi32>
      %get3A_137 = arith.constant 1760 : index
      %get3A_138 = tpu.vector_load %arg4[%get3A_137] {strides = array<i32>} : memref<2048xi32, #tpu.memory_space<vmem>>, vector<16xi32>,
      %add3A_139 = arith.addi %add3A_136, %get3A_138 : vector<16xi32>
      %get3A_140 = arith.constant 1776 : index
      %get3A_141 = tpu.vector_load %arg4[%get3A_140] {strides = array<i32>} : memref<2048xi32, #tpu.memory_space<vmem>>, vector<16xi32>,
      %add3A_142 = arith.addi %add3A_139, %get3A_141 : vector<16xi32>
      %reduce_sum3A_143 = arith.constant true
      %reduce_sum3A_144 = vector.broadcast %reduce_sum3A_143 : i1 to vector<16xi1>
      %reduce_sum3A_145 = tpu.scan <sum>, %add3A_142 masked %reduce_sum3A_144 : vector<16xi32>, vector<16xi1> -> vector<16xi32>
      %reduce_sum3A_146 = vector.extract %reduce_sum3A_145[15] : i32 from vector<16xi32>
      %lt3A_147 = arith.constant 2949 : i32
      %lt3A_148 = arith.cmpi slt, %add3A_95, %lt3A_147 : i32
      %add3A_149 = arith.addi %add3A_95, %reduce_sum3A_146 : i32
      %ge3A_150 = arith.constant 2949 : i32
      %ge3A_151 = arith.cmpi sge, %add3A_149, %ge3A_150 : i32
      %and3A_152 = arith.andi %lt3A_148, %ge3A_151 : i1
      %jit3A_153 = arith.constant 6 : i32
      %select_n3A_154 = arith.select %and3A_152, %jit3A_153, %select_n3A : i32
      %select_n3A_155 = arith.select %and3A_152, %add3A_95, %select_n3A_93 : i32
      %add3A_156 = arith.addi %add3A_95, %reduce_sum3A_146 : i32
      %get3A_157 = arith.constant 1280 : index
      %get3A_158 = tpu.vector_load %arg4[%get3A_157] {strides = array<i32>} : memref<2048xi32, #tpu.memory_space<vmem>>, vector<16xi32>,
      %get3A_159 = arith.constant 1296 : index
      %get3A_160 = tpu.vector_load %arg4[%get3A_159] {strides = array<i32>} : memref<2048xi32, #tpu.memory_space<vmem>>, vector<16xi32>,
      %add3A_161 = arith.addi %get3A_158, %get3A_160 : vector<16xi32>
      %get3A_162 = arith.constant 1312 : index
      %get3A_163 = tpu.vector_load %arg4[%get3A_162] {strides = array<i32>} : memref<2048xi32, #tpu.memory_space<vmem>>, vector<16xi32>,
      %add3A_164 = arith.addi %add3A_161, %get3A_163 : vector<16xi32>
      %get3A_165 = arith.constant 1328 : index
      %get3A_166 = tpu.vector_load %arg4[%get3A_165] {strides = array<i32>} : memref<2048xi32, #tpu.memory_space<vmem>>, vector<16xi32>,
      %add3A_167 = arith.addi %add3A_164, %get3A_166 : vector<16xi32>
      %get3A_168 = arith.constant 1344 : index
      %get3A_169 = tpu.vector_load %arg4[%get3A_168] {strides = array<i32>} : memref<2048xi32, #tpu.memory_space<vmem>>, vector<16xi32>,
      %add3A_170 = arith.addi %add3A_167, %get3A_169 : vector<16xi32>
      %get3A_171 = arith.constant 1360 : index
      %get3A_172 = tpu.vector_load %arg4[%get3A_171] {strides = array<i32>} : memref<2048xi32, #tpu.memory_space<vmem>>, vector<16xi32>,
      %add3A_173 = arith.addi %add3A_170, %get3A_172 : vector<16xi32>
      %get3A_174 = arith.constant 1376 : index
      %get3A_175 = tpu.vector_load %arg4[%get3A_174] {strides = array<i32>} : memref<2048xi32, #tpu.memory_space<vmem>>, vector<16xi32>,
      %add3A_176 = arith.addi %add3A_173, %get3A_175 : vector<16xi32>
      %get3A_177 = arith.constant 1392 : index
      %get3A_178 = tpu.vector_load %arg4[%get3A_177] {strides = array<i32>} : memref<2048xi32, #tpu.memory_space<vmem>>, vector<16xi32>,
      %add3A_179 = arith.addi %add3A_176, %get3A_178 : vector<16xi32>
      %get3A_180 = arith.constant 1408 : index
      %get3A_181 = tpu.vector_load %arg4[%get3A_180] {strides = array<i32>} : memref<2048xi32, #tpu.memory_space<vmem>>, vector<16xi32>,
      %add3A_182 = arith.addi %add3A_179, %get3A_181 : vector<16xi32>
      %get3A_183 = arith.constant 1424 : index
      %get3A_184 = tpu.vector_load %arg4[%get3A_183] {strides = array<i32>} : memref<2048xi32, #tpu.memory_space<vmem>>, vector<16xi32>,
      %add3A_185 = arith.addi %add3A_182, %get3A_184 : vector<16xi32>
      %get3A_186 = arith.constant 1440 : index
      %get3A_187 = tpu.vector_load %arg4[%get3A_186] {strides = array<i32>} : memref<2048xi32, #tpu.memory_space<vmem>>, vector<16xi32>,
      %add3A_188 = arith.addi %add3A_185, %get3A_187 : vector<16xi32>
      %get3A_189 = arith.constant 1456 : index
      %get3A_190 = tpu.vector_load %arg4[%get3A_189] {strides = array<i32>} : memref<2048xi32, #tpu.memory_space<vmem>>, vector<16xi32>,
      %add3A_191 = arith.addi %add3A_188, %get3A_190 : vector<16xi32>
      %get3A_192 = arith.constant 1472 : index
      %get3A_193 = tpu.vector_load %arg4[%get3A_192] {strides = array<i32>} : memref<2048xi32, #tpu.memory_space<vmem>>, vector<16xi32>,
      %add3A_194 = arith.addi %add3A_191, %get3A_193 : vector<16xi32>
      %get3A_195 = arith.constant 1488 : index
      %get3A_196 = tpu.vector_load %arg4[%get3A_195] {strides = array<i32>} : memref<2048xi32, #tpu.memory_space<vmem>>, vector<16xi32>,
      %add3A_197 = arith.addi %add3A_194, %get3A_196 : vector<16xi32>
      %get3A_198 = arith.constant 1504 : index
      %get3A_199 = tpu.vector_load %arg4[%get3A_198] {strides = array<i32>} : memref<2048xi32, #tpu.memory_space<vmem>>, vector<16xi32>,
      %add3A_200 = arith.addi %add3A_197, %get3A_199 : vector<16xi32>
      %get3A_201 = arith.constant 1520 : index
      %get3A_202 = tpu.vector_load %arg4[%get3A_201] {strides = array<i32>} : memref<2048xi32, #tpu.memory_space<vmem>>, vector<16xi32>,
      %add3A_203 = arith.addi %add3A_200, %get3A_202 : vector<16xi32>
      %reduce_sum3A_204 = arith.constant true
      %reduce_sum3A_205 = vector.broadcast %reduce_sum3A_204 : i1 to vector<16xi1>
      %reduce_sum3A_206 = tpu.scan <sum>, %add3A_203 masked %reduce_sum3A_205 : vector<16xi32>, vector<16xi1> -> vector<16xi32>
      %reduce_sum3A_207 = vector.extract %reduce_sum3A_206[15] : i32 from vector<16xi32>
      %lt3A_208 = arith.constant 2949 : i32
      %lt3A_209 = arith.cmpi slt, %add3A_156, %lt3A_208 : i32
      %add3A_210 = arith.addi %add3A_156, %reduce_sum3A_207 : i32
      %ge3A_211 = arith.constant 2949 : i32
      %ge3A_212 = arith.cmpi sge, %add3A_210, %ge3A_211 : i32
      %and3A_213 = arith.andi %lt3A_209, %ge3A_212 : i1
      %jit3A_214 = arith.constant 5 : i32
      %select_n3A_215 = arith.select %and3A_213, %jit3A_214, %select_n3A_154 : i32
      %select_n3A_216 = arith.select %and3A_213, %add3A_156, %select_n3A_155 : i32
      %add3A_217 = arith.addi %add3A_156, %reduce_sum3A_207 : i32
      %get3A_218 = arith.constant 1024 : index
      %get3A_219 = tpu.vector_load %arg4[%get3A_218] {strides = array<i32>} : memref<2048xi32, #tpu.memory_space<vmem>>, vector<16xi32>,
      %get3A_220 = arith.constant 1040 : index
      %get3A_221 = tpu.vector_load %arg4[%get3A_220] {strides = array<i32>} : memref<2048xi32, #tpu.memory_space<vmem>>, vector<16xi32>,
      %add3A_222 = arith.addi %get3A_219, %get3A_221 : vector<16xi32>
      %get3A_223 = arith.constant 1056 : index
      %get3A_224 = tpu.vector_load %arg4[%get3A_223] {strides = array<i32>} : memref<2048xi32, #tpu.memory_space<vmem>>, vector<16xi32>,
      %add3A_225 = arith.addi %add3A_222, %get3A_224 : vector<16xi32>
      %get3A_226 = arith.constant 1072 : index
      %get3A_227 = tpu.vector_load %arg4[%get3A_226] {strides = array<i32>} : memref<2048xi32, #tpu.memory_space<vmem>>, vector<16xi32>,
      %add3A_228 = arith.addi %add3A_225, %get3A_227 : vector<16xi32>
      %get3A_229 = arith.constant 1088 : index
      %get3A_230 = tpu.vector_load %arg4[%get3A_229] {strides = array<i32>} : memref<2048xi32, #tpu.memory_space<vmem>>, vector<16xi32>,
      %add3A_231 = arith.addi %add3A_228, %get3A_230 : vector<16xi32>
      %get3A_232 = arith.constant 1104 : index
      %get3A_233 = tpu.vector_load %arg4[%get3A_232] {strides = array<i32>} : memref<2048xi32, #tpu.memory_space<vmem>>, vector<16xi32>,
      %add3A_234 = arith.addi %add3A_231, %get3A_233 : vector<16xi32>
      %get3A_235 = arith.constant 1120 : index
      %get3A_236 = tpu.vector_load %arg4[%get3A_235] {strides = array<i32>} : memref<2048xi32, #tpu.memory_space<vmem>>, vector<16xi32>,
      %add3A_237 = arith.addi %add3A_234, %get3A_236 : vector<16xi32>
      %get3A_238 = arith.constant 1136 : index
      %get3A_239 = tpu.vector_load %arg4[%get3A_238] {strides = array<i32>} : memref<2048xi32, #tpu.memory_space<vmem>>, vector<16xi32>,
      %add3A_240 = arith.addi %add3A_237, %get3A_239 : vector<16xi32>
      %get3A_241 = arith.constant 1152 : index
      %get3A_242 = tpu.vector_load %arg4[%get3A_241] {strides = array<i32>} : memref<2048xi32, #tpu.memory_space<vmem>>, vector<16xi32>,
      %add3A_243 = arith.addi %add3A_240, %get3A_242 : vector<16xi32>
      %get3A_244 = arith.constant 1168 : index
      %get3A_245 = tpu.vector_load %arg4[%get3A_244] {strides = array<i32>} : memref<2048xi32, #tpu.memory_space<vmem>>, vector<16xi32>,
      %add3A_246 = arith.addi %add3A_243, %get3A_245 : vector<16xi32>
      %get3A_247 = arith.constant 1184 : index
      %get3A_248 = tpu.vector_load %arg4[%get3A_247] {strides = array<i32>} : memref<2048xi32, #tpu.memory_space<vmem>>, vector<16xi32>,
      %add3A_249 = arith.addi %add3A_246, %get3A_248 : vector<16xi32>
      %get3A_250 = arith.constant 1200 : index
      %get3A_251 = tpu.vector_load %arg4[%get3A_250] {strides = array<i32>} : memref<2048xi32, #tpu.memory_space<vmem>>, vector<16xi32>,
      %add3A_252 = arith.addi %add3A_249, %get3A_251 : vector<16xi32>
      %get3A_253 = arith.constant 1216 : index
      %get3A_254 = tpu.vector_load %arg4[%get3A_253] {strides = array<i32>} : memref<2048xi32, #tpu.memory_space<vmem>>, vector<16xi32>,
      %add3A_255 = arith.addi %add3A_252, %get3A_254 : vector<16xi32>
      %get3A_256 = arith.constant 1232 : index
      %get3A_257 = tpu.vector_load %arg4[%get3A_256] {strides = array<i32>} : memref<2048xi32, #tpu.memory_space<vmem>>, vector<16xi32>,
      %add3A_258 = arith.addi %add3A_255, %get3A_257 : vector<16xi32>
      %get3A_259 = arith.constant 1248 : index
      %get3A_260 = tpu.vector_load %arg4[%get3A_259] {strides = array<i32>} : memref<2048xi32, #tpu.memory_space<vmem>>, vector<16xi32>,
      %add3A_261 = arith.addi %add3A_258, %get3A_260 : vector<16xi32>
      %get3A_262 = arith.constant 1264 : index
      %get3A_263 = tpu.vector_load %arg4[%get3A_262] {strides = array<i32>} : memref<2048xi32, #tpu.memory_space<vmem>>, vector<16xi32>,
      %add3A_264 = arith.addi %add3A_261, %get3A_263 : vector<16xi32>
      %reduce_sum3A_265 = arith.constant true
      %reduce_sum3A_266 = vector.broadcast %reduce_sum3A_265 : i1 to vector<16xi1>
      %reduce_sum3A_267 = tpu.scan <sum>, %add3A_264 masked %reduce_sum3A_266 : vector<16xi32>, vector<16xi1> -> vector<16xi32>
      %reduce_sum3A_268 = vector.extract %reduce_sum3A_267[15] : i32 from vector<16xi32>
      %lt3A_269 = arith.constant 2949 : i32
      %lt3A_270 = arith.cmpi slt, %add3A_217, %lt3A_269 : i32
      %add3A_271 = arith.addi %add3A_217, %reduce_sum3A_268 : i32
      %ge3A_272 = arith.constant 2949 : i32
      %ge3A_273 = arith.cmpi sge, %add3A_271, %ge3A_272 : i32
      %and3A_274 = arith.andi %lt3A_270, %ge3A_273 : i1
      %jit3A_275 = arith.constant 4 : i32
      %select_n3A_276 = arith.select %and3A_274, %jit3A_275, %select_n3A_215 : i32
      %select_n3A_277 = arith.select %and3A_274, %add3A_217, %select_n3A_216 : i32
      %add3A_278 = arith.addi %add3A_217, %reduce_sum3A_268 : i32
      %get3A_279 = arith.constant 768 : index
      %get3A_280 = tpu.vector_load %arg4[%get3A_279] {strides = array<i32>} : memref<2048xi32, #tpu.memory_space<vmem>>, vector<16xi32>,
      %get3A_281 = arith.constant 784 : index
      %get3A_282 = tpu.vector_load %arg4[%get3A_281] {strides = array<i32>} : memref<2048xi32, #tpu.memory_space<vmem>>, vector<16xi32>,
      %add3A_283 = arith.addi %get3A_280, %get3A_282 : vector<16xi32>
      %get3A_284 = arith.constant 800 : index
      %get3A_285 = tpu.vector_load %arg4[%get3A_284] {strides = array<i32>} : memref<2048xi32, #tpu.memory_space<vmem>>, vector<16xi32>,
      %add3A_286 = arith.addi %add3A_283, %get3A_285 : vector<16xi32>
      %get3A_287 = arith.constant 816 : index
      %get3A_288 = tpu.vector_load %arg4[%get3A_287] {strides = array<i32>} : memref<2048xi32, #tpu.memory_space<vmem>>, vector<16xi32>,
      %add3A_289 = arith.addi %add3A_286, %get3A_288 : vector<16xi32>
      %get3A_290 = arith.constant 832 : index
      %get3A_291 = tpu.vector_load %arg4[%get3A_290] {strides = array<i32>} : memref<2048xi32, #tpu.memory_space<vmem>>, vector<16xi32>,
      %add3A_292 = arith.addi %add3A_289, %get3A_291 : vector<16xi32>
      %get3A_293 = arith.constant 848 : index
      %get3A_294 = tpu.vector_load %arg4[%get3A_293] {strides = array<i32>} : memref<2048xi32, #tpu.memory_space<vmem>>, vector<16xi32>,
      %add3A_295 = arith.addi %add3A_292, %get3A_294 : vector<16xi32>
      %get3A_296 = arith.constant 864 : index
      %get3A_297 = tpu.vector_load %arg4[%get3A_296] {strides = array<i32>} : memref<2048xi32, #tpu.memory_space<vmem>>, vector<16xi32>,
      %add3A_298 = arith.addi %add3A_295, %get3A_297 : vector<16xi32>
      %get3A_299 = arith.constant 880 : index
      %get3A_300 = tpu.vector_load %arg4[%get3A_299] {strides = array<i32>} : memref<2048xi32, #tpu.memory_space<vmem>>, vector<16xi32>,
      %add3A_301 = arith.addi %add3A_298, %get3A_300 : vector<16xi32>
      %get3A_302 = arith.constant 896 : index
      %get3A_303 = tpu.vector_load %arg4[%get3A_302] {strides = array<i32>} : memref<2048xi32, #tpu.memory_space<vmem>>, vector<16xi32>,
      %add3A_304 = arith.addi %add3A_301, %get3A_303 : vector<16xi32>
      %get3A_305 = arith.constant 912 : index
      %get3A_306 = tpu.vector_load %arg4[%get3A_305] {strides = array<i32>} : memref<2048xi32, #tpu.memory_space<vmem>>, vector<16xi32>,
      %add3A_307 = arith.addi %add3A_304, %get3A_306 : vector<16xi32>
      %get3A_308 = arith.constant 928 : index
      %get3A_309 = tpu.vector_load %arg4[%get3A_308] {strides = array<i32>} : memref<2048xi32, #tpu.memory_space<vmem>>, vector<16xi32>,
      %add3A_310 = arith.addi %add3A_307, %get3A_309 : vector<16xi32>
      %get3A_311 = arith.constant 944 : index
      %get3A_312 = tpu.vector_load %arg4[%get3A_311] {strides = array<i32>} : memref<2048xi32, #tpu.memory_space<vmem>>, vector<16xi32>,
      %add3A_313 = arith.addi %add3A_310, %get3A_312 : vector<16xi32>
      %get3A_314 = arith.constant 960 : index
      %get3A_315 = tpu.vector_load %arg4[%get3A_314] {strides = array<i32>} : memref<2048xi32, #tpu.memory_space<vmem>>, vector<16xi32>,
      %add3A_316 = arith.addi %add3A_313, %get3A_315 : vector<16xi32>
      %get3A_317 = arith.constant 976 : index
      %get3A_318 = tpu.vector_load %arg4[%get3A_317] {strides = array<i32>} : memref<2048xi32, #tpu.memory_space<vmem>>, vector<16xi32>,
      %add3A_319 = arith.addi %add3A_316, %get3A_318 : vector<16xi32>
      %get3A_320 = arith.constant 992 : index
      %get3A_321 = tpu.vector_load %arg4[%get3A_320] {strides = array<i32>} : memref<2048xi32, #tpu.memory_space<vmem>>, vector<16xi32>,
      %add3A_322 = arith.addi %add3A_319, %get3A_321 : vector<16xi32>
      %get3A_323 = arith.constant 1008 : index
      %get3A_324 = tpu.vector_load %arg4[%get3A_323] {strides = array<i32>} : memref<2048xi32, #tpu.memory_space<vmem>>, vector<16xi32>,
      %add3A_325 = arith.addi %add3A_322, %get3A_324 : vector<16xi32>
      %reduce_sum3A_326 = arith.constant true
      %reduce_sum3A_327 = vector.broadcast %reduce_sum3A_326 : i1 to vector<16xi1>
      %reduce_sum3A_328 = tpu.scan <sum>, %add3A_325 masked %reduce_sum3A_327 : vector<16xi32>, vector<16xi1> -> vector<16xi32>
      %reduce_sum3A_329 = vector.extract %reduce_sum3A_328[15] : i32 from vector<16xi32>
      %lt3A_330 = arith.constant 2949 : i32
      %lt3A_331 = arith.cmpi slt, %add3A_278, %lt3A_330 : i32
      %add3A_332 = arith.addi %add3A_278, %reduce_sum3A_329 : i32
      %ge3A_333 = arith.constant 2949 : i32
      %ge3A_334 = arith.cmpi sge, %add3A_332, %ge3A_333 : i32
      %and3A_335 = arith.andi %lt3A_331, %ge3A_334 : i1
      %jit3A_336 = arith.constant 3 : i32
      %select_n3A_337 = arith.select %and3A_335, %jit3A_336, %select_n3A_276 : i32
      %select_n3A_338 = arith.select %and3A_335, %add3A_278, %select_n3A_277 : i32
      %add3A_339 = arith.addi %add3A_278, %reduce_sum3A_329 : i32
      %get3A_340 = arith.constant 512 : index
      %get3A_341 = tpu.vector_load %arg4[%get3A_340] {strides = array<i32>} : memref<2048xi32, #tpu.memory_space<vmem>>, vector<16xi32>,
      %get3A_342 = arith.constant 528 : index
      %get3A_343 = tpu.vector_load %arg4[%get3A_342] {strides = array<i32>} : memref<2048xi32, #tpu.memory_space<vmem>>, vector<16xi32>,
      %add3A_344 = arith.addi %get3A_341, %get3A_343 : vector<16xi32>
      %get3A_345 = arith.constant 544 : index
      %get3A_346 = tpu.vector_load %arg4[%get3A_345] {strides = array<i32>} : memref<2048xi32, #tpu.memory_space<vmem>>, vector<16xi32>,
      %add3A_347 = arith.addi %add3A_344, %get3A_346 : vector<16xi32>
      %get3A_348 = arith.constant 560 : index
      %get3A_349 = tpu.vector_load %arg4[%get3A_348] {strides = array<i32>} : memref<2048xi32, #tpu.memory_space<vmem>>, vector<16xi32>,
      %add3A_350 = arith.addi %add3A_347, %get3A_349 : vector<16xi32>
      %get3A_351 = arith.constant 576 : index
      %get3A_352 = tpu.vector_load %arg4[%get3A_351] {strides = array<i32>} : memref<2048xi32, #tpu.memory_space<vmem>>, vector<16xi32>,
      %add3A_353 = arith.addi %add3A_350, %get3A_352 : vector<16xi32>
      %get3A_354 = arith.constant 592 : index
      %get3A_355 = tpu.vector_load %arg4[%get3A_354] {strides = array<i32>} : memref<2048xi32, #tpu.memory_space<vmem>>, vector<16xi32>,
      %add3A_356 = arith.addi %add3A_353, %get3A_355 : vector<16xi32>
      %get3A_357 = arith.constant 608 : index
      %get3A_358 = tpu.vector_load %arg4[%get3A_357] {strides = array<i32>} : memref<2048xi32, #tpu.memory_space<vmem>>, vector<16xi32>,
      %add3A_359 = arith.addi %add3A_356, %get3A_358 : vector<16xi32>
      %get3A_360 = arith.constant 624 : index
      %get3A_361 = tpu.vector_load %arg4[%get3A_360] {strides = array<i32>} : memref<2048xi32, #tpu.memory_space<vmem>>, vector<16xi32>,
      %add3A_362 = arith.addi %add3A_359, %get3A_361 : vector<16xi32>
      %get3A_363 = arith.constant 640 : index
      %get3A_364 = tpu.vector_load %arg4[%get3A_363] {strides = array<i32>} : memref<2048xi32, #tpu.memory_space<vmem>>, vector<16xi32>,
      %add3A_365 = arith.addi %add3A_362, %get3A_364 : vector<16xi32>
      %get3A_366 = arith.constant 656 : index
      %get3A_367 = tpu.vector_load %arg4[%get3A_366] {strides = array<i32>} : memref<2048xi32, #tpu.memory_space<vmem>>, vector<16xi32>,
      %add3A_368 = arith.addi %add3A_365, %get3A_367 : vector<16xi32>
      %get3A_369 = arith.constant 672 : index
      %get3A_370 = tpu.vector_load %arg4[%get3A_369] {strides = array<i32>} : memref<2048xi32, #tpu.memory_space<vmem>>, vector<16xi32>,
      %add3A_371 = arith.addi %add3A_368, %get3A_370 : vector<16xi32>
      %get3A_372 = arith.constant 688 : index
      %get3A_373 = tpu.vector_load %arg4[%get3A_372] {strides = array<i32>} : memref<2048xi32, #tpu.memory_space<vmem>>, vector<16xi32>,
      %add3A_374 = arith.addi %add3A_371, %get3A_373 : vector<16xi32>
      %get3A_375 = arith.constant 704 : index
      %get3A_376 = tpu.vector_load %arg4[%get3A_375] {strides = array<i32>} : memref<2048xi32, #tpu.memory_space<vmem>>, vector<16xi32>,
      %add3A_377 = arith.addi %add3A_374, %get3A_376 : vector<16xi32>
      %get3A_378 = arith.constant 720 : index
      %get3A_379 = tpu.vector_load %arg4[%get3A_378] {strides = array<i32>} : memref<2048xi32, #tpu.memory_space<vmem>>, vector<16xi32>,
      %add3A_380 = arith.addi %add3A_377, %get3A_379 : vector<16xi32>
      %get3A_381 = arith.constant 736 : index
      %get3A_382 = tpu.vector_load %arg4[%get3A_381] {strides = array<i32>} : memref<2048xi32, #tpu.memory_space<vmem>>, vector<16xi32>,
      %add3A_383 = arith.addi %add3A_380, %get3A_382 : vector<16xi32>
      %get3A_384 = arith.constant 752 : index
      %get3A_385 = tpu.vector_load %arg4[%get3A_384] {strides = array<i32>} : memref<2048xi32, #tpu.memory_space<vmem>>, vector<16xi32>,
      %add3A_386 = arith.addi %add3A_383, %get3A_385 : vector<16xi32>
      %reduce_sum3A_387 = arith.constant true
      %reduce_sum3A_388 = vector.broadcast %reduce_sum3A_387 : i1 to vector<16xi1>
      %reduce_sum3A_389 = tpu.scan <sum>, %add3A_386 masked %reduce_sum3A_388 : vector<16xi32>, vector<16xi1> -> vector<16xi32>
      %reduce_sum3A_390 = vector.extract %reduce_sum3A_389[15] : i32 from vector<16xi32>
      %lt3A_391 = arith.constant 2949 : i32
      %lt3A_392 = arith.cmpi slt, %add3A_339, %lt3A_391 : i32
      %add3A_393 = arith.addi %add3A_339, %reduce_sum3A_390 : i32
      %ge3A_394 = arith.constant 2949 : i32
      %ge3A_395 = arith.cmpi sge, %add3A_393, %ge3A_394 : i32
      %and3A_396 = arith.andi %lt3A_392, %ge3A_395 : i1
      %jit3A_397 = arith.constant 2 : i32
      %select_n3A_398 = arith.select %and3A_396, %jit3A_397, %select_n3A_337 : i32
      %select_n3A_399 = arith.select %and3A_396, %add3A_339, %select_n3A_338 : i32
      %add3A_400 = arith.addi %add3A_339, %reduce_sum3A_390 : i32
      %get3A_401 = arith.constant 256 : index
      %get3A_402 = tpu.vector_load %arg4[%get3A_401] {strides = array<i32>} : memref<2048xi32, #tpu.memory_space<vmem>>, vector<16xi32>,
      %get3A_403 = arith.constant 272 : index
      %get3A_404 = tpu.vector_load %arg4[%get3A_403] {strides = array<i32>} : memref<2048xi32, #tpu.memory_space<vmem>>, vector<16xi32>,
      %add3A_405 = arith.addi %get3A_402, %get3A_404 : vector<16xi32>
      %get3A_406 = arith.constant 288 : index
      %get3A_407 = tpu.vector_load %arg4[%get3A_406] {strides = array<i32>} : memref<2048xi32, #tpu.memory_space<vmem>>, vector<16xi32>,
      %add3A_408 = arith.addi %add3A_405, %get3A_407 : vector<16xi32>
      %get3A_409 = arith.constant 304 : index
      %get3A_410 = tpu.vector_load %arg4[%get3A_409] {strides = array<i32>} : memref<2048xi32, #tpu.memory_space<vmem>>, vector<16xi32>,
      %add3A_411 = arith.addi %add3A_408, %get3A_410 : vector<16xi32>
      %get3A_412 = arith.constant 320 : index
      %get3A_413 = tpu.vector_load %arg4[%get3A_412] {strides = array<i32>} : memref<2048xi32, #tpu.memory_space<vmem>>, vector<16xi32>,
      %add3A_414 = arith.addi %add3A_411, %get3A_413 : vector<16xi32>
      %get3A_415 = arith.constant 336 : index
      %get3A_416 = tpu.vector_load %arg4[%get3A_415] {strides = array<i32>} : memref<2048xi32, #tpu.memory_space<vmem>>, vector<16xi32>,
      %add3A_417 = arith.addi %add3A_414, %get3A_416 : vector<16xi32>
      %get3A_418 = arith.constant 352 : index
      %get3A_419 = tpu.vector_load %arg4[%get3A_418] {strides = array<i32>} : memref<2048xi32, #tpu.memory_space<vmem>>, vector<16xi32>,
      %add3A_420 = arith.addi %add3A_417, %get3A_419 : vector<16xi32>
      %get3A_421 = arith.constant 368 : index
      %get3A_422 = tpu.vector_load %arg4[%get3A_421] {strides = array<i32>} : memref<2048xi32, #tpu.memory_space<vmem>>, vector<16xi32>,
      %add3A_423 = arith.addi %add3A_420, %get3A_422 : vector<16xi32>
      %get3A_424 = arith.constant 384 : index
      %get3A_425 = tpu.vector_load %arg4[%get3A_424] {strides = array<i32>} : memref<2048xi32, #tpu.memory_space<vmem>>, vector<16xi32>,
      %add3A_426 = arith.addi %add3A_423, %get3A_425 : vector<16xi32>
      %get3A_427 = arith.constant 400 : index
      %get3A_428 = tpu.vector_load %arg4[%get3A_427] {strides = array<i32>} : memref<2048xi32, #tpu.memory_space<vmem>>, vector<16xi32>,
      %add3A_429 = arith.addi %add3A_426, %get3A_428 : vector<16xi32>
      %get3A_430 = arith.constant 416 : index
      %get3A_431 = tpu.vector_load %arg4[%get3A_430] {strides = array<i32>} : memref<2048xi32, #tpu.memory_space<vmem>>, vector<16xi32>,
      %add3A_432 = arith.addi %add3A_429, %get3A_431 : vector<16xi32>
      %get3A_433 = arith.constant 432 : index
      %get3A_434 = tpu.vector_load %arg4[%get3A_433] {strides = array<i32>} : memref<2048xi32, #tpu.memory_space<vmem>>, vector<16xi32>,
      %add3A_435 = arith.addi %add3A_432, %get3A_434 : vector<16xi32>
      %get3A_436 = arith.constant 448 : index
      %get3A_437 = tpu.vector_load %arg4[%get3A_436] {strides = array<i32>} : memref<2048xi32, #tpu.memory_space<vmem>>, vector<16xi32>,
      %add3A_438 = arith.addi %add3A_435, %get3A_437 : vector<16xi32>
      %get3A_439 = arith.constant 464 : index
      %get3A_440 = tpu.vector_load %arg4[%get3A_439] {strides = array<i32>} : memref<2048xi32, #tpu.memory_space<vmem>>, vector<16xi32>,
      %add3A_441 = arith.addi %add3A_438, %get3A_440 : vector<16xi32>
      %get3A_442 = arith.constant 480 : index
      %get3A_443 = tpu.vector_load %arg4[%get3A_442] {strides = array<i32>} : memref<2048xi32, #tpu.memory_space<vmem>>, vector<16xi32>,
      %add3A_444 = arith.addi %add3A_441, %get3A_443 : vector<16xi32>
      %get3A_445 = arith.constant 496 : index
      %get3A_446 = tpu.vector_load %arg4[%get3A_445] {strides = array<i32>} : memref<2048xi32, #tpu.memory_space<vmem>>, vector<16xi32>,
      %add3A_447 = arith.addi %add3A_444, %get3A_446 : vector<16xi32>
      %reduce_sum3A_448 = arith.constant true
      %reduce_sum3A_449 = vector.broadcast %reduce_sum3A_448 : i1 to vector<16xi1>
      %reduce_sum3A_450 = tpu.scan <sum>, %add3A_447 masked %reduce_sum3A_449 : vector<16xi32>, vector<16xi1> -> vector<16xi32>
      %reduce_sum3A_451 = vector.extract %reduce_sum3A_450[15] : i32 from vector<16xi32>
      %lt3A_452 = arith.constant 2949 : i32
      %lt3A_453 = arith.cmpi slt, %add3A_400, %lt3A_452 : i32
      %add3A_454 = arith.addi %add3A_400, %reduce_sum3A_451 : i32
      %ge3A_455 = arith.constant 2949 : i32
      %ge3A_456 = arith.cmpi sge, %add3A_454, %ge3A_455 : i32
      %and3A_457 = arith.andi %lt3A_453, %ge3A_456 : i1
      %jit3A_458 = arith.constant 1 : i32
      %select_n3A_459 = arith.select %and3A_457, %jit3A_458, %select_n3A_398 : i32
      %select_n3A_460 = arith.select %and3A_457, %add3A_400, %select_n3A_399 : i32
      %add3A_461 = arith.addi %add3A_400, %reduce_sum3A_451 : i32
      %get3A_462 = arith.constant 0 : index
      %get3A_463 = tpu.vector_load %arg4[%get3A_462] {strides = array<i32>} : memref<2048xi32, #tpu.memory_space<vmem>>, vector<16xi32>,
      %get3A_464 = arith.constant 16 : index
      %get3A_465 = tpu.vector_load %arg4[%get3A_464] {strides = array<i32>} : memref<2048xi32, #tpu.memory_space<vmem>>, vector<16xi32>,
      %add3A_466 = arith.addi %get3A_463, %get3A_465 : vector<16xi32>
      %get3A_467 = arith.constant 32 : index
      %get3A_468 = tpu.vector_load %arg4[%get3A_467] {strides = array<i32>} : memref<2048xi32, #tpu.memory_space<vmem>>, vector<16xi32>,
      %add3A_469 = arith.addi %add3A_466, %get3A_468 : vector<16xi32>
      %get3A_470 = arith.constant 48 : index
      %get3A_471 = tpu.vector_load %arg4[%get3A_470] {strides = array<i32>} : memref<2048xi32, #tpu.memory_space<vmem>>, vector<16xi32>,
      %add3A_472 = arith.addi %add3A_469, %get3A_471 : vector<16xi32>
      %get3A_473 = arith.constant 64 : index
      %get3A_474 = tpu.vector_load %arg4[%get3A_473] {strides = array<i32>} : memref<2048xi32, #tpu.memory_space<vmem>>, vector<16xi32>,
      %add3A_475 = arith.addi %add3A_472, %get3A_474 : vector<16xi32>
      %get3A_476 = arith.constant 80 : index
      %get3A_477 = tpu.vector_load %arg4[%get3A_476] {strides = array<i32>} : memref<2048xi32, #tpu.memory_space<vmem>>, vector<16xi32>,
      %add3A_478 = arith.addi %add3A_475, %get3A_477 : vector<16xi32>
      %get3A_479 = arith.constant 96 : index
      %get3A_480 = tpu.vector_load %arg4[%get3A_479] {strides = array<i32>} : memref<2048xi32, #tpu.memory_space<vmem>>, vector<16xi32>,
      %add3A_481 = arith.addi %add3A_478, %get3A_480 : vector<16xi32>
      %get3A_482 = arith.constant 112 : index
      %get3A_483 = tpu.vector_load %arg4[%get3A_482] {strides = array<i32>} : memref<2048xi32, #tpu.memory_space<vmem>>, vector<16xi32>,
      %add3A_484 = arith.addi %add3A_481, %get3A_483 : vector<16xi32>
      %get3A_485 = arith.constant 128 : index
      %get3A_486 = tpu.vector_load %arg4[%get3A_485] {strides = array<i32>} : memref<2048xi32, #tpu.memory_space<vmem>>, vector<16xi32>,
      %add3A_487 = arith.addi %add3A_484, %get3A_486 : vector<16xi32>
      %get3A_488 = arith.constant 144 : index
      %get3A_489 = tpu.vector_load %arg4[%get3A_488] {strides = array<i32>} : memref<2048xi32, #tpu.memory_space<vmem>>, vector<16xi32>,
      %add3A_490 = arith.addi %add3A_487, %get3A_489 : vector<16xi32>
      %get3A_491 = arith.constant 160 : index
      %get3A_492 = tpu.vector_load %arg4[%get3A_491] {strides = array<i32>} : memref<2048xi32, #tpu.memory_space<vmem>>, vector<16xi32>,
      %add3A_493 = arith.addi %add3A_490, %get3A_492 : vector<16xi32>
      %get3A_494 = arith.constant 176 : index
      %get3A_495 = tpu.vector_load %arg4[%get3A_494] {strides = array<i32>} : memref<2048xi32, #tpu.memory_space<vmem>>, vector<16xi32>,
      %add3A_496 = arith.addi %add3A_493, %get3A_495 : vector<16xi32>
      %get3A_497 = arith.constant 192 : index
      %get3A_498 = tpu.vector_load %arg4[%get3A_497] {strides = array<i32>} : memref<2048xi32, #tpu.memory_space<vmem>>, vector<16xi32>,
      %add3A_499 = arith.addi %add3A_496, %get3A_498 : vector<16xi32>
      %get3A_500 = arith.constant 208 : index
      %get3A_501 = tpu.vector_load %arg4[%get3A_500] {strides = array<i32>} : memref<2048xi32, #tpu.memory_space<vmem>>, vector<16xi32>,
      %add3A_502 = arith.addi %add3A_499, %get3A_501 : vector<16xi32>
      %get3A_503 = arith.constant 224 : index
      %get3A_504 = tpu.vector_load %arg4[%get3A_503] {strides = array<i32>} : memref<2048xi32, #tpu.memory_space<vmem>>, vector<16xi32>,
      %add3A_505 = arith.addi %add3A_502, %get3A_504 : vector<16xi32>
      %get3A_506 = arith.constant 240 : index
      %get3A_507 = tpu.vector_load %arg4[%get3A_506] {strides = array<i32>} : memref<2048xi32, #tpu.memory_space<vmem>>, vector<16xi32>,
      %add3A_508 = arith.addi %add3A_505, %get3A_507 : vector<16xi32>
      %reduce_sum3A_509 = arith.constant true
      %reduce_sum3A_510 = vector.broadcast %reduce_sum3A_509 : i1 to vector<16xi1>
      %reduce_sum3A_511 = tpu.scan <sum>, %add3A_508 masked %reduce_sum3A_510 : vector<16xi32>, vector<16xi1> -> vector<16xi32>
      %reduce_sum3A_512 = vector.extract %reduce_sum3A_511[15] : i32 from vector<16xi32>
      %lt3A_513 = arith.constant 2949 : i32
      %lt3A_514 = arith.cmpi slt, %add3A_461, %lt3A_513 : i32
      %add3A_515 = arith.addi %add3A_461, %reduce_sum3A_512 : i32
      %ge3A_516 = arith.constant 2949 : i32
      %ge3A_517 = arith.cmpi sge, %add3A_515, %ge3A_516 : i32
      %and3A_518 = arith.andi %lt3A_514, %ge3A_517 : i1
      %jit3A_519 = arith.constant 0 : i32
      %select_n3A_520 = arith.select %and3A_518, %jit3A_519, %select_n3A_459 : i32
      %select_n3A_521 = arith.select %and3A_518, %add3A_461, %select_n3A_460 : i32
      %add3A_522 = arith.addi %add3A_461, %reduce_sum3A_512 : i32
      %scan3A_523 = arith.constant 2949 : i32
      %scan3A_524 = arith.constant 0 : i32
      %scan3A_525 = arith.constant 0 : i32
      %scan3A_526 = arith.constant 0 : i32
      %scan3A_527 = arith.constant 16 : i32
      %scan3A_528 = arith.addi %scan3A_526, %scan3A_527 : i32
      %scan3A_529 = arith.constant 1 : i32
      %scan3A_530:3 = scf.for %scan3A_1499 = %scan3A_526 to %scan3A_528 step %scan3A_529 iter_args(%scan3A_1500 = %select_n3A_521, %scan3A_1501 = %scan3A_524, %scan3A_1502 = %scan3A_525) -> (i32, i32, i32)  : i32 {
        %mul3A_1503 = arith.constant 16 : i32
        %mul3A_1504 = arith.muli %select_n3A_520, %mul3A_1503 : i32
        %sub3A_1505 = arith.constant 15 : i32
        %sub3A_1506 = arith.subi %sub3A_1505, %scan3A_1499 : i32
        %add3A_1507 = arith.addi %mul3A_1504, %sub3A_1506 : i32
        %mul3A_1508 = arith.constant 16 : i32
        %mul3A_1509 = arith.muli %add3A_1507, %mul3A_1508 : i32
        %get3A_1510 = arith.index_cast %mul3A_1509 : i32 to index
        %get3A_1511 = tpu.vector_load %arg4[%get3A_1510] {strides = array<i32>} : memref<2048xi32, #tpu.memory_space<vmem>>, vector<16xi32>,
        %reduce_sum3A_1512 = arith.constant true
        %reduce_sum3A_1513 = vector.broadcast %reduce_sum3A_1512 : i1 to vector<16xi1>
        %reduce_sum3A_1514 = tpu.scan <sum>, %get3A_1511 masked %reduce_sum3A_1513 : vector<16xi32>, vector<16xi1> -> vector<16xi32>
        %reduce_sum3A_1515 = vector.extract %reduce_sum3A_1514[15] : i32 from vector<16xi32>
        %lt3A_1516 = arith.cmpi slt, %scan3A_1500, %scan3A_523 : i32
        %add3A_1517 = arith.addi %scan3A_1500, %reduce_sum3A_1515 : i32
        %ge3A_1518 = arith.cmpi sge, %add3A_1517, %scan3A_523 : i32
        %and3A_1519 = arith.andi %lt3A_1516, %ge3A_1518 : i1
        %select_n3A_1520 = arith.select %and3A_1519, %add3A_1507, %scan3A_1501 : i32
        %select_n3A_1521 = arith.select %and3A_1519, %scan3A_1500, %scan3A_1502 : i32
        %add3A_1522 = arith.addi %scan3A_1500, %reduce_sum3A_1515 : i32
        scf.yield %add3A_1522, %select_n3A_1520, %select_n3A_1521 : i32, i32, i32
      }
      %scan3A_531 = arith.constant 16 : i32
      %mul3A_532 = arith.constant 16 : i32
      %mul3A_533 = arith.muli %scan3A_530#1, %mul3A_532 : i32
      %get3A_534 = arith.index_cast %mul3A_533 : i32 to index
      %get3A_535 = tpu.vector_load %arg4[%get3A_534] {strides = array<i32>} : memref<2048xi32, #tpu.memory_space<vmem>>, vector<16xi32>,
      %broadcast_in_dim3A_536 = arith.constant true
      %broadcast_in_dim3A_537 = vector.broadcast %broadcast_in_dim3A_536 : i1 to vector<16xi1>
      %masked_cumsum3A = tpu.scan <sum>, %get3A_535 masked %broadcast_in_dim3A_537 : vector<16xi32>, vector<16xi1> -> vector<16xi32>
      %reduce_sum3A_538 = arith.constant true
      %reduce_sum3A_539 = vector.broadcast %reduce_sum3A_538 : i1 to vector<16xi1>
      %reduce_sum3A_540 = tpu.scan <sum>, %get3A_535 masked %reduce_sum3A_539 : vector<16xi32>, vector<16xi1> -> vector<16xi32>
      %reduce_sum3A_541 = vector.extract %reduce_sum3A_540[15] : i32 from vector<16xi32>
      %sub3A = vector.broadcast %reduce_sum3A_541 : i32 to vector<16xi32>
      %sub3A_542 = arith.subi %sub3A, %masked_cumsum3A : vector<16xi32>
      %add3A_543 = vector.broadcast %scan3A_530#2 : i32 to vector<16xi32>
      %add3A_544 = arith.addi %add3A_543, %sub3A_542 : vector<16xi32>
      %lt3A_545 = arith.constant 2949 : i32
      %lt3A_546 = vector.broadcast %lt3A_545 : i32 to vector<16xi32>
      %lt3A_547 = arith.cmpi slt, %add3A_544, %lt3A_546 : vector<16xi32>
      %add3A_548 = arith.addi %add3A_544, %get3A_535 : vector<16xi32>
      %ge3A_549 = arith.constant 2949 : i32
      %ge3A_550 = vector.broadcast %ge3A_549 : i32 to vector<16xi32>
      %ge3A_551 = arith.cmpi sge, %add3A_548, %ge3A_550 : vector<16xi32>
      %and3A_552 = arith.andi %lt3A_547, %ge3A_551 : vector<16xi1>
      %select_n3A_553 = arith.select %and3A_552, %iota3A, %broadcast_in_dim3A_2 : vector<16xi1>, vector<16xi32>
      %reduce_sum3A_554 = arith.constant true
      %reduce_sum3A_555 = vector.broadcast %reduce_sum3A_554 : i1 to vector<16xi1>
      %reduce_sum3A_556 = tpu.scan <sum>, %select_n3A_553 masked %reduce_sum3A_555 : vector<16xi32>, vector<16xi1> -> vector<16xi32>
      %reduce_sum3A_557 = vector.extract %reduce_sum3A_556[15] : i32 from vector<16xi32>
      %select_n3A_558 = arith.select %and3A_552, %add3A_544, %broadcast_in_dim3A_2 : vector<16xi1>, vector<16xi32>
      %reduce_sum3A_559 = arith.constant true
      %reduce_sum3A_560 = vector.broadcast %reduce_sum3A_559 : i1 to vector<16xi1>
      %reduce_sum3A_561 = tpu.scan <sum>, %select_n3A_558 masked %reduce_sum3A_560 : vector<16xi32>, vector<16xi1> -> vector<16xi32>
      %reduce_sum3A_562 = vector.extract %reduce_sum3A_561[15] : i32 from vector<16xi32>
      %select_n3A_563 = arith.select %and3A_552, %get3A_535, %broadcast_in_dim3A_2 : vector<16xi1>, vector<16xi32>
      %reduce_sum3A_564 = arith.constant true
      %reduce_sum3A_565 = vector.broadcast %reduce_sum3A_564 : i1 to vector<16xi1>
      %reduce_sum3A_566 = tpu.scan <sum>, %select_n3A_563 masked %reduce_sum3A_565 : vector<16xi32>, vector<16xi1> -> vector<16xi32>
      %reduce_sum3A_567 = vector.extract %reduce_sum3A_566[15] : i32 from vector<16xi32>
      %mul3A_568 = arith.constant 16 : i32
      %mul3A_569 = arith.muli %scan3A_530#1, %mul3A_568 : i32
      %add3A_570 = arith.addi %mul3A_569, %reduce_sum3A_557 : i32
      %sub3A_571 = arith.constant 2949 : i32
      %sub3A_572 = arith.subi %sub3A_571, %reduce_sum3A_562 : i32
      %add3A_573 = arith.constant 0 : i32
      %add3A_574 = arith.addi %mul3A_19, %add3A_573 : i32
      %dma_start3A_575 = tpu.memref_slice %arg2[%add3A_574] : memref<56623104xf32, #tpu.memory_space<hbm>> -> memref<12288xf32, #tpu.memory_space<hbm>>
      %dma_start3A_576 = tpu.memref_slice %arg2[%add3A_574] : memref<56623104xf32, #tpu.memory_space<hbm>> -> memref<12288xf32, #tpu.memory_space<hbm>>
      tpu.enqueue_dma source(%dma_start3A_576 : memref<12288xf32, #tpu.memory_space<hbm>>) target(%arg5 : memref<12288xf32, #tpu.memory_space<vmem>>) target_semaphore(%arg9 : memref<!tpu.dma_semaphore, #tpu.memory_space<semaphore_mem>>)
      %add3A_577 = arith.constant 12288 : i32
      %add3A_578 = arith.addi %mul3A_19, %add3A_577 : i32
      %dma_start3A_579 = tpu.memref_slice %arg2[%add3A_578] : memref<56623104xf32, #tpu.memory_space<hbm>> -> memref<12288xf32, #tpu.memory_space<hbm>>
      %dma_start3A_580 = tpu.memref_slice %arg2[%add3A_578] : memref<56623104xf32, #tpu.memory_space<hbm>> -> memref<12288xf32, #tpu.memory_space<hbm>>
      tpu.enqueue_dma source(%dma_start3A_580 : memref<12288xf32, #tpu.memory_space<hbm>>) target(%arg6 : memref<12288xf32, #tpu.memory_space<vmem>>) target_semaphore(%arg10 : memref<!tpu.dma_semaphore, #tpu.memory_space<semaphore_mem>>)
      %scan3A_581 = arith.constant 0 : i32
      %scan3A_582 = arith.constant 6 : i32
      %scan3A_583 = arith.addi %scan3A_581, %scan3A_582 : i32
      %scan3A_584 = arith.constant 1 : i32
      %scan3A_585:2 = scf.for %scan3A_1499 = %scan3A_581 to %scan3A_583 step %scan3A_584 iter_args(%scan3A_1500 = %broadcast_in_dim3A_4, %scan3A_1501 = %broadcast_in_dim3A_2) -> (vector<16xf32>, vector<16xi32>)  : i32 {
        %mul3A_1502 = arith.constant 2 : i32
        %mul3A_1503 = arith.muli %mul3A_1502, %scan3A_1499 : i32
        %mul3A_1504 = arith.constant 12288 : i32
        %mul3A_1505 = arith.muli %mul3A_1503, %mul3A_1504 : i32
        %add3A_1506 = arith.addi %mul3A_19, %mul3A_1505 : i32
        %dma_wait3A = tpu.memref_slice %arg2[%add3A_1506] : memref<56623104xf32, #tpu.memory_space<hbm>> -> memref<12288xf32, #tpu.memory_space<hbm>>
        %dma_wait3A_1507 = tpu.memref_slice %arg2[%add3A_1506] : memref<56623104xf32, #tpu.memory_space<hbm>> -> memref<12288xf32, #tpu.memory_space<hbm>>
        tpu.wait_dma2 semaphore(%arg9 : memref<!tpu.dma_semaphore, #tpu.memory_space<semaphore_mem>>) src(%dma_wait3A_1507 : memref<12288xf32, #tpu.memory_space<hbm>>) dst(%arg5 : memref<12288xf32, #tpu.memory_space<vmem>>)
        %parallel_loop3A_1508 = arith.constant 0 : i32
        %parallel_loop3A_1509 = arith.constant 768 : i32
        %parallel_loop3A_1510 = arith.constant 1 : i32
        %parallel_loop3A_1511:2 = scf.for %parallel_loop3A_1535 = %parallel_loop3A_1508 to %parallel_loop3A_1509 step %parallel_loop3A_1510 iter_args(%parallel_loop3A_1536 = %scan3A_1500, %parallel_loop3A_1537 = %scan3A_1501) -> (vector<16xf32>, vector<16xi32>)  : i32 {
          %parallel_loop3A_1538 = arith.constant 16 : i32
          %parallel_loop3A_1539 = arith.muli %parallel_loop3A_1535, %parallel_loop3A_1538 : i32
          %parallel_loop3A_1540 = arith.index_cast %parallel_loop3A_1539 : i32 to index
          %parallel_loop3A_1541 = tpu.vector_load %arg5[%parallel_loop3A_1540] {strides = array<i32>} : memref<12288xf32, #tpu.memory_space<vmem>>, vector<16xf32>,
          %parallel_loop3A_1542 = vector.bitcast %parallel_loop3A_1541 : vector<16xf32> to vector<16xi32>
          %parallel_loop3A_1543 = vector.bitcast %parallel_loop3A_1541 : vector<16xf32> to vector<16xi32>
          %parallel_loop3A_1544 = arith.constant 31 : i32
          %parallel_loop3A_1545 = vector.broadcast %parallel_loop3A_1544 : i32 to vector<16xi32>
          %parallel_loop3A_1546 = arith.shrsi %parallel_loop3A_1543, %parallel_loop3A_1545 : vector<16xi32>
          %parallel_loop3A_1547 = vector.bitcast %parallel_loop3A_1546 : vector<16xi32> to vector<16xi32>
          %parallel_loop3A_1548 = arith.constant -2147483648 : i32
          %parallel_loop3A_1549 = vector.broadcast %parallel_loop3A_1548 : i32 to vector<16xi32>
          %parallel_loop3A_1550 = arith.ori %parallel_loop3A_1547, %parallel_loop3A_1549 : vector<16xi32>
          %parallel_loop3A_1551 = arith.xori %parallel_loop3A_1542, %parallel_loop3A_1550 : vector<16xi32>
          %parallel_loop3A_1552 = arith.constant 21 : i32
          %parallel_loop3A_1553 = vector.broadcast %parallel_loop3A_1552 : i32 to vector<16xi32>
          %parallel_loop3A_1554 = arith.shrui %parallel_loop3A_1551, %parallel_loop3A_1553 : vector<16xi32>
          %parallel_loop3A_1555 = vector.broadcast %add3A_570 : i32 to vector<16xi32>
          %parallel_loop3A_1556 = arith.cmpi eq, %parallel_loop3A_1554, %parallel_loop3A_1555 : vector<16xi32>
          %parallel_loop3A_1557 = arith.select %parallel_loop3A_1556, %broadcast_in_dim3A_6, %broadcast_in_dim3A_2 : vector<16xi1>, vector<16xi32>
          %parallel_loop3A_1558 = arith.constant true
          %parallel_loop3A_1559 = vector.broadcast %parallel_loop3A_1558 : i1 to vector<16xi1>
          %parallel_loop3A_1560 = tpu.scan <sum>, %parallel_loop3A_1557 masked %parallel_loop3A_1559 : vector<16xi32>, vector<16xi1> -> vector<16xi32>
          %parallel_loop3A_1561 = arith.subi %parallel_loop3A_1560, %parallel_loop3A_1557 : vector<16xi32>
          %parallel_loop3A_1562 = arith.addi %parallel_loop3A_1537, %parallel_loop3A_1561 : vector<16xi32>
          %parallel_loop3A_1563 = arith.constant 32768 : i32
          %parallel_loop3A_1564 = vector.broadcast %parallel_loop3A_1563 : i32 to vector<16xi32>
          %parallel_loop3A_1565 = arith.minsi %parallel_loop3A_1562, %parallel_loop3A_1564 : vector<16xi32>
          tpu.vector_store_idx %arg7[%parallel_loop3A_1565], %parallel_loop3A_1541 masked %parallel_loop3A_1556 : memref<32784xf32, #tpu.memory_space<vmem>>[vector<16xi32>], vector<16xf32>, vector<16xi1>
          %parallel_loop3A_1566 = tpu.all_reduce %parallel_loop3A_1556 {dim = 0 : i64, kind = #tpu.reduction_kind<sum>} : vector<16xi1> -> vector<16xi32>
          %parallel_loop3A_1567 = vector.broadcast %add3A_570 : i32 to vector<16xi32>
          %parallel_loop3A_1568 = arith.cmpi ugt, %parallel_loop3A_1554, %parallel_loop3A_1567 : vector<16xi32>
          %parallel_loop3A_1569 = arith.select %parallel_loop3A_1568, %parallel_loop3A_1541, %broadcast_in_dim3A_4 : vector<16xi1>, vector<16xf32>
          %parallel_loop3A_1570 = arith.addf %parallel_loop3A_1536, %parallel_loop3A_1569 : vector<16xf32>
          %parallel_loop3A_1571 = arith.addi %parallel_loop3A_1537, %parallel_loop3A_1566 : vector<16xi32>
          scf.yield %parallel_loop3A_1570, %parallel_loop3A_1571 : vector<16xf32>, vector<16xi32>
        } {sc.loop_unroll_factor = 4 : i64, sc.parallel_access}
        %lt3A_1512 = arith.constant 5 : i32
        %lt3A_1513 = arith.cmpi slt, %scan3A_1499, %lt3A_1512 : i32
        %convert_element_type3A_1514 = arith.extui %lt3A_1513 : i1 to i32
        %cond3A_1515 = arith.constant 0 : i32
        %cond3A_1516 = arith.cmpi ne, %convert_element_type3A_1514, %cond3A_1515 : i32
        scf.if %cond3A_1516 {
          %mul3A_1535 = arith.constant 2 : i32
          %mul3A_1536 = arith.muli %mul3A_1535, %scan3A_1499 : i32
          %add3A_1537 = arith.constant 2 : i32
          %add3A_1538 = arith.addi %mul3A_1536, %add3A_1537 : i32
          %mul3A_1539 = arith.constant 12288 : i32
          %mul3A_1540 = arith.muli %add3A_1538, %mul3A_1539 : i32
          %add3A_1541 = arith.addi %mul3A_19, %mul3A_1540 : i32
          %dma_start3A_1542 = tpu.memref_slice %arg2[%add3A_1541] : memref<56623104xf32, #tpu.memory_space<hbm>> -> memref<12288xf32, #tpu.memory_space<hbm>>
          %dma_start3A_1543 = tpu.memref_slice %arg2[%add3A_1541] : memref<56623104xf32, #tpu.memory_space<hbm>> -> memref<12288xf32, #tpu.memory_space<hbm>>
          tpu.enqueue_dma source(%dma_start3A_1543 : memref<12288xf32, #tpu.memory_space<hbm>>) target(%arg5 : memref<12288xf32, #tpu.memory_space<vmem>>) target_semaphore(%arg9 : memref<!tpu.dma_semaphore, #tpu.memory_space<semaphore_mem>>)
        } else {
        }
        %mul3A_1517 = arith.constant 2 : i32
        %mul3A_1518 = arith.muli %mul3A_1517, %scan3A_1499 : i32
        %add3A_1519 = arith.constant 1 : i32
        %add3A_1520 = arith.addi %mul3A_1518, %add3A_1519 : i32
        %mul3A_1521 = arith.constant 12288 : i32
        %mul3A_1522 = arith.muli %add3A_1520, %mul3A_1521 : i32
        %add3A_1523 = arith.addi %mul3A_19, %mul3A_1522 : i32
        %dma_wait3A_1524 = tpu.memref_slice %arg2[%add3A_1523] : memref<56623104xf32, #tpu.memory_space<hbm>> -> memref<12288xf32, #tpu.memory_space<hbm>>
        %dma_wait3A_1525 = tpu.memref_slice %arg2[%add3A_1523] : memref<56623104xf32, #tpu.memory_space<hbm>> -> memref<12288xf32, #tpu.memory_space<hbm>>
        tpu.wait_dma2 semaphore(%arg10 : memref<!tpu.dma_semaphore, #tpu.memory_space<semaphore_mem>>) src(%dma_wait3A_1525 : memref<12288xf32, #tpu.memory_space<hbm>>) dst(%arg6 : memref<12288xf32, #tpu.memory_space<vmem>>)
        %parallel_loop3A_1526 = arith.constant 0 : i32
        %parallel_loop3A_1527 = arith.constant 768 : i32
        %parallel_loop3A_1528 = arith.constant 1 : i32
        %parallel_loop3A_1529:2 = scf.for %parallel_loop3A_1535 = %parallel_loop3A_1526 to %parallel_loop3A_1527 step %parallel_loop3A_1528 iter_args(%parallel_loop3A_1536 = %parallel_loop3A_1511#0, %parallel_loop3A_1537 = %parallel_loop3A_1511#1) -> (vector<16xf32>, vector<16xi32>)  : i32 {
          %parallel_loop3A_1538 = arith.constant 16 : i32
          %parallel_loop3A_1539 = arith.muli %parallel_loop3A_1535, %parallel_loop3A_1538 : i32
          %parallel_loop3A_1540 = arith.index_cast %parallel_loop3A_1539 : i32 to index
          %parallel_loop3A_1541 = tpu.vector_load %arg6[%parallel_loop3A_1540] {strides = array<i32>} : memref<12288xf32, #tpu.memory_space<vmem>>, vector<16xf32>,
          %parallel_loop3A_1542 = vector.bitcast %parallel_loop3A_1541 : vector<16xf32> to vector<16xi32>
          %parallel_loop3A_1543 = vector.bitcast %parallel_loop3A_1541 : vector<16xf32> to vector<16xi32>
          %parallel_loop3A_1544 = arith.constant 31 : i32
          %parallel_loop3A_1545 = vector.broadcast %parallel_loop3A_1544 : i32 to vector<16xi32>
          %parallel_loop3A_1546 = arith.shrsi %parallel_loop3A_1543, %parallel_loop3A_1545 : vector<16xi32>
          %parallel_loop3A_1547 = vector.bitcast %parallel_loop3A_1546 : vector<16xi32> to vector<16xi32>
          %parallel_loop3A_1548 = arith.constant -2147483648 : i32
          %parallel_loop3A_1549 = vector.broadcast %parallel_loop3A_1548 : i32 to vector<16xi32>
          %parallel_loop3A_1550 = arith.ori %parallel_loop3A_1547, %parallel_loop3A_1549 : vector<16xi32>
          %parallel_loop3A_1551 = arith.xori %parallel_loop3A_1542, %parallel_loop3A_1550 : vector<16xi32>
          %parallel_loop3A_1552 = arith.constant 21 : i32
          %parallel_loop3A_1553 = vector.broadcast %parallel_loop3A_1552 : i32 to vector<16xi32>
          %parallel_loop3A_1554 = arith.shrui %parallel_loop3A_1551, %parallel_loop3A_1553 : vector<16xi32>
          %parallel_loop3A_1555 = vector.broadcast %add3A_570 : i32 to vector<16xi32>
          %parallel_loop3A_1556 = arith.cmpi eq, %parallel_loop3A_1554, %parallel_loop3A_1555 : vector<16xi32>
          %parallel_loop3A_1557 = arith.select %parallel_loop3A_1556, %broadcast_in_dim3A_6, %broadcast_in_dim3A_2 : vector<16xi1>, vector<16xi32>
          %parallel_loop3A_1558 = arith.constant true
          %parallel_loop3A_1559 = vector.broadcast %parallel_loop3A_1558 : i1 to vector<16xi1>
          %parallel_loop3A_1560 = tpu.scan <sum>, %parallel_loop3A_1557 masked %parallel_loop3A_1559 : vector<16xi32>, vector<16xi1> -> vector<16xi32>
          %parallel_loop3A_1561 = arith.subi %parallel_loop3A_1560, %parallel_loop3A_1557 : vector<16xi32>
          %parallel_loop3A_1562 = arith.addi %parallel_loop3A_1537, %parallel_loop3A_1561 : vector<16xi32>
          %parallel_loop3A_1563 = arith.constant 32768 : i32
          %parallel_loop3A_1564 = vector.broadcast %parallel_loop3A_1563 : i32 to vector<16xi32>
          %parallel_loop3A_1565 = arith.minsi %parallel_loop3A_1562, %parallel_loop3A_1564 : vector<16xi32>
          tpu.vector_store_idx %arg7[%parallel_loop3A_1565], %parallel_loop3A_1541 masked %parallel_loop3A_1556 : memref<32784xf32, #tpu.memory_space<vmem>>[vector<16xi32>], vector<16xf32>, vector<16xi1>
          %parallel_loop3A_1566 = tpu.all_reduce %parallel_loop3A_1556 {dim = 0 : i64, kind = #tpu.reduction_kind<sum>} : vector<16xi1> -> vector<16xi32>
          %parallel_loop3A_1567 = vector.broadcast %add3A_570 : i32 to vector<16xi32>
          %parallel_loop3A_1568 = arith.cmpi ugt, %parallel_loop3A_1554, %parallel_loop3A_1567 : vector<16xi32>
          %parallel_loop3A_1569 = arith.select %parallel_loop3A_1568, %parallel_loop3A_1541, %broadcast_in_dim3A_4 : vector<16xi1>, vector<16xf32>
          %parallel_loop3A_1570 = arith.addf %parallel_loop3A_1536, %parallel_loop3A_1569 : vector<16xf32>
          %parallel_loop3A_1571 = arith.addi %parallel_loop3A_1537, %parallel_loop3A_1566 : vector<16xi32>
          scf.yield %parallel_loop3A_1570, %parallel_loop3A_1571 : vector<16xf32>, vector<16xi32>
        } {sc.loop_unroll_factor = 4 : i64, sc.parallel_access}
        %lt3A_1530 = arith.constant 5 : i32
        %lt3A_1531 = arith.cmpi slt, %scan3A_1499, %lt3A_1530 : i32
        %convert_element_type3A_1532 = arith.extui %lt3A_1531 : i1 to i32
        %cond3A_1533 = arith.constant 0 : i32
        %cond3A_1534 = arith.cmpi ne, %convert_element_type3A_1532, %cond3A_1533 : i32
        scf.if %cond3A_1534 {
          %mul3A_1535 = arith.constant 2 : i32
          %mul3A_1536 = arith.muli %mul3A_1535, %scan3A_1499 : i32
          %add3A_1537 = arith.constant 3 : i32
          %add3A_1538 = arith.addi %mul3A_1536, %add3A_1537 : i32
          %mul3A_1539 = arith.constant 12288 : i32
          %mul3A_1540 = arith.muli %add3A_1538, %mul3A_1539 : i32
          %add3A_1541 = arith.addi %mul3A_19, %mul3A_1540 : i32
          %dma_start3A_1542 = tpu.memref_slice %arg2[%add3A_1541] : memref<56623104xf32, #tpu.memory_space<hbm>> -> memref<12288xf32, #tpu.memory_space<hbm>>
          %dma_start3A_1543 = tpu.memref_slice %arg2[%add3A_1541] : memref<56623104xf32, #tpu.memory_space<hbm>> -> memref<12288xf32, #tpu.memory_space<hbm>>
          tpu.enqueue_dma source(%dma_start3A_1543 : memref<12288xf32, #tpu.memory_space<hbm>>) target(%arg6 : memref<12288xf32, #tpu.memory_space<vmem>>) target_semaphore(%arg10 : memref<!tpu.dma_semaphore, #tpu.memory_space<semaphore_mem>>)
        } else {
        }
        scf.yield %parallel_loop3A_1529#0, %parallel_loop3A_1529#1 : vector<16xf32>, vector<16xi32>
      }
      %scan3A_586 = arith.constant 6 : i32
      %reduce_sum3A_587 = arith.constant true
      %reduce_sum3A_588 = vector.broadcast %reduce_sum3A_587 : i1 to vector<16xi1>
      %reduce_sum3A_589 = tpu.scan <sum>, %scan3A_585#0 masked %reduce_sum3A_588 : vector<16xf32>, vector<16xi1> -> vector<16xf32>
      %reduce_sum3A_590 = vector.extract %reduce_sum3A_589[15] : f32 from vector<16xf32>
      %min3A = arith.constant 32768 : i32
      %min3A_591 = arith.minsi %reduce_sum3A_567, %min3A : i32
      %broadcast_in_dim3A_592 = arith.constant -1 : i32
      %broadcast_in_dim3A_593 = vector.broadcast %broadcast_in_dim3A_592 : i32 to vector<16xi32>
      %bitcast3A = vector.bitcast %broadcast_in_dim3A_593 : vector<16xi32> to vector<16xf32>
      %add3A_594 = vector.broadcast %min3A_591 : i32 to vector<16xi32>
      %add3A_595 = arith.addi %add3A_594, %iota3A : vector<16xi32>
      tpu.vector_store_idx %arg7[%add3A_595], %bitcast3A : memref<32784xf32, #tpu.memory_space<vmem>>[vector<16xi32>], vector<16xf32>,
      %add3A_596 = arith.constant 15 : i32
      %add3A_597 = arith.addi %reduce_sum3A_567, %add3A_596 : i32
      %jit3A_598 = arith.constant 16 : i32
      %div3A = arith.divsi %add3A_597, %jit3A_598 : i32
      %sign3A = arith.constant 0 : i32
      %sign3A_599 = arith.cmpi sgt, %add3A_597, %sign3A : i32
      %sign3A_600 = arith.extui %sign3A_599 : i1 to i32
      %sign3A_601 = arith.constant 0 : i32
      %sign3A_602 = arith.cmpi slt, %add3A_597, %sign3A_601 : i32
      %sign3A_603 = arith.extui %sign3A_602 : i1 to i32
      %sign3A_604 = arith.subi %sign3A_600, %sign3A_603 : i32
      %sign3A_605 = arith.constant 0 : i32
      %sign3A_606 = arith.cmpi sgt, %jit3A_598, %sign3A_605 : i32
      %sign3A_607 = arith.extui %sign3A_606 : i1 to i32
      %sign3A_608 = arith.constant 0 : i32
      %sign3A_609 = arith.cmpi slt, %jit3A_598, %sign3A_608 : i32
      %sign3A_610 = arith.extui %sign3A_609 : i1 to i32
      %sign3A_611 = arith.subi %sign3A_607, %sign3A_610 : i32
      %ne3A = arith.cmpi ne, %sign3A_604, %sign3A_611 : i32
      %rem3A = arith.remsi %add3A_597, %jit3A_598 : i32
      %ne3A_612 = arith.constant 0 : i32
      %ne3A_613 = arith.cmpi ne, %rem3A, %ne3A_612 : i32
      %and3A_614 = arith.andi %ne3A, %ne3A_613 : i1
      %sub3A_615 = arith.constant 1 : i32
      %sub3A_616 = arith.subi %div3A, %sub3A_615 : i32
      %select_n3A_617 = arith.select %and3A_614, %sub3A_616, %div3A : i32
      %le3A = arith.constant 32768 : i32
      %le3A_618 = arith.cmpi sle, %reduce_sum3A_567, %le3A : i32
      %parallel_loop3A_619 = arith.constant 0 : i32
      %parallel_loop3A_620 = arith.constant 128 : i32
      %parallel_loop3A_621 = arith.constant 1 : i32
      scf.for %parallel_loop3A_1499 = %parallel_loop3A_619 to %parallel_loop3A_620 step %parallel_loop3A_621  : i32 {
        %parallel_loop3A_1500 = arith.constant 16 : i32
        %parallel_loop3A_1501 = arith.muli %parallel_loop3A_1499, %parallel_loop3A_1500 : i32
        %parallel_loop3A_1502 = arith.index_cast %parallel_loop3A_1501 : i32 to index
        %parallel_loop3A_1503 = tpu.vector_load %arg4[%parallel_loop3A_1502] {strides = array<i32>} : memref<2048xi32, #tpu.memory_space<vmem>>, vector<16xi32>,
        tpu.vector_store %arg4[%parallel_loop3A_1502], %broadcast_in_dim3A_2 {strides = array<i32>} : memref<2048xi32, #tpu.memory_space<vmem>>, vector<16xi32>,
      } {sc.loop_unroll_factor = 8 : i64, sc.parallel_access}
      %convert_element_type3A = arith.extui %le3A_618 : i1 to i32
      %cond3A = arith.constant 0 : i32
      %cond3A_622 = arith.constant 0 : i32
      %cond3A_623 = arith.cmpi ne, %convert_element_type3A, %cond3A_622 : i32
      %cond3A_624 = scf.if %cond3A_623 -> (i32) {
        %while3A = arith.constant 0 : i32
        %while3A_1499 = arith.constant 0 : i32
        %while3A_1500 = arith.subi %select_n3A_617, %while3A_1499 : i32
        %while3A_1501 = arith.addi %while3A_1499, %while3A_1500 : i32
        %while3A_1502 = arith.constant 1 : i32
        %while3A_1503 = arith.divsi %while3A_1500, %while3A_1502 : i32
        %while3A_1504 = arith.muli %while3A_1503, %while3A_1502 : i32
        %while3A_1505 = arith.addi %while3A_1499, %while3A_1504 : i32
        %while3A_1506 = arith.constant 1 : i32
        scf.for %while3A_1509 = %while3A_1499 to %while3A_1505 step %while3A_1506  : i32 {
          %mul3A_1510 = arith.constant 16 : i32
          %mul3A_1511 = arith.muli %while3A_1509, %mul3A_1510 : i32
          %get3A_1512 = arith.index_cast %mul3A_1511 : i32 to index
          %get3A_1513 = tpu.vector_load %arg7[%get3A_1512] {strides = array<i32>} : memref<32784xf32, #tpu.memory_space<vmem>>, vector<16xf32>,
          %bitcast3A_1514 = vector.bitcast %get3A_1513 : vector<16xf32> to vector<16xi32>
          %bitcast3A_1515 = vector.bitcast %get3A_1513 : vector<16xf32> to vector<16xi32>
          %shift_right_arithmetic3A = arith.constant 31 : i32
          %shift_right_arithmetic3A_1516 = vector.broadcast %shift_right_arithmetic3A : i32 to vector<16xi32>
          %shift_right_arithmetic3A_1517 = arith.shrsi %bitcast3A_1515, %shift_right_arithmetic3A_1516 : vector<16xi32>
          %bitcast3A_1518 = vector.bitcast %shift_right_arithmetic3A_1517 : vector<16xi32> to vector<16xi32>
          %or3A_1519 = arith.constant -2147483648 : i32
          %or3A_1520 = vector.broadcast %or3A_1519 : i32 to vector<16xi32>
          %or3A_1521 = arith.ori %bitcast3A_1518, %or3A_1520 : vector<16xi32>
          %xor3A_1522 = arith.xori %bitcast3A_1514, %or3A_1521 : vector<16xi32>
          %shift_right_logical3A = arith.constant 10 : i32
          %shift_right_logical3A_1523 = vector.broadcast %shift_right_logical3A : i32 to vector<16xi32>
          %shift_right_logical3A_1524 = arith.shrui %xor3A_1522, %shift_right_logical3A_1523 : vector<16xi32>
          %and3A_1525 = arith.constant 2047 : i32
          %and3A_1526 = vector.broadcast %and3A_1525 : i32 to vector<16xi32>
          %and3A_1527 = arith.andi %shift_right_logical3A_1524, %and3A_1526 : vector<16xi32>
          %bitcast3A_1528 = vector.bitcast %and3A_1527 : vector<16xi32> to vector<16xi32>
          tpu.vector_store_idx %arg4[%bitcast3A_1528], %broadcast_in_dim3A_6 {add = true} : memref<2048xi32, #tpu.memory_space<vmem>>[vector<16xi32>], vector<16xi32>,
        }
        %while3A_1507 = arith.constant 1 : i32
        scf.for %while3A_1509 = %while3A_1505 to %while3A_1501 step %while3A_1507  : i32 {
          %mul3A_1510 = arith.constant 16 : i32
          %mul3A_1511 = arith.muli %while3A_1509, %mul3A_1510 : i32
          %get3A_1512 = arith.index_cast %mul3A_1511 : i32 to index
          %get3A_1513 = tpu.vector_load %arg7[%get3A_1512] {strides = array<i32>} : memref<32784xf32, #tpu.memory_space<vmem>>, vector<16xf32>,
          %bitcast3A_1514 = vector.bitcast %get3A_1513 : vector<16xf32> to vector<16xi32>
          %bitcast3A_1515 = vector.bitcast %get3A_1513 : vector<16xf32> to vector<16xi32>
          %shift_right_arithmetic3A = arith.constant 31 : i32
          %shift_right_arithmetic3A_1516 = vector.broadcast %shift_right_arithmetic3A : i32 to vector<16xi32>
          %shift_right_arithmetic3A_1517 = arith.shrsi %bitcast3A_1515, %shift_right_arithmetic3A_1516 : vector<16xi32>
          %bitcast3A_1518 = vector.bitcast %shift_right_arithmetic3A_1517 : vector<16xi32> to vector<16xi32>
          %or3A_1519 = arith.constant -2147483648 : i32
          %or3A_1520 = vector.broadcast %or3A_1519 : i32 to vector<16xi32>
          %or3A_1521 = arith.ori %bitcast3A_1518, %or3A_1520 : vector<16xi32>
          %xor3A_1522 = arith.xori %bitcast3A_1514, %or3A_1521 : vector<16xi32>
          %shift_right_logical3A = arith.constant 10 : i32
          %shift_right_logical3A_1523 = vector.broadcast %shift_right_logical3A : i32 to vector<16xi32>
          %shift_right_logical3A_1524 = arith.shrui %xor3A_1522, %shift_right_logical3A_1523 : vector<16xi32>
          %and3A_1525 = arith.constant 2047 : i32
          %and3A_1526 = vector.broadcast %and3A_1525 : i32 to vector<16xi32>
          %and3A_1527 = arith.andi %shift_right_logical3A_1524, %and3A_1526 : vector<16xi32>
          %bitcast3A_1528 = vector.bitcast %and3A_1527 : vector<16xi32> to vector<16xi32>
          tpu.vector_store_idx %arg4[%bitcast3A_1528], %broadcast_in_dim3A_6 {add = true} : memref<2048xi32, #tpu.memory_space<vmem>>[vector<16xi32>], vector<16xi32>,
        }
        %cond3A_1508 = arith.constant 0 : i32
        scf.yield %cond3A_1508 : i32
      } else {
        %add3A_1499 = arith.constant 0 : i32
        %add3A_1500 = arith.addi %mul3A_19, %add3A_1499 : i32
        %dma_start3A_1501 = tpu.memref_slice %arg2[%add3A_1500] : memref<56623104xf32, #tpu.memory_space<hbm>> -> memref<12288xf32, #tpu.memory_space<hbm>>
        %dma_start3A_1502 = tpu.memref_slice %arg2[%add3A_1500] : memref<56623104xf32, #tpu.memory_space<hbm>> -> memref<12288xf32, #tpu.memory_space<hbm>>
        tpu.enqueue_dma source(%dma_start3A_1502 : memref<12288xf32, #tpu.memory_space<hbm>>) target(%arg5 : memref<12288xf32, #tpu.memory_space<vmem>>) target_semaphore(%arg9 : memref<!tpu.dma_semaphore, #tpu.memory_space<semaphore_mem>>)
        %add3A_1503 = arith.constant 12288 : i32
        %add3A_1504 = arith.addi %mul3A_19, %add3A_1503 : i32
        %dma_start3A_1505 = tpu.memref_slice %arg2[%add3A_1504] : memref<56623104xf32, #tpu.memory_space<hbm>> -> memref<12288xf32, #tpu.memory_space<hbm>>
        %dma_start3A_1506 = tpu.memref_slice %arg2[%add3A_1504] : memref<56623104xf32, #tpu.memory_space<hbm>> -> memref<12288xf32, #tpu.memory_space<hbm>>
        tpu.enqueue_dma source(%dma_start3A_1506 : memref<12288xf32, #tpu.memory_space<hbm>>) target(%arg6 : memref<12288xf32, #tpu.memory_space<vmem>>) target_semaphore(%arg10 : memref<!tpu.dma_semaphore, #tpu.memory_space<semaphore_mem>>)
        %scan3A_1507 = arith.constant 0 : i32
        %scan3A_1508 = arith.constant 0 : i32
        %scan3A_1509 = arith.constant 6 : i32
        %scan3A_1510 = arith.addi %scan3A_1508, %scan3A_1509 : i32
        %scan3A_1511 = arith.constant 1 : i32
        %scan3A_1512 = scf.for %scan3A_1514 = %scan3A_1508 to %scan3A_1510 step %scan3A_1511 iter_args(%scan3A_1515 = %scan3A_1507) -> (i32)  : i32 {
          %mul3A_1516 = arith.constant 2 : i32
          %mul3A_1517 = arith.muli %mul3A_1516, %scan3A_1514 : i32
          %mul3A_1518 = arith.constant 12288 : i32
          %mul3A_1519 = arith.muli %mul3A_1517, %mul3A_1518 : i32
          %add3A_1520 = arith.addi %mul3A_19, %mul3A_1519 : i32
          %dma_wait3A = tpu.memref_slice %arg2[%add3A_1520] : memref<56623104xf32, #tpu.memory_space<hbm>> -> memref<12288xf32, #tpu.memory_space<hbm>>
          %dma_wait3A_1521 = tpu.memref_slice %arg2[%add3A_1520] : memref<56623104xf32, #tpu.memory_space<hbm>> -> memref<12288xf32, #tpu.memory_space<hbm>>
          tpu.wait_dma2 semaphore(%arg9 : memref<!tpu.dma_semaphore, #tpu.memory_space<semaphore_mem>>) src(%dma_wait3A_1521 : memref<12288xf32, #tpu.memory_space<hbm>>) dst(%arg5 : memref<12288xf32, #tpu.memory_space<vmem>>)
          %parallel_loop3A_1522 = arith.constant 0 : i32
          %parallel_loop3A_1523 = arith.constant 768 : i32
          %parallel_loop3A_1524 = arith.constant 1 : i32
          %parallel_loop3A_1525 = scf.for %parallel_loop3A_1549 = %parallel_loop3A_1522 to %parallel_loop3A_1523 step %parallel_loop3A_1524 iter_args(%parallel_loop3A_1550 = %scan3A_1515) -> (i32)  : i32 {
            %parallel_loop3A_1551 = arith.constant 16 : i32
            %parallel_loop3A_1552 = arith.muli %parallel_loop3A_1549, %parallel_loop3A_1551 : i32
            %parallel_loop3A_1553 = arith.index_cast %parallel_loop3A_1552 : i32 to index
            %parallel_loop3A_1554 = tpu.vector_load %arg5[%parallel_loop3A_1553] {strides = array<i32>} : memref<12288xf32, #tpu.memory_space<vmem>>, vector<16xf32>,
            %parallel_loop3A_1555 = vector.bitcast %parallel_loop3A_1554 : vector<16xf32> to vector<16xi32>
            %parallel_loop3A_1556 = vector.bitcast %parallel_loop3A_1554 : vector<16xf32> to vector<16xi32>
            %parallel_loop3A_1557 = arith.constant 31 : i32
            %parallel_loop3A_1558 = vector.broadcast %parallel_loop3A_1557 : i32 to vector<16xi32>
            %parallel_loop3A_1559 = arith.shrsi %parallel_loop3A_1556, %parallel_loop3A_1558 : vector<16xi32>
            %parallel_loop3A_1560 = vector.bitcast %parallel_loop3A_1559 : vector<16xi32> to vector<16xi32>
            %parallel_loop3A_1561 = arith.constant -2147483648 : i32
            %parallel_loop3A_1562 = vector.broadcast %parallel_loop3A_1561 : i32 to vector<16xi32>
            %parallel_loop3A_1563 = arith.ori %parallel_loop3A_1560, %parallel_loop3A_1562 : vector<16xi32>
            %parallel_loop3A_1564 = arith.xori %parallel_loop3A_1555, %parallel_loop3A_1563 : vector<16xi32>
            %parallel_loop3A_1565 = arith.constant 21 : i32
            %parallel_loop3A_1566 = vector.broadcast %parallel_loop3A_1565 : i32 to vector<16xi32>
            %parallel_loop3A_1567 = arith.shrui %parallel_loop3A_1564, %parallel_loop3A_1566 : vector<16xi32>
            %parallel_loop3A_1568 = arith.constant 10 : i32
            %parallel_loop3A_1569 = vector.broadcast %parallel_loop3A_1568 : i32 to vector<16xi32>
            %parallel_loop3A_1570 = arith.shrui %parallel_loop3A_1564, %parallel_loop3A_1569 : vector<16xi32>
            %parallel_loop3A_1571 = arith.constant 2047 : i32
            %parallel_loop3A_1572 = vector.broadcast %parallel_loop3A_1571 : i32 to vector<16xi32>
            %parallel_loop3A_1573 = arith.andi %parallel_loop3A_1570, %parallel_loop3A_1572 : vector<16xi32>
            %parallel_loop3A_1574 = vector.bitcast %parallel_loop3A_1573 : vector<16xi32> to vector<16xi32>
            %parallel_loop3A_1575 = vector.broadcast %add3A_570 : i32 to vector<16xi32>
            %parallel_loop3A_1576 = arith.cmpi eq, %parallel_loop3A_1567, %parallel_loop3A_1575 : vector<16xi32>
            tpu.vector_store_idx %arg4[%parallel_loop3A_1574], %broadcast_in_dim3A_6 masked %parallel_loop3A_1576 {add = true} : memref<2048xi32, #tpu.memory_space<vmem>>[vector<16xi32>], vector<16xi32>, vector<16xi1>
            scf.yield %parallel_loop3A_1550 : i32
          } {sc.loop_unroll_factor = 4 : i64, sc.parallel_access}
          %lt3A_1526 = arith.constant 5 : i32
          %lt3A_1527 = arith.cmpi slt, %scan3A_1514, %lt3A_1526 : i32
          %convert_element_type3A_1528 = arith.extui %lt3A_1527 : i1 to i32
          %cond3A_1529 = arith.constant 0 : i32
          %cond3A_1530 = arith.cmpi ne, %convert_element_type3A_1528, %cond3A_1529 : i32
          scf.if %cond3A_1530 {
            %mul3A_1549 = arith.constant 2 : i32
            %mul3A_1550 = arith.muli %mul3A_1549, %scan3A_1514 : i32
            %add3A_1551 = arith.constant 2 : i32
            %add3A_1552 = arith.addi %mul3A_1550, %add3A_1551 : i32
            %mul3A_1553 = arith.constant 12288 : i32
            %mul3A_1554 = arith.muli %add3A_1552, %mul3A_1553 : i32
            %add3A_1555 = arith.addi %mul3A_19, %mul3A_1554 : i32
            %dma_start3A_1556 = tpu.memref_slice %arg2[%add3A_1555] : memref<56623104xf32, #tpu.memory_space<hbm>> -> memref<12288xf32, #tpu.memory_space<hbm>>
            %dma_start3A_1557 = tpu.memref_slice %arg2[%add3A_1555] : memref<56623104xf32, #tpu.memory_space<hbm>> -> memref<12288xf32, #tpu.memory_space<hbm>>
            tpu.enqueue_dma source(%dma_start3A_1557 : memref<12288xf32, #tpu.memory_space<hbm>>) target(%arg5 : memref<12288xf32, #tpu.memory_space<vmem>>) target_semaphore(%arg9 : memref<!tpu.dma_semaphore, #tpu.memory_space<semaphore_mem>>)
          } else {
          }
          %mul3A_1531 = arith.constant 2 : i32
          %mul3A_1532 = arith.muli %mul3A_1531, %scan3A_1514 : i32
          %add3A_1533 = arith.constant 1 : i32
          %add3A_1534 = arith.addi %mul3A_1532, %add3A_1533 : i32
          %mul3A_1535 = arith.constant 12288 : i32
          %mul3A_1536 = arith.muli %add3A_1534, %mul3A_1535 : i32
          %add3A_1537 = arith.addi %mul3A_19, %mul3A_1536 : i32
          %dma_wait3A_1538 = tpu.memref_slice %arg2[%add3A_1537] : memref<56623104xf32, #tpu.memory_space<hbm>> -> memref<12288xf32, #tpu.memory_space<hbm>>
          %dma_wait3A_1539 = tpu.memref_slice %arg2[%add3A_1537] : memref<56623104xf32, #tpu.memory_space<hbm>> -> memref<12288xf32, #tpu.memory_space<hbm>>
          tpu.wait_dma2 semaphore(%arg10 : memref<!tpu.dma_semaphore, #tpu.memory_space<semaphore_mem>>) src(%dma_wait3A_1539 : memref<12288xf32, #tpu.memory_space<hbm>>) dst(%arg6 : memref<12288xf32, #tpu.memory_space<vmem>>)
          %parallel_loop3A_1540 = arith.constant 0 : i32
          %parallel_loop3A_1541 = arith.constant 768 : i32
          %parallel_loop3A_1542 = arith.constant 1 : i32
          %parallel_loop3A_1543 = scf.for %parallel_loop3A_1549 = %parallel_loop3A_1540 to %parallel_loop3A_1541 step %parallel_loop3A_1542 iter_args(%parallel_loop3A_1550 = %parallel_loop3A_1525) -> (i32)  : i32 {
            %parallel_loop3A_1551 = arith.constant 16 : i32
            %parallel_loop3A_1552 = arith.muli %parallel_loop3A_1549, %parallel_loop3A_1551 : i32
            %parallel_loop3A_1553 = arith.index_cast %parallel_loop3A_1552 : i32 to index
            %parallel_loop3A_1554 = tpu.vector_load %arg6[%parallel_loop3A_1553] {strides = array<i32>} : memref<12288xf32, #tpu.memory_space<vmem>>, vector<16xf32>,
            %parallel_loop3A_1555 = vector.bitcast %parallel_loop3A_1554 : vector<16xf32> to vector<16xi32>
            %parallel_loop3A_1556 = vector.bitcast %parallel_loop3A_1554 : vector<16xf32> to vector<16xi32>
            %parallel_loop3A_1557 = arith.constant 31 : i32
            %parallel_loop3A_1558 = vector.broadcast %parallel_loop3A_1557 : i32 to vector<16xi32>
            %parallel_loop3A_1559 = arith.shrsi %parallel_loop3A_1556, %parallel_loop3A_1558 : vector<16xi32>
            %parallel_loop3A_1560 = vector.bitcast %parallel_loop3A_1559 : vector<16xi32> to vector<16xi32>
            %parallel_loop3A_1561 = arith.constant -2147483648 : i32
            %parallel_loop3A_1562 = vector.broadcast %parallel_loop3A_1561 : i32 to vector<16xi32>
            %parallel_loop3A_1563 = arith.ori %parallel_loop3A_1560, %parallel_loop3A_1562 : vector<16xi32>
            %parallel_loop3A_1564 = arith.xori %parallel_loop3A_1555, %parallel_loop3A_1563 : vector<16xi32>
            %parallel_loop3A_1565 = arith.constant 21 : i32
            %parallel_loop3A_1566 = vector.broadcast %parallel_loop3A_1565 : i32 to vector<16xi32>
            %parallel_loop3A_1567 = arith.shrui %parallel_loop3A_1564, %parallel_loop3A_1566 : vector<16xi32>
            %parallel_loop3A_1568 = arith.constant 10 : i32
            %parallel_loop3A_1569 = vector.broadcast %parallel_loop3A_1568 : i32 to vector<16xi32>
            %parallel_loop3A_1570 = arith.shrui %parallel_loop3A_1564, %parallel_loop3A_1569 : vector<16xi32>
            %parallel_loop3A_1571 = arith.constant 2047 : i32
            %parallel_loop3A_1572 = vector.broadcast %parallel_loop3A_1571 : i32 to vector<16xi32>
            %parallel_loop3A_1573 = arith.andi %parallel_loop3A_1570, %parallel_loop3A_1572 : vector<16xi32>
            %parallel_loop3A_1574 = vector.bitcast %parallel_loop3A_1573 : vector<16xi32> to vector<16xi32>
            %parallel_loop3A_1575 = vector.broadcast %add3A_570 : i32 to vector<16xi32>
            %parallel_loop3A_1576 = arith.cmpi eq, %parallel_loop3A_1567, %parallel_loop3A_1575 : vector<16xi32>
            tpu.vector_store_idx %arg4[%parallel_loop3A_1574], %broadcast_in_dim3A_6 masked %parallel_loop3A_1576 {add = true} : memref<2048xi32, #tpu.memory_space<vmem>>[vector<16xi32>], vector<16xi32>, vector<16xi1>
            scf.yield %parallel_loop3A_1550 : i32
          } {sc.loop_unroll_factor = 4 : i64, sc.parallel_access}
          %lt3A_1544 = arith.constant 5 : i32
          %lt3A_1545 = arith.cmpi slt, %scan3A_1514, %lt3A_1544 : i32
          %convert_element_type3A_1546 = arith.extui %lt3A_1545 : i1 to i32
          %cond3A_1547 = arith.constant 0 : i32
          %cond3A_1548 = arith.cmpi ne, %convert_element_type3A_1546, %cond3A_1547 : i32
          scf.if %cond3A_1548 {
            %mul3A_1549 = arith.constant 2 : i32
            %mul3A_1550 = arith.muli %mul3A_1549, %scan3A_1514 : i32
            %add3A_1551 = arith.constant 3 : i32
            %add3A_1552 = arith.addi %mul3A_1550, %add3A_1551 : i32
            %mul3A_1553 = arith.constant 12288 : i32
            %mul3A_1554 = arith.muli %add3A_1552, %mul3A_1553 : i32
            %add3A_1555 = arith.addi %mul3A_19, %mul3A_1554 : i32
            %dma_start3A_1556 = tpu.memref_slice %arg2[%add3A_1555] : memref<56623104xf32, #tpu.memory_space<hbm>> -> memref<12288xf32, #tpu.memory_space<hbm>>
            %dma_start3A_1557 = tpu.memref_slice %arg2[%add3A_1555] : memref<56623104xf32, #tpu.memory_space<hbm>> -> memref<12288xf32, #tpu.memory_space<hbm>>
            tpu.enqueue_dma source(%dma_start3A_1557 : memref<12288xf32, #tpu.memory_space<hbm>>) target(%arg6 : memref<12288xf32, #tpu.memory_space<vmem>>) target_semaphore(%arg10 : memref<!tpu.dma_semaphore, #tpu.memory_space<semaphore_mem>>)
          } else {
          }
          scf.yield %parallel_loop3A_1543 : i32
        }
        %scan3A_1513 = arith.constant 6 : i32
        scf.yield %scan3A_1512 : i32
      }
      %get3A_625 = arith.constant 1792 : index
      %get3A_626 = tpu.vector_load %arg4[%get3A_625] {strides = array<i32>} : memref<2048xi32, #tpu.memory_space<vmem>>, vector<16xi32>,
      %get3A_627 = arith.constant 1808 : index
      %get3A_628 = tpu.vector_load %arg4[%get3A_627] {strides = array<i32>} : memref<2048xi32, #tpu.memory_space<vmem>>, vector<16xi32>,
      %add3A_629 = arith.addi %get3A_626, %get3A_628 : vector<16xi32>
      %get3A_630 = arith.constant 1824 : index
      %get3A_631 = tpu.vector_load %arg4[%get3A_630] {strides = array<i32>} : memref<2048xi32, #tpu.memory_space<vmem>>, vector<16xi32>,
      %add3A_632 = arith.addi %add3A_629, %get3A_631 : vector<16xi32>
      %get3A_633 = arith.constant 1840 : index
      %get3A_634 = tpu.vector_load %arg4[%get3A_633] {strides = array<i32>} : memref<2048xi32, #tpu.memory_space<vmem>>, vector<16xi32>,
      %add3A_635 = arith.addi %add3A_632, %get3A_634 : vector<16xi32>
      %get3A_636 = arith.constant 1856 : index
      %get3A_637 = tpu.vector_load %arg4[%get3A_636] {strides = array<i32>} : memref<2048xi32, #tpu.memory_space<vmem>>, vector<16xi32>,
      %add3A_638 = arith.addi %add3A_635, %get3A_637 : vector<16xi32>
      %get3A_639 = arith.constant 1872 : index
      %get3A_640 = tpu.vector_load %arg4[%get3A_639] {strides = array<i32>} : memref<2048xi32, #tpu.memory_space<vmem>>, vector<16xi32>,
      %add3A_641 = arith.addi %add3A_638, %get3A_640 : vector<16xi32>
      %get3A_642 = arith.constant 1888 : index
      %get3A_643 = tpu.vector_load %arg4[%get3A_642] {strides = array<i32>} : memref<2048xi32, #tpu.memory_space<vmem>>, vector<16xi32>,
      %add3A_644 = arith.addi %add3A_641, %get3A_643 : vector<16xi32>
      %get3A_645 = arith.constant 1904 : index
      %get3A_646 = tpu.vector_load %arg4[%get3A_645] {strides = array<i32>} : memref<2048xi32, #tpu.memory_space<vmem>>, vector<16xi32>,
      %add3A_647 = arith.addi %add3A_644, %get3A_646 : vector<16xi32>
      %get3A_648 = arith.constant 1920 : index
      %get3A_649 = tpu.vector_load %arg4[%get3A_648] {strides = array<i32>} : memref<2048xi32, #tpu.memory_space<vmem>>, vector<16xi32>,
      %add3A_650 = arith.addi %add3A_647, %get3A_649 : vector<16xi32>
      %get3A_651 = arith.constant 1936 : index
      %get3A_652 = tpu.vector_load %arg4[%get3A_651] {strides = array<i32>} : memref<2048xi32, #tpu.memory_space<vmem>>, vector<16xi32>,
      %add3A_653 = arith.addi %add3A_650, %get3A_652 : vector<16xi32>
      %get3A_654 = arith.constant 1952 : index
      %get3A_655 = tpu.vector_load %arg4[%get3A_654] {strides = array<i32>} : memref<2048xi32, #tpu.memory_space<vmem>>, vector<16xi32>,
      %add3A_656 = arith.addi %add3A_653, %get3A_655 : vector<16xi32>
      %get3A_657 = arith.constant 1968 : index
      %get3A_658 = tpu.vector_load %arg4[%get3A_657] {strides = array<i32>} : memref<2048xi32, #tpu.memory_space<vmem>>, vector<16xi32>,
      %add3A_659 = arith.addi %add3A_656, %get3A_658 : vector<16xi32>
      %get3A_660 = arith.constant 1984 : index
      %get3A_661 = tpu.vector_load %arg4[%get3A_660] {strides = array<i32>} : memref<2048xi32, #tpu.memory_space<vmem>>, vector<16xi32>,
      %add3A_662 = arith.addi %add3A_659, %get3A_661 : vector<16xi32>
      %get3A_663 = arith.constant 2000 : index
      %get3A_664 = tpu.vector_load %arg4[%get3A_663] {strides = array<i32>} : memref<2048xi32, #tpu.memory_space<vmem>>, vector<16xi32>,
      %add3A_665 = arith.addi %add3A_662, %get3A_664 : vector<16xi32>
      %get3A_666 = arith.constant 2016 : index
      %get3A_667 = tpu.vector_load %arg4[%get3A_666] {strides = array<i32>} : memref<2048xi32, #tpu.memory_space<vmem>>, vector<16xi32>,
      %add3A_668 = arith.addi %add3A_665, %get3A_667 : vector<16xi32>
      %get3A_669 = arith.constant 2032 : index
      %get3A_670 = tpu.vector_load %arg4[%get3A_669] {strides = array<i32>} : memref<2048xi32, #tpu.memory_space<vmem>>, vector<16xi32>,
      %add3A_671 = arith.addi %add3A_668, %get3A_670 : vector<16xi32>
      %reduce_sum3A_672 = arith.constant true
      %reduce_sum3A_673 = vector.broadcast %reduce_sum3A_672 : i1 to vector<16xi1>
      %reduce_sum3A_674 = tpu.scan <sum>, %add3A_671 masked %reduce_sum3A_673 : vector<16xi32>, vector<16xi1> -> vector<16xi32>
      %reduce_sum3A_675 = vector.extract %reduce_sum3A_674[15] : i32 from vector<16xi32>
      %lt3A_676 = arith.constant 0 : i32
      %lt3A_677 = arith.cmpi slt, %lt3A_676, %sub3A_572 : i32
      %add3A_678 = arith.constant 0 : i32
      %add3A_679 = arith.addi %add3A_678, %reduce_sum3A_675 : i32
      %ge3A_680 = arith.cmpi sge, %add3A_679, %sub3A_572 : i32
      %and3A_681 = arith.andi %lt3A_677, %ge3A_680 : i1
      %jit3A_682 = arith.constant 7 : i32
      %jit3A_683 = arith.constant 0 : i32
      %select_n3A_684 = arith.select %and3A_681, %jit3A_682, %jit3A_683 : i32
      %jit3A_685 = arith.constant 0 : i32
      %jit3A_686 = arith.constant 0 : i32
      %select_n3A_687 = arith.select %and3A_681, %jit3A_685, %jit3A_686 : i32
      %add3A_688 = arith.constant 0 : i32
      %add3A_689 = arith.addi %add3A_688, %reduce_sum3A_675 : i32
      %get3A_690 = arith.constant 1536 : index
      %get3A_691 = tpu.vector_load %arg4[%get3A_690] {strides = array<i32>} : memref<2048xi32, #tpu.memory_space<vmem>>, vector<16xi32>,
      %get3A_692 = arith.constant 1552 : index
      %get3A_693 = tpu.vector_load %arg4[%get3A_692] {strides = array<i32>} : memref<2048xi32, #tpu.memory_space<vmem>>, vector<16xi32>,
      %add3A_694 = arith.addi %get3A_691, %get3A_693 : vector<16xi32>
      %get3A_695 = arith.constant 1568 : index
      %get3A_696 = tpu.vector_load %arg4[%get3A_695] {strides = array<i32>} : memref<2048xi32, #tpu.memory_space<vmem>>, vector<16xi32>,
      %add3A_697 = arith.addi %add3A_694, %get3A_696 : vector<16xi32>
      %get3A_698 = arith.constant 1584 : index
      %get3A_699 = tpu.vector_load %arg4[%get3A_698] {strides = array<i32>} : memref<2048xi32, #tpu.memory_space<vmem>>, vector<16xi32>,
      %add3A_700 = arith.addi %add3A_697, %get3A_699 : vector<16xi32>
      %get3A_701 = arith.constant 1600 : index
      %get3A_702 = tpu.vector_load %arg4[%get3A_701] {strides = array<i32>} : memref<2048xi32, #tpu.memory_space<vmem>>, vector<16xi32>,
      %add3A_703 = arith.addi %add3A_700, %get3A_702 : vector<16xi32>
      %get3A_704 = arith.constant 1616 : index
      %get3A_705 = tpu.vector_load %arg4[%get3A_704] {strides = array<i32>} : memref<2048xi32, #tpu.memory_space<vmem>>, vector<16xi32>,
      %add3A_706 = arith.addi %add3A_703, %get3A_705 : vector<16xi32>
      %get3A_707 = arith.constant 1632 : index
      %get3A_708 = tpu.vector_load %arg4[%get3A_707] {strides = array<i32>} : memref<2048xi32, #tpu.memory_space<vmem>>, vector<16xi32>,
      %add3A_709 = arith.addi %add3A_706, %get3A_708 : vector<16xi32>
      %get3A_710 = arith.constant 1648 : index
      %get3A_711 = tpu.vector_load %arg4[%get3A_710] {strides = array<i32>} : memref<2048xi32, #tpu.memory_space<vmem>>, vector<16xi32>,
      %add3A_712 = arith.addi %add3A_709, %get3A_711 : vector<16xi32>
      %get3A_713 = arith.constant 1664 : index
      %get3A_714 = tpu.vector_load %arg4[%get3A_713] {strides = array<i32>} : memref<2048xi32, #tpu.memory_space<vmem>>, vector<16xi32>,
      %add3A_715 = arith.addi %add3A_712, %get3A_714 : vector<16xi32>
      %get3A_716 = arith.constant 1680 : index
      %get3A_717 = tpu.vector_load %arg4[%get3A_716] {strides = array<i32>} : memref<2048xi32, #tpu.memory_space<vmem>>, vector<16xi32>,
      %add3A_718 = arith.addi %add3A_715, %get3A_717 : vector<16xi32>
      %get3A_719 = arith.constant 1696 : index
      %get3A_720 = tpu.vector_load %arg4[%get3A_719] {strides = array<i32>} : memref<2048xi32, #tpu.memory_space<vmem>>, vector<16xi32>,
      %add3A_721 = arith.addi %add3A_718, %get3A_720 : vector<16xi32>
      %get3A_722 = arith.constant 1712 : index
      %get3A_723 = tpu.vector_load %arg4[%get3A_722] {strides = array<i32>} : memref<2048xi32, #tpu.memory_space<vmem>>, vector<16xi32>,
      %add3A_724 = arith.addi %add3A_721, %get3A_723 : vector<16xi32>
      %get3A_725 = arith.constant 1728 : index
      %get3A_726 = tpu.vector_load %arg4[%get3A_725] {strides = array<i32>} : memref<2048xi32, #tpu.memory_space<vmem>>, vector<16xi32>,
      %add3A_727 = arith.addi %add3A_724, %get3A_726 : vector<16xi32>
      %get3A_728 = arith.constant 1744 : index
      %get3A_729 = tpu.vector_load %arg4[%get3A_728] {strides = array<i32>} : memref<2048xi32, #tpu.memory_space<vmem>>, vector<16xi32>,
      %add3A_730 = arith.addi %add3A_727, %get3A_729 : vector<16xi32>
      %get3A_731 = arith.constant 1760 : index
      %get3A_732 = tpu.vector_load %arg4[%get3A_731] {strides = array<i32>} : memref<2048xi32, #tpu.memory_space<vmem>>, vector<16xi32>,
      %add3A_733 = arith.addi %add3A_730, %get3A_732 : vector<16xi32>
      %get3A_734 = arith.constant 1776 : index
      %get3A_735 = tpu.vector_load %arg4[%get3A_734] {strides = array<i32>} : memref<2048xi32, #tpu.memory_space<vmem>>, vector<16xi32>,
      %add3A_736 = arith.addi %add3A_733, %get3A_735 : vector<16xi32>
      %reduce_sum3A_737 = arith.constant true
      %reduce_sum3A_738 = vector.broadcast %reduce_sum3A_737 : i1 to vector<16xi1>
      %reduce_sum3A_739 = tpu.scan <sum>, %add3A_736 masked %reduce_sum3A_738 : vector<16xi32>, vector<16xi1> -> vector<16xi32>
      %reduce_sum3A_740 = vector.extract %reduce_sum3A_739[15] : i32 from vector<16xi32>
      %lt3A_741 = arith.cmpi slt, %add3A_689, %sub3A_572 : i32
      %add3A_742 = arith.addi %add3A_689, %reduce_sum3A_740 : i32
      %ge3A_743 = arith.cmpi sge, %add3A_742, %sub3A_572 : i32
      %and3A_744 = arith.andi %lt3A_741, %ge3A_743 : i1
      %jit3A_745 = arith.constant 6 : i32
      %select_n3A_746 = arith.select %and3A_744, %jit3A_745, %select_n3A_684 : i32
      %select_n3A_747 = arith.select %and3A_744, %add3A_689, %select_n3A_687 : i32
      %add3A_748 = arith.addi %add3A_689, %reduce_sum3A_740 : i32
      %get3A_749 = arith.constant 1280 : index
      %get3A_750 = tpu.vector_load %arg4[%get3A_749] {strides = array<i32>} : memref<2048xi32, #tpu.memory_space<vmem>>, vector<16xi32>,
      %get3A_751 = arith.constant 1296 : index
      %get3A_752 = tpu.vector_load %arg4[%get3A_751] {strides = array<i32>} : memref<2048xi32, #tpu.memory_space<vmem>>, vector<16xi32>,
      %add3A_753 = arith.addi %get3A_750, %get3A_752 : vector<16xi32>
      %get3A_754 = arith.constant 1312 : index
      %get3A_755 = tpu.vector_load %arg4[%get3A_754] {strides = array<i32>} : memref<2048xi32, #tpu.memory_space<vmem>>, vector<16xi32>,
      %add3A_756 = arith.addi %add3A_753, %get3A_755 : vector<16xi32>
      %get3A_757 = arith.constant 1328 : index
      %get3A_758 = tpu.vector_load %arg4[%get3A_757] {strides = array<i32>} : memref<2048xi32, #tpu.memory_space<vmem>>, vector<16xi32>,
      %add3A_759 = arith.addi %add3A_756, %get3A_758 : vector<16xi32>
      %get3A_760 = arith.constant 1344 : index
      %get3A_761 = tpu.vector_load %arg4[%get3A_760] {strides = array<i32>} : memref<2048xi32, #tpu.memory_space<vmem>>, vector<16xi32>,
      %add3A_762 = arith.addi %add3A_759, %get3A_761 : vector<16xi32>
      %get3A_763 = arith.constant 1360 : index
      %get3A_764 = tpu.vector_load %arg4[%get3A_763] {strides = array<i32>} : memref<2048xi32, #tpu.memory_space<vmem>>, vector<16xi32>,
      %add3A_765 = arith.addi %add3A_762, %get3A_764 : vector<16xi32>
      %get3A_766 = arith.constant 1376 : index
      %get3A_767 = tpu.vector_load %arg4[%get3A_766] {strides = array<i32>} : memref<2048xi32, #tpu.memory_space<vmem>>, vector<16xi32>,
      %add3A_768 = arith.addi %add3A_765, %get3A_767 : vector<16xi32>
      %get3A_769 = arith.constant 1392 : index
      %get3A_770 = tpu.vector_load %arg4[%get3A_769] {strides = array<i32>} : memref<2048xi32, #tpu.memory_space<vmem>>, vector<16xi32>,
      %add3A_771 = arith.addi %add3A_768, %get3A_770 : vector<16xi32>
      %get3A_772 = arith.constant 1408 : index
      %get3A_773 = tpu.vector_load %arg4[%get3A_772] {strides = array<i32>} : memref<2048xi32, #tpu.memory_space<vmem>>, vector<16xi32>,
      %add3A_774 = arith.addi %add3A_771, %get3A_773 : vector<16xi32>
      %get3A_775 = arith.constant 1424 : index
      %get3A_776 = tpu.vector_load %arg4[%get3A_775] {strides = array<i32>} : memref<2048xi32, #tpu.memory_space<vmem>>, vector<16xi32>,
      %add3A_777 = arith.addi %add3A_774, %get3A_776 : vector<16xi32>
      %get3A_778 = arith.constant 1440 : index
      %get3A_779 = tpu.vector_load %arg4[%get3A_778] {strides = array<i32>} : memref<2048xi32, #tpu.memory_space<vmem>>, vector<16xi32>,
      %add3A_780 = arith.addi %add3A_777, %get3A_779 : vector<16xi32>
      %get3A_781 = arith.constant 1456 : index
      %get3A_782 = tpu.vector_load %arg4[%get3A_781] {strides = array<i32>} : memref<2048xi32, #tpu.memory_space<vmem>>, vector<16xi32>,
      %add3A_783 = arith.addi %add3A_780, %get3A_782 : vector<16xi32>
      %get3A_784 = arith.constant 1472 : index
      %get3A_785 = tpu.vector_load %arg4[%get3A_784] {strides = array<i32>} : memref<2048xi32, #tpu.memory_space<vmem>>, vector<16xi32>,
      %add3A_786 = arith.addi %add3A_783, %get3A_785 : vector<16xi32>
      %get3A_787 = arith.constant 1488 : index
      %get3A_788 = tpu.vector_load %arg4[%get3A_787] {strides = array<i32>} : memref<2048xi32, #tpu.memory_space<vmem>>, vector<16xi32>,
      %add3A_789 = arith.addi %add3A_786, %get3A_788 : vector<16xi32>
      %get3A_790 = arith.constant 1504 : index
      %get3A_791 = tpu.vector_load %arg4[%get3A_790] {strides = array<i32>} : memref<2048xi32, #tpu.memory_space<vmem>>, vector<16xi32>,
      %add3A_792 = arith.addi %add3A_789, %get3A_791 : vector<16xi32>
      %get3A_793 = arith.constant 1520 : index
      %get3A_794 = tpu.vector_load %arg4[%get3A_793] {strides = array<i32>} : memref<2048xi32, #tpu.memory_space<vmem>>, vector<16xi32>,
      %add3A_795 = arith.addi %add3A_792, %get3A_794 : vector<16xi32>
      %reduce_sum3A_796 = arith.constant true
      %reduce_sum3A_797 = vector.broadcast %reduce_sum3A_796 : i1 to vector<16xi1>
      %reduce_sum3A_798 = tpu.scan <sum>, %add3A_795 masked %reduce_sum3A_797 : vector<16xi32>, vector<16xi1> -> vector<16xi32>
      %reduce_sum3A_799 = vector.extract %reduce_sum3A_798[15] : i32 from vector<16xi32>
      %lt3A_800 = arith.cmpi slt, %add3A_748, %sub3A_572 : i32
      %add3A_801 = arith.addi %add3A_748, %reduce_sum3A_799 : i32
      %ge3A_802 = arith.cmpi sge, %add3A_801, %sub3A_572 : i32
      %and3A_803 = arith.andi %lt3A_800, %ge3A_802 : i1
      %jit3A_804 = arith.constant 5 : i32
      %select_n3A_805 = arith.select %and3A_803, %jit3A_804, %select_n3A_746 : i32
      %select_n3A_806 = arith.select %and3A_803, %add3A_748, %select_n3A_747 : i32
      %add3A_807 = arith.addi %add3A_748, %reduce_sum3A_799 : i32
      %get3A_808 = arith.constant 1024 : index
      %get3A_809 = tpu.vector_load %arg4[%get3A_808] {strides = array<i32>} : memref<2048xi32, #tpu.memory_space<vmem>>, vector<16xi32>,
      %get3A_810 = arith.constant 1040 : index
      %get3A_811 = tpu.vector_load %arg4[%get3A_810] {strides = array<i32>} : memref<2048xi32, #tpu.memory_space<vmem>>, vector<16xi32>,
      %add3A_812 = arith.addi %get3A_809, %get3A_811 : vector<16xi32>
      %get3A_813 = arith.constant 1056 : index
      %get3A_814 = tpu.vector_load %arg4[%get3A_813] {strides = array<i32>} : memref<2048xi32, #tpu.memory_space<vmem>>, vector<16xi32>,
      %add3A_815 = arith.addi %add3A_812, %get3A_814 : vector<16xi32>
      %get3A_816 = arith.constant 1072 : index
      %get3A_817 = tpu.vector_load %arg4[%get3A_816] {strides = array<i32>} : memref<2048xi32, #tpu.memory_space<vmem>>, vector<16xi32>,
      %add3A_818 = arith.addi %add3A_815, %get3A_817 : vector<16xi32>
      %get3A_819 = arith.constant 1088 : index
      %get3A_820 = tpu.vector_load %arg4[%get3A_819] {strides = array<i32>} : memref<2048xi32, #tpu.memory_space<vmem>>, vector<16xi32>,
      %add3A_821 = arith.addi %add3A_818, %get3A_820 : vector<16xi32>
      %get3A_822 = arith.constant 1104 : index
      %get3A_823 = tpu.vector_load %arg4[%get3A_822] {strides = array<i32>} : memref<2048xi32, #tpu.memory_space<vmem>>, vector<16xi32>,
      %add3A_824 = arith.addi %add3A_821, %get3A_823 : vector<16xi32>
      %get3A_825 = arith.constant 1120 : index
      %get3A_826 = tpu.vector_load %arg4[%get3A_825] {strides = array<i32>} : memref<2048xi32, #tpu.memory_space<vmem>>, vector<16xi32>,
      %add3A_827 = arith.addi %add3A_824, %get3A_826 : vector<16xi32>
      %get3A_828 = arith.constant 1136 : index
      %get3A_829 = tpu.vector_load %arg4[%get3A_828] {strides = array<i32>} : memref<2048xi32, #tpu.memory_space<vmem>>, vector<16xi32>,
      %add3A_830 = arith.addi %add3A_827, %get3A_829 : vector<16xi32>
      %get3A_831 = arith.constant 1152 : index
      %get3A_832 = tpu.vector_load %arg4[%get3A_831] {strides = array<i32>} : memref<2048xi32, #tpu.memory_space<vmem>>, vector<16xi32>,
      %add3A_833 = arith.addi %add3A_830, %get3A_832 : vector<16xi32>
      %get3A_834 = arith.constant 1168 : index
      %get3A_835 = tpu.vector_load %arg4[%get3A_834] {strides = array<i32>} : memref<2048xi32, #tpu.memory_space<vmem>>, vector<16xi32>,
      %add3A_836 = arith.addi %add3A_833, %get3A_835 : vector<16xi32>
      %get3A_837 = arith.constant 1184 : index
      %get3A_838 = tpu.vector_load %arg4[%get3A_837] {strides = array<i32>} : memref<2048xi32, #tpu.memory_space<vmem>>, vector<16xi32>,
      %add3A_839 = arith.addi %add3A_836, %get3A_838 : vector<16xi32>
      %get3A_840 = arith.constant 1200 : index
      %get3A_841 = tpu.vector_load %arg4[%get3A_840] {strides = array<i32>} : memref<2048xi32, #tpu.memory_space<vmem>>, vector<16xi32>,
      %add3A_842 = arith.addi %add3A_839, %get3A_841 : vector<16xi32>
      %get3A_843 = arith.constant 1216 : index
      %get3A_844 = tpu.vector_load %arg4[%get3A_843] {strides = array<i32>} : memref<2048xi32, #tpu.memory_space<vmem>>, vector<16xi32>,
      %add3A_845 = arith.addi %add3A_842, %get3A_844 : vector<16xi32>
      %get3A_846 = arith.constant 1232 : index
      %get3A_847 = tpu.vector_load %arg4[%get3A_846] {strides = array<i32>} : memref<2048xi32, #tpu.memory_space<vmem>>, vector<16xi32>,
      %add3A_848 = arith.addi %add3A_845, %get3A_847 : vector<16xi32>
      %get3A_849 = arith.constant 1248 : index
      %get3A_850 = tpu.vector_load %arg4[%get3A_849] {strides = array<i32>} : memref<2048xi32, #tpu.memory_space<vmem>>, vector<16xi32>,
      %add3A_851 = arith.addi %add3A_848, %get3A_850 : vector<16xi32>
      %get3A_852 = arith.constant 1264 : index
      %get3A_853 = tpu.vector_load %arg4[%get3A_852] {strides = array<i32>} : memref<2048xi32, #tpu.memory_space<vmem>>, vector<16xi32>,
      %add3A_854 = arith.addi %add3A_851, %get3A_853 : vector<16xi32>
      %reduce_sum3A_855 = arith.constant true
      %reduce_sum3A_856 = vector.broadcast %reduce_sum3A_855 : i1 to vector<16xi1>
      %reduce_sum3A_857 = tpu.scan <sum>, %add3A_854 masked %reduce_sum3A_856 : vector<16xi32>, vector<16xi1> -> vector<16xi32>
      %reduce_sum3A_858 = vector.extract %reduce_sum3A_857[15] : i32 from vector<16xi32>
      %lt3A_859 = arith.cmpi slt, %add3A_807, %sub3A_572 : i32
      %add3A_860 = arith.addi %add3A_807, %reduce_sum3A_858 : i32
      %ge3A_861 = arith.cmpi sge, %add3A_860, %sub3A_572 : i32
      %and3A_862 = arith.andi %lt3A_859, %ge3A_861 : i1
      %jit3A_863 = arith.constant 4 : i32
      %select_n3A_864 = arith.select %and3A_862, %jit3A_863, %select_n3A_805 : i32
      %select_n3A_865 = arith.select %and3A_862, %add3A_807, %select_n3A_806 : i32
      %add3A_866 = arith.addi %add3A_807, %reduce_sum3A_858 : i32
      %get3A_867 = arith.constant 768 : index
      %get3A_868 = tpu.vector_load %arg4[%get3A_867] {strides = array<i32>} : memref<2048xi32, #tpu.memory_space<vmem>>, vector<16xi32>,
      %get3A_869 = arith.constant 784 : index
      %get3A_870 = tpu.vector_load %arg4[%get3A_869] {strides = array<i32>} : memref<2048xi32, #tpu.memory_space<vmem>>, vector<16xi32>,
      %add3A_871 = arith.addi %get3A_868, %get3A_870 : vector<16xi32>
      %get3A_872 = arith.constant 800 : index
      %get3A_873 = tpu.vector_load %arg4[%get3A_872] {strides = array<i32>} : memref<2048xi32, #tpu.memory_space<vmem>>, vector<16xi32>,
      %add3A_874 = arith.addi %add3A_871, %get3A_873 : vector<16xi32>
      %get3A_875 = arith.constant 816 : index
      %get3A_876 = tpu.vector_load %arg4[%get3A_875] {strides = array<i32>} : memref<2048xi32, #tpu.memory_space<vmem>>, vector<16xi32>,
      %add3A_877 = arith.addi %add3A_874, %get3A_876 : vector<16xi32>
      %get3A_878 = arith.constant 832 : index
      %get3A_879 = tpu.vector_load %arg4[%get3A_878] {strides = array<i32>} : memref<2048xi32, #tpu.memory_space<vmem>>, vector<16xi32>,
      %add3A_880 = arith.addi %add3A_877, %get3A_879 : vector<16xi32>
      %get3A_881 = arith.constant 848 : index
      %get3A_882 = tpu.vector_load %arg4[%get3A_881] {strides = array<i32>} : memref<2048xi32, #tpu.memory_space<vmem>>, vector<16xi32>,
      %add3A_883 = arith.addi %add3A_880, %get3A_882 : vector<16xi32>
      %get3A_884 = arith.constant 864 : index
      %get3A_885 = tpu.vector_load %arg4[%get3A_884] {strides = array<i32>} : memref<2048xi32, #tpu.memory_space<vmem>>, vector<16xi32>,
      %add3A_886 = arith.addi %add3A_883, %get3A_885 : vector<16xi32>
      %get3A_887 = arith.constant 880 : index
      %get3A_888 = tpu.vector_load %arg4[%get3A_887] {strides = array<i32>} : memref<2048xi32, #tpu.memory_space<vmem>>, vector<16xi32>,
      %add3A_889 = arith.addi %add3A_886, %get3A_888 : vector<16xi32>
      %get3A_890 = arith.constant 896 : index
      %get3A_891 = tpu.vector_load %arg4[%get3A_890] {strides = array<i32>} : memref<2048xi32, #tpu.memory_space<vmem>>, vector<16xi32>,
      %add3A_892 = arith.addi %add3A_889, %get3A_891 : vector<16xi32>
      %get3A_893 = arith.constant 912 : index
      %get3A_894 = tpu.vector_load %arg4[%get3A_893] {strides = array<i32>} : memref<2048xi32, #tpu.memory_space<vmem>>, vector<16xi32>,
      %add3A_895 = arith.addi %add3A_892, %get3A_894 : vector<16xi32>
      %get3A_896 = arith.constant 928 : index
      %get3A_897 = tpu.vector_load %arg4[%get3A_896] {strides = array<i32>} : memref<2048xi32, #tpu.memory_space<vmem>>, vector<16xi32>,
      %add3A_898 = arith.addi %add3A_895, %get3A_897 : vector<16xi32>
      %get3A_899 = arith.constant 944 : index
      %get3A_900 = tpu.vector_load %arg4[%get3A_899] {strides = array<i32>} : memref<2048xi32, #tpu.memory_space<vmem>>, vector<16xi32>,
      %add3A_901 = arith.addi %add3A_898, %get3A_900 : vector<16xi32>
      %get3A_902 = arith.constant 960 : index
      %get3A_903 = tpu.vector_load %arg4[%get3A_902] {strides = array<i32>} : memref<2048xi32, #tpu.memory_space<vmem>>, vector<16xi32>,
      %add3A_904 = arith.addi %add3A_901, %get3A_903 : vector<16xi32>
      %get3A_905 = arith.constant 976 : index
      %get3A_906 = tpu.vector_load %arg4[%get3A_905] {strides = array<i32>} : memref<2048xi32, #tpu.memory_space<vmem>>, vector<16xi32>,
      %add3A_907 = arith.addi %add3A_904, %get3A_906 : vector<16xi32>
      %get3A_908 = arith.constant 992 : index
      %get3A_909 = tpu.vector_load %arg4[%get3A_908] {strides = array<i32>} : memref<2048xi32, #tpu.memory_space<vmem>>, vector<16xi32>,
      %add3A_910 = arith.addi %add3A_907, %get3A_909 : vector<16xi32>
      %get3A_911 = arith.constant 1008 : index
      %get3A_912 = tpu.vector_load %arg4[%get3A_911] {strides = array<i32>} : memref<2048xi32, #tpu.memory_space<vmem>>, vector<16xi32>,
      %add3A_913 = arith.addi %add3A_910, %get3A_912 : vector<16xi32>
      %reduce_sum3A_914 = arith.constant true
      %reduce_sum3A_915 = vector.broadcast %reduce_sum3A_914 : i1 to vector<16xi1>
      %reduce_sum3A_916 = tpu.scan <sum>, %add3A_913 masked %reduce_sum3A_915 : vector<16xi32>, vector<16xi1> -> vector<16xi32>
      %reduce_sum3A_917 = vector.extract %reduce_sum3A_916[15] : i32 from vector<16xi32>
      %lt3A_918 = arith.cmpi slt, %add3A_866, %sub3A_572 : i32
      %add3A_919 = arith.addi %add3A_866, %reduce_sum3A_917 : i32
      %ge3A_920 = arith.cmpi sge, %add3A_919, %sub3A_572 : i32
      %and3A_921 = arith.andi %lt3A_918, %ge3A_920 : i1
      %jit3A_922 = arith.constant 3 : i32
      %select_n3A_923 = arith.select %and3A_921, %jit3A_922, %select_n3A_864 : i32
      %select_n3A_924 = arith.select %and3A_921, %add3A_866, %select_n3A_865 : i32
      %add3A_925 = arith.addi %add3A_866, %reduce_sum3A_917 : i32
      %get3A_926 = arith.constant 512 : index
      %get3A_927 = tpu.vector_load %arg4[%get3A_926] {strides = array<i32>} : memref<2048xi32, #tpu.memory_space<vmem>>, vector<16xi32>,
      %get3A_928 = arith.constant 528 : index
      %get3A_929 = tpu.vector_load %arg4[%get3A_928] {strides = array<i32>} : memref<2048xi32, #tpu.memory_space<vmem>>, vector<16xi32>,
      %add3A_930 = arith.addi %get3A_927, %get3A_929 : vector<16xi32>
      %get3A_931 = arith.constant 544 : index
      %get3A_932 = tpu.vector_load %arg4[%get3A_931] {strides = array<i32>} : memref<2048xi32, #tpu.memory_space<vmem>>, vector<16xi32>,
      %add3A_933 = arith.addi %add3A_930, %get3A_932 : vector<16xi32>
      %get3A_934 = arith.constant 560 : index
      %get3A_935 = tpu.vector_load %arg4[%get3A_934] {strides = array<i32>} : memref<2048xi32, #tpu.memory_space<vmem>>, vector<16xi32>,
      %add3A_936 = arith.addi %add3A_933, %get3A_935 : vector<16xi32>
      %get3A_937 = arith.constant 576 : index
      %get3A_938 = tpu.vector_load %arg4[%get3A_937] {strides = array<i32>} : memref<2048xi32, #tpu.memory_space<vmem>>, vector<16xi32>,
      %add3A_939 = arith.addi %add3A_936, %get3A_938 : vector<16xi32>
      %get3A_940 = arith.constant 592 : index
      %get3A_941 = tpu.vector_load %arg4[%get3A_940] {strides = array<i32>} : memref<2048xi32, #tpu.memory_space<vmem>>, vector<16xi32>,
      %add3A_942 = arith.addi %add3A_939, %get3A_941 : vector<16xi32>
      %get3A_943 = arith.constant 608 : index
      %get3A_944 = tpu.vector_load %arg4[%get3A_943] {strides = array<i32>} : memref<2048xi32, #tpu.memory_space<vmem>>, vector<16xi32>,
      %add3A_945 = arith.addi %add3A_942, %get3A_944 : vector<16xi32>
      %get3A_946 = arith.constant 624 : index
      %get3A_947 = tpu.vector_load %arg4[%get3A_946] {strides = array<i32>} : memref<2048xi32, #tpu.memory_space<vmem>>, vector<16xi32>,
      %add3A_948 = arith.addi %add3A_945, %get3A_947 : vector<16xi32>
      %get3A_949 = arith.constant 640 : index
      %get3A_950 = tpu.vector_load %arg4[%get3A_949] {strides = array<i32>} : memref<2048xi32, #tpu.memory_space<vmem>>, vector<16xi32>,
      %add3A_951 = arith.addi %add3A_948, %get3A_950 : vector<16xi32>
      %get3A_952 = arith.constant 656 : index
      %get3A_953 = tpu.vector_load %arg4[%get3A_952] {strides = array<i32>} : memref<2048xi32, #tpu.memory_space<vmem>>, vector<16xi32>,
      %add3A_954 = arith.addi %add3A_951, %get3A_953 : vector<16xi32>
      %get3A_955 = arith.constant 672 : index
      %get3A_956 = tpu.vector_load %arg4[%get3A_955] {strides = array<i32>} : memref<2048xi32, #tpu.memory_space<vmem>>, vector<16xi32>,
      %add3A_957 = arith.addi %add3A_954, %get3A_956 : vector<16xi32>
      %get3A_958 = arith.constant 688 : index
      %get3A_959 = tpu.vector_load %arg4[%get3A_958] {strides = array<i32>} : memref<2048xi32, #tpu.memory_space<vmem>>, vector<16xi32>,
      %add3A_960 = arith.addi %add3A_957, %get3A_959 : vector<16xi32>
      %get3A_961 = arith.constant 704 : index
      %get3A_962 = tpu.vector_load %arg4[%get3A_961] {strides = array<i32>} : memref<2048xi32, #tpu.memory_space<vmem>>, vector<16xi32>,
      %add3A_963 = arith.addi %add3A_960, %get3A_962 : vector<16xi32>
      %get3A_964 = arith.constant 720 : index
      %get3A_965 = tpu.vector_load %arg4[%get3A_964] {strides = array<i32>} : memref<2048xi32, #tpu.memory_space<vmem>>, vector<16xi32>,
      %add3A_966 = arith.addi %add3A_963, %get3A_965 : vector<16xi32>
      %get3A_967 = arith.constant 736 : index
      %get3A_968 = tpu.vector_load %arg4[%get3A_967] {strides = array<i32>} : memref<2048xi32, #tpu.memory_space<vmem>>, vector<16xi32>,
      %add3A_969 = arith.addi %add3A_966, %get3A_968 : vector<16xi32>
      %get3A_970 = arith.constant 752 : index
      %get3A_971 = tpu.vector_load %arg4[%get3A_970] {strides = array<i32>} : memref<2048xi32, #tpu.memory_space<vmem>>, vector<16xi32>,
      %add3A_972 = arith.addi %add3A_969, %get3A_971 : vector<16xi32>
      %reduce_sum3A_973 = arith.constant true
      %reduce_sum3A_974 = vector.broadcast %reduce_sum3A_973 : i1 to vector<16xi1>
      %reduce_sum3A_975 = tpu.scan <sum>, %add3A_972 masked %reduce_sum3A_974 : vector<16xi32>, vector<16xi1> -> vector<16xi32>
      %reduce_sum3A_976 = vector.extract %reduce_sum3A_975[15] : i32 from vector<16xi32>
      %lt3A_977 = arith.cmpi slt, %add3A_925, %sub3A_572 : i32
      %add3A_978 = arith.addi %add3A_925, %reduce_sum3A_976 : i32
      %ge3A_979 = arith.cmpi sge, %add3A_978, %sub3A_572 : i32
      %and3A_980 = arith.andi %lt3A_977, %ge3A_979 : i1
      %jit3A_981 = arith.constant 2 : i32
      %select_n3A_982 = arith.select %and3A_980, %jit3A_981, %select_n3A_923 : i32
      %select_n3A_983 = arith.select %and3A_980, %add3A_925, %select_n3A_924 : i32
      %add3A_984 = arith.addi %add3A_925, %reduce_sum3A_976 : i32
      %get3A_985 = arith.constant 256 : index
      %get3A_986 = tpu.vector_load %arg4[%get3A_985] {strides = array<i32>} : memref<2048xi32, #tpu.memory_space<vmem>>, vector<16xi32>,
      %get3A_987 = arith.constant 272 : index
      %get3A_988 = tpu.vector_load %arg4[%get3A_987] {strides = array<i32>} : memref<2048xi32, #tpu.memory_space<vmem>>, vector<16xi32>,
      %add3A_989 = arith.addi %get3A_986, %get3A_988 : vector<16xi32>
      %get3A_990 = arith.constant 288 : index
      %get3A_991 = tpu.vector_load %arg4[%get3A_990] {strides = array<i32>} : memref<2048xi32, #tpu.memory_space<vmem>>, vector<16xi32>,
      %add3A_992 = arith.addi %add3A_989, %get3A_991 : vector<16xi32>
      %get3A_993 = arith.constant 304 : index
      %get3A_994 = tpu.vector_load %arg4[%get3A_993] {strides = array<i32>} : memref<2048xi32, #tpu.memory_space<vmem>>, vector<16xi32>,
      %add3A_995 = arith.addi %add3A_992, %get3A_994 : vector<16xi32>
      %get3A_996 = arith.constant 320 : index
      %get3A_997 = tpu.vector_load %arg4[%get3A_996] {strides = array<i32>} : memref<2048xi32, #tpu.memory_space<vmem>>, vector<16xi32>,
      %add3A_998 = arith.addi %add3A_995, %get3A_997 : vector<16xi32>
      %get3A_999 = arith.constant 336 : index
      %get3A_1000 = tpu.vector_load %arg4[%get3A_999] {strides = array<i32>} : memref<2048xi32, #tpu.memory_space<vmem>>, vector<16xi32>,
      %add3A_1001 = arith.addi %add3A_998, %get3A_1000 : vector<16xi32>
      %get3A_1002 = arith.constant 352 : index
      %get3A_1003 = tpu.vector_load %arg4[%get3A_1002] {strides = array<i32>} : memref<2048xi32, #tpu.memory_space<vmem>>, vector<16xi32>,
      %add3A_1004 = arith.addi %add3A_1001, %get3A_1003 : vector<16xi32>
      %get3A_1005 = arith.constant 368 : index
      %get3A_1006 = tpu.vector_load %arg4[%get3A_1005] {strides = array<i32>} : memref<2048xi32, #tpu.memory_space<vmem>>, vector<16xi32>,
      %add3A_1007 = arith.addi %add3A_1004, %get3A_1006 : vector<16xi32>
      %get3A_1008 = arith.constant 384 : index
      %get3A_1009 = tpu.vector_load %arg4[%get3A_1008] {strides = array<i32>} : memref<2048xi32, #tpu.memory_space<vmem>>, vector<16xi32>,
      %add3A_1010 = arith.addi %add3A_1007, %get3A_1009 : vector<16xi32>
      %get3A_1011 = arith.constant 400 : index
      %get3A_1012 = tpu.vector_load %arg4[%get3A_1011] {strides = array<i32>} : memref<2048xi32, #tpu.memory_space<vmem>>, vector<16xi32>,
      %add3A_1013 = arith.addi %add3A_1010, %get3A_1012 : vector<16xi32>
      %get3A_1014 = arith.constant 416 : index
      %get3A_1015 = tpu.vector_load %arg4[%get3A_1014] {strides = array<i32>} : memref<2048xi32, #tpu.memory_space<vmem>>, vector<16xi32>,
      %add3A_1016 = arith.addi %add3A_1013, %get3A_1015 : vector<16xi32>
      %get3A_1017 = arith.constant 432 : index
      %get3A_1018 = tpu.vector_load %arg4[%get3A_1017] {strides = array<i32>} : memref<2048xi32, #tpu.memory_space<vmem>>, vector<16xi32>,
      %add3A_1019 = arith.addi %add3A_1016, %get3A_1018 : vector<16xi32>
      %get3A_1020 = arith.constant 448 : index
      %get3A_1021 = tpu.vector_load %arg4[%get3A_1020] {strides = array<i32>} : memref<2048xi32, #tpu.memory_space<vmem>>, vector<16xi32>,
      %add3A_1022 = arith.addi %add3A_1019, %get3A_1021 : vector<16xi32>
      %get3A_1023 = arith.constant 464 : index
      %get3A_1024 = tpu.vector_load %arg4[%get3A_1023] {strides = array<i32>} : memref<2048xi32, #tpu.memory_space<vmem>>, vector<16xi32>,
      %add3A_1025 = arith.addi %add3A_1022, %get3A_1024 : vector<16xi32>
      %get3A_1026 = arith.constant 480 : index
      %get3A_1027 = tpu.vector_load %arg4[%get3A_1026] {strides = array<i32>} : memref<2048xi32, #tpu.memory_space<vmem>>, vector<16xi32>,
      %add3A_1028 = arith.addi %add3A_1025, %get3A_1027 : vector<16xi32>
      %get3A_1029 = arith.constant 496 : index
      %get3A_1030 = tpu.vector_load %arg4[%get3A_1029] {strides = array<i32>} : memref<2048xi32, #tpu.memory_space<vmem>>, vector<16xi32>,
      %add3A_1031 = arith.addi %add3A_1028, %get3A_1030 : vector<16xi32>
      %reduce_sum3A_1032 = arith.constant true
      %reduce_sum3A_1033 = vector.broadcast %reduce_sum3A_1032 : i1 to vector<16xi1>
      %reduce_sum3A_1034 = tpu.scan <sum>, %add3A_1031 masked %reduce_sum3A_1033 : vector<16xi32>, vector<16xi1> -> vector<16xi32>
      %reduce_sum3A_1035 = vector.extract %reduce_sum3A_1034[15] : i32 from vector<16xi32>
      %lt3A_1036 = arith.cmpi slt, %add3A_984, %sub3A_572 : i32
      %add3A_1037 = arith.addi %add3A_984, %reduce_sum3A_1035 : i32
      %ge3A_1038 = arith.cmpi sge, %add3A_1037, %sub3A_572 : i32
      %and3A_1039 = arith.andi %lt3A_1036, %ge3A_1038 : i1
      %jit3A_1040 = arith.constant 1 : i32
      %select_n3A_1041 = arith.select %and3A_1039, %jit3A_1040, %select_n3A_982 : i32
      %select_n3A_1042 = arith.select %and3A_1039, %add3A_984, %select_n3A_983 : i32
      %add3A_1043 = arith.addi %add3A_984, %reduce_sum3A_1035 : i32
      %get3A_1044 = arith.constant 0 : index
      %get3A_1045 = tpu.vector_load %arg4[%get3A_1044] {strides = array<i32>} : memref<2048xi32, #tpu.memory_space<vmem>>, vector<16xi32>,
      %get3A_1046 = arith.constant 16 : index
      %get3A_1047 = tpu.vector_load %arg4[%get3A_1046] {strides = array<i32>} : memref<2048xi32, #tpu.memory_space<vmem>>, vector<16xi32>,
      %add3A_1048 = arith.addi %get3A_1045, %get3A_1047 : vector<16xi32>
      %get3A_1049 = arith.constant 32 : index
      %get3A_1050 = tpu.vector_load %arg4[%get3A_1049] {strides = array<i32>} : memref<2048xi32, #tpu.memory_space<vmem>>, vector<16xi32>,
      %add3A_1051 = arith.addi %add3A_1048, %get3A_1050 : vector<16xi32>
      %get3A_1052 = arith.constant 48 : index
      %get3A_1053 = tpu.vector_load %arg4[%get3A_1052] {strides = array<i32>} : memref<2048xi32, #tpu.memory_space<vmem>>, vector<16xi32>,
      %add3A_1054 = arith.addi %add3A_1051, %get3A_1053 : vector<16xi32>
      %get3A_1055 = arith.constant 64 : index
      %get3A_1056 = tpu.vector_load %arg4[%get3A_1055] {strides = array<i32>} : memref<2048xi32, #tpu.memory_space<vmem>>, vector<16xi32>,
      %add3A_1057 = arith.addi %add3A_1054, %get3A_1056 : vector<16xi32>
      %get3A_1058 = arith.constant 80 : index
      %get3A_1059 = tpu.vector_load %arg4[%get3A_1058] {strides = array<i32>} : memref<2048xi32, #tpu.memory_space<vmem>>, vector<16xi32>,
      %add3A_1060 = arith.addi %add3A_1057, %get3A_1059 : vector<16xi32>
      %get3A_1061 = arith.constant 96 : index
      %get3A_1062 = tpu.vector_load %arg4[%get3A_1061] {strides = array<i32>} : memref<2048xi32, #tpu.memory_space<vmem>>, vector<16xi32>,
      %add3A_1063 = arith.addi %add3A_1060, %get3A_1062 : vector<16xi32>
      %get3A_1064 = arith.constant 112 : index
      %get3A_1065 = tpu.vector_load %arg4[%get3A_1064] {strides = array<i32>} : memref<2048xi32, #tpu.memory_space<vmem>>, vector<16xi32>,
      %add3A_1066 = arith.addi %add3A_1063, %get3A_1065 : vector<16xi32>
      %get3A_1067 = arith.constant 128 : index
      %get3A_1068 = tpu.vector_load %arg4[%get3A_1067] {strides = array<i32>} : memref<2048xi32, #tpu.memory_space<vmem>>, vector<16xi32>,
      %add3A_1069 = arith.addi %add3A_1066, %get3A_1068 : vector<16xi32>
      %get3A_1070 = arith.constant 144 : index
      %get3A_1071 = tpu.vector_load %arg4[%get3A_1070] {strides = array<i32>} : memref<2048xi32, #tpu.memory_space<vmem>>, vector<16xi32>,
      %add3A_1072 = arith.addi %add3A_1069, %get3A_1071 : vector<16xi32>
      %get3A_1073 = arith.constant 160 : index
      %get3A_1074 = tpu.vector_load %arg4[%get3A_1073] {strides = array<i32>} : memref<2048xi32, #tpu.memory_space<vmem>>, vector<16xi32>,
      %add3A_1075 = arith.addi %add3A_1072, %get3A_1074 : vector<16xi32>
      %get3A_1076 = arith.constant 176 : index
      %get3A_1077 = tpu.vector_load %arg4[%get3A_1076] {strides = array<i32>} : memref<2048xi32, #tpu.memory_space<vmem>>, vector<16xi32>,
      %add3A_1078 = arith.addi %add3A_1075, %get3A_1077 : vector<16xi32>
      %get3A_1079 = arith.constant 192 : index
      %get3A_1080 = tpu.vector_load %arg4[%get3A_1079] {strides = array<i32>} : memref<2048xi32, #tpu.memory_space<vmem>>, vector<16xi32>,
      %add3A_1081 = arith.addi %add3A_1078, %get3A_1080 : vector<16xi32>
      %get3A_1082 = arith.constant 208 : index
      %get3A_1083 = tpu.vector_load %arg4[%get3A_1082] {strides = array<i32>} : memref<2048xi32, #tpu.memory_space<vmem>>, vector<16xi32>,
      %add3A_1084 = arith.addi %add3A_1081, %get3A_1083 : vector<16xi32>
      %get3A_1085 = arith.constant 224 : index
      %get3A_1086 = tpu.vector_load %arg4[%get3A_1085] {strides = array<i32>} : memref<2048xi32, #tpu.memory_space<vmem>>, vector<16xi32>,
      %add3A_1087 = arith.addi %add3A_1084, %get3A_1086 : vector<16xi32>
      %get3A_1088 = arith.constant 240 : index
      %get3A_1089 = tpu.vector_load %arg4[%get3A_1088] {strides = array<i32>} : memref<2048xi32, #tpu.memory_space<vmem>>, vector<16xi32>,
      %add3A_1090 = arith.addi %add3A_1087, %get3A_1089 : vector<16xi32>
      %reduce_sum3A_1091 = arith.constant true
      %reduce_sum3A_1092 = vector.broadcast %reduce_sum3A_1091 : i1 to vector<16xi1>
      %reduce_sum3A_1093 = tpu.scan <sum>, %add3A_1090 masked %reduce_sum3A_1092 : vector<16xi32>, vector<16xi1> -> vector<16xi32>
      %reduce_sum3A_1094 = vector.extract %reduce_sum3A_1093[15] : i32 from vector<16xi32>
      %lt3A_1095 = arith.cmpi slt, %add3A_1043, %sub3A_572 : i32
      %add3A_1096 = arith.addi %add3A_1043, %reduce_sum3A_1094 : i32
      %ge3A_1097 = arith.cmpi sge, %add3A_1096, %sub3A_572 : i32
      %and3A_1098 = arith.andi %lt3A_1095, %ge3A_1097 : i1
      %jit3A_1099 = arith.constant 0 : i32
      %select_n3A_1100 = arith.select %and3A_1098, %jit3A_1099, %select_n3A_1041 : i32
      %select_n3A_1101 = arith.select %and3A_1098, %add3A_1043, %select_n3A_1042 : i32
      %add3A_1102 = arith.addi %add3A_1043, %reduce_sum3A_1094 : i32
      %scan3A_1103 = arith.constant 0 : i32
      %scan3A_1104 = arith.constant 0 : i32
      %scan3A_1105 = arith.constant 0 : i32
      %scan3A_1106 = arith.constant 16 : i32
      %scan3A_1107 = arith.addi %scan3A_1105, %scan3A_1106 : i32
      %scan3A_1108 = arith.constant 1 : i32
      %scan3A_1109:3 = scf.for %scan3A_1499 = %scan3A_1105 to %scan3A_1107 step %scan3A_1108 iter_args(%scan3A_1500 = %select_n3A_1101, %scan3A_1501 = %scan3A_1103, %scan3A_1502 = %scan3A_1104) -> (i32, i32, i32)  : i32 {
        %mul3A_1503 = arith.constant 16 : i32
        %mul3A_1504 = arith.muli %select_n3A_1100, %mul3A_1503 : i32
        %sub3A_1505 = arith.constant 15 : i32
        %sub3A_1506 = arith.subi %sub3A_1505, %scan3A_1499 : i32
        %add3A_1507 = arith.addi %mul3A_1504, %sub3A_1506 : i32
        %mul3A_1508 = arith.constant 16 : i32
        %mul3A_1509 = arith.muli %add3A_1507, %mul3A_1508 : i32
        %get3A_1510 = arith.index_cast %mul3A_1509 : i32 to index
        %get3A_1511 = tpu.vector_load %arg4[%get3A_1510] {strides = array<i32>} : memref<2048xi32, #tpu.memory_space<vmem>>, vector<16xi32>,
        %reduce_sum3A_1512 = arith.constant true
        %reduce_sum3A_1513 = vector.broadcast %reduce_sum3A_1512 : i1 to vector<16xi1>
        %reduce_sum3A_1514 = tpu.scan <sum>, %get3A_1511 masked %reduce_sum3A_1513 : vector<16xi32>, vector<16xi1> -> vector<16xi32>
        %reduce_sum3A_1515 = vector.extract %reduce_sum3A_1514[15] : i32 from vector<16xi32>
        %lt3A_1516 = arith.cmpi slt, %scan3A_1500, %sub3A_572 : i32
        %add3A_1517 = arith.addi %scan3A_1500, %reduce_sum3A_1515 : i32
        %ge3A_1518 = arith.cmpi sge, %add3A_1517, %sub3A_572 : i32
        %and3A_1519 = arith.andi %lt3A_1516, %ge3A_1518 : i1
        %select_n3A_1520 = arith.select %and3A_1519, %add3A_1507, %scan3A_1501 : i32
        %select_n3A_1521 = arith.select %and3A_1519, %scan3A_1500, %scan3A_1502 : i32
        %add3A_1522 = arith.addi %scan3A_1500, %reduce_sum3A_1515 : i32
        scf.yield %add3A_1522, %select_n3A_1520, %select_n3A_1521 : i32, i32, i32
      }
      %scan3A_1110 = arith.constant 16 : i32
      %mul3A_1111 = arith.constant 16 : i32
      %mul3A_1112 = arith.muli %scan3A_1109#1, %mul3A_1111 : i32
      %get3A_1113 = arith.index_cast %mul3A_1112 : i32 to index
      %get3A_1114 = tpu.vector_load %arg4[%get3A_1113] {strides = array<i32>} : memref<2048xi32, #tpu.memory_space<vmem>>, vector<16xi32>,
      %broadcast_in_dim3A_1115 = arith.constant true
      %broadcast_in_dim3A_1116 = vector.broadcast %broadcast_in_dim3A_1115 : i1 to vector<16xi1>
      %masked_cumsum3A_1117 = tpu.scan <sum>, %get3A_1114 masked %broadcast_in_dim3A_1116 : vector<16xi32>, vector<16xi1> -> vector<16xi32>
      %reduce_sum3A_1118 = arith.constant true
      %reduce_sum3A_1119 = vector.broadcast %reduce_sum3A_1118 : i1 to vector<16xi1>
      %reduce_sum3A_1120 = tpu.scan <sum>, %get3A_1114 masked %reduce_sum3A_1119 : vector<16xi32>, vector<16xi1> -> vector<16xi32>
      %reduce_sum3A_1121 = vector.extract %reduce_sum3A_1120[15] : i32 from vector<16xi32>
      %sub3A_1122 = vector.broadcast %reduce_sum3A_1121 : i32 to vector<16xi32>
      %sub3A_1123 = arith.subi %sub3A_1122, %masked_cumsum3A_1117 : vector<16xi32>
      %add3A_1124 = vector.broadcast %scan3A_1109#2 : i32 to vector<16xi32>
      %add3A_1125 = arith.addi %add3A_1124, %sub3A_1123 : vector<16xi32>
      %lt3A_1126 = vector.broadcast %sub3A_572 : i32 to vector<16xi32>
      %lt3A_1127 = arith.cmpi slt, %add3A_1125, %lt3A_1126 : vector<16xi32>
      %add3A_1128 = arith.addi %add3A_1125, %get3A_1114 : vector<16xi32>
      %ge3A_1129 = vector.broadcast %sub3A_572 : i32 to vector<16xi32>
      %ge3A_1130 = arith.cmpi sge, %add3A_1128, %ge3A_1129 : vector<16xi32>
      %and3A_1131 = arith.andi %lt3A_1127, %ge3A_1130 : vector<16xi1>
      %select_n3A_1132 = arith.select %and3A_1131, %iota3A, %broadcast_in_dim3A_2 : vector<16xi1>, vector<16xi32>
      %reduce_sum3A_1133 = arith.constant true
      %reduce_sum3A_1134 = vector.broadcast %reduce_sum3A_1133 : i1 to vector<16xi1>
      %reduce_sum3A_1135 = tpu.scan <sum>, %select_n3A_1132 masked %reduce_sum3A_1134 : vector<16xi32>, vector<16xi1> -> vector<16xi32>
      %reduce_sum3A_1136 = vector.extract %reduce_sum3A_1135[15] : i32 from vector<16xi32>
      %select_n3A_1137 = arith.select %and3A_1131, %add3A_1125, %broadcast_in_dim3A_2 : vector<16xi1>, vector<16xi32>
      %reduce_sum3A_1138 = arith.constant true
      %reduce_sum3A_1139 = vector.broadcast %reduce_sum3A_1138 : i1 to vector<16xi1>
      %reduce_sum3A_1140 = tpu.scan <sum>, %select_n3A_1137 masked %reduce_sum3A_1139 : vector<16xi32>, vector<16xi1> -> vector<16xi32>
      %reduce_sum3A_1141 = vector.extract %reduce_sum3A_1140[15] : i32 from vector<16xi32>
      %select_n3A_1142 = arith.select %and3A_1131, %get3A_1114, %broadcast_in_dim3A_2 : vector<16xi1>, vector<16xi32>
      %reduce_sum3A_1143 = arith.constant true
      %reduce_sum3A_1144 = vector.broadcast %reduce_sum3A_1143 : i1 to vector<16xi1>
      %reduce_sum3A_1145 = tpu.scan <sum>, %select_n3A_1142 masked %reduce_sum3A_1144 : vector<16xi32>, vector<16xi1> -> vector<16xi32>
      %reduce_sum3A_1146 = vector.extract %reduce_sum3A_1145[15] : i32 from vector<16xi32>
      %mul3A_1147 = arith.constant 16 : i32
      %mul3A_1148 = arith.muli %scan3A_1109#1, %mul3A_1147 : i32
      %add3A_1149 = arith.addi %mul3A_1148, %reduce_sum3A_1136 : i32
      %sub3A_1150 = arith.subi %sub3A_572, %reduce_sum3A_1141 : i32
      %shift_left3A = arith.constant 11 : i32
      %shift_left3A_1151 = arith.shli %add3A_570, %shift_left3A : i32
      %or3A = arith.ori %shift_left3A_1151, %add3A_1149 : i32
      %parallel_loop3A_1152 = arith.constant 0 : i32
      %parallel_loop3A_1153 = arith.constant 128 : i32
      %parallel_loop3A_1154 = arith.constant 1 : i32
      scf.for %parallel_loop3A_1499 = %parallel_loop3A_1152 to %parallel_loop3A_1153 step %parallel_loop3A_1154  : i32 {
        %parallel_loop3A_1500 = arith.constant 16 : i32
        %parallel_loop3A_1501 = arith.muli %parallel_loop3A_1499, %parallel_loop3A_1500 : i32
        %parallel_loop3A_1502 = arith.index_cast %parallel_loop3A_1501 : i32 to index
        %parallel_loop3A_1503 = tpu.vector_load %arg4[%parallel_loop3A_1502] {strides = array<i32>} : memref<2048xi32, #tpu.memory_space<vmem>>, vector<16xi32>,
        tpu.vector_store %arg4[%parallel_loop3A_1502], %broadcast_in_dim3A_2 {strides = array<i32>} : memref<2048xi32, #tpu.memory_space<vmem>>, vector<16xi32>,
      } {sc.loop_unroll_factor = 8 : i64, sc.parallel_access}
      %shift_left3A_1155 = arith.constant 11 : i32
      %shift_left3A_1156 = arith.shli %add3A_570, %shift_left3A_1155 : i32
      %or3A_1157 = arith.constant 2047 : i32
      %or3A_1158 = arith.ori %shift_left3A_1156, %or3A_1157 : i32
      %convert_element_type3A_1159 = arith.extui %le3A_618 : i1 to i32
      %cond3A_1160 = arith.constant 0 : i32
      %cond3A_1161 = arith.constant 0 : i32
      %cond3A_1162 = arith.cmpi ne, %convert_element_type3A_1159, %cond3A_1161 : i32
      %cond3A_1163 = scf.if %cond3A_1162 -> (f32) {
        %while3A = arith.constant 0 : i32
        %while3A_1499 = arith.subi %select_n3A_617, %while3A : i32
        %while3A_1500 = arith.addi %while3A, %while3A_1499 : i32
        %while3A_1501 = arith.constant 1 : i32
        %while3A_1502 = arith.divsi %while3A_1499, %while3A_1501 : i32
        %while3A_1503 = arith.muli %while3A_1502, %while3A_1501 : i32
        %while3A_1504 = arith.addi %while3A, %while3A_1503 : i32
        %while3A_1505 = arith.constant 1 : i32
        %while3A_1506 = scf.for %while3A_1513 = %while3A to %while3A_1504 step %while3A_1505 iter_args(%while3A_1514 = %broadcast_in_dim3A_4) -> (vector<16xf32>)  : i32 {
          %mul3A_1515 = arith.constant 16 : i32
          %mul3A_1516 = arith.muli %while3A_1513, %mul3A_1515 : i32
          %get3A_1517 = arith.index_cast %mul3A_1516 : i32 to index
          %get3A_1518 = tpu.vector_load %arg7[%get3A_1517] {strides = array<i32>} : memref<32784xf32, #tpu.memory_space<vmem>>, vector<16xf32>,
          %bitcast3A_1519 = vector.bitcast %get3A_1518 : vector<16xf32> to vector<16xi32>
          %bitcast3A_1520 = vector.bitcast %get3A_1518 : vector<16xf32> to vector<16xi32>
          %shift_right_arithmetic3A = arith.constant 31 : i32
          %shift_right_arithmetic3A_1521 = vector.broadcast %shift_right_arithmetic3A : i32 to vector<16xi32>
          %shift_right_arithmetic3A_1522 = arith.shrsi %bitcast3A_1520, %shift_right_arithmetic3A_1521 : vector<16xi32>
          %bitcast3A_1523 = vector.bitcast %shift_right_arithmetic3A_1522 : vector<16xi32> to vector<16xi32>
          %or3A_1524 = arith.constant -2147483648 : i32
          %or3A_1525 = vector.broadcast %or3A_1524 : i32 to vector<16xi32>
          %or3A_1526 = arith.ori %bitcast3A_1523, %or3A_1525 : vector<16xi32>
          %xor3A_1527 = arith.xori %bitcast3A_1519, %or3A_1526 : vector<16xi32>
          %shift_right_logical3A = arith.constant 10 : i32
          %shift_right_logical3A_1528 = vector.broadcast %shift_right_logical3A : i32 to vector<16xi32>
          %shift_right_logical3A_1529 = arith.shrui %xor3A_1527, %shift_right_logical3A_1528 : vector<16xi32>
          %and3A_1530 = arith.constant 1023 : i32
          %and3A_1531 = vector.broadcast %and3A_1530 : i32 to vector<16xi32>
          %and3A_1532 = arith.andi %xor3A_1527, %and3A_1531 : vector<16xi32>
          %bitcast3A_1533 = vector.bitcast %and3A_1532 : vector<16xi32> to vector<16xi32>
          %eq3A_1534 = vector.broadcast %or3A : i32 to vector<16xi32>
          %eq3A_1535 = arith.cmpi eq, %shift_right_logical3A_1529, %eq3A_1534 : vector<16xi32>
          tpu.vector_store_idx %arg4[%bitcast3A_1533], %broadcast_in_dim3A_6 masked %eq3A_1535 {add = true} : memref<2048xi32, #tpu.memory_space<vmem>>[vector<16xi32>], vector<16xi32>, vector<16xi1>
          %gt3A = vector.broadcast %or3A : i32 to vector<16xi32>
          %gt3A_1536 = arith.cmpi ugt, %shift_right_logical3A_1529, %gt3A : vector<16xi32>
          %select_n3A_1537 = arith.select %gt3A_1536, %get3A_1518, %broadcast_in_dim3A_4 : vector<16xi1>, vector<16xf32>
          %add3A_1538 = arith.addf %while3A_1514, %select_n3A_1537 : vector<16xf32>
          scf.yield %add3A_1538 : vector<16xf32>
        }
        %while3A_1507 = arith.constant 1 : i32
        %while3A_1508 = scf.for %while3A_1513 = %while3A_1504 to %while3A_1500 step %while3A_1507 iter_args(%while3A_1514 = %while3A_1506) -> (vector<16xf32>)  : i32 {
          %mul3A_1515 = arith.constant 16 : i32
          %mul3A_1516 = arith.muli %while3A_1513, %mul3A_1515 : i32
          %get3A_1517 = arith.index_cast %mul3A_1516 : i32 to index
          %get3A_1518 = tpu.vector_load %arg7[%get3A_1517] {strides = array<i32>} : memref<32784xf32, #tpu.memory_space<vmem>>, vector<16xf32>,
          %bitcast3A_1519 = vector.bitcast %get3A_1518 : vector<16xf32> to vector<16xi32>
          %bitcast3A_1520 = vector.bitcast %get3A_1518 : vector<16xf32> to vector<16xi32>
          %shift_right_arithmetic3A = arith.constant 31 : i32
          %shift_right_arithmetic3A_1521 = vector.broadcast %shift_right_arithmetic3A : i32 to vector<16xi32>
          %shift_right_arithmetic3A_1522 = arith.shrsi %bitcast3A_1520, %shift_right_arithmetic3A_1521 : vector<16xi32>
          %bitcast3A_1523 = vector.bitcast %shift_right_arithmetic3A_1522 : vector<16xi32> to vector<16xi32>
          %or3A_1524 = arith.constant -2147483648 : i32
          %or3A_1525 = vector.broadcast %or3A_1524 : i32 to vector<16xi32>
          %or3A_1526 = arith.ori %bitcast3A_1523, %or3A_1525 : vector<16xi32>
          %xor3A_1527 = arith.xori %bitcast3A_1519, %or3A_1526 : vector<16xi32>
          %shift_right_logical3A = arith.constant 10 : i32
          %shift_right_logical3A_1528 = vector.broadcast %shift_right_logical3A : i32 to vector<16xi32>
          %shift_right_logical3A_1529 = arith.shrui %xor3A_1527, %shift_right_logical3A_1528 : vector<16xi32>
          %and3A_1530 = arith.constant 1023 : i32
          %and3A_1531 = vector.broadcast %and3A_1530 : i32 to vector<16xi32>
          %and3A_1532 = arith.andi %xor3A_1527, %and3A_1531 : vector<16xi32>
          %bitcast3A_1533 = vector.bitcast %and3A_1532 : vector<16xi32> to vector<16xi32>
          %eq3A_1534 = vector.broadcast %or3A : i32 to vector<16xi32>
          %eq3A_1535 = arith.cmpi eq, %shift_right_logical3A_1529, %eq3A_1534 : vector<16xi32>
          tpu.vector_store_idx %arg4[%bitcast3A_1533], %broadcast_in_dim3A_6 masked %eq3A_1535 {add = true} : memref<2048xi32, #tpu.memory_space<vmem>>[vector<16xi32>], vector<16xi32>, vector<16xi1>
          %gt3A = vector.broadcast %or3A : i32 to vector<16xi32>
          %gt3A_1536 = arith.cmpi ugt, %shift_right_logical3A_1529, %gt3A : vector<16xi32>
          %select_n3A_1537 = arith.select %gt3A_1536, %get3A_1518, %broadcast_in_dim3A_4 : vector<16xi1>, vector<16xf32>
          %add3A_1538 = arith.addf %while3A_1514, %select_n3A_1537 : vector<16xf32>
          scf.yield %add3A_1538 : vector<16xf32>
        }
        %reduce_sum3A_1509 = arith.constant true
        %reduce_sum3A_1510 = vector.broadcast %reduce_sum3A_1509 : i1 to vector<16xi1>
        %reduce_sum3A_1511 = tpu.scan <sum>, %while3A_1508 masked %reduce_sum3A_1510 : vector<16xf32>, vector<16xi1> -> vector<16xf32>
        %reduce_sum3A_1512 = vector.extract %reduce_sum3A_1511[15] : f32 from vector<16xf32>
        scf.yield %reduce_sum3A_1512 : f32
      } else {
        %add3A_1499 = arith.constant 0 : i32
        %add3A_1500 = arith.addi %mul3A_19, %add3A_1499 : i32
        %dma_start3A_1501 = tpu.memref_slice %arg2[%add3A_1500] : memref<56623104xf32, #tpu.memory_space<hbm>> -> memref<12288xf32, #tpu.memory_space<hbm>>
        %dma_start3A_1502 = tpu.memref_slice %arg2[%add3A_1500] : memref<56623104xf32, #tpu.memory_space<hbm>> -> memref<12288xf32, #tpu.memory_space<hbm>>
        tpu.enqueue_dma source(%dma_start3A_1502 : memref<12288xf32, #tpu.memory_space<hbm>>) target(%arg5 : memref<12288xf32, #tpu.memory_space<vmem>>) target_semaphore(%arg9 : memref<!tpu.dma_semaphore, #tpu.memory_space<semaphore_mem>>)
        %add3A_1503 = arith.constant 12288 : i32
        %add3A_1504 = arith.addi %mul3A_19, %add3A_1503 : i32
        %dma_start3A_1505 = tpu.memref_slice %arg2[%add3A_1504] : memref<56623104xf32, #tpu.memory_space<hbm>> -> memref<12288xf32, #tpu.memory_space<hbm>>
        %dma_start3A_1506 = tpu.memref_slice %arg2[%add3A_1504] : memref<56623104xf32, #tpu.memory_space<hbm>> -> memref<12288xf32, #tpu.memory_space<hbm>>
        tpu.enqueue_dma source(%dma_start3A_1506 : memref<12288xf32, #tpu.memory_space<hbm>>) target(%arg6 : memref<12288xf32, #tpu.memory_space<vmem>>) target_semaphore(%arg10 : memref<!tpu.dma_semaphore, #tpu.memory_space<semaphore_mem>>)
        %scan3A_1507 = arith.constant 0 : i32
        %scan3A_1508 = arith.constant 6 : i32
        %scan3A_1509 = arith.addi %scan3A_1507, %scan3A_1508 : i32
        %scan3A_1510 = arith.constant 1 : i32
        %scan3A_1511 = scf.for %scan3A_1517 = %scan3A_1507 to %scan3A_1509 step %scan3A_1510 iter_args(%scan3A_1518 = %broadcast_in_dim3A_4) -> (vector<16xf32>)  : i32 {
          %mul3A_1519 = arith.constant 2 : i32
          %mul3A_1520 = arith.muli %mul3A_1519, %scan3A_1517 : i32
          %mul3A_1521 = arith.constant 12288 : i32
          %mul3A_1522 = arith.muli %mul3A_1520, %mul3A_1521 : i32
          %add3A_1523 = arith.addi %mul3A_19, %mul3A_1522 : i32
          %dma_wait3A = tpu.memref_slice %arg2[%add3A_1523] : memref<56623104xf32, #tpu.memory_space<hbm>> -> memref<12288xf32, #tpu.memory_space<hbm>>
          %dma_wait3A_1524 = tpu.memref_slice %arg2[%add3A_1523] : memref<56623104xf32, #tpu.memory_space<hbm>> -> memref<12288xf32, #tpu.memory_space<hbm>>
          tpu.wait_dma2 semaphore(%arg9 : memref<!tpu.dma_semaphore, #tpu.memory_space<semaphore_mem>>) src(%dma_wait3A_1524 : memref<12288xf32, #tpu.memory_space<hbm>>) dst(%arg5 : memref<12288xf32, #tpu.memory_space<vmem>>)
          %parallel_loop3A_1525 = arith.constant 0 : i32
          %parallel_loop3A_1526 = arith.constant 768 : i32
          %parallel_loop3A_1527 = arith.constant 1 : i32
          %parallel_loop3A_1528 = scf.for %parallel_loop3A_1552 = %parallel_loop3A_1525 to %parallel_loop3A_1526 step %parallel_loop3A_1527 iter_args(%parallel_loop3A_1553 = %scan3A_1518) -> (vector<16xf32>)  : i32 {
            %parallel_loop3A_1554 = arith.constant 16 : i32
            %parallel_loop3A_1555 = arith.muli %parallel_loop3A_1552, %parallel_loop3A_1554 : i32
            %parallel_loop3A_1556 = arith.index_cast %parallel_loop3A_1555 : i32 to index
            %parallel_loop3A_1557 = tpu.vector_load %arg5[%parallel_loop3A_1556] {strides = array<i32>} : memref<12288xf32, #tpu.memory_space<vmem>>, vector<16xf32>,
            %parallel_loop3A_1558 = vector.bitcast %parallel_loop3A_1557 : vector<16xf32> to vector<16xi32>
            %parallel_loop3A_1559 = vector.bitcast %parallel_loop3A_1557 : vector<16xf32> to vector<16xi32>
            %parallel_loop3A_1560 = arith.constant 31 : i32
            %parallel_loop3A_1561 = vector.broadcast %parallel_loop3A_1560 : i32 to vector<16xi32>
            %parallel_loop3A_1562 = arith.shrsi %parallel_loop3A_1559, %parallel_loop3A_1561 : vector<16xi32>
            %parallel_loop3A_1563 = vector.bitcast %parallel_loop3A_1562 : vector<16xi32> to vector<16xi32>
            %parallel_loop3A_1564 = arith.constant -2147483648 : i32
            %parallel_loop3A_1565 = vector.broadcast %parallel_loop3A_1564 : i32 to vector<16xi32>
            %parallel_loop3A_1566 = arith.ori %parallel_loop3A_1563, %parallel_loop3A_1565 : vector<16xi32>
            %parallel_loop3A_1567 = arith.xori %parallel_loop3A_1558, %parallel_loop3A_1566 : vector<16xi32>
            %parallel_loop3A_1568 = arith.constant 10 : i32
            %parallel_loop3A_1569 = vector.broadcast %parallel_loop3A_1568 : i32 to vector<16xi32>
            %parallel_loop3A_1570 = arith.shrui %parallel_loop3A_1567, %parallel_loop3A_1569 : vector<16xi32>
            %parallel_loop3A_1571 = arith.constant 1023 : i32
            %parallel_loop3A_1572 = vector.broadcast %parallel_loop3A_1571 : i32 to vector<16xi32>
            %parallel_loop3A_1573 = arith.andi %parallel_loop3A_1567, %parallel_loop3A_1572 : vector<16xi32>
            %parallel_loop3A_1574 = vector.bitcast %parallel_loop3A_1573 : vector<16xi32> to vector<16xi32>
            %parallel_loop3A_1575 = vector.broadcast %or3A : i32 to vector<16xi32>
            %parallel_loop3A_1576 = arith.cmpi eq, %parallel_loop3A_1570, %parallel_loop3A_1575 : vector<16xi32>
            tpu.vector_store_idx %arg4[%parallel_loop3A_1574], %broadcast_in_dim3A_6 masked %parallel_loop3A_1576 {add = true} : memref<2048xi32, #tpu.memory_space<vmem>>[vector<16xi32>], vector<16xi32>, vector<16xi1>
            %parallel_loop3A_1577 = vector.broadcast %or3A : i32 to vector<16xi32>
            %parallel_loop3A_1578 = arith.cmpi ugt, %parallel_loop3A_1570, %parallel_loop3A_1577 : vector<16xi32>
            %parallel_loop3A_1579 = vector.broadcast %or3A_1158 : i32 to vector<16xi32>
            %parallel_loop3A_1580 = arith.cmpi ule, %parallel_loop3A_1570, %parallel_loop3A_1579 : vector<16xi32>
            %parallel_loop3A_1581 = arith.andi %parallel_loop3A_1578, %parallel_loop3A_1580 : vector<16xi1>
            %parallel_loop3A_1582 = arith.select %parallel_loop3A_1581, %parallel_loop3A_1557, %broadcast_in_dim3A_4 : vector<16xi1>, vector<16xf32>
            %parallel_loop3A_1583 = arith.addf %parallel_loop3A_1553, %parallel_loop3A_1582 : vector<16xf32>
            scf.yield %parallel_loop3A_1583 : vector<16xf32>
          } {sc.loop_unroll_factor = 4 : i64, sc.parallel_access}
          %lt3A_1529 = arith.constant 5 : i32
          %lt3A_1530 = arith.cmpi slt, %scan3A_1517, %lt3A_1529 : i32
          %convert_element_type3A_1531 = arith.extui %lt3A_1530 : i1 to i32
          %cond3A_1532 = arith.constant 0 : i32
          %cond3A_1533 = arith.cmpi ne, %convert_element_type3A_1531, %cond3A_1532 : i32
          scf.if %cond3A_1533 {
            %mul3A_1552 = arith.constant 2 : i32
            %mul3A_1553 = arith.muli %mul3A_1552, %scan3A_1517 : i32
            %add3A_1554 = arith.constant 2 : i32
            %add3A_1555 = arith.addi %mul3A_1553, %add3A_1554 : i32
            %mul3A_1556 = arith.constant 12288 : i32
            %mul3A_1557 = arith.muli %add3A_1555, %mul3A_1556 : i32
            %add3A_1558 = arith.addi %mul3A_19, %mul3A_1557 : i32
            %dma_start3A_1559 = tpu.memref_slice %arg2[%add3A_1558] : memref<56623104xf32, #tpu.memory_space<hbm>> -> memref<12288xf32, #tpu.memory_space<hbm>>
            %dma_start3A_1560 = tpu.memref_slice %arg2[%add3A_1558] : memref<56623104xf32, #tpu.memory_space<hbm>> -> memref<12288xf32, #tpu.memory_space<hbm>>
            tpu.enqueue_dma source(%dma_start3A_1560 : memref<12288xf32, #tpu.memory_space<hbm>>) target(%arg5 : memref<12288xf32, #tpu.memory_space<vmem>>) target_semaphore(%arg9 : memref<!tpu.dma_semaphore, #tpu.memory_space<semaphore_mem>>)
          } else {
          }
          %mul3A_1534 = arith.constant 2 : i32
          %mul3A_1535 = arith.muli %mul3A_1534, %scan3A_1517 : i32
          %add3A_1536 = arith.constant 1 : i32
          %add3A_1537 = arith.addi %mul3A_1535, %add3A_1536 : i32
          %mul3A_1538 = arith.constant 12288 : i32
          %mul3A_1539 = arith.muli %add3A_1537, %mul3A_1538 : i32
          %add3A_1540 = arith.addi %mul3A_19, %mul3A_1539 : i32
          %dma_wait3A_1541 = tpu.memref_slice %arg2[%add3A_1540] : memref<56623104xf32, #tpu.memory_space<hbm>> -> memref<12288xf32, #tpu.memory_space<hbm>>
          %dma_wait3A_1542 = tpu.memref_slice %arg2[%add3A_1540] : memref<56623104xf32, #tpu.memory_space<hbm>> -> memref<12288xf32, #tpu.memory_space<hbm>>
          tpu.wait_dma2 semaphore(%arg10 : memref<!tpu.dma_semaphore, #tpu.memory_space<semaphore_mem>>) src(%dma_wait3A_1542 : memref<12288xf32, #tpu.memory_space<hbm>>) dst(%arg6 : memref<12288xf32, #tpu.memory_space<vmem>>)
          %parallel_loop3A_1543 = arith.constant 0 : i32
          %parallel_loop3A_1544 = arith.constant 768 : i32
          %parallel_loop3A_1545 = arith.constant 1 : i32
          %parallel_loop3A_1546 = scf.for %parallel_loop3A_1552 = %parallel_loop3A_1543 to %parallel_loop3A_1544 step %parallel_loop3A_1545 iter_args(%parallel_loop3A_1553 = %parallel_loop3A_1528) -> (vector<16xf32>)  : i32 {
            %parallel_loop3A_1554 = arith.constant 16 : i32
            %parallel_loop3A_1555 = arith.muli %parallel_loop3A_1552, %parallel_loop3A_1554 : i32
            %parallel_loop3A_1556 = arith.index_cast %parallel_loop3A_1555 : i32 to index
            %parallel_loop3A_1557 = tpu.vector_load %arg6[%parallel_loop3A_1556] {strides = array<i32>} : memref<12288xf32, #tpu.memory_space<vmem>>, vector<16xf32>,
            %parallel_loop3A_1558 = vector.bitcast %parallel_loop3A_1557 : vector<16xf32> to vector<16xi32>
            %parallel_loop3A_1559 = vector.bitcast %parallel_loop3A_1557 : vector<16xf32> to vector<16xi32>
            %parallel_loop3A_1560 = arith.constant 31 : i32
            %parallel_loop3A_1561 = vector.broadcast %parallel_loop3A_1560 : i32 to vector<16xi32>
            %parallel_loop3A_1562 = arith.shrsi %parallel_loop3A_1559, %parallel_loop3A_1561 : vector<16xi32>
            %parallel_loop3A_1563 = vector.bitcast %parallel_loop3A_1562 : vector<16xi32> to vector<16xi32>
            %parallel_loop3A_1564 = arith.constant -2147483648 : i32
            %parallel_loop3A_1565 = vector.broadcast %parallel_loop3A_1564 : i32 to vector<16xi32>
            %parallel_loop3A_1566 = arith.ori %parallel_loop3A_1563, %parallel_loop3A_1565 : vector<16xi32>
            %parallel_loop3A_1567 = arith.xori %parallel_loop3A_1558, %parallel_loop3A_1566 : vector<16xi32>
            %parallel_loop3A_1568 = arith.constant 10 : i32
            %parallel_loop3A_1569 = vector.broadcast %parallel_loop3A_1568 : i32 to vector<16xi32>
            %parallel_loop3A_1570 = arith.shrui %parallel_loop3A_1567, %parallel_loop3A_1569 : vector<16xi32>
            %parallel_loop3A_1571 = arith.constant 1023 : i32
            %parallel_loop3A_1572 = vector.broadcast %parallel_loop3A_1571 : i32 to vector<16xi32>
            %parallel_loop3A_1573 = arith.andi %parallel_loop3A_1567, %parallel_loop3A_1572 : vector<16xi32>
            %parallel_loop3A_1574 = vector.bitcast %parallel_loop3A_1573 : vector<16xi32> to vector<16xi32>
            %parallel_loop3A_1575 = vector.broadcast %or3A : i32 to vector<16xi32>
            %parallel_loop3A_1576 = arith.cmpi eq, %parallel_loop3A_1570, %parallel_loop3A_1575 : vector<16xi32>
            tpu.vector_store_idx %arg4[%parallel_loop3A_1574], %broadcast_in_dim3A_6 masked %parallel_loop3A_1576 {add = true} : memref<2048xi32, #tpu.memory_space<vmem>>[vector<16xi32>], vector<16xi32>, vector<16xi1>
            %parallel_loop3A_1577 = vector.broadcast %or3A : i32 to vector<16xi32>
            %parallel_loop3A_1578 = arith.cmpi ugt, %parallel_loop3A_1570, %parallel_loop3A_1577 : vector<16xi32>
            %parallel_loop3A_1579 = vector.broadcast %or3A_1158 : i32 to vector<16xi32>
            %parallel_loop3A_1580 = arith.cmpi ule, %parallel_loop3A_1570, %parallel_loop3A_1579 : vector<16xi32>
            %parallel_loop3A_1581 = arith.andi %parallel_loop3A_1578, %parallel_loop3A_1580 : vector<16xi1>
            %parallel_loop3A_1582 = arith.select %parallel_loop3A_1581, %parallel_loop3A_1557, %broadcast_in_dim3A_4 : vector<16xi1>, vector<16xf32>
            %parallel_loop3A_1583 = arith.addf %parallel_loop3A_1553, %parallel_loop3A_1582 : vector<16xf32>
            scf.yield %parallel_loop3A_1583 : vector<16xf32>
          } {sc.loop_unroll_factor = 4 : i64, sc.parallel_access}
          %lt3A_1547 = arith.constant 5 : i32
          %lt3A_1548 = arith.cmpi slt, %scan3A_1517, %lt3A_1547 : i32
          %convert_element_type3A_1549 = arith.extui %lt3A_1548 : i1 to i32
          %cond3A_1550 = arith.constant 0 : i32
          %cond3A_1551 = arith.cmpi ne, %convert_element_type3A_1549, %cond3A_1550 : i32
          scf.if %cond3A_1551 {
            %mul3A_1552 = arith.constant 2 : i32
            %mul3A_1553 = arith.muli %mul3A_1552, %scan3A_1517 : i32
            %add3A_1554 = arith.constant 3 : i32
            %add3A_1555 = arith.addi %mul3A_1553, %add3A_1554 : i32
            %mul3A_1556 = arith.constant 12288 : i32
            %mul3A_1557 = arith.muli %add3A_1555, %mul3A_1556 : i32
            %add3A_1558 = arith.addi %mul3A_19, %mul3A_1557 : i32
            %dma_start3A_1559 = tpu.memref_slice %arg2[%add3A_1558] : memref<56623104xf32, #tpu.memory_space<hbm>> -> memref<12288xf32, #tpu.memory_space<hbm>>
            %dma_start3A_1560 = tpu.memref_slice %arg2[%add3A_1558] : memref<56623104xf32, #tpu.memory_space<hbm>> -> memref<12288xf32, #tpu.memory_space<hbm>>
            tpu.enqueue_dma source(%dma_start3A_1560 : memref<12288xf32, #tpu.memory_space<hbm>>) target(%arg6 : memref<12288xf32, #tpu.memory_space<vmem>>) target_semaphore(%arg10 : memref<!tpu.dma_semaphore, #tpu.memory_space<semaphore_mem>>)
          } else {
          }
          scf.yield %parallel_loop3A_1546 : vector<16xf32>
        }
        %scan3A_1512 = arith.constant 6 : i32
        %reduce_sum3A_1513 = arith.constant true
        %reduce_sum3A_1514 = vector.broadcast %reduce_sum3A_1513 : i1 to vector<16xi1>
        %reduce_sum3A_1515 = tpu.scan <sum>, %scan3A_1511 masked %reduce_sum3A_1514 : vector<16xf32>, vector<16xi1> -> vector<16xf32>
        %reduce_sum3A_1516 = vector.extract %reduce_sum3A_1515[15] : f32 from vector<16xf32>
        scf.yield %reduce_sum3A_1516 : f32
      }
      %get3A_1164 = arith.constant 768 : index
      %get3A_1165 = tpu.vector_load %arg4[%get3A_1164] {strides = array<i32>} : memref<2048xi32, #tpu.memory_space<vmem>>, vector<16xi32>,
      %get3A_1166 = arith.constant 784 : index
      %get3A_1167 = tpu.vector_load %arg4[%get3A_1166] {strides = array<i32>} : memref<2048xi32, #tpu.memory_space<vmem>>, vector<16xi32>,
      %add3A_1168 = arith.addi %get3A_1165, %get3A_1167 : vector<16xi32>
      %get3A_1169 = arith.constant 800 : index
      %get3A_1170 = tpu.vector_load %arg4[%get3A_1169] {strides = array<i32>} : memref<2048xi32, #tpu.memory_space<vmem>>, vector<16xi32>,
      %add3A_1171 = arith.addi %add3A_1168, %get3A_1170 : vector<16xi32>
      %get3A_1172 = arith.constant 816 : index
      %get3A_1173 = tpu.vector_load %arg4[%get3A_1172] {strides = array<i32>} : memref<2048xi32, #tpu.memory_space<vmem>>, vector<16xi32>,
      %add3A_1174 = arith.addi %add3A_1171, %get3A_1173 : vector<16xi32>
      %get3A_1175 = arith.constant 832 : index
      %get3A_1176 = tpu.vector_load %arg4[%get3A_1175] {strides = array<i32>} : memref<2048xi32, #tpu.memory_space<vmem>>, vector<16xi32>,
      %add3A_1177 = arith.addi %add3A_1174, %get3A_1176 : vector<16xi32>
      %get3A_1178 = arith.constant 848 : index
      %get3A_1179 = tpu.vector_load %arg4[%get3A_1178] {strides = array<i32>} : memref<2048xi32, #tpu.memory_space<vmem>>, vector<16xi32>,
      %add3A_1180 = arith.addi %add3A_1177, %get3A_1179 : vector<16xi32>
      %get3A_1181 = arith.constant 864 : index
      %get3A_1182 = tpu.vector_load %arg4[%get3A_1181] {strides = array<i32>} : memref<2048xi32, #tpu.memory_space<vmem>>, vector<16xi32>,
      %add3A_1183 = arith.addi %add3A_1180, %get3A_1182 : vector<16xi32>
      %get3A_1184 = arith.constant 880 : index
      %get3A_1185 = tpu.vector_load %arg4[%get3A_1184] {strides = array<i32>} : memref<2048xi32, #tpu.memory_space<vmem>>, vector<16xi32>,
      %add3A_1186 = arith.addi %add3A_1183, %get3A_1185 : vector<16xi32>
      %get3A_1187 = arith.constant 896 : index
      %get3A_1188 = tpu.vector_load %arg4[%get3A_1187] {strides = array<i32>} : memref<2048xi32, #tpu.memory_space<vmem>>, vector<16xi32>,
      %add3A_1189 = arith.addi %add3A_1186, %get3A_1188 : vector<16xi32>
      %get3A_1190 = arith.constant 912 : index
      %get3A_1191 = tpu.vector_load %arg4[%get3A_1190] {strides = array<i32>} : memref<2048xi32, #tpu.memory_space<vmem>>, vector<16xi32>,
      %add3A_1192 = arith.addi %add3A_1189, %get3A_1191 : vector<16xi32>
      %get3A_1193 = arith.constant 928 : index
      %get3A_1194 = tpu.vector_load %arg4[%get3A_1193] {strides = array<i32>} : memref<2048xi32, #tpu.memory_space<vmem>>, vector<16xi32>,
      %add3A_1195 = arith.addi %add3A_1192, %get3A_1194 : vector<16xi32>
      %get3A_1196 = arith.constant 944 : index
      %get3A_1197 = tpu.vector_load %arg4[%get3A_1196] {strides = array<i32>} : memref<2048xi32, #tpu.memory_space<vmem>>, vector<16xi32>,
      %add3A_1198 = arith.addi %add3A_1195, %get3A_1197 : vector<16xi32>
      %get3A_1199 = arith.constant 960 : index
      %get3A_1200 = tpu.vector_load %arg4[%get3A_1199] {strides = array<i32>} : memref<2048xi32, #tpu.memory_space<vmem>>, vector<16xi32>,
      %add3A_1201 = arith.addi %add3A_1198, %get3A_1200 : vector<16xi32>
      %get3A_1202 = arith.constant 976 : index
      %get3A_1203 = tpu.vector_load %arg4[%get3A_1202] {strides = array<i32>} : memref<2048xi32, #tpu.memory_space<vmem>>, vector<16xi32>,
      %add3A_1204 = arith.addi %add3A_1201, %get3A_1203 : vector<16xi32>
      %get3A_1205 = arith.constant 992 : index
      %get3A_1206 = tpu.vector_load %arg4[%get3A_1205] {strides = array<i32>} : memref<2048xi32, #tpu.memory_space<vmem>>, vector<16xi32>,
      %add3A_1207 = arith.addi %add3A_1204, %get3A_1206 : vector<16xi32>
      %get3A_1208 = arith.constant 1008 : index
      %get3A_1209 = tpu.vector_load %arg4[%get3A_1208] {strides = array<i32>} : memref<2048xi32, #tpu.memory_space<vmem>>, vector<16xi32>,
      %add3A_1210 = arith.addi %add3A_1207, %get3A_1209 : vector<16xi32>
      %reduce_sum3A_1211 = arith.constant true
      %reduce_sum3A_1212 = vector.broadcast %reduce_sum3A_1211 : i1 to vector<16xi1>
      %reduce_sum3A_1213 = tpu.scan <sum>, %add3A_1210 masked %reduce_sum3A_1212 : vector<16xi32>, vector<16xi1> -> vector<16xi32>
      %reduce_sum3A_1214 = vector.extract %reduce_sum3A_1213[15] : i32 from vector<16xi32>
      %lt3A_1215 = arith.constant 0 : i32
      %lt3A_1216 = arith.cmpi slt, %lt3A_1215, %sub3A_1150 : i32
      %add3A_1217 = arith.constant 0 : i32
      %add3A_1218 = arith.addi %add3A_1217, %reduce_sum3A_1214 : i32
      %ge3A_1219 = arith.cmpi sge, %add3A_1218, %sub3A_1150 : i32
      %and3A_1220 = arith.andi %lt3A_1216, %ge3A_1219 : i1
      %jit3A_1221 = arith.constant 3 : i32
      %jit3A_1222 = arith.constant 0 : i32
      %select_n3A_1223 = arith.select %and3A_1220, %jit3A_1221, %jit3A_1222 : i32
      %jit3A_1224 = arith.constant 0 : i32
      %jit3A_1225 = arith.constant 0 : i32
      %select_n3A_1226 = arith.select %and3A_1220, %jit3A_1224, %jit3A_1225 : i32
      %add3A_1227 = arith.constant 0 : i32
      %add3A_1228 = arith.addi %add3A_1227, %reduce_sum3A_1214 : i32
      %get3A_1229 = arith.constant 512 : index
      %get3A_1230 = tpu.vector_load %arg4[%get3A_1229] {strides = array<i32>} : memref<2048xi32, #tpu.memory_space<vmem>>, vector<16xi32>,
      %get3A_1231 = arith.constant 528 : index
      %get3A_1232 = tpu.vector_load %arg4[%get3A_1231] {strides = array<i32>} : memref<2048xi32, #tpu.memory_space<vmem>>, vector<16xi32>,
      %add3A_1233 = arith.addi %get3A_1230, %get3A_1232 : vector<16xi32>
      %get3A_1234 = arith.constant 544 : index
      %get3A_1235 = tpu.vector_load %arg4[%get3A_1234] {strides = array<i32>} : memref<2048xi32, #tpu.memory_space<vmem>>, vector<16xi32>,
      %add3A_1236 = arith.addi %add3A_1233, %get3A_1235 : vector<16xi32>
      %get3A_1237 = arith.constant 560 : index
      %get3A_1238 = tpu.vector_load %arg4[%get3A_1237] {strides = array<i32>} : memref<2048xi32, #tpu.memory_space<vmem>>, vector<16xi32>,
      %add3A_1239 = arith.addi %add3A_1236, %get3A_1238 : vector<16xi32>
      %get3A_1240 = arith.constant 576 : index
      %get3A_1241 = tpu.vector_load %arg4[%get3A_1240] {strides = array<i32>} : memref<2048xi32, #tpu.memory_space<vmem>>, vector<16xi32>,
      %add3A_1242 = arith.addi %add3A_1239, %get3A_1241 : vector<16xi32>
      %get3A_1243 = arith.constant 592 : index
      %get3A_1244 = tpu.vector_load %arg4[%get3A_1243] {strides = array<i32>} : memref<2048xi32, #tpu.memory_space<vmem>>, vector<16xi32>,
      %add3A_1245 = arith.addi %add3A_1242, %get3A_1244 : vector<16xi32>
      %get3A_1246 = arith.constant 608 : index
      %get3A_1247 = tpu.vector_load %arg4[%get3A_1246] {strides = array<i32>} : memref<2048xi32, #tpu.memory_space<vmem>>, vector<16xi32>,
      %add3A_1248 = arith.addi %add3A_1245, %get3A_1247 : vector<16xi32>
      %get3A_1249 = arith.constant 624 : index
      %get3A_1250 = tpu.vector_load %arg4[%get3A_1249] {strides = array<i32>} : memref<2048xi32, #tpu.memory_space<vmem>>, vector<16xi32>,
      %add3A_1251 = arith.addi %add3A_1248, %get3A_1250 : vector<16xi32>
      %get3A_1252 = arith.constant 640 : index
      %get3A_1253 = tpu.vector_load %arg4[%get3A_1252] {strides = array<i32>} : memref<2048xi32, #tpu.memory_space<vmem>>, vector<16xi32>,
      %add3A_1254 = arith.addi %add3A_1251, %get3A_1253 : vector<16xi32>
      %get3A_1255 = arith.constant 656 : index
      %get3A_1256 = tpu.vector_load %arg4[%get3A_1255] {strides = array<i32>} : memref<2048xi32, #tpu.memory_space<vmem>>, vector<16xi32>,
      %add3A_1257 = arith.addi %add3A_1254, %get3A_1256 : vector<16xi32>
      %get3A_1258 = arith.constant 672 : index
      %get3A_1259 = tpu.vector_load %arg4[%get3A_1258] {strides = array<i32>} : memref<2048xi32, #tpu.memory_space<vmem>>, vector<16xi32>,
      %add3A_1260 = arith.addi %add3A_1257, %get3A_1259 : vector<16xi32>
      %get3A_1261 = arith.constant 688 : index
      %get3A_1262 = tpu.vector_load %arg4[%get3A_1261] {strides = array<i32>} : memref<2048xi32, #tpu.memory_space<vmem>>, vector<16xi32>,
      %add3A_1263 = arith.addi %add3A_1260, %get3A_1262 : vector<16xi32>
      %get3A_1264 = arith.constant 704 : index
      %get3A_1265 = tpu.vector_load %arg4[%get3A_1264] {strides = array<i32>} : memref<2048xi32, #tpu.memory_space<vmem>>, vector<16xi32>,
      %add3A_1266 = arith.addi %add3A_1263, %get3A_1265 : vector<16xi32>
      %get3A_1267 = arith.constant 720 : index
      %get3A_1268 = tpu.vector_load %arg4[%get3A_1267] {strides = array<i32>} : memref<2048xi32, #tpu.memory_space<vmem>>, vector<16xi32>,
      %add3A_1269 = arith.addi %add3A_1266, %get3A_1268 : vector<16xi32>
      %get3A_1270 = arith.constant 736 : index
      %get3A_1271 = tpu.vector_load %arg4[%get3A_1270] {strides = array<i32>} : memref<2048xi32, #tpu.memory_space<vmem>>, vector<16xi32>,
      %add3A_1272 = arith.addi %add3A_1269, %get3A_1271 : vector<16xi32>
      %get3A_1273 = arith.constant 752 : index
      %get3A_1274 = tpu.vector_load %arg4[%get3A_1273] {strides = array<i32>} : memref<2048xi32, #tpu.memory_space<vmem>>, vector<16xi32>,
      %add3A_1275 = arith.addi %add3A_1272, %get3A_1274 : vector<16xi32>
      %reduce_sum3A_1276 = arith.constant true
      %reduce_sum3A_1277 = vector.broadcast %reduce_sum3A_1276 : i1 to vector<16xi1>
      %reduce_sum3A_1278 = tpu.scan <sum>, %add3A_1275 masked %reduce_sum3A_1277 : vector<16xi32>, vector<16xi1> -> vector<16xi32>
      %reduce_sum3A_1279 = vector.extract %reduce_sum3A_1278[15] : i32 from vector<16xi32>
      %lt3A_1280 = arith.cmpi slt, %add3A_1228, %sub3A_1150 : i32
      %add3A_1281 = arith.addi %add3A_1228, %reduce_sum3A_1279 : i32
      %ge3A_1282 = arith.cmpi sge, %add3A_1281, %sub3A_1150 : i32
      %and3A_1283 = arith.andi %lt3A_1280, %ge3A_1282 : i1
      %jit3A_1284 = arith.constant 2 : i32
      %select_n3A_1285 = arith.select %and3A_1283, %jit3A_1284, %select_n3A_1223 : i32
      %select_n3A_1286 = arith.select %and3A_1283, %add3A_1228, %select_n3A_1226 : i32
      %add3A_1287 = arith.addi %add3A_1228, %reduce_sum3A_1279 : i32
      %get3A_1288 = arith.constant 256 : index
      %get3A_1289 = tpu.vector_load %arg4[%get3A_1288] {strides = array<i32>} : memref<2048xi32, #tpu.memory_space<vmem>>, vector<16xi32>,
      %get3A_1290 = arith.constant 272 : index
      %get3A_1291 = tpu.vector_load %arg4[%get3A_1290] {strides = array<i32>} : memref<2048xi32, #tpu.memory_space<vmem>>, vector<16xi32>,
      %add3A_1292 = arith.addi %get3A_1289, %get3A_1291 : vector<16xi32>
      %get3A_1293 = arith.constant 288 : index
      %get3A_1294 = tpu.vector_load %arg4[%get3A_1293] {strides = array<i32>} : memref<2048xi32, #tpu.memory_space<vmem>>, vector<16xi32>,
      %add3A_1295 = arith.addi %add3A_1292, %get3A_1294 : vector<16xi32>
      %get3A_1296 = arith.constant 304 : index
      %get3A_1297 = tpu.vector_load %arg4[%get3A_1296] {strides = array<i32>} : memref<2048xi32, #tpu.memory_space<vmem>>, vector<16xi32>,
      %add3A_1298 = arith.addi %add3A_1295, %get3A_1297 : vector<16xi32>
      %get3A_1299 = arith.constant 320 : index
      %get3A_1300 = tpu.vector_load %arg4[%get3A_1299] {strides = array<i32>} : memref<2048xi32, #tpu.memory_space<vmem>>, vector<16xi32>,
      %add3A_1301 = arith.addi %add3A_1298, %get3A_1300 : vector<16xi32>
      %get3A_1302 = arith.constant 336 : index
      %get3A_1303 = tpu.vector_load %arg4[%get3A_1302] {strides = array<i32>} : memref<2048xi32, #tpu.memory_space<vmem>>, vector<16xi32>,
      %add3A_1304 = arith.addi %add3A_1301, %get3A_1303 : vector<16xi32>
      %get3A_1305 = arith.constant 352 : index
      %get3A_1306 = tpu.vector_load %arg4[%get3A_1305] {strides = array<i32>} : memref<2048xi32, #tpu.memory_space<vmem>>, vector<16xi32>,
      %add3A_1307 = arith.addi %add3A_1304, %get3A_1306 : vector<16xi32>
      %get3A_1308 = arith.constant 368 : index
      %get3A_1309 = tpu.vector_load %arg4[%get3A_1308] {strides = array<i32>} : memref<2048xi32, #tpu.memory_space<vmem>>, vector<16xi32>,
      %add3A_1310 = arith.addi %add3A_1307, %get3A_1309 : vector<16xi32>
      %get3A_1311 = arith.constant 384 : index
      %get3A_1312 = tpu.vector_load %arg4[%get3A_1311] {strides = array<i32>} : memref<2048xi32, #tpu.memory_space<vmem>>, vector<16xi32>,
      %add3A_1313 = arith.addi %add3A_1310, %get3A_1312 : vector<16xi32>
      %get3A_1314 = arith.constant 400 : index
      %get3A_1315 = tpu.vector_load %arg4[%get3A_1314] {strides = array<i32>} : memref<2048xi32, #tpu.memory_space<vmem>>, vector<16xi32>,
      %add3A_1316 = arith.addi %add3A_1313, %get3A_1315 : vector<16xi32>
      %get3A_1317 = arith.constant 416 : index
      %get3A_1318 = tpu.vector_load %arg4[%get3A_1317] {strides = array<i32>} : memref<2048xi32, #tpu.memory_space<vmem>>, vector<16xi32>,
      %add3A_1319 = arith.addi %add3A_1316, %get3A_1318 : vector<16xi32>
      %get3A_1320 = arith.constant 432 : index
      %get3A_1321 = tpu.vector_load %arg4[%get3A_1320] {strides = array<i32>} : memref<2048xi32, #tpu.memory_space<vmem>>, vector<16xi32>,
      %add3A_1322 = arith.addi %add3A_1319, %get3A_1321 : vector<16xi32>
      %get3A_1323 = arith.constant 448 : index
      %get3A_1324 = tpu.vector_load %arg4[%get3A_1323] {strides = array<i32>} : memref<2048xi32, #tpu.memory_space<vmem>>, vector<16xi32>,
      %add3A_1325 = arith.addi %add3A_1322, %get3A_1324 : vector<16xi32>
      %get3A_1326 = arith.constant 464 : index
      %get3A_1327 = tpu.vector_load %arg4[%get3A_1326] {strides = array<i32>} : memref<2048xi32, #tpu.memory_space<vmem>>, vector<16xi32>,
      %add3A_1328 = arith.addi %add3A_1325, %get3A_1327 : vector<16xi32>
      %get3A_1329 = arith.constant 480 : index
      %get3A_1330 = tpu.vector_load %arg4[%get3A_1329] {strides = array<i32>} : memref<2048xi32, #tpu.memory_space<vmem>>, vector<16xi32>,
      %add3A_1331 = arith.addi %add3A_1328, %get3A_1330 : vector<16xi32>
      %get3A_1332 = arith.constant 496 : index
      %get3A_1333 = tpu.vector_load %arg4[%get3A_1332] {strides = array<i32>} : memref<2048xi32, #tpu.memory_space<vmem>>, vector<16xi32>,
      %add3A_1334 = arith.addi %add3A_1331, %get3A_1333 : vector<16xi32>
      %reduce_sum3A_1335 = arith.constant true
      %reduce_sum3A_1336 = vector.broadcast %reduce_sum3A_1335 : i1 to vector<16xi1>
      %reduce_sum3A_1337 = tpu.scan <sum>, %add3A_1334 masked %reduce_sum3A_1336 : vector<16xi32>, vector<16xi1> -> vector<16xi32>
      %reduce_sum3A_1338 = vector.extract %reduce_sum3A_1337[15] : i32 from vector<16xi32>
      %lt3A_1339 = arith.cmpi slt, %add3A_1287, %sub3A_1150 : i32
      %add3A_1340 = arith.addi %add3A_1287, %reduce_sum3A_1338 : i32
      %ge3A_1341 = arith.cmpi sge, %add3A_1340, %sub3A_1150 : i32
      %and3A_1342 = arith.andi %lt3A_1339, %ge3A_1341 : i1
      %jit3A_1343 = arith.constant 1 : i32
      %select_n3A_1344 = arith.select %and3A_1342, %jit3A_1343, %select_n3A_1285 : i32
      %select_n3A_1345 = arith.select %and3A_1342, %add3A_1287, %select_n3A_1286 : i32
      %add3A_1346 = arith.addi %add3A_1287, %reduce_sum3A_1338 : i32
      %get3A_1347 = arith.constant 0 : index
      %get3A_1348 = tpu.vector_load %arg4[%get3A_1347] {strides = array<i32>} : memref<2048xi32, #tpu.memory_space<vmem>>, vector<16xi32>,
      %get3A_1349 = arith.constant 16 : index
      %get3A_1350 = tpu.vector_load %arg4[%get3A_1349] {strides = array<i32>} : memref<2048xi32, #tpu.memory_space<vmem>>, vector<16xi32>,
      %add3A_1351 = arith.addi %get3A_1348, %get3A_1350 : vector<16xi32>
      %get3A_1352 = arith.constant 32 : index
      %get3A_1353 = tpu.vector_load %arg4[%get3A_1352] {strides = array<i32>} : memref<2048xi32, #tpu.memory_space<vmem>>, vector<16xi32>,
      %add3A_1354 = arith.addi %add3A_1351, %get3A_1353 : vector<16xi32>
      %get3A_1355 = arith.constant 48 : index
      %get3A_1356 = tpu.vector_load %arg4[%get3A_1355] {strides = array<i32>} : memref<2048xi32, #tpu.memory_space<vmem>>, vector<16xi32>,
      %add3A_1357 = arith.addi %add3A_1354, %get3A_1356 : vector<16xi32>
      %get3A_1358 = arith.constant 64 : index
      %get3A_1359 = tpu.vector_load %arg4[%get3A_1358] {strides = array<i32>} : memref<2048xi32, #tpu.memory_space<vmem>>, vector<16xi32>,
      %add3A_1360 = arith.addi %add3A_1357, %get3A_1359 : vector<16xi32>
      %get3A_1361 = arith.constant 80 : index
      %get3A_1362 = tpu.vector_load %arg4[%get3A_1361] {strides = array<i32>} : memref<2048xi32, #tpu.memory_space<vmem>>, vector<16xi32>,
      %add3A_1363 = arith.addi %add3A_1360, %get3A_1362 : vector<16xi32>
      %get3A_1364 = arith.constant 96 : index
      %get3A_1365 = tpu.vector_load %arg4[%get3A_1364] {strides = array<i32>} : memref<2048xi32, #tpu.memory_space<vmem>>, vector<16xi32>,
      %add3A_1366 = arith.addi %add3A_1363, %get3A_1365 : vector<16xi32>
      %get3A_1367 = arith.constant 112 : index
      %get3A_1368 = tpu.vector_load %arg4[%get3A_1367] {strides = array<i32>} : memref<2048xi32, #tpu.memory_space<vmem>>, vector<16xi32>,
      %add3A_1369 = arith.addi %add3A_1366, %get3A_1368 : vector<16xi32>
      %get3A_1370 = arith.constant 128 : index
      %get3A_1371 = tpu.vector_load %arg4[%get3A_1370] {strides = array<i32>} : memref<2048xi32, #tpu.memory_space<vmem>>, vector<16xi32>,
      %add3A_1372 = arith.addi %add3A_1369, %get3A_1371 : vector<16xi32>
      %get3A_1373 = arith.constant 144 : index
      %get3A_1374 = tpu.vector_load %arg4[%get3A_1373] {strides = array<i32>} : memref<2048xi32, #tpu.memory_space<vmem>>, vector<16xi32>,
      %add3A_1375 = arith.addi %add3A_1372, %get3A_1374 : vector<16xi32>
      %get3A_1376 = arith.constant 160 : index
      %get3A_1377 = tpu.vector_load %arg4[%get3A_1376] {strides = array<i32>} : memref<2048xi32, #tpu.memory_space<vmem>>, vector<16xi32>,
      %add3A_1378 = arith.addi %add3A_1375, %get3A_1377 : vector<16xi32>
      %get3A_1379 = arith.constant 176 : index
      %get3A_1380 = tpu.vector_load %arg4[%get3A_1379] {strides = array<i32>} : memref<2048xi32, #tpu.memory_space<vmem>>, vector<16xi32>,
      %add3A_1381 = arith.addi %add3A_1378, %get3A_1380 : vector<16xi32>
      %get3A_1382 = arith.constant 192 : index
      %get3A_1383 = tpu.vector_load %arg4[%get3A_1382] {strides = array<i32>} : memref<2048xi32, #tpu.memory_space<vmem>>, vector<16xi32>,
      %add3A_1384 = arith.addi %add3A_1381, %get3A_1383 : vector<16xi32>
      %get3A_1385 = arith.constant 208 : index
      %get3A_1386 = tpu.vector_load %arg4[%get3A_1385] {strides = array<i32>} : memref<2048xi32, #tpu.memory_space<vmem>>, vector<16xi32>,
      %add3A_1387 = arith.addi %add3A_1384, %get3A_1386 : vector<16xi32>
      %get3A_1388 = arith.constant 224 : index
      %get3A_1389 = tpu.vector_load %arg4[%get3A_1388] {strides = array<i32>} : memref<2048xi32, #tpu.memory_space<vmem>>, vector<16xi32>,
      %add3A_1390 = arith.addi %add3A_1387, %get3A_1389 : vector<16xi32>
      %get3A_1391 = arith.constant 240 : index
      %get3A_1392 = tpu.vector_load %arg4[%get3A_1391] {strides = array<i32>} : memref<2048xi32, #tpu.memory_space<vmem>>, vector<16xi32>,
      %add3A_1393 = arith.addi %add3A_1390, %get3A_1392 : vector<16xi32>
      %reduce_sum3A_1394 = arith.constant true
      %reduce_sum3A_1395 = vector.broadcast %reduce_sum3A_1394 : i1 to vector<16xi1>
      %reduce_sum3A_1396 = tpu.scan <sum>, %add3A_1393 masked %reduce_sum3A_1395 : vector<16xi32>, vector<16xi1> -> vector<16xi32>
      %reduce_sum3A_1397 = vector.extract %reduce_sum3A_1396[15] : i32 from vector<16xi32>
      %lt3A_1398 = arith.cmpi slt, %add3A_1346, %sub3A_1150 : i32
      %add3A_1399 = arith.addi %add3A_1346, %reduce_sum3A_1397 : i32
      %ge3A_1400 = arith.cmpi sge, %add3A_1399, %sub3A_1150 : i32
      %and3A_1401 = arith.andi %lt3A_1398, %ge3A_1400 : i1
      %jit3A_1402 = arith.constant 0 : i32
      %select_n3A_1403 = arith.select %and3A_1401, %jit3A_1402, %select_n3A_1344 : i32
      %select_n3A_1404 = arith.select %and3A_1401, %add3A_1346, %select_n3A_1345 : i32
      %add3A_1405 = arith.addi %add3A_1346, %reduce_sum3A_1397 : i32
      %scan3A_1406 = arith.constant 0 : i32
      %scan3A_1407 = arith.constant 0 : i32
      %scan3A_1408 = arith.constant 0 : i32
      %scan3A_1409 = arith.constant 16 : i32
      %scan3A_1410 = arith.addi %scan3A_1408, %scan3A_1409 : i32
      %scan3A_1411 = arith.constant 1 : i32
      %scan3A_1412:3 = scf.for %scan3A_1499 = %scan3A_1408 to %scan3A_1410 step %scan3A_1411 iter_args(%scan3A_1500 = %select_n3A_1404, %scan3A_1501 = %scan3A_1406, %scan3A_1502 = %scan3A_1407) -> (i32, i32, i32)  : i32 {
        %mul3A_1503 = arith.constant 16 : i32
        %mul3A_1504 = arith.muli %select_n3A_1403, %mul3A_1503 : i32
        %sub3A_1505 = arith.constant 15 : i32
        %sub3A_1506 = arith.subi %sub3A_1505, %scan3A_1499 : i32
        %add3A_1507 = arith.addi %mul3A_1504, %sub3A_1506 : i32
        %mul3A_1508 = arith.constant 16 : i32
        %mul3A_1509 = arith.muli %add3A_1507, %mul3A_1508 : i32
        %get3A_1510 = arith.index_cast %mul3A_1509 : i32 to index
        %get3A_1511 = tpu.vector_load %arg4[%get3A_1510] {strides = array<i32>} : memref<2048xi32, #tpu.memory_space<vmem>>, vector<16xi32>,
        %reduce_sum3A_1512 = arith.constant true
        %reduce_sum3A_1513 = vector.broadcast %reduce_sum3A_1512 : i1 to vector<16xi1>
        %reduce_sum3A_1514 = tpu.scan <sum>, %get3A_1511 masked %reduce_sum3A_1513 : vector<16xi32>, vector<16xi1> -> vector<16xi32>
        %reduce_sum3A_1515 = vector.extract %reduce_sum3A_1514[15] : i32 from vector<16xi32>
        %lt3A_1516 = arith.cmpi slt, %scan3A_1500, %sub3A_1150 : i32
        %add3A_1517 = arith.addi %scan3A_1500, %reduce_sum3A_1515 : i32
        %ge3A_1518 = arith.cmpi sge, %add3A_1517, %sub3A_1150 : i32
        %and3A_1519 = arith.andi %lt3A_1516, %ge3A_1518 : i1
        %select_n3A_1520 = arith.select %and3A_1519, %add3A_1507, %scan3A_1501 : i32
        %select_n3A_1521 = arith.select %and3A_1519, %scan3A_1500, %scan3A_1502 : i32
        %add3A_1522 = arith.addi %scan3A_1500, %reduce_sum3A_1515 : i32
        scf.yield %add3A_1522, %select_n3A_1520, %select_n3A_1521 : i32, i32, i32
      }
      %scan3A_1413 = arith.constant 16 : i32
      %mul3A_1414 = arith.constant 16 : i32
      %mul3A_1415 = arith.muli %scan3A_1412#1, %mul3A_1414 : i32
      %get3A_1416 = arith.index_cast %mul3A_1415 : i32 to index
      %get3A_1417 = tpu.vector_load %arg4[%get3A_1416] {strides = array<i32>} : memref<2048xi32, #tpu.memory_space<vmem>>, vector<16xi32>,
      %broadcast_in_dim3A_1418 = arith.constant true
      %broadcast_in_dim3A_1419 = vector.broadcast %broadcast_in_dim3A_1418 : i1 to vector<16xi1>
      %masked_cumsum3A_1420 = tpu.scan <sum>, %get3A_1417 masked %broadcast_in_dim3A_1419 : vector<16xi32>, vector<16xi1> -> vector<16xi32>
      %reduce_sum3A_1421 = arith.constant true
      %reduce_sum3A_1422 = vector.broadcast %reduce_sum3A_1421 : i1 to vector<16xi1>
      %reduce_sum3A_1423 = tpu.scan <sum>, %get3A_1417 masked %reduce_sum3A_1422 : vector<16xi32>, vector<16xi1> -> vector<16xi32>
      %reduce_sum3A_1424 = vector.extract %reduce_sum3A_1423[15] : i32 from vector<16xi32>
      %sub3A_1425 = vector.broadcast %reduce_sum3A_1424 : i32 to vector<16xi32>
      %sub3A_1426 = arith.subi %sub3A_1425, %masked_cumsum3A_1420 : vector<16xi32>
      %add3A_1427 = vector.broadcast %scan3A_1412#2 : i32 to vector<16xi32>
      %add3A_1428 = arith.addi %add3A_1427, %sub3A_1426 : vector<16xi32>
      %lt3A_1429 = vector.broadcast %sub3A_1150 : i32 to vector<16xi32>
      %lt3A_1430 = arith.cmpi slt, %add3A_1428, %lt3A_1429 : vector<16xi32>
      %add3A_1431 = arith.addi %add3A_1428, %get3A_1417 : vector<16xi32>
      %ge3A_1432 = vector.broadcast %sub3A_1150 : i32 to vector<16xi32>
      %ge3A_1433 = arith.cmpi sge, %add3A_1431, %ge3A_1432 : vector<16xi32>
      %and3A_1434 = arith.andi %lt3A_1430, %ge3A_1433 : vector<16xi1>
      %select_n3A_1435 = arith.select %and3A_1434, %iota3A, %broadcast_in_dim3A_2 : vector<16xi1>, vector<16xi32>
      %reduce_sum3A_1436 = arith.constant true
      %reduce_sum3A_1437 = vector.broadcast %reduce_sum3A_1436 : i1 to vector<16xi1>
      %reduce_sum3A_1438 = tpu.scan <sum>, %select_n3A_1435 masked %reduce_sum3A_1437 : vector<16xi32>, vector<16xi1> -> vector<16xi32>
      %reduce_sum3A_1439 = vector.extract %reduce_sum3A_1438[15] : i32 from vector<16xi32>
      %select_n3A_1440 = arith.select %and3A_1434, %add3A_1428, %broadcast_in_dim3A_2 : vector<16xi1>, vector<16xi32>
      %reduce_sum3A_1441 = arith.constant true
      %reduce_sum3A_1442 = vector.broadcast %reduce_sum3A_1441 : i1 to vector<16xi1>
      %reduce_sum3A_1443 = tpu.scan <sum>, %select_n3A_1440 masked %reduce_sum3A_1442 : vector<16xi32>, vector<16xi1> -> vector<16xi32>
      %reduce_sum3A_1444 = vector.extract %reduce_sum3A_1443[15] : i32 from vector<16xi32>
      %select_n3A_1445 = arith.select %and3A_1434, %get3A_1417, %broadcast_in_dim3A_2 : vector<16xi1>, vector<16xi32>
      %reduce_sum3A_1446 = arith.constant true
      %reduce_sum3A_1447 = vector.broadcast %reduce_sum3A_1446 : i1 to vector<16xi1>
      %reduce_sum3A_1448 = tpu.scan <sum>, %select_n3A_1445 masked %reduce_sum3A_1447 : vector<16xi32>, vector<16xi1> -> vector<16xi32>
      %reduce_sum3A_1449 = vector.extract %reduce_sum3A_1448[15] : i32 from vector<16xi32>
      %mul3A_1450 = arith.constant 16 : i32
      %mul3A_1451 = arith.muli %scan3A_1412#1, %mul3A_1450 : i32
      %add3A_1452 = arith.addi %mul3A_1451, %reduce_sum3A_1439 : i32
      %shift_left3A_1453 = arith.constant 10 : i32
      %shift_left3A_1454 = arith.shli %or3A, %shift_left3A_1453 : i32
      %scan3A_1455 = arith.constant 0 : i32
      %scan3A_1456 = arith.constant 64 : i32
      %scan3A_1457 = arith.addi %scan3A_1455, %scan3A_1456 : i32
      %scan3A_1458 = arith.constant 1 : i32
      %scan3A_1459 = scf.for %scan3A_1499 = %scan3A_1455 to %scan3A_1457 step %scan3A_1458 iter_args(%scan3A_1500 = %broadcast_in_dim3A_4) -> (vector<16xf32>)  : i32 {
        %mul3A_1501 = arith.constant 16 : i32
        %mul3A_1502 = arith.muli %scan3A_1499, %mul3A_1501 : i32
        %add3A_1503 = vector.broadcast %mul3A_1502 : i32 to vector<16xi32>
        %add3A_1504 = arith.addi %add3A_1503, %iota3A : vector<16xi32>
        %mul3A_1505 = arith.constant 16 : i32
        %mul3A_1506 = arith.muli %scan3A_1499, %mul3A_1505 : i32
        %get3A_1507 = arith.index_cast %mul3A_1506 : i32 to index
        %get3A_1508 = tpu.vector_load %arg4[%get3A_1507] {strides = array<i32>} : memref<2048xi32, #tpu.memory_space<vmem>>, vector<16xi32>,
        %bitcast3A_1509 = vector.bitcast %add3A_1504 : vector<16xi32> to vector<16xi32>
        %or3A_1510 = vector.broadcast %shift_left3A_1454 : i32 to vector<16xi32>
        %or3A_1511 = arith.ori %or3A_1510, %bitcast3A_1509 : vector<16xi32>
        %lt3A_1512 = arith.constant -2147483648 : i32
        %lt3A_1513 = vector.broadcast %lt3A_1512 : i32 to vector<16xi32>
        %lt3A_1514 = arith.cmpi ult, %or3A_1511, %lt3A_1513 : vector<16xi32>
        %not3A_1515 = arith.constant dense<-1> : vector<16xi32>
        %not3A_1516 = arith.xori %or3A_1511, %not3A_1515 : vector<16xi32>
        %xor3A_1517 = arith.constant -2147483648 : i32
        %xor3A_1518 = vector.broadcast %xor3A_1517 : i32 to vector<16xi32>
        %xor3A_1519 = arith.xori %or3A_1511, %xor3A_1518 : vector<16xi32>
        %select_n3A_1520 = arith.select %lt3A_1514, %not3A_1516, %xor3A_1519 : vector<16xi1>, vector<16xi32>
        %bitcast3A_1521 = vector.bitcast %select_n3A_1520 : vector<16xi32> to vector<16xf32>
        %gt3A = vector.broadcast %add3A_1452 : i32 to vector<16xi32>
        %gt3A_1522 = arith.cmpi sgt, %add3A_1504, %gt3A : vector<16xi32>
        %convert_element_type3A_1523 = arith.sitofp %get3A_1508 : vector<16xi32> to vector<16xf32>
        %mul3A_1524 = arith.mulf %convert_element_type3A_1523, %bitcast3A_1521 : vector<16xf32>
        %select_n3A_1525 = arith.select %gt3A_1522, %mul3A_1524, %broadcast_in_dim3A_4 : vector<16xi1>, vector<16xf32>
        %add3A_1526 = arith.addf %scan3A_1500, %select_n3A_1525 : vector<16xf32>
        scf.yield %add3A_1526 : vector<16xf32>
      }
      %scan3A_1460 = arith.constant 64 : i32
      %reduce_sum3A_1461 = arith.constant true
      %reduce_sum3A_1462 = vector.broadcast %reduce_sum3A_1461 : i1 to vector<16xi1>
      %reduce_sum3A_1463 = tpu.scan <sum>, %scan3A_1459 masked %reduce_sum3A_1462 : vector<16xf32>, vector<16xi1> -> vector<16xf32>
      %reduce_sum3A_1464 = vector.extract %reduce_sum3A_1463[15] : f32 from vector<16xf32>
      %broadcast_in_dim3A_1465 = vector.broadcast %shift_left3A_1454 : i32 to vector<16xi32>
      %broadcast_in_dim3A_1466 = vector.broadcast %add3A_1452 : i32 to vector<16xi32>
      %bitcast3A_1467 = vector.bitcast %broadcast_in_dim3A_1466 : vector<16xi32> to vector<16xi32>
      %or3A_1468 = arith.ori %broadcast_in_dim3A_1465, %bitcast3A_1467 : vector<16xi32>
      %lt3A_1469 = arith.constant -2147483648 : i32
      %lt3A_1470 = vector.broadcast %lt3A_1469 : i32 to vector<16xi32>
      %lt3A_1471 = arith.cmpi ult, %or3A_1468, %lt3A_1470 : vector<16xi32>
      %not3A = arith.constant dense<-1> : vector<16xi32>
      %not3A_1472 = arith.xori %or3A_1468, %not3A : vector<16xi32>
      %xor3A = arith.constant -2147483648 : i32
      %xor3A_1473 = vector.broadcast %xor3A : i32 to vector<16xi32>
      %xor3A_1474 = arith.xori %or3A_1468, %xor3A_1473 : vector<16xi32>
      %select_n3A_1475 = arith.select %lt3A_1471, %not3A_1472, %xor3A_1474 : vector<16xi1>, vector<16xi32>
      %bitcast3A_1476 = vector.bitcast %select_n3A_1475 : vector<16xi32> to vector<16xf32>
      %add3A_1477 = arith.addi %reduce_sum3A_562, %reduce_sum3A_1141 : i32
      %add3A_1478 = arith.addi %add3A_1477, %reduce_sum3A_1444 : i32
      %sub3A_1479 = arith.constant 2949 : i32
      %sub3A_1480 = arith.subi %sub3A_1479, %add3A_1478 : i32
      %convert_element_type3A_1481 = arith.sitofp %sub3A_1480 : i32 to f32
      %eq3A = arith.constant 0 : i32
      %eq3A_1482 = vector.broadcast %eq3A : i32 to vector<16xi32>
      %eq3A_1483 = arith.cmpi eq, %iota3A, %eq3A_1482 : vector<16xi32>
      %mul3A_1484 = vector.broadcast %convert_element_type3A_1481 : f32 to vector<16xf32>
      %mul3A_1485 = arith.mulf %mul3A_1484, %bitcast3A_1476 : vector<16xf32>
      %select_n3A_1486 = arith.select %eq3A_1483, %mul3A_1485, %broadcast_in_dim3A_4 : vector<16xi1>, vector<16xf32>
      %reduce_sum3A_1487 = arith.constant true
      %reduce_sum3A_1488 = vector.broadcast %reduce_sum3A_1487 : i1 to vector<16xi1>
      %reduce_sum3A_1489 = tpu.scan <sum>, %select_n3A_1486 masked %reduce_sum3A_1488 : vector<16xf32>, vector<16xi1> -> vector<16xf32>
      %reduce_sum3A_1490 = vector.extract %reduce_sum3A_1489[15] : f32 from vector<16xf32>
      %add3A_1491 = arith.addf %reduce_sum3A_590, %cond3A_1163 : f32
      %add3A_1492 = arith.addf %add3A_1491, %reduce_sum3A_1464 : f32
      %add3A_1493 = arith.addf %add3A_1492, %reduce_sum3A_1490 : f32
      %mul3A_1494 = arith.constant 3.390980e-04 : f32
      %mul3A_1495 = arith.mulf %add3A_1493, %mul3A_1494 : f32
      %broadcast_in_dim3A_1496 = vector.broadcast %mul3A_1495 : f32 to vector<16xf32>
      %swap3A = arith.constant 0 : index
      %swap3A_1497 = tpu.vector_load %arg8[%swap3A] {strides = array<i32>} : memref<16xf32, #tpu.memory_space<vmem>>, vector<16xf32>,
      tpu.vector_store %arg8[%swap3A], %broadcast_in_dim3A_1496 {strides = array<i32>} : memref<16xf32, #tpu.memory_space<vmem>>, vector<16xf32>,
      "tpu.region"() ({
        %run_scoped3A = tpu.sem_alloc : memref<!tpu.dma_semaphore, #tpu.memory_space<semaphore_mem>>
        %dma_start3A_1499 = arith.constant 0 : i32
        %dma_start3A_1500 = tpu.memref_slice %arg3[%add3A_17, %dma_start3A_1499] : memref<384x16xf32, #tpu.memory_space<hbm>> -> memref<1x16xf32, #tpu.memory_space<hbm>>
        %dma_start3A_1501 = tpu.memref_squeeze %dma_start3A_1500 : memref<1x16xf32, #tpu.memory_space<hbm>> -> memref<16xf32, #tpu.memory_space<hbm>>
        %dma_start3A_1502 = arith.constant 0 : i32
        %dma_start3A_1503 = tpu.memref_slice %arg3[%add3A_17, %dma_start3A_1502] : memref<384x16xf32, #tpu.memory_space<hbm>> -> memref<1x16xf32, #tpu.memory_space<hbm>>
        %dma_start3A_1504 = tpu.memref_squeeze %dma_start3A_1503 : memref<1x16xf32, #tpu.memory_space<hbm>> -> memref<16xf32, #tpu.memory_space<hbm>>
        tpu.enqueue_dma source(%arg8 : memref<16xf32, #tpu.memory_space<vmem>>) target(%dma_start3A_1504 : memref<16xf32, #tpu.memory_space<hbm>>) target_semaphore(%run_scoped3A : memref<!tpu.dma_semaphore, #tpu.memory_space<semaphore_mem>>)
        %dma_wait3A = arith.constant 0 : i32
        %dma_wait3A_1505 = tpu.memref_slice %arg3[%add3A_17, %dma_wait3A] : memref<384x16xf32, #tpu.memory_space<hbm>> -> memref<1x16xf32, #tpu.memory_space<hbm>>
        %dma_wait3A_1506 = tpu.memref_squeeze %dma_wait3A_1505 : memref<1x16xf32, #tpu.memory_space<hbm>> -> memref<16xf32, #tpu.memory_space<hbm>>
        %dma_wait3A_1507 = arith.constant 0 : i32
        %dma_wait3A_1508 = tpu.memref_slice %arg3[%add3A_17, %dma_wait3A_1507] : memref<384x16xf32, #tpu.memory_space<hbm>> -> memref<1x16xf32, #tpu.memory_space<hbm>>
        %dma_wait3A_1509 = tpu.memref_squeeze %dma_wait3A_1508 : memref<1x16xf32, #tpu.memory_space<hbm>> -> memref<16xf32, #tpu.memory_space<hbm>>
        tpu.wait_dma2 semaphore(%run_scoped3A : memref<!tpu.dma_semaphore, #tpu.memory_space<semaphore_mem>>) src(%arg8 : memref<16xf32, #tpu.memory_space<vmem>>) dst(%dma_wait3A_1509 : memref<16xf32, #tpu.memory_space<hbm>>)
        tpu.yield
      }) : () -> ()
      %scan3A_1498 = arith.constant 0 : i32
      scf.yield %scan3A_1498 : i32
    }
    %scan3A_12 = arith.constant 12 : i32
    return
  }
}

</mosaic_0001>

<sc_bundles>
// kernel: _sc_topk_mean.3.cloned.1.call-start
scs
__scs_entry_jumppad:
0x0: {  	(pc) =	sbr.rel $0x88, $3  }
0x1: {  	(tag) =	ssettag $0x0;
	lr =	simm.s32 $0x1  }
0x2: {  	[smem:$0x3FA0] =	sst lr;
	_ =	strace $0xD0000000  }
0x3: {  	_ = 	snop  }
0x4: {  	_ = 	snop  }
0x5: {  	_ = 	snop  }
0x6: {  	_ = 	snop  }
0x7: {  	_ = 	snop  }
__scs_overlays_trampoline_lowered:
0x8: {  	[smem:$0x3FAF] =	sst s0  }
0x9: {  	[smem:$0x3FB0] =	sst s1  }
0xa: {  	[smem:$0x3FB1] =	sst s2  }
0xb: {  	[smem:$0x3FB2] =	sst s3  }
0xc: {  	[smem:$0x3FB3] =	sst s4  }
0xd: {  	[smem:$0x3FB4] =	sst s5  }
0xe: {  	[smem:$0x3FB5] =	sst s6  }
0xf: {  	[smem:$0x3FB6] =	sst s7  }
0x10: {  	[smem:$0x3FB7] =	sst s8  }
0x11: {  	[smem:$0x3FB8] =	sst s9;
	s0 =	simm.s32 @!p0 $0x0  }
0x12: {  	s1 =	sld [smem:$0x3F9E];
	s0 =	simm.s32 @p0 $0x1  }
0x13: {  	[smem:$0x3FB9] =	sst s0;
	s0 =	simm.s32 @!p1 $0x0  }
0x14: {  	s2 =	sld [smem:$0x3F9D];
	s0 =	simm.s32 @p1 $0x1  }
0x15: {  	[smem:$0x3FBA] =	sst s0;
	s0 =	simm.s32 @!p2 $0x0  }
0x16: {  	s3 =	sld [smem:$0x3FDB];
	s0 =	simm.s32 @p2 $0x1  }
0x17: {  	s4 =	simm.s32 $0x1BF5;
	[smem:$0x3FBC] =	sst s0  }
0x18: {  	s0 =	sld [smem:$0x3F9F];
	_ =	swait.ge [sflag:s4], $0x0  }
0x19: {  	s7 =	sld [smem:$0x3FA0]  }
0x1a: {  	s8 =	sadd.s32 $0xFFFFE003, lr  }
0x1b: {  	s9 =	sadd.s32 $0xFFFFFEF7, lr;
	s5 =	simm.s32 $0xFFFFFFFF;
	p2 =	slt.u32 s8, $0xFFFFF086  }
0x1c: {  	p1 =	slt.u32 s9, $0xF7A;
	s5 =	simm.s32 @!p2 $0x0  }
0x1d: {  	s5 =	simm.s32 @p1 $0x1;
	p0 =	seq.s32 s7, s2  }
0x1e: {  	s7 =	smul.u32 @!p0 $0xF7A, s2;
	p2 =	seq.s32 @!p0 s5, $0x0  }
0x1f: {  	s9 =	smul.u32 $0xF7A, s1;
	s8 =	simm.s32 @!p0 $0x1BF5;
	p2 =	por !p2, p0  }
0x20: {  	[sflag:s8] =	ssyncset.s32 @!p0 $0xFFFFF086;
	s6 =	sadd.s32 @!p0 s3, s7;
	s7 =	simm.s32 @!p0 $0x108  }
0x21: {  	s3 =	sadd.s32 s3, s9;
	s6 =	sadd.s32 @!p0 $0x88, s6;
	s7 =	simm.s32 @p2 $0x1082  }
0x22: {  	[simem:s7], [sflag:s8] =	dma.local @!p0 [hbm:s6], $0xF7A  }
0x23: {  	s9 =	sor.u32 $0xD0000000, s2;
	s6 =	simm.s32 $0x108;
	_ =	swait.ge @!p0 [sflag:s8], $0x0  }
0x24: {  	s3 =	sadd.s32 $0x88, s3;
	s6 =	simm.s32 @!p1 $0x1082;
	[sflag:s4] =	ssyncset.s32 $0xFFFFF086  }
0x25: {  	[simem:s6], [sflag:s4] =	dma.local [hbm:s3], $0xF7A  }
0x26: {  	[smem:$0x3FA0] =	sst s1;
	(tag) =	ssettag s2;
	_ =	strace s9  }
0x27: {  	s1 =	sld [smem:$0x3FB0]  }
0x28: {  	s2 =	sld [smem:$0x3FB1]  }
0x29: {  	s4 =	sld [smem:$0x3FB3]  }
0x2a: {  	p0 =	seq.s32 s5, $0x0;
	s5 =	sld [smem:$0x3FB4]  }
0x2b: {  	s6 =	sld [smem:$0x3FB5]  }
0x2c: {  	s7 =	sld [smem:$0x3FB6]  }
0x2d: {  	s3 =	simm.s32 $0x108;
	s8 =	sld [smem:$0x3FB7]  }
0x2e: {  	s3 =	simm.s32 @!p0 $0x1082;
	s9 =	sld [smem:$0x3FB8]  }
0x2f: {  	lr =	sadd.s32 s0, s3;
	s0 =	sld [smem:$0x3FAF]  }
0x30: {  	s3 =	sld [smem:$0x3FB2]  }
0x31: {  	[smem:$0x3FBB] =	sst s10  }
0x32: {  	s10 =	sld [smem:$0x3FB9];
	_ =	sdelay $0x3  }
0x33: {  	p0 =	seq.s32 s10, $0x1;
	s10 =	sld [smem:$0x3FBB];
	_ =	sdelay $0x3  }
0x34: {  	[smem:$0x3FBB] =	sst s10  }
0x35: {  	s10 =	sld [smem:$0x3FBA];
	_ =	sdelay $0x3  }
0x36: {  	p1 =	seq.s32 s10, $0x1;
	s10 =	sld [smem:$0x3FBB];
	_ =	sdelay $0x3  }
0x37: {  	[smem:$0x3FBB] =	sst s10  }
0x38: {  	s10 =	sld [smem:$0x3FBC]  }
0x39: {  	_ = 	snop;
	(pc) =	sbr.ind lr, $3  }
0x3a: {  	_ = 	snop  }
0x3b: {  	_ = 	snop  }
0x3c: {  	p2 =	seq.s32 s10, $0x1;
	s10 =	sld [smem:$0x3FBB]  }
0x3d: {  	_ =	shalt  }
0x3e: {  	_ =	shalt  }
0x3f: {  	_ =	shalt  }
0x40: {  	_ =	shalt  }
0x41: {  	_ =	shalt  }
0x42: {  	_ =	shalt  }
0x43: {  	_ =	shalt  }
0x44: {  	_ =	shalt  }
0x45: {  	_ =	shalt  }
0x46: {  	_ =	shalt  }
0x47: {  	_ =	shalt  }
0x48: {  	_ =	shalt  }
0x49: {  	_ =	shalt  }
0x4a: {  	_ =	shalt  }
0x4b: {  	_ =	shalt  }
0x4c: {  	_ =	shalt  }
0x4d: {  	_ =	shalt  }
0x4e: {  	_ =	shalt  }
0x4f: {  	_ =	shalt  }
0x50: {  	_ =	shalt  }
0x51: {  	_ =	shalt  }
0x52: {  	_ =	shalt  }
0x53: {  	_ =	shalt  }
0x54: {  	_ =	shalt  }
0x55: {  	_ =	shalt  }
0x56: {  	_ =	shalt  }
0x57: {  	_ =	shalt  }
0x58: {  	_ =	shalt  }
0x59: {  	_ =	shalt  }
0x5a: {  	_ =	shalt  }
0x5b: {  	_ =	shalt  }
0x5c: {  	_ =	shalt  }
0x5d: {  	_ =	shalt  }
0x5e: {  	_ =	shalt  }
0x5f: {  	_ =	shalt  }
0x60: {  	_ =	shalt  }
0x61: {  	_ =	shalt  }
0x62: {  	_ =	shalt  }
0x63: {  	_ =	shalt  }
0x64: {  	_ =	shalt  }
0x65: {  	_ =	shalt  }
0x66: {  	_ =	shalt  }
0x67: {  	_ =	shalt  }
0x68: {  	_ =	shalt  }
0x69: {  	_ =	shalt  }
0x6a: {  	_ =	shalt  }
0x6b: {  	_ =	shalt  }
0x6c: {  	_ =	shalt  }
0x6d: {  	_ =	shalt  }
0x6e: {  	_ =	shalt  }
0x6f: {  	_ =	shalt  }
0x70: {  	_ =	shalt  }
0x71: {  	_ =	shalt  }
0x72: {  	_ =	shalt  }
0x73: {  	_ =	shalt  }
0x74: {  	_ =	shalt  }
0x75: {  	_ =	shalt  }
0x76: {  	_ =	shalt  }
0x77: {  	_ =	shalt  }
0x78: {  	_ =	shalt  }
0x79: {  	_ =	shalt  }
0x7a: {  	_ =	shalt  }
0x7b: {  	_ =	shalt  }
0x7c: {  	_ =	shalt  }
0x7d: {  	_ =	shalt  }
0x7e: {  	_ =	shalt  }
0x7f: {  	_ =	shalt  }
0x80: {  	_ =	shalt  }
0x81: {  	_ =	shalt  }
0x82: {  	_ =	shalt  }
0x83: {  	_ =	shalt  }
0x84: {  	_ =	shalt  }
0x85: {  	_ =	shalt  }
0x86: {  	_ =	shalt  }
0x87: {  	_ =	shalt  }
.Lfunc_end0:
.L_simem_size_0:
called_computation_lowered:
.L_overlay_start_0:
0x88: {  	s2 =	sld [smem:$0x3FD9]  }
0x89: {  	s3 =	sld [smem:$0x3FFE];
	_ =	sdelay $0x1  }
0x8a: {  	s1 =	srdreg.scid  }
0x8b: {  	s0 =	sand.u32 $0x1, s1  }
0x8c: {  	s17 =	sshll.u32 s0, $0xA;
	s2 =	sadd.s32 s3, s2  }
0x8d: {  	s2 =	sadd.s32 s2, s17  }
0x8e: {  	[smem:$0x3FC7] =	sst s2  }
0x8f: {  	_ = 	snop  }
0x90: {  	s2 =	sld [smem:$0x3FC9];
	(tm) =	ssettm $0x1  }
0x91: {  	s18 =	sld [smem:$0x3FFB];
	_ =	sdelay $0x3  }
0x92: {  	_ =	strace s18  }
0x93: {  	s3 =	sld [smem:$0x3FFC];
	_ =	sdelay $0x3  }
0x94: {  	_ =	strace s3  }
0x95: {  	s3 =	sld [smem:$0x3FFD];
	_ =	sdelay $0x3  }
0x96: {  	_ =	strace s3  }
0x97: {  	_ =	strace $0x8FFFFFFF  }
0x98: {  	s19 =	sld [smem:$0x3FDB];
	_ =	sdelay $0x1  }
0x99: {  	s4 =	simm.s32 $_scs_section_size  }
0x9a: {  	s5 =	simm.s32 $_size__tile_overlayer_lowered;
	s6 =	simm.s32 $_tile_overlayer_lowered  }
0x9b: {  	s22 =	simm.s32 $0x1BFF;
	s21 =	sshll.u32 s6, $0x1;
	s3 =	sadd.s32 s4, s19  }
0x9c: {  	s7 =	simm.s32 $0x0;
	s20 =	sshll.u32 s5, $0x1;
	s5 =	sadd.s32 s21, s3  }
0x9d: {  	[timem:s7], [sflag:s22] =	dma.local [hbm:s5], s20  }
0x9e: {  	_ =	swait.ge [sflag:s22], s20  }
0x9f: {  	s4 =	ssub.s32 $0x0, s20;
	[sflag:s22] =	ssyncset.done $0x0  }
0xa0: {  	[sflag:s22] =	ssyncadd.s32 s4;
	_ =	sdelay $0x1  }
0xa1: {  	s23 =	simm.s32 $0x1B8B  }
0xa2: {  	_ =	swait.ge [sflag:s23], $0x1  }
0xa3: {  	[sflag:s23] =	ssyncset.done $0x0  }
0xa4: {  	s25 =	simm.s32 $0x1B8E;
	s24 =	sld [smem:$0x3FFE];
	[sflag:s23] =	ssyncadd.s32 $0xFFFFFFFF  }
0xa5: {  	s26 =	simm.s32 $execute0_lowered;
	[smem:$0x3FD2] =	sst s25  }
0xa6: {  	s5 =	sshll.u32 s26, $0x1;
	_ =	strace $0x80000046;
	[dreg:$0x1] =	wrdreg $0xFFFFFFFF  }
0xa7: {  	s28 =	simm.s32 $_size_execute0_lowered;
	s3 =	sadd.s32 s3, s5;
	[dreg:$0x0] =	wrdreg $0x0  }
0xa8: {  	s5 =	sshll.u32 s28, $0x1;
	[dreg:$0x2] =	wrdreg s3  }
0xa9: {  	[dreg:$0x3] =	wrdreg s5  }
0xaa: {  	[dreg:$0x4] =	wrdreg $0xC0  }
0xab: {  	_ =	task [dreg:s7], $0x5FFFF  }
0xac: {  	[dreg:$0x1] =	wrdreg $0xFFFFFFFF  }
0xad: {  	[dreg:$0x0] =	wrdreg $0x60  }
0xae: {  	[dreg:$0x2] =	wrdreg s2  }
0xaf: {  	[dreg:$0x3] =	wrdreg s24  }
0xb0: {  	[dreg:$0x4] =	wrdreg $0x9  }
0xb1: {  	_ =	task.clear_ibuf [dreg:s7], $0x5FFFF;
	_ =	strace $0x90000046  }
0xb2: {  	s29 =	simm.s32 $0x9;
	_ =	strace $0x80000048  }
0xb3: {  	_ =	swait.ge [sflag:s29], $0x1  }
0xb4: {  	[sflag:s29] =	ssyncadd.s32 $0xFFFFFFFF  }
0xb5: {  	_ =	strace $0x90000048  }
0xb6: {  	_ =	sfence  }
0xb7: {  	s30 =	sld [smem:$0x0];
	_ =	sdelay $0x2  }
0xb8: {  	s31 =	sshll.u32 s1, $0xD;
	s1 =	sshrl.u32 s1, $0x2  }
0xb9: {  	s3 =	sand.u32 $0x4000, s31;
	s1 =	sadd.s32 s1, s30  }
0xba: {  	s0 =	sor.u32 s3, s0;
	s1 =	sshll.u32 s1, $0x11  }
0xbb: {  	s0 =	sor.u32 s1, s0  }
0xbc: {  	s0 =	sadd.s32 $0x8F2B, s0  }
0xbd: {  	[sflag:s0] =	ssyncadd.remote.s32 $0x1  }
0xbe: {  	_ =	sfence.sel $0xFFFF  }
0xbf: {  	[dreg:$0x0] =	wrdreg $0xFFFFFFFF;
	(pc) =	sbr.abs _section_cstart, $3  }
0xc0: {  	[dreg:$0x1] =	wrdreg $0xFFFFFFFF  }
0xc1: {  	_ =	task.clear_ibuf [dreg:s7], $0x2FFFF;
	_ =	strace $0x9FFFFFFF  }
0xc2: {  	(tm) =	ssettm $0x7FFFFFFF  }
0xc3: {  	_ =	shalt  }
tec
execute0_lowered:
.L_overlay_start_1:
0x0: {  	(tag) =	ssettag $0x1  }
0x1: {  	s1 =	rddreg [dreg:$0x0]  }
0x2: {  	s0 =	rddreg [dreg:$0x1];
	s3 =	simm.s32 $0x0;
	s2 =	srdreg.scid  }
0x3: {  	s4 =	stileid.u32;
	s8 =	simm.s32 $0x800;
	s9 =	simm.s32 $0x3800  }
0x4: {  	s10 =	simm.s32 $0x1;
	s11 =	simm.s32 $0x2;
	s2 =	sand.u32 $0x1, s2  }
0x5: {  	s12 =	simm.s32 $0x6800;
	s14 =	simm.s32 $0x3;
	s5 =	ssub.s32 $0x2, s2  }
0x6: {  	[smem:$0x7FF] =	sst s3;
	s6 =	sshll.u32 s4, $0x1;
	s31 =	sshrl.u32 s5, $0x1  }
0x7: {  	s4 =	sadd.s32 $0x400, s0;
	_ =	strace $0x80000047;
	s0 =	ssub.s32 s5, s31  }
0x8: {  	s2 =	sor.u32 s2, s6;
	s6 =	sadd.s32 $0x600, s1;
	s0 =	smax.u32 s0, $0x1  }
0x9: {  	v0 =	vimm.s32 $0x0;
	v1 =	vimm.s32 $0x1;
	v2 =	vlaneseq.u32;
	s5 =	smul.u32 $0xC, s2;
	s2 =	simm.s32 $0x0;
	[dreg:$0x3] =	wrdreg s0  }
.LBB2_1:
0xa: {  	[dreg:$0x4] =	wrdreg s2;
	s16 =	simm.s32 $0x0  }
.LBB2_2:
0xb: {  	s0 =	simm.s32 $0x40  }
0xc: {  	[tilespmem:s0+$0xFFFFFFC0] =	vst v0  }
0xd: {  	[tilespmem:s0+$0x30] =	vst v0  }
0xe: {  	[tilespmem:s0+$0x20] =	vst v0  }
0xf: {  	[tilespmem:s0+$0x10] =	vst v0  }
0x10: {  	[tilespmem:s0+$0x0] =	vst v0  }
0x11: {  	[tilespmem:s0+$0xFFFFFFF0] =	vst v0  }
0x12: {  	s2 =	simm.s32 $0x0;
	[tilespmem:s0+$0xFFFFFFE0] =	vst v0  }
.LBB2_3:
0x13: {  	s2 =	sadd.s32 $0x8, s2;
	[tilespmem:s0+$0xFFFFFFD0] =	vst v0;
	s0 =	sadd.s32 $0x80, s0  }
0x14: {  	[tilespmem:s0+$0xFFFFFFC0] =	vst v0;
	p0 =	slt.u32 s2, $0x78  }
0x15: {  	[tilespmem:s0+$0x30] =	vst v0  }
.Ltmp0:
0x16: {  	[tilespmem:s0+$0x20] =	vst v0;
	(pc) =	sbr.rel @p0 .LBB2_3-.Ltmp0, $4  }
0x17: {  	[tilespmem:s0+$0x10] =	vst v0  }
0x18: {  	[tilespmem:s0+$0x0] =	vst v0  }
0x19: {  	[tilespmem:s0+$0xFFFFFFF0] =	vst v0  }
0x1a: {  	[tilespmem:s0+$0xFFFFFFE0] =	vst v0  }
0x1b: {  	s17 =	sadd.s32 s5, s16  }
0x1c: {  	s2 =	smul.u32 $0x24000, s17;
	_ =	sdelay $0x1  }
0x1d: {  	s18 =	sshrl.u32 s2, $0x3  }
0x1e: {  	[tilespmem:s0+$0xFFFFFFD0] =	vst v0;
	s22 =	simm.s32 $0x0;
	s20 =	sadd.s32 s1, s18  }
0x1f: {  	[tilespmem:s8], [sflag:$0x1] =	stream.linear.gather [hbm4b:s20+s22], $0x3000, $0x38;
	[tilespmem:$0xE900] =	vst v63  }
0x20: {  	s19 =	sadd.s32 $0x9000, s2;
	s21 =	sadd.s32 s18, s6;
	s18 =	sadd.s32 $0x6000, s2  }
0x21: {  	[tilespmem:s9], [sflag:$0x2] =	stream.linear.gather [hbm4b:s21+s22], $0x3000, $0x38;
	[tilespmem:$0xE900] =	vst v63  }
.LBB2_5:
0x22: {  	_ =	swait.ge [sflag:s10], $0x3000  }
0x23: {  	[sflag:s10] =	ssyncset.done $0x0  }
0x24: {  	s0 =	simm.s32 $0x820;
	[sflag:s10] =	ssyncadd.s32 $0xFFFFD000  }
0x25: {  	v5 =	vld [tilespmem:s0+$0x10]  }
0x26: {  	v7 =	vld [tilespmem:s0+$0xFFFFFFF0];
	_ =	sdelay $0x1  }
0x27: {  	v8 =	vld [tilespmem:s0+$0x0]  }
0x28: {  	v9 =	vld [tilespmem:s0+$0xFFFFFFE0]  }
0x29: {  	v6 =	vshra.s32 v5, $0x1F  }
0x2a: {  	s31 =	simm.s32 $0x860;
	v10 =	vshra.s32 v7, $0x1F;
	v6 =	vor.u32 $0x80000000, v6  }
0x2b: {  	v12 =	vld [tilespmem:s31+$0x10];
	v10 =	vor.u32 $0x80000000, v10;
	v5 =	vxor.u32 v5, v6  }
0x2c: {  	v11 =	vshrl.u32 v5, $0x15;
	v5 =	vxor.u32 v7, v10  }
0x2d: {  	v6 =	vld [tilespmem:s31+$0xFFFFFFF0];
	v10 =	vshra.s32 v8, $0x1F;
	v13 =	vshrl.u32 v5, $0x15;
	v5 =	vshra.s32 v9, $0x1F  }
0x2e: {  	v7 =	vld [tilespmem:s31+$0x0];
	v10 =	vor.u32 $0x80000000, v10;
	v5 =	vor.u32 $0x80000000, v5  }
0x2f: {  	v8 =	vxor.u32 v8, v10;
	v10 =	vxor.u32 v9, v5;
	v9 =	vld [tilespmem:s31+$0xFFFFFFE0]  }
0x30: {  	v14 =	vshra.s32 v12, $0x1F  }
0x31: {  	v14 =	vor.u32 $0x80000000, v14  }
0x32: {  	v5 =	vshrl.u32 v8, $0x15;
	v8 =	vshrl.u32 v10, $0x15;
	v10 =	vshra.s32 v6, $0x1F;
	[tilespmem:v11+s3+$0x0] =	vst.idx.add.s32.msk $0xffff, v1  }
0x33: {  	s23 =	simm.s32 $0x8A0;
	s0 =	simm.s32 $0x4;
	v12 =	vxor.u32 v12, v14;
	v10 =	vor.u32 $0x80000000, v10;
	v11 =	vshra.s32 v7, $0x1F;
	[tilespmem:v13+s3+$0x0] =	vst.idx.add.s32.msk $0xffff, v1  }
.LBB2_6:
0x34: {  	v13 =	vld [tilespmem:s23+$0x10];
	s0 =	sadd.s32 $0x4, s0;
	v14 =	vshra.s32 v9, $0x1F;
	v11 =	vor.u32 $0x80000000, v11;
	v12 =	vshrl.u32 v12, $0x15  }
0x35: {  	v10 =	vxor.u32 v6, v10;
	p0 =	slt.u32 s0, $0x2FC;
	v14 =	vor.u32 $0x80000000, v14;
	v6 =	vld [tilespmem:s23+$0xFFFFFFF0];
	v11 =	vxor.u32 v7, v11  }
0x36: {  	v15 =	vshrl.u32 v10, $0x15;
	v7 =	vld [tilespmem:s23+$0x0];
	v14 =	vxor.u32 v9, v14;
	v10 =	vshrl.u32 v11, $0x15  }
.Ltmp1:
0x37: {  	v9 =	vld [tilespmem:s23+$0xFFFFFFE0];
	v11 =	vshrl.u32 v14, $0x15;
	(pc) =	sbr.rel @p0 .LBB2_6-.Ltmp1, $4  }
0x38: {  	[tilespmem:v8+s3+$0x0] =	vst.idx.add.s32.msk $0xffff, v1;
	v8 =	vmov v11  }
0x39: {  	v11 =	vshra.s32 v13, $0x1F;
	[tilespmem:v12+s3+$0x0] =	vst.idx.add.s32.msk $0xffff, v1  }
0x3a: {  	v12 =	vshra.s32 v6, $0x1F;
	v14 =	vor.u32 $0x80000000, v11;
	[tilespmem:v5+s3+$0x0] =	vst.idx.add.s32.msk $0xffff, v1;
	v5 =	vmov v10  }
0x3b: {  	s23 =	sadd.s32 $0x40, s23;
	v10 =	vor.u32 $0x80000000, v12;
	v11 =	vshra.s32 v7, $0x1F;
	v12 =	vxor.u32 v13, v14;
	[tilespmem:v15+s3+$0x0] =	vst.idx.add.s32.msk $0xffff, v1  }
0x3c: {  	v13 =	vshra.s32 v9, $0x1F  }
0x3d: {  	v12 =	vshrl.u32 v12, $0x15;
	v6 =	vxor.u32 v6, v10;
	v10 =	vor.u32 $0x80000000, v11  }
0x3e: {  	v13 =	vor.u32 $0x80000000, v13;
	v6 =	vshrl.u32 v6, $0x15;
	v7 =	vxor.u32 v7, v10  }
0x3f: {  	v9 =	vxor.u32 v9, v13;
	v7 =	vshrl.u32 v7, $0x15  }
0x40: {  	[tilespmem:v8+s3+$0x0] =	vst.idx.add.s32.msk $0xffff, v1;
	p0 =	seq.s32 s22, $0x5;
	v9 =	vshrl.u32 v9, $0x15  }
0x41: {  	[tilespmem:v5+s3+$0x0] =	vst.idx.add.s32.msk $0xffff, v1;
	s0 =	smul.u32 @!p0 $0x6000, s22  }
0x42: {  	[tilespmem:v12+s3+$0x0] =	vst.idx.add.s32.msk $0xffff, v1  }
0x43: {  	s0 =	sadd.s32 @!p0 s0, s18;
	[tilespmem:v6+s3+$0x0] =	vst.idx.add.s32.msk $0xffff, v1  }
0x44: {  	s0 =	sshrl.u32 @!p0 s0, $0x3;
	[tilespmem:v7+s3+$0x0] =	vst.idx.add.s32.msk $0xffff, v1  }
0x45: {  	s2 =	simm.s32 @!p0 $0x0;
	s23 =	simm.s32 @!p0 $0x800;
	s0 =	sadd.s32 @!p0 s1, s0;
	[tilespmem:v9+s3+$0x0] =	vst.idx.add.s32.msk $0xffff, v1  }
0x46: {  	[tilespmem:s23], [sflag:$0x1] =	stream.linear.gather @!p0 [hbm4b:s0+s2], $0x3000, $0x38;
	[tilespmem:$0xE900] =	vst v63  }
0x47: {  	_ =	swait.ge [sflag:s11], $0x3000  }
0x48: {  	[sflag:s11] =	ssyncset.done $0x0  }
0x49: {  	s30 =	simm.s32 $0x3820;
	[sflag:s11] =	ssyncadd.s32 $0xFFFFD000  }
0x4a: {  	v5 =	vld [tilespmem:s30+$0x10]  }
0x4b: {  	v6 =	vld [tilespmem:s30+$0xFFFFFFF0];
	_ =	sdelay $0x2  }
0x4c: {  	v8 =	vld [tilespmem:s30+$0xFFFFFFE0]  }
0x4d: {  	v7 =	vld [tilespmem:s30+$0x0]  }
0x4e: {  	v9 =	vshra.s32 v5, $0x1F;
	v10 =	vshra.s32 v6, $0x1F  }
0x4f: {  	s31 =	simm.s32 $0x3860;
	v9 =	vor.u32 $0x80000000, v9;
	v10 =	vor.u32 $0x80000000, v10  }
0x50: {  	v12 =	vld [tilespmem:s31+$0x10];
	v5 =	vxor.u32 v5, v9;
	v9 =	vxor.u32 v6, v10  }
0x51: {  	v11 =	vshrl.u32 v5, $0x15;
	v5 =	vld [tilespmem:s31+$0xFFFFFFF0];
	v13 =	vshrl.u32 v9, $0x15;
	v9 =	vshra.s32 v8, $0x1F  }
0x52: {  	v10 =	vshra.s32 v7, $0x1F;
	v6 =	vld [tilespmem:s31+$0x0];
	v9 =	vor.u32 $0x80000000, v9  }
0x53: {  	v10 =	vor.u32 $0x80000000, v10;
	v8 =	vxor.u32 v8, v9;
	v9 =	vld [tilespmem:s31+$0xFFFFFFE0]  }
0x54: {  	v7 =	vxor.u32 v7, v10  }
0x55: {  	v10 =	vshra.s32 v12, $0x1F;
	v7 =	vshrl.u32 v7, $0x15  }
0x56: {  	v14 =	vor.u32 $0x80000000, v10;
	v8 =	vshrl.u32 v8, $0x15;
	[tilespmem:v11+s3+$0x0] =	vst.idx.add.s32.msk $0xffff, v1;
	v11 =	vshra.s32 v5, $0x1F  }
0x57: {  	s0 =	simm.s32 $0x4;
	s23 =	simm.s32 $0x38A0;
	v12 =	vxor.u32 v12, v14;
	[tilespmem:v13+s3+$0x0] =	vst.idx.add.s32.msk $0xffff, v1;
	v10 =	vor.u32 $0x80000000, v11;
	v11 =	vshra.s32 v6, $0x1F  }
.LBB2_8:
0x58: {  	v13 =	vld [tilespmem:s23+$0x10];
	s0 =	sadd.s32 $0x4, s0;
	v14 =	vshra.s32 v9, $0x1F;
	v11 =	vor.u32 $0x80000000, v11;
	v12 =	vshrl.u32 v12, $0x15  }
0x59: {  	v10 =	vxor.u32 v5, v10;
	p1 =	slt.u32 s0, $0x2FC;
	v14 =	vor.u32 $0x80000000, v14;
	v5 =	vld [tilespmem:s23+$0xFFFFFFF0];
	v11 =	vxor.u32 v6, v11  }
0x5a: {  	v15 =	vshrl.u32 v10, $0x15;
	v6 =	vld [tilespmem:s23+$0x0];
	v14 =	vxor.u32 v9, v14;
	v10 =	vshrl.u32 v11, $0x15  }
.Ltmp2:
0x5b: {  	v9 =	vld [tilespmem:s23+$0xFFFFFFE0];
	v11 =	vshrl.u32 v14, $0x15;
	(pc) =	sbr.rel @p1 .LBB2_8-.Ltmp2, $4  }
0x5c: {  	[tilespmem:v8+s3+$0x0] =	vst.idx.add.s32.msk $0xffff, v1;
	v8 =	vmov v11  }
0x5d: {  	v11 =	vshra.s32 v13, $0x1F;
	[tilespmem:v12+s3+$0x0] =	vst.idx.add.s32.msk $0xffff, v1  }
0x5e: {  	v12 =	vshra.s32 v5, $0x1F;
	v14 =	vor.u32 $0x80000000, v11;
	[tilespmem:v7+s3+$0x0] =	vst.idx.add.s32.msk $0xffff, v1;
	v7 =	vmov v10  }
0x5f: {  	s23 =	sadd.s32 $0x40, s23;
	v10 =	vor.u32 $0x80000000, v12;
	v11 =	vshra.s32 v6, $0x1F;
	v12 =	vxor.u32 v13, v14;
	[tilespmem:v15+s3+$0x0] =	vst.idx.add.s32.msk $0xffff, v1  }
0x60: {  	v13 =	vshra.s32 v9, $0x1F  }
0x61: {  	v12 =	vshrl.u32 v12, $0x15;
	v5 =	vxor.u32 v5, v10;
	v62 =	vor.u32 $0x80000000, v11  }
0x62: {  	v13 =	vor.u32 $0x80000000, v13;
	v5 =	vshrl.u32 v5, $0x15;
	v6 =	vxor.u32 v6, v62  }
0x63: {  	v63 =	vxor.u32 v9, v13;
	v6 =	vshrl.u32 v6, $0x15  }
0x64: {  	[tilespmem:v8+s3+$0x0] =	vst.idx.add.s32.msk $0xffff, v1;
	v9 =	vshrl.u32 v63, $0x15  }
.Ltmp3:
0x65: {  	[tilespmem:v7+s3+$0x0] =	vst.idx.add.s32.msk $0xffff, v1;
	(pc) =	sbr.rel @p0 .LBB2_11-.Ltmp3, $4  }
0x66: {  	[tilespmem:v12+s3+$0x0] =	vst.idx.add.s32.msk $0xffff, v1  }
0x67: {  	[tilespmem:v5+s3+$0x0] =	vst.idx.add.s32.msk $0xffff, v1  }
0x68: {  	[tilespmem:v6+s3+$0x0] =	vst.idx.add.s32.msk $0xffff, v1  }
0x69: {  	[tilespmem:v9+s3+$0x0] =	vst.idx.add.s32.msk $0xffff, v1  }
0x6a: {  	s0 =	smul.u32 $0x6000, s22  }
.Ltmp4:
0x6b: {  	_ = 	snop;
	(pc) =	sbr.rel .LBB2_5-.Ltmp4, $4  }
0x6c: {  	s0 =	sadd.s32 s0, s19  }
0x6d: {  	s0 =	sshrl.u32 s0, $0x3  }
0x6e: {  	s22 =	sadd.s32 $0x1, s22;
	s0 =	sadd.s32 s1, s0  }
0x6f: {  	[tilespmem:s9], [sflag:$0x2] =	stream.linear.gather [hbm4b:s0+s3], $0x3000, $0x38;
	[tilespmem:$0xE900] =	vst v63  }
.LBB2_11:
0x70: {  	v5 =	vld [tilespmem:$0x700]  }
0x71: {  	v6 =	vld [tilespmem:$0x710]  }
0x72: {  	v7 =	vld [tilespmem:$0x720]  }
0x73: {  	v8 =	vld [tilespmem:$0x730]  }
0x74: {  	v9 =	vld [tilespmem:$0x740]  }
0x75: {  	v10 =	vld [tilespmem:$0x750]  }
0x76: {  	v11 =	vld [tilespmem:$0x760]  }
0x77: {  	v12 =	vld [tilespmem:$0x770]  }
0x78: {  	v13 =	vld [tilespmem:$0x780]  }
0x79: {  	v14 =	vld [tilespmem:$0x790]  }
0x7a: {  	v15 =	vld [tilespmem:$0x7A0]  }
0x7b: {  	v16 =	vld [tilespmem:$0x7B0]  }
0x7c: {  	v17 =	vld [tilespmem:$0x7C0]  }
0x7d: {  	v19 =	vld [tilespmem:$0x7D0]  }
0x7e: {  	v20 =	vld [tilespmem:$0x7E0]  }
0x7f: {  	v31 =	vld [tilespmem:$0x7F0]  }
0x80: {  	v21 =	vld [tilespmem:$0x600]  }
0x81: {  	v22 =	vld [tilespmem:$0x610]  }
0x82: {  	v23 =	vld [tilespmem:$0x620]  }
0x83: {  	v24 =	vld [tilespmem:$0x630]  }
0x84: {  	v25 =	vld [tilespmem:$0x640]  }
0x85: {  	v26 =	vld [tilespmem:$0x650]  }
0x86: {  	v27 =	vld [tilespmem:$0x660]  }
0x87: {  	v28 =	vld [tilespmem:$0x670]  }
0x88: {  	v30 =	vld [tilespmem:$0x680]  }
0x89: {  	v33 =	vld [tilespmem:$0x690]  }
0x8a: {  	v36 =	vld [tilespmem:$0x6A0]  }
0x8b: {  	v48 =	vld [tilespmem:$0x6B0]  }
0x8c: {  	v3 =	vld [tilespmem:$0x6C0]  }
0x8d: {  	v37 =	vld [tilespmem:$0x500]  }
0x8e: {  	v38 =	vld [tilespmem:$0x510]  }
0x8f: {  	v39 =	vld [tilespmem:$0x520]  }
0x90: {  	v40 =	vld [tilespmem:$0x530]  }
0x91: {  	v41 =	vld [tilespmem:$0x540]  }
0x92: {  	v42 =	vld [tilespmem:$0x550]  }
0x93: {  	v43 =	vld [tilespmem:$0x560]  }
0x94: {  	v44 =	vld [tilespmem:$0x570]  }
0x95: {  	v45 =	vld [tilespmem:$0x580]  }
0x96: {  	v47 =	vld [tilespmem:$0x590]  }
0x97: {  	v51 =	vld [tilespmem:$0x5A0]  }
0x98: {  	v53 =	vld [tilespmem:$0x400]  }
0x99: {  	v54 =	vld [tilespmem:$0x410]  }
0x9a: {  	v55 =	vld [tilespmem:$0x420]  }
0x9b: {  	v56 =	vld [tilespmem:$0x430]  }
0x9c: {  	v57 =	vld [tilespmem:$0x440]  }
0x9d: {  	v58 =	vld [tilespmem:$0x450]  }
0x9e: {  	v59 =	vld [tilespmem:$0x460]  }
0x9f: {  	v60 =	vld [tilespmem:$0x470]  }
0xa0: {  	v61 =	vld [tilespmem:$0x480]  }
0xa1: {  	v62 =	vld [tilespmem:$0x490]  }
0xa2: {  	v63 =	vld [tilespmem:$0x4A0]  }
0xa3: {  	v52 =	vld [tilespmem:$0x370]  }
0xa4: {  	v32 =	vld [tilespmem:$0x4B0]  }
0xa5: {  	v35 =	vld [tilespmem:$0x4C0]  }
0xa6: {  	v49 =	vld [tilespmem:$0x4D0]  }
0xa7: {  	[tilespmem:$0x1FED0] =	vst v3;
	v3 =	vld [tilespmem:$0x6D0]  }
0xa8: {  	[tilespmem:$0x1FF80] =	vst v52;
	v52 =	vld [tilespmem:$0x380]  }
0xa9: {  	v4 =	vld [tilespmem:$0x300]  }
0xaa: {  	v18 =	vld [tilespmem:$0x320]  }
0xab: {  	v29 =	vld [tilespmem:$0x330]  }
0xac: {  	[tilespmem:$0x1FEE0] =	vst v3;
	v3 =	vld [tilespmem:$0x6E0]  }
0xad: {  	[tilespmem:$0x1FF90] =	vst v52;
	v52 =	vld [tilespmem:$0x390]  }
0xae: {  	v34 =	vld [tilespmem:$0x340]  }
0xaf: {  	v46 =	vld [tilespmem:$0x350]  }
0xb0: {  	v50 =	vld [tilespmem:$0x360]  }
0xb1: {  	[tilespmem:$0x1FEF0] =	vst v3;
	v3 =	vld [tilespmem:$0x6F0]  }
0xb2: {  	[tilespmem:$0x1FFA0] =	vst v52;
	v52 =	vld [tilespmem:$0x3A0]  }
0xb3: {  	v5 =	vadd.s32 v5, v6;
	v6 =	vld [tilespmem:$0x3F0]  }
0xb4: {  	v5 =	vadd.s32 v7, v5;
	v7 =	vld [tilespmem:$0x200]  }
0xb5: {  	v5 =	vadd.s32 v8, v5;
	v8 =	vld [tilespmem:$0x210]  }
0xb6: {  	[tilespmem:$0x1FF00] =	vst v3;
	v3 =	vld [tilespmem:$0x5B0]  }
0xb7: {  	[tilespmem:$0x1FFB0] =	vst v52;
	v52 =	vld [tilespmem:$0x3B0]  }
0xb8: {  	v5 =	vadd.s32 v9, v5;
	v9 =	vld [tilespmem:$0x220]  }
0xb9: {  	v5 =	vadd.s32 v10, v5;
	v10 =	vld [tilespmem:$0x230]  }
0xba: {  	v5 =	vadd.s32 v11, v5;
	v11 =	vld [tilespmem:$0x240]  }
0xbb: {  	[tilespmem:$0x1FF10] =	vst v3;
	v3 =	vld [tilespmem:$0x5C0]  }
0xbc: {  	[tilespmem:$0x1FFC0] =	vst v52;
	v52 =	vld [tilespmem:$0x3C0]  }
0xbd: {  	v5 =	vadd.s32 v12, v5;
	v12 =	vld [tilespmem:$0x250]  }
0xbe: {  	v5 =	vadd.s32 v13, v5;
	v13 =	vld [tilespmem:$0x260]  }
0xbf: {  	v7 =	vadd.s32 v7, v8;
	v8 =	vld [tilespmem:$0x20]  }
0xc0: {  	[tilespmem:$0x1FF20] =	vst v3;
	v3 =	vld [tilespmem:$0x5D0]  }
0xc1: {  	v5 =	vadd.s32 v14, v5;
	[tilespmem:$0x1FFD0] =	vst v52;
	v52 =	vld [tilespmem:$0x3D0]  }
0xc2: {  	v14 =	vld [tilespmem:$0x270];
	v5 =	vadd.s32 v15, v5  }
0xc3: {  	v5 =	vadd.s32 v16, v5;
	v16 =	vld [tilespmem:$0x290]  }
0xc4: {  	v5 =	vadd.s32 v17, v5;
	v17 =	vld [tilespmem:$0x2A0]  }
0xc5: {  	[tilespmem:$0x1FF30] =	vst v3;
	v3 =	vld [tilespmem:$0x5E0]  }
0xc6: {  	[tilespmem:$0x1FFE0] =	vst v52;
	v52 =	vld [tilespmem:$0x3E0]  }
0xc7: {  	v5 =	vadd.s32 v19, v5;
	v19 =	vld [tilespmem:$0x2B0]  }
0xc8: {  	v5 =	vadd.s32 v20, v5;
	v20 =	vld [tilespmem:$0x2C0]  }
0xc9: {  	v5 =	vadd.s32 v31, v5;
	v31 =	vld [tilespmem:$0x130]  }
0xca: {  	[tilespmem:$0x1FF40] =	vst v3;
	v3 =	vld [tilespmem:$0x5F0]  }
0xcb: {  	[tilespmem:$0x1FFF0] =	vst v52;
	v52 =	vadd.s32 v21, v22;
	v21 =	vld [tilespmem:$0x280]  }
0xcc: {  	v15 =	vadd.s32 v23, v52;
	v23 =	vld [tilespmem:$0x2D0]  }
0xcd: {  	v52 =	vadd.s32 v37, v38;
	v37 =	vld [tilespmem:$0x160]  }
0xce: {  	(xrf0) =	vadd.scan.msk.s32 $0xffff, v5;
	v5 =	vld [tilespmem:$0x1FF40]  }
0xcf: {  	v54 =	vadd.s32 v53, v54;
	v53 =	vld [tilespmem:$0x1FFF0]  }
0xd0: {  	v15 =	vadd.s32 v24, v15;
	v24 =	vadd.s32 v55, v54;
	v55 =	vld [tilespmem:$0x1FED0]  }
0xd1: {  	v22 =	vadd.s32 v39, v52;
	v52 =	vld [tilespmem:$0x30]  }
0xd2: {  	v54 =	vld [tilespmem:$0x40]  }
0xd3: {  	v15 =	vadd.s32 v25, v15;
	v25 =	vld [tilespmem:$0x2E0]  }
0xd4: {  	v24 =	vadd.s32 v56, v24;
	v56 =	vld [tilespmem:$0x1FEE0]  }
0xd5: {  	v22 =	vadd.s32 v40, v22;
	v40 =	vld [tilespmem:$0x1FF90]  }
0xd6: {  	v15 =	vadd.s32 v26, v15;
	v26 =	vld [tilespmem:$0x2F0]  }
0xd7: {  	v24 =	vadd.s32 v57, v24;
	v57 =	vld [tilespmem:$0x1FEF0]  }
0xd8: {  	v22 =	vadd.s32 v41, v22;
	v41 =	vld [tilespmem:$0x1FFA0]  }
0xd9: {  	[tilespmem:$0x1FF50] =	vst v3;
	v3 =	vld [tilespmem:$0x4E0]  }
0xda: {  	v15 =	vadd.s32 v27, v15;
	v22 =	vadd.s32 v42, v22;
	v24 =	vadd.s32 v58, v24;
	v58 =	vld [tilespmem:$0x1FF00]  }
0xdb: {  	v15 =	vadd.s32 v28, v15;
	v22 =	vadd.s32 v43, v22;
	v24 =	vadd.s32 v59, v24;
	v59 =	vld [tilespmem:$0x1FF10]  }
0xdc: {  	v15 =	vadd.s32 v30, v15;
	v22 =	vadd.s32 v44, v22;
	v24 =	vadd.s32 v60, v24;
	v60 =	vld [tilespmem:$0x1FF20]  }
0xdd: {  	v15 =	vadd.s32 v33, v15;
	v22 =	vadd.s32 v45, v22;
	v24 =	vadd.s32 v61, v24;
	v61 =	vld [tilespmem:$0x1FF30]  }
0xde: {  	v38 =	vld [tilespmem:$0x1FF50];
	v15 =	vadd.s32 v36, v15;
	v22 =	vadd.s32 v47, v22  }
0xdf: {  	[tilespmem:$0x1FF60] =	vst v3;
	v3 =	vld [tilespmem:$0x4F0];
	v15 =	vadd.s32 v48, v15;
	v22 =	vadd.s32 v51, v22  }
0xe0: {  	v27 =	vld [tilespmem:$0x100];
	v15 =	vadd.s32 v55, v15;
	v22 =	vadd.s32 v59, v22  }
0xe1: {  	v28 =	vld [tilespmem:$0x110];
	v15 =	vadd.s32 v56, v15;
	v22 =	vadd.s32 v60, v22  }
0xe2: {  	v43 =	vld [tilespmem:$0x1FFB0];
	v15 =	vadd.s32 v57, v15;
	v22 =	vadd.s32 v61, v22  }
0xe3: {  	v39 =	vld [tilespmem:$0x1FF60];
	v15 =	vadd.s32 v58, v15;
	v5 =	vadd.s32 v5, v22  }
0xe4: {  	v24 =	vadd.s32 v62, v24;
	[tilespmem:$0x1FF70] =	vst v3;
	v3 =	vld [tilespmem:$0x310];
	(xrf0) =	vadd.scan.msk.s32 $0xffff, v15;
	v5 =	vadd.s32 v38, v5  }
0xe5: {  	v24 =	vadd.s32 v63, v24;
	(xrf0) =	vadd.scan.msk.s32 $0xffff, v5;
	v5 =	vld [tilespmem:$0x1FF70]  }
0xe6: {  	v30 =	vld [tilespmem:$0x120];
	v24 =	vadd.s32 v32, v24  }
0xe7: {  	v44 =	vld [tilespmem:$0x0];
	v24 =	vadd.s32 v35, v24  }
0xe8: {  	v33 =	vld [tilespmem:$0x140];
	v62 =	vadd.s32 v49, v24  }
0xe9: {  	v36 =	vld [tilespmem:$0x150];
	v15 =	vadd.s32 v39, v62  }
0xea: {  	v47 =	vld [tilespmem:$0x10];
	v3 =	vadd.s32 v4, v3;
	v5 =	vadd.s32 v5, v15  }
0xeb: {  	v3 =	vadd.s32 v18, v3;
	(xrf0) =	vadd.scan.msk.s32 $0xffff, v5;
	v5 =	vld [tilespmem:$0x1FF80]  }
0xec: {  	v63 =	vld [tilespmem:$0x1A0];
	v3 =	vadd.s32 v29, v3  }
0xed: {  	v48 =	vld [tilespmem:$0x1FFD0];
	v3 =	vadd.s32 v34, v3  }
0xee: {  	v32 =	vld [tilespmem:$0x1E0];
	v3 =	vadd.s32 v46, v3  }
0xef: {  	v46 =	vld [tilespmem:$0x1FFC0];
	v3 =	vadd.s32 v50, v3  }
0xf0: {  	v55 =	vld [tilespmem:$0x50];
	v3 =	vadd.s32 v5, v3  }
0xf1: {  	v50 =	vld [tilespmem:$0x1FFE0];
	v3 =	vadd.s32 v40, v3  }
0xf2: {  	v59 =	vld [tilespmem:$0x80];
	v3 =	vadd.s32 v41, v3  }
0xf3: {  	v60 =	vld [tilespmem:$0x90];
	v3 =	vadd.s32 v43, v3  }
0xf4: {  	v57 =	vld [tilespmem:$0x60];
	v3 =	vadd.s32 v46, v3  }
0xf5: {  	v7 =	vadd.s32 v9, v7;
	v61 =	vld [tilespmem:$0xC0];
	v3 =	vadd.s32 v48, v3  }
0xf6: {  	v7 =	vadd.s32 v10, v7;
	v42, _, _ =	vpop (xrf0);
	v22 =	vld [tilespmem:$0x1B0];
	v56 =	vadd.s32 v44, v47;
	v3 =	vadd.s32 v50, v3  }
0xf7: {  	(v2sf) =	vpush v42, $0xF;
	v58 =	vld [tilespmem:$0x70];
	v8 =	vadd.s32 v8, v56;
	v3 =	vadd.s32 v53, v3  }
0xf8: {  	v62 =	vld [tilespmem:$0xD0];
	v3 =	vadd.s32 v6, v3;
	v6 =	vadd.s32 v11, v7;
	v7 =	vadd.s32 v27, v28  }
0xf9: {  	v8 =	vadd.s32 v52, v8;
	v4 =	vld [tilespmem:$0x170];
	v6 =	vadd.s32 v12, v6;
	v7 =	vadd.s32 v30, v7  }
0xfa: {  	v8 =	vadd.s32 v54, v8;
	v18 =	vld [tilespmem:$0x180];
	v45, _, _ =	vpop (xrf0);
	v6 =	vadd.s32 v13, v6;
	v7 =	vadd.s32 v31, v7  }
0xfb: {  	v29 =	vld [tilespmem:$0x190];
	(v2sf) =	vpush v45, $0xF;
	v49, _, _ =	vpop (xrf0);
	v6 =	vadd.s32 v14, v6;
	v7 =	vadd.s32 v33, v7  }
0xfc: {  	v15 =	vld [tilespmem:$0x1C0];
	(v2sf) =	vpush v49, $0xF;
	v6 =	vadd.s32 v21, v6;
	v7 =	vadd.s32 v36, v7  }
0xfd: {  	(xrf0) =	vadd.scan.msk.s32 $0xffff, v3;
	v3 =	vadd.s32 v16, v6;
	v6 =	vadd.s32 v37, v7;
	v7 =	vadd.s32 v55, v8;
	v8 =	vld [tilespmem:$0xA0]  }
0xfe: {  	v3 =	vadd.s32 v17, v3;
	v4 =	vadd.s32 v4, v6;
	v6 =	vadd.s32 v57, v7;
	v7 =	vld [tilespmem:$0xB0]  }
0xff: {  	v5 =	vld [tilespmem:$0x1D0];
	v3 =	vadd.s32 v19, v3;
	v4 =	vadd.s32 v18, v4;
	v6 =	vadd.s32 v58, v6  }
0x100: {  	v34 =	vld [tilespmem:$0x1F0];
	v3 =	vadd.s32 v20, v3;
	v4 =	vadd.s32 v29, v4;
	v6 =	vadd.s32 v59, v6  }
0x101: {  	v3 =	vadd.s32 v23, v3;
	v4 =	vadd.s32 v63, v4;
	v6 =	vadd.s32 v60, v6;
	v63 =	vld [tilespmem:$0xE0]  }
0x102: {  	v3 =	vadd.s32 v25, v3;
	v4 =	vadd.s32 v22, v4;
	v6 =	vadd.s32 v8, v6;
	v8 =	vld [tilespmem:$0xF0]  }
0x103: {  	v3 =	vadd.s32 v26, v3;
	v4 =	vadd.s32 v15, v4;
	v6 =	vadd.s32 v7, v6  }
0x104: {  	(xrf0) =	vadd.scan.msk.s32 $0xffff, v3;
	v3 =	vadd.s32 v5, v4;
	v4 =	vadd.s32 v61, v6  }
0x105: {  	v3 =	vadd.s32 v32, v3;
	v4 =	vadd.s32 v62, v4  }
0x106: {  	v51, _, _ =	vpop (xrf0);
	v3 =	vadd.s32 v34, v3;
	v4 =	vadd.s32 v63, v4  }
0x107: {  	(v2sf) =	vpush v51, $0xF;
	v7, _, _ =	vpop (xrf0);
	(xrf0) =	vadd.scan.msk.s32 $0xffff, v3;
	v3 =	vadd.s32 v8, v4  }
0x108: {  	(v2sf) =	vpush v7, $0xF;
	(xrf0) =	vadd.scan.msk.s32 $0xffff, v3;
	_ =	sdelay $0x2  }
0x109: {  	v3, _, _ =	vpop (xrf0)  }
0x10a: {  	(v2sf) =	vpush v3, $0xF  }
0x10b: {  	v3, _, _ =	vpop (xrf0)  }
0x10c: {  	(v2sf) =	vpush v3, $0xF;
	v3, _, _ =	vpop (xrf0)  }
0x10d: {  	s23 =	spop (v2sf);
	(v2sf) =	vpush v3, $0xF;
	_ =	sdelay $0x1  }
0x10e: {  	s22 =	simm.s32 $0x70;
	p0 =	slt.s32 s23, $0xB85;
	s0 =	spop (v2sf)  }
0x10f: {  	p2 =	sgt.s32 s23, $0xB84;
	s2 =	spop (v2sf);
	s24 =	sadd.s32 s23, s0  }
0x110: {  	s22 =	simm.s32 @!p2 $0x0;
	p1 =	sgt.s32 s24, $0xB84;
	s2 =	sadd.s32 s24, s2  }
0x111: {  	p2 =	slt.s32 s24, $0xB85;
	p0 =	por !p0, !p1;
	p3 =	sgt.s32 s2, $0xB84  }
0x112: {  	p4 =	slt.s32 s2, $0xB85;
	p0 =	por !p0, !p0;
	p1 =	por !p2, !p3  }
0x113: {  	s7 =	simm.s32 @!p0 $0x0;
	s22 =	simm.s32 @p0 $0x60;
	s25 =	spop (v2sf)  }
0x114: {  	p1 =	por !p1, !p1;
	s25 =	sadd.s32 s2, s25;
	s29 =	spop (v2sf)  }
0x115: {  	s7 =	simm.s32 @p0 $0x1;
	p3 =	sgt.s32 s25, $0xB84;
	s0 =	sadd.s32 s25, s29  }
0x116: {  	p5 =	slt.s32 s25, $0xB85;
	p2 =	por !p4, !p3;
	p4 =	sgt.s32 s0, $0xB84  }
0x117: {  	s22 =	simm.s32 @p1 $0x50;
	p2 =	por !p2, !p2;
	p3 =	por !p5, !p4  }
0x118: {  	s22 =	simm.s32 @p2 $0x40;
	p3 =	por !p3, !p3;
	s26 =	spop (v2sf)  }
0x119: {  	p6 =	slt.s32 s0, $0xB85;
	s22 =	simm.s32 @p3 $0x30;
	s26 =	sadd.s32 s0, s26  }
0x11a: {  	p5 =	sgt.s32 s26, $0xB84;
	p0 =	slt.s32 s26, $0xB85;
	s28 =	spop (v2sf)  }
0x11b: {  	p4 =	por !p6, !p5;
	s28 =	sadd.s32 s26, s28;
	s29 =	spop (v2sf)  }
0x11c: {  	p4 =	por !p4, !p4;
	p6 =	sgt.s32 s28, $0xB84;
	s29 =	sadd.s32 s28, s29  }
0x11d: {  	p5 =	por !p0, !p6;
	p6 =	slt.s32 s28, $0xB85;
	p0 =	sgt.s32 s29, $0xB84  }
0x11e: {  	s22 =	simm.s32 @p4 $0x20;
	p0 =	por !p6, !p0;
	p5 =	por !p5, !p5  }
0x11f: {  	s22 =	simm.s32 @p5 $0x10;
	p6 =	por !p0, !p0  }
0x120: {  	s22 =	simm.s32 @p6 $0x0  }
0x121: {  	s30 =	sshll.u32 s22, $0x6  }
0x122: {  	s29 =	sshra.s32 s30, $0x2  }
0x123: {  	v5 =	vmov s29;
	_ =	sdelay $0x3  }
0x124: {  	s31 =	simm.s32 $0xF0  }
0x125: {  	v3 =	vld.idx.msk [tilespmem:v5+s31+$0x0 ss:$0x1], $0xffff;
	_ =	sdelay $0x4  }
0x126: {  	(xrf0) =	vadd.scan.msk.s32 $0xffff, v3;
	_ =	sdelay $0x5  }
0x127: {  	[smem:$0x7FD] =	sst s7;
	s7 =	simm.s32 $0xE0;
	v3, _, _ =	vpop (xrf0)  }
0x128: {  	(v2sf) =	vpush v3, $0xF;
	v3 =	vld.idx.msk [tilespmem:v5+s7+$0x0 ss:$0x1], $0xffff;
	_ =	sdelay $0x2  }
0x129: {  	s13 =	simm.s32 $0xD0  }
0x12a: {  	s15 =	simm.s32 $0xC0;
	v4 =	vld.idx.msk [tilespmem:v5+s13+$0x0 ss:$0x1], $0xffff  }
0x12b: {  	v6 =	vld.idx.msk [tilespmem:v5+s15+$0x0 ss:$0x1], $0xffff;
	(xrf0) =	vadd.scan.msk.s32 $0xffff, v3;
	_ =	sdelay $0x3  }
0x12c: {  	(xrf0) =	vadd.scan.msk.s32 $0xffff, v4  }
0x12d: {  	(xrf0) =	vadd.scan.msk.s32 $0xffff, v6  }
0x12e: {  	s7 =	sld [smem:$0x7FD];
	v4, _, _ =	vpop (xrf0)  }
0x12f: {  	(v2sf) =	vpush v4, $0xF;
	_ =	sdelay $0x1  }
0x130: {  	p0 =	seq.s32 s7, $0x1  }
0x131: {  	s23 =	simm.s32 @!p0 $0x0;
	v4, _, _ =	vpop (xrf0)  }
0x132: {  	s23 =	smov.u32 @p1 s24;
	(v2sf) =	vpush v4, $0xF;
	v4, _, _ =	vpop (xrf0)  }
0x133: {  	s29 =	simm.s32 $0xB0;
	s23 =	smov.u32 @p2 s2;
	s30 =	spop (v2sf);
	(v2sf) =	vpush v4, $0xF  }
0x134: {  	v3 =	vld.idx.msk [tilespmem:v5+s29+$0x0 ss:$0x1], $0xffff;
	s23 =	smov.u32 @p3 s25  }
0x135: {  	s23 =	smov.u32 @p4 s0  }
0x136: {  	s23 =	smov.u32 @p5 s26  }
0x137: {  	s23 =	smov.u32 @p6 s28  }
0x138: {  	s26 =	sadd.s32 s23, s30  }
0x139: {  	s31 =	simm.s32 $0xA0;
	p5 =	slt.s32 s23, $0xB85;
	(xrf0) =	vadd.scan.msk.s32 $0xffff, v3;
	p6 =	sgt.s32 s26, $0xB84  }
0x13a: {  	s24 =	simm.s32 $0x0;
	s25 =	sadd.s32 $0xF, s22;
	v6 =	vld.idx.msk [tilespmem:v5+s31+$0x0 ss:$0x1], $0xffff;
	p0 =	por !p5, !p6  }
0x13b: {  	s22 =	simm.s32 $0x0;
	s0 =	simm.s32 $0x240;
	p0 =	por !p0, !p0  }
0x13c: {  	s24 =	smov.u32 @p0 s25;
	s22 =	smov.u32 @p0 s23;
	s23 =	smov.u32 s26  }
.LBB2_12:
0x13d: {  	s2 =	sshra.s32 s0, $0x2;
	s28 =	spop (v2sf);
	p0 =	sne.s32 s0, $0x0  }
.Ltmp5:
0x13e: {  	s0 =	sadd.s32 $0xFFFFFFC0, s0;
	s26 =	sadd.s32 s26, s28;
	(pc) =	sbr.rel @p0 .LBB2_12-.Ltmp5, $4  }
0x13f: {  	p1 =	slt.s32 s23, $0xB85;
	(xrf0) =	vadd.scan.msk.s32 $0xffff, v6;
	v6 =	vld.idx.msk [tilespmem:v5+s2+$0x0 ss:$0x1], $0xffff;
	v3, _, _ =	vpop (xrf0);
	p2 =	sgt.s32 s26, $0xB84  }
0x140: {  	(v2sf) =	vpush v3, $0xF;
	p1 =	por !p1, !p2  }
0x141: {  	s25 =	sadd.s32 $0xFFFFFFFF, s25;
	p1 =	por !p1, !p1  }
0x142: {  	s24 =	smov.u32 @p1 s25;
	s22 =	smov.u32 @p1 s23;
	s23 =	smov.u32 s26  }
0x143: {  	_ = 	snop  }
0x144: {  	(xrf0) =	vadd.scan.msk.s32 $0xffff, v6;
	_ =	sdelay $0x4  }
0x145: {  	v3, _, _ =	vpop (xrf0)  }
0x146: {  	(v2sf) =	vpush v3, $0xF;
	v3, _, _ =	vpop (xrf0)  }
0x147: {  	(v2sf) =	vpush v3, $0xF;
	_ =	sdelay $0x8  }
0x148: {  	s0 =	spop (v2sf)  }
0x149: {  	s2 =	spop (v2sf);
	s0 =	sadd.s32 s26, s0  }
0x14a: {  	p1 =	slt.s32 s23, $0xB85;
	s2 =	sadd.s32 s0, s2;
	p2 =	sgt.s32 s0, $0xB84  }
0x14b: {  	p3 =	slt.s32 s0, $0xB85;
	p4 =	sgt.s32 s2, $0xB84;
	s30 =	spop (v2sf)  }
0x14c: {  	p1 =	por !p1, !p2;
	p2 =	por !p3, !p4;
	s26 =	sadd.s32 s2, s30  }
0x14d: {  	p3 =	slt.s32 s2, $0xB85;
	p4 =	sgt.s32 s26, $0xB84;
	s28 =	spop (v2sf)  }
0x14e: {  	p5 =	slt.s32 s26, $0xB85;
	s28 =	sadd.s32 s26, s28;
	s29 =	spop (v2sf)  }
0x14f: {  	p3 =	por !p3, !p4;
	p6 =	sgt.s32 s28, $0xB84;
	s29 =	sadd.s32 s28, s29  }
0x150: {  	p4 =	por !p5, !p6;
	p6 =	slt.s32 s28, $0xB85;
	p0 =	sgt.s32 s29, $0xB84  }
0x151: {  	s25 =	sadd.s32 $0xFFFFFFFF, s25;
	p5 =	por !p6, !p0;
	p0 =	por !p1, !p1  }
0x152: {  	p1 =	por !p2, !p2;
	s24 =	smov.u32 @p0 s25;
	s25 =	sadd.s32 $0xFFFFFFFF, s25  }
0x153: {  	p2 =	por !p3, !p3;
	s24 =	smov.u32 @p1 s25;
	s25 =	sadd.s32 $0xFFFFFFFF, s25  }
0x154: {  	p3 =	por !p4, !p4;
	s24 =	smov.u32 @p2 s25;
	s25 =	sadd.s32 $0xFFFFFFFF, s25  }
0x155: {  	p4 =	por !p5, !p5;
	s24 =	smov.u32 @p3 s25;
	s25 =	sadd.s32 $0xFFFFFFFF, s25  }
0x156: {  	s24 =	smov.u32 @p4 s25  }
0x157: {  	s24 =	sshll.u32 s24, $0x4  }
0x158: {  	v7 =	vld [tilespmem:s24+$0x0];
	_ =	sdelay $0x4  }
0x159: {  	(xrf0) =	vadd.scan.msk.s32 $0xffff, v7;
	_ =	sdelay $0x4  }
0x15a: {  	s22 =	smov.u32 @p0 s23  }
0x15b: {  	s22 =	smov.u32 @p1 s0;
	v3, _, _ =	vpop (xrf0)  }
0x15c: {  	s22 =	smov.u32 @p2 s2;
	v4 =	vbroadcast v3, $0xF  }
0x15d: {  	s22 =	smov.u32 @p3 s26  }
0x15e: {  	s22 =	smov.u32 @p4 s28;
	v3 =	vsub.s32 v4, v3  }
0x15f: {  	v6 =	vadd.s32 s22, v3  }
0x160: {  	v3 =	vadd.s32 v7, v6  }
0x161: {  	vm0 =	vlt.s32 v6, $0xB85;
	vm1 =	vgt.s32 v3, $0xB84  }
0x162: {  	vm0 =	vmand vm0, vm1  }
0x163: {  	v3 =	vnsel vm0, $0x0, v2  }
0x164: {  	(xrf0) =	vadd.scan.msk.s32 $0xffff, v3;
	_ =	sdelay $0x5  }
0x165: {  	v3, _, _ =	vpop (xrf0)  }
0x166: {  	(v2sf) =	vpush v3, $0xF;
	_ =	sdelay $0xc  }
0x167: {  	s22 =	simm.s32 $0x0  }
0x168: {  	[tilespmem:s8], [sflag:$0x1] =	stream.linear.gather [hbm4b:s20+s22], $0x3000, $0x38;
	[tilespmem:$0xE900] =	vst v63  }
0x169: {  	s31 =	spop (v2sf)  }
0x16a: {  	s24 =	sadd.s32 s24, s31  }
0x16b: {  	v14 =	vimm.s32 $0x0;
	v9 =	vimm.f32 $0.0e+00;
	[tilespmem:s9], [sflag:$0x2] =	stream.linear.gather [hbm4b:s21+s22], $0x3000, $0x38;
	v5 =	vmov s24;
	[tilespmem:$0xE900] =	vst v63  }
.LBB2_14:
0x16c: {  	_ =	swait.ge [sflag:s10], $0x3000  }
0x16d: {  	[sflag:s10] =	ssyncset.done $0x0  }
0x16e: {  	s0 =	simm.s32 $0x820;
	[sflag:s10] =	ssyncadd.s32 $0xFFFFD000  }
0x16f: {  	v3 =	vld [tilespmem:s0+$0xFFFFFFF0]  }
0x170: {  	v4 =	vld [tilespmem:s0+$0x10]  }
0x171: {  	v8 =	vld [tilespmem:s0+$0x0]  }
0x172: {  	v15 =	vld [tilespmem:s0+$0xFFFFFFE0];
	_ =	sdelay $0x3  }
0x173: {  	v10 =	vshra.s32 v3, $0x1F;
	v11 =	vshra.s32 v4, $0x1F  }
0x174: {  	v12 =	vshra.s32 v8, $0x1F;
	v13 =	vshra.s32 v15, $0x1F;
	v10 =	vor.u32 $0x80000000, v10  }
0x175: {  	v11 =	vor.u32 $0x80000000, v11;
	v12 =	vor.u32 $0x80000000, v12;
	v10 =	vxor.u32 v3, v10  }
0x176: {  	v11 =	vxor.u32 v4, v11;
	v12 =	vxor.u32 v8, v12;
	v10 =	vshrl.u32 v10, $0x15  }
0x177: {  	vm6 =	veq.s32 v10, v5;
	vm2 =	vgt.u32 v10, v5;
	v10 =	vshrl.u32 v12, $0x15  }
0x178: {  	v11 =	vshrl.u32 v11, $0x15;
	v12 =	vor.u32 $0x80000000, v13;
	vm1 =	veq.s32 v10, v5  }
0x179: {  	vm8 =	veq.s32 v11, v5;
	v12 =	vxor.u32 v15, v12;
	v16 =	vsel vm1, $0x1, v0  }
0x17a: {  	v13 =	vsel vm6, $0x1, v0;
	v17 =	vsel vm6, $0xFFFFFFFF, v0;
	v12 =	vshrl.u32 v12, $0x15;
	(xrf0) =	vadd.scan.msk.s32 $0xffff, v16  }
0x17b: {  	v18 =	vmpcnt.ones.xlane vm6;
	vm3 =	vgt.u32 v12, v5;
	vm7 =	veq.s32 v12, v5  }
0x17c: {  	v20 =	vsel vm8, $0x1, v0;
	v16 =	vnsel vm3, $0x0, v15;
	v19 =	vmpcnt.ones.xlane vm7  }
0x17d: {  	v12 =	vmpcnt.ones.xlane vm8;
	(xrf0) =	vadd.scan.msk.s32 $0xffff, v13;
	v9 =	vadd.f32 v16, v9;
	v16 =	vnsel vm2, $0x0, v3  }
0x17e: {  	v13 =	vmpcnt.ones.xlane vm1;
	v21 =	vsel vm7, $0x1, v0;
	(xrf0) =	vadd.scan.msk.s32 $0xffff, v20;
	v19 =	vadd.s32 v14, v19  }
0x17f: {  	v20 =	vsel vm8, $0xFFFFFFFF, v0;
	(xrf0) =	vadd.scan.msk.s32 $0xffff, v21;
	v21 =	vsel vm1, $0xFFFFFFFF, v0;
	v18 =	vadd.s32 v19, v18  }
0x180: {  	v17 =	vadd.s32 v17, v19;
	v9 =	vadd.f32 v16, v9;
	v19 =	vadd.s32 v21, v18;
	v16, _, _ =	vpop (xrf0)  }
0x181: {  	s31 =	simm.s32 $0x860;
	vm2 =	vgt.u32 v10, v5;
	v13 =	vadd.s32 v18, v13;
	v18 =	vadd.s32 v16, v19  }
0x182: {  	v10 =	vld [tilespmem:s31+$0xFFFFFFF0];
	v16 =	vnsel vm2, $0x0, v8;
	v19 =	vadd.s32 v20, v13;
	vm2 =	vgt.u32 v11, v5  }
0x183: {  	v11, _, _ =	vpop (xrf0);
	v13 =	vadd.s32 v13, v12;
	v20 =	vsel vm7, $0xFFFFFFFF, v0;
	v12 =	vld [tilespmem:s31+$0x0];
	v16 =	vadd.f32 v16, v9  }
0x184: {  	v9 =	vld [tilespmem:s31+$0x10];
	v17 =	vadd.s32 v11, v17;
	v11, _, _ =	vpop (xrf0);
	v21 =	vnsel vm2, $0x0, v4;
	v14 =	vadd.s32 v20, v14  }
0x185: {  	vm9 =	vlt.s32 v18, $0x8000;
	v19 =	vadd.s32 v11, v19;
	v11, _, _ =	vpop (xrf0);
	vm2 =	vlt.s32 v17, $0x8000  }
0x186: {  	v14 =	vadd.s32 v11, v14;
	vm3 =	vlt.s32 v19, $0x8000;
	v17 =	vnsel vm2, $0x8000, v17  }
0x187: {  	v11 =	vld [tilespmem:s31+$0xFFFFFFE0];
	v20 =	vadd.f32 v21, v16;
	v16 =	vshra.s32 v10, $0x1F;
	vm2 =	vlt.s32 v14, $0x8000  }
0x188: {  	v19 =	vnsel vm3, $0x8000, v19;
	v21 =	vnsel vm2, $0x8000, v14;
	vm2 =	vmmov vm1  }
0x189: {  	v14 =	vor.u32 $0x80000000, v16;
	v22 =	vshra.s32 v12, $0x1F;
	v16 =	vshra.s32 v9, $0x1F  }
0x18a: {  	v14 =	vxor.u32 v10, v14;
	v22 =	vor.u32 $0x80000000, v22;
	v16 =	vor.u32 $0x80000000, v16  }
0x18b: {  	v14 =	vshrl.u32 v14, $0x15;
	v22 =	vxor.u32 v12, v22;
	v16 =	vxor.u32 v9, v16  }
0x18c: {  	v23 =	vshra.s32 v11, $0x1F;
	vm1 =	veq.s32 v14, v5;
	v22 =	vshrl.u32 v22, $0x15  }
0x18d: {  	vm10 =	vgt.u32 v14, v5;
	v14 =	vor.u32 $0x80000000, v23;
	vm5 =	veq.s32 v22, v5  }
0x18e: {  	v24 =	vxor.u32 v11, v14;
	v14 =	vshrl.u32 v16, $0x15;
	v16 =	vsel vm5, $0x1, v0  }
0x18f: {  	v18 =	vnsel vm9, $0x8000, v18;
	v23 =	vsel vm1, $0x1, v0;
	(xrf0) =	vadd.scan.msk.s32 $0xffff, v16  }
0x190: {  	v25 =	vsel vm1, $0xFFFFFFFF, v0;
	v62 =	vmpcnt.ones.xlane vm1;
	v24 =	vshrl.u32 v24, $0x15  }
0x191: {  	[tilespmem:v19+s12+$0x0] =	vst.idx.msk vm8, v4;
	v19 =	vnsel vm10, $0x0, v10;
	vm3 =	veq.s32 v14, v5;
	vm4 =	vgt.u32 v24, v5  }
0x192: {  	[tilespmem:v17+s12+$0x0] =	vst.idx.msk vm6, v3;
	v4 =	vsel vm3, $0x1, v0;
	v26 =	vnsel vm4, $0x0, v11;
	vm4 =	veq.s32 v24, v5  }
0x193: {  	vm6 =	vgt.u32 v22, v5;
	(xrf0) =	vadd.scan.msk.s32 $0xffff, v23;
	v17 =	vadd.f32 v26, v20;
	v20 =	vmpcnt.ones.xlane vm4  }
0x194: {  	v27 =	vmpcnt.ones.xlane vm5;
	[tilespmem:v21+s12+$0x0] =	vst.idx.msk vm7, v15;
	(xrf0) =	vadd.scan.msk.s32 $0xffff, v4;
	v3 =	vsel vm4, $0x1, v0  }
0x195: {  	v16 =	vmpcnt.ones.xlane vm3;
	v15 =	vadd.s32 v13, v20;
	v17 =	vadd.f32 v19, v17;
	v4, _, _ =	vpop (xrf0);
	(xrf0) =	vadd.scan.msk.s32 $0xffff, v3  }
0x196: {  	v19 =	vsel vm5, $0xFFFFFFFF, v0;
	v21 =	vadd.s32 v25, v15;
	v15 =	vadd.s32 v15, v62  }
0x197: {  	v63 =	vsel vm3, $0xFFFFFFFF, v0;
	v20 =	vadd.s32 v19, v15;
	v19 =	vadd.s32 v15, v27  }
0x198: {  	s23 =	simm.s32 $0x4;
	s25 =	simm.s32 $0x8A0;
	v15 =	vadd.s32 v4, v20;
	v20 =	vnsel vm6, $0x0, v12;
	v22 =	vadd.s32 v63, v19  }
.LBB2_15:
0x199: {  	v3 =	vld [tilespmem:s25+$0xFFFFFFF0];
	s23 =	sadd.s32 $0x4, s23;
	v4 =	vadd.f32 v20, v17;
	vm6 =	vgt.u32 v14, v5;
	v17 =	vadd.s32 v19, v16;
	v14, _, _ =	vpop (xrf0)  }
0x19a: {  	v19 =	vsel vm4, $0xFFFFFFFF, v0;
	v16 =	vld [tilespmem:s25+$0x10];
	p0 =	slt.u32 s23, $0x2FC;
	v14 =	vadd.s32 v14, v21;
	v20 =	vnsel vm6, $0x0, v9;
	v21, _, _ =	vpop (xrf0);
	[tilespmem:v18+s12+$0x0] =	vst.idx.msk vm2, v8  }
0x19b: {  	v23 =	vadd.s32 v19, v13;
	v18 =	vld [tilespmem:s25+$0x0];
	vm2 =	vlt.s32 v14, $0x8000;
	v19 =	vadd.s32 v21, v22;
	v13, _, _ =	vpop (xrf0)  }
0x19c: {  	v8 =	vmovc v12;
	v21 =	vld [tilespmem:s25+$0xFFFFFFE0];
	v22 =	vadd.s32 v13, v23;
	v14 =	vnsel vm2, $0x8000, v14;
	vm2 =	vlt.s32 v19, $0x8000;
	v13 =	vmovc v17  }
0x19d: {  	v4 =	vadd.f32 v20, v4;
	vm6 =	vlt.s32 v22, $0x8000;
	v19 =	vnsel vm2, $0x8000, v19  }
0x19e: {  	vm2 =	vmmov vm5;
	v26 =	vshra.s32 v3, $0x1F;
	v20 =	vnsel vm6, $0x8000, v22  }
0x19f: {  	v22 =	vor.u32 $0x80000000, v26;
	v25 =	vshra.s32 v16, $0x1F  }
0x1a0: {  	vm6 =	vlt.s32 v15, $0x8000;
	v23 =	vshra.s32 v18, $0x1F;
	v24 =	vor.u32 $0x80000000, v25;
	v12 =	vmovc v18  }
0x1a1: {  	v18 =	vxor.u32 v3, v22;
	v22 =	vor.u32 $0x80000000, v23;
	v23 =	vxor.u32 v16, v24;
	[tilespmem:v14+s12+$0x0] =	vst.idx.msk vm1, v10  }
0x1a2: {  	v14 =	vshra.s32 v21, $0x1F;
	v18 =	vshrl.u32 v18, $0x15;
	v10 =	vmovc v3;
	v22 =	vxor.u32 v12, v22;
	[tilespmem:v19+s12+$0x0] =	vst.idx.msk vm3, v9  }
0x1a3: {  	vm1 =	veq.s32 v18, v5;
	vm7 =	vgt.u32 v18, v5;
	v3 =	vshrl.u32 v22, $0x15;
	[tilespmem:v20+s12+$0x0] =	vst.idx.msk vm4, v11  }
0x1a4: {  	v14 =	vor.u32 $0x80000000, v14;
	v9 =	vmovc v16;
	v18 =	vsel vm1, $0x1, v0;
	v11 =	vmovc v21;
	vm5 =	veq.s32 v3, v5  }
0x1a5: {  	v16 =	vxor.u32 v11, v14;
	v14 =	vshrl.u32 v23, $0x15;
	v19 =	vsel vm5, $0x1, v0  }
0x1a6: {  	v20 =	vsel vm1, $0xFFFFFFFF, v0;
	v16 =	vshrl.u32 v16, $0x15;
	vm3 =	veq.s32 v14, v5;
	(xrf0) =	vadd.scan.msk.s32 $0xffff, v19  }
0x1a7: {  	vm4 =	veq.s32 v16, v5;
	vm8 =	vgt.u32 v16, v5;
	v16 =	vmpcnt.ones.xlane vm3  }
0x1a8: {  	v22 =	vmpcnt.ones.xlane vm1;
	v23 =	vmpcnt.ones.xlane vm5;
	v19 =	vnsel vm8, $0x0, v11  }
0x1a9: {  	v25 =	vsel vm3, $0x1, v0;
	v21 =	vsel vm4, $0x1, v0;
	v24 =	vmpcnt.ones.xlane vm4;
	(xrf0) =	vadd.scan.msk.s32 $0xffff, v18  }
.Ltmp6:
0x1aa: {  	v26 =	vsel vm3, $0xFFFFFFFF, v0;
	v4 =	vadd.f32 v19, v4;
	v19 =	vnsel vm7, $0x0, v10;
	(xrf0) =	vadd.scan.msk.s32 $0xffff, v25;
	(pc) =	sbr.rel @p0 .LBB2_15-.Ltmp6, $4  }
0x1ab: {  	v24 =	vadd.s32 v17, v24;
	v18 =	vnsel vm6, $0x8000, v15;
	v25 =	vsel vm5, $0xFFFFFFFF, v0;
	(xrf0) =	vadd.scan.msk.s32 $0xffff, v21  }
0x1ac: {  	v17 =	vadd.f32 v19, v4;
	v4 =	vadd.s32 v24, v22;
	v21 =	vadd.s32 v20, v24;
	v15, _, _ =	vpop (xrf0)  }
0x1ad: {  	vm6 =	vgt.u32 v3, v5;
	v20 =	vadd.s32 v25, v4;
	v19 =	vadd.s32 v4, v23  }
0x1ae: {  	s25 =	sadd.s32 $0x40, s25;
	v22 =	vadd.s32 v26, v19;
	v15 =	vadd.s32 v15, v20;
	v20 =	vnsel vm6, $0x0, v12  }
0x1af: {  	v3, _, _ =	vpop (xrf0)  }
0x1b0: {  	v4 =	vsel vm4, $0xFFFFFFFF, v0;
	v3 =	vadd.s32 v3, v21;
	v21, _, _ =	vpop (xrf0)  }
0x1b1: {  	v4 =	vadd.s32 v4, v13;
	vm6 =	vlt.s32 v3, $0x8000;
	v13 =	vadd.s32 v21, v22;
	v21, _, _ =	vpop (xrf0)  }
0x1b2: {  	v4 =	vadd.s32 v21, v4;
	v3 =	vnsel vm6, $0x8000, v3;
	vm6 =	vlt.s32 v13, $0x8000  }
0x1b3: {  	vm7 =	vlt.s32 v4, $0x8000;
	v13 =	vnsel vm6, $0x8000, v13  }
0x1b4: {  	vm5 =	vmmov vm5;
	vm6 =	vlt.s32 v15, $0x8000;
	v4 =	vnsel vm7, $0x8000, v4  }
0x1b5: {  	p0 =	seq.s32 s22, $0x5;
	v15 =	vnsel vm6, $0x8000, v15  }
0x1b6: {  	[tilespmem:v18+s12+$0x0] =	vst.idx.msk vm2, v8;
	s0 =	smul.u32 @!p0 $0x6000, s22  }
0x1b7: {  	[tilespmem:v3+s12+$0x0] =	vst.idx.msk vm1, v10  }
0x1b8: {  	s0 =	sadd.s32 @!p0 s0, s18;
	[tilespmem:v13+s12+$0x0] =	vst.idx.msk vm3, v9  }
0x1b9: {  	s0 =	sshrl.u32 @!p0 s0, $0x3;
	[tilespmem:v4+s12+$0x0] =	vst.idx.msk vm4, v11  }
0x1ba: {  	s2 =	simm.s32 @!p0 $0x0;
	s23 =	simm.s32 @!p0 $0x800;
	s0 =	sadd.s32 @!p0 s1, s0;
	[tilespmem:v15+s12+$0x0] =	vst.idx.msk vm5, v12  }
0x1bb: {  	[tilespmem:s23], [sflag:$0x1] =	stream.linear.gather @!p0 [hbm4b:s0+s2], $0x3000, $0x38;
	[tilespmem:$0xE900] =	vst v63  }
0x1bc: {  	_ =	swait.ge [sflag:s11], $0x3000  }
0x1bd: {  	[sflag:s11] =	ssyncset.done $0x0  }
0x1be: {  	s30 =	simm.s32 $0x3820;
	[sflag:s11] =	ssyncadd.s32 $0xFFFFD000  }
0x1bf: {  	v3 =	vld [tilespmem:s30+$0xFFFFFFF0]  }
0x1c0: {  	v8 =	vld [tilespmem:s30+$0x0]  }
0x1c1: {  	vm1 =	vgt.u32 v14, v5;
	v14 =	vld [tilespmem:s30+$0xFFFFFFE0]  }
0x1c2: {  	v4 =	vld [tilespmem:s30+$0x10]  }
0x1c3: {  	v10 =	vadd.f32 v20, v17  }
0x1c4: {  	v9 =	vnsel vm1, $0x0, v9  }
0x1c5: {  	v12 =	vadd.s32 v19, v16;
	v9 =	vadd.f32 v9, v10;
	v11 =	vshra.s32 v3, $0x1F  }
0x1c6: {  	v13 =	vshra.s32 v8, $0x1F;
	v15 =	vshra.s32 v14, $0x1F;
	v10 =	vor.u32 $0x80000000, v11  }
0x1c7: {  	v11 =	vshra.s32 v4, $0x1F;
	v13 =	vor.u32 $0x80000000, v13;
	v10 =	vxor.u32 v3, v10  }
0x1c8: {  	v11 =	vor.u32 $0x80000000, v11;
	v13 =	vxor.u32 v8, v13;
	v10 =	vshrl.u32 v10, $0x15  }
0x1c9: {  	v11 =	vxor.u32 v4, v11;
	vm6 =	veq.s32 v10, v5;
	vm2 =	vgt.u32 v10, v5  }
0x1ca: {  	v10 =	vshrl.u32 v13, $0x15;
	v13 =	vor.u32 $0x80000000, v15;
	v11 =	vshrl.u32 v11, $0x15  }
0x1cb: {  	v15 =	vsel vm6, $0x1, v0;
	vm1 =	veq.s32 v10, v5;
	v13 =	vxor.u32 v14, v13  }
0x1cc: {  	v17 =	vsel vm6, $0xFFFFFFFF, v0;
	vm8 =	veq.s32 v11, v5;
	v18 =	vmpcnt.ones.xlane vm6  }
0x1cd: {  	v16 =	vsel vm1, $0x1, v0;
	v13 =	vshrl.u32 v13, $0x15;
	v20 =	vsel vm8, $0x1, v0  }
0x1ce: {  	(xrf0) =	vadd.scan.msk.s32 $0xffff, v16;
	vm3 =	vgt.u32 v13, v5;
	vm7 =	veq.s32 v13, v5;
	v13 =	vmpcnt.ones.xlane vm8  }
0x1cf: {  	v16 =	vnsel vm3, $0x0, v14;
	v19 =	vmpcnt.ones.xlane vm7;
	(xrf0) =	vadd.scan.msk.s32 $0xffff, v15;
	v15 =	vmpcnt.ones.xlane vm1  }
0x1d0: {  	v21 =	vsel vm7, $0x1, v0;
	v9 =	vadd.f32 v16, v9;
	(xrf0) =	vadd.scan.msk.s32 $0xffff, v20;
	v16 =	vnsel vm2, $0x0, v3  }
0x1d1: {  	v20 =	vsel vm8, $0xFFFFFFFF, v0;
	vm2 =	vgt.u32 v10, v5;
	v19 =	vadd.s32 v12, v19;
	(xrf0) =	vadd.scan.msk.s32 $0xffff, v21  }
0x1d2: {  	v21 =	vsel vm1, $0xFFFFFFFF, v0;
	v17 =	vadd.s32 v17, v19;
	v18 =	vadd.s32 v19, v18  }
0x1d3: {  	s31 =	simm.s32 $0x3860;
	v16 =	vadd.f32 v16, v9;
	v19 =	vadd.s32 v21, v18;
	v10 =	vadd.s32 v18, v15  }
0x1d4: {  	v15 =	vnsel vm2, $0x0, v8;
	v9, _, _ =	vpop (xrf0);
	v18 =	vadd.s32 v20, v10;
	v13 =	vadd.s32 v10, v13;
	v10 =	vld [tilespmem:s31+$0x10]  }
0x1d5: {  	vm2 =	vgt.u32 v11, v5;
	v15 =	vadd.f32 v15, v16;
	v19 =	vadd.s32 v9, v19;
	v9 =	vld [tilespmem:s31+$0xFFFFFFF0];
	v11, _, _ =	vpop (xrf0)  }
0x1d6: {  	v16 =	vsel vm7, $0xFFFFFFFF, v0;
	v21 =	vnsel vm2, $0x0, v4;
	v17 =	vadd.s32 v11, v17;
	v20, _, _ =	vpop (xrf0);
	v11 =	vld [tilespmem:s31+$0x0]  }
0x1d7: {  	v12 =	vadd.s32 v16, v12;
	v21 =	vadd.f32 v21, v15;
	v16 =	vadd.s32 v20, v18;
	v18, _, _ =	vpop (xrf0)  }
0x1d8: {  	vm2 =	vlt.s32 v17, $0x8000;
	v18 =	vadd.s32 v18, v12;
	vm3 =	vlt.s32 v16, $0x8000  }
0x1d9: {  	v12 =	vld [tilespmem:s31+$0xFFFFFFE0];
	v17 =	vnsel vm2, $0x8000, v17;
	vm2 =	vlt.s32 v18, $0x8000;
	v20 =	vnsel vm3, $0x8000, v16  }
0x1da: {  	v16 =	vshra.s32 v10, $0x1F;
	v15 =	vshra.s32 v9, $0x1F;
	v18 =	vnsel vm2, $0x8000, v18  }
0x1db: {  	vm2 =	vmmov vm1;
	v15 =	vor.u32 $0x80000000, v15;
	v22 =	vshra.s32 v11, $0x1F  }
0x1dc: {  	v16 =	vor.u32 $0x80000000, v16;
	v15 =	vxor.u32 v9, v15;
	v22 =	vor.u32 $0x80000000, v22  }
0x1dd: {  	v16 =	vxor.u32 v10, v16;
	v15 =	vshrl.u32 v15, $0x15;
	v22 =	vxor.u32 v11, v22  }
0x1de: {  	v23 =	vshra.s32 v12, $0x1F;
	vm1 =	veq.s32 v15, v5;
	v22 =	vshrl.u32 v22, $0x15  }
0x1df: {  	vm10 =	vgt.u32 v15, v5;
	v15 =	vor.u32 $0x80000000, v23;
	vm5 =	veq.s32 v22, v5  }
0x1e0: {  	v24 =	vxor.u32 v12, v15;
	v15 =	vshrl.u32 v16, $0x15;
	v16 =	vsel vm5, $0x1, v0  }
0x1e1: {  	vm9 =	vlt.s32 v19, $0x8000;
	v23 =	vsel vm1, $0x1, v0;
	(xrf0) =	vadd.scan.msk.s32 $0xffff, v16  }
0x1e2: {  	[tilespmem:v17+s12+$0x0] =	vst.idx.msk vm6, v3;
	v25 =	vsel vm1, $0xFFFFFFFF, v0;
	v62 =	vmpcnt.ones.xlane vm1;
	v24 =	vshrl.u32 v24, $0x15  }
0x1e3: {  	[tilespmem:v20+s12+$0x0] =	vst.idx.msk vm8, v4;
	v20 =	vnsel vm10, $0x0, v9;
	vm3 =	veq.s32 v15, v5;
	vm4 =	vgt.u32 v24, v5  }
0x1e4: {  	[tilespmem:v18+s12+$0x0] =	vst.idx.msk vm7, v14;
	v4 =	vsel vm3, $0x1, v0;
	v26 =	vnsel vm4, $0x0, v12;
	vm4 =	veq.s32 v24, v5  }
0x1e5: {  	vm6 =	vgt.u32 v22, v5;
	(xrf0) =	vadd.scan.msk.s32 $0xffff, v23;
	v17 =	vadd.f32 v26, v21;
	v21 =	vmpcnt.ones.xlane vm4  }
0x1e6: {  	v27 =	vmpcnt.ones.xlane vm5;
	v16 =	vmpcnt.ones.xlane vm3;
	v3 =	vsel vm4, $0x1, v0;
	(xrf0) =	vadd.scan.msk.s32 $0xffff, v4  }
0x1e7: {  	v14 =	vadd.s32 v13, v21;
	v18 =	vadd.f32 v20, v17;
	v17 =	vnsel vm9, $0x8000, v19;
	v4, _, _ =	vpop (xrf0);
	(xrf0) =	vadd.scan.msk.s32 $0xffff, v3  }
0x1e8: {  	v21 =	vsel vm5, $0xFFFFFFFF, v0;
	v20 =	vadd.s32 v25, v14;
	v14 =	vadd.s32 v14, v62  }
0x1e9: {  	v63 =	vsel vm3, $0xFFFFFFFF, v0;
	v21 =	vadd.s32 v21, v14;
	v19 =	vadd.s32 v14, v27  }
0x1ea: {  	s25 =	simm.s32 $0x38A0;
	s23 =	simm.s32 $0x4;
	v22 =	vnsel vm6, $0x0, v11;
	v14 =	vadd.s32 v4, v21;
	v21 =	vadd.s32 v63, v19  }
.LBB2_17:
0x1eb: {  	v3 =	vld [tilespmem:s25+$0xFFFFFFF0];
	s23 =	sadd.s32 $0x4, s23;
	v4 =	vadd.f32 v22, v18;
	vm6 =	vgt.u32 v15, v5;
	v18 =	vadd.s32 v19, v16;
	v15, _, _ =	vpop (xrf0)  }
0x1ec: {  	v19 =	vsel vm4, $0xFFFFFFFF, v0;
	v16 =	vld [tilespmem:s25+$0x10];
	p1 =	slt.u32 s23, $0x2FC;
	v15 =	vadd.s32 v15, v20;
	v20 =	vnsel vm6, $0x0, v10;
	v22, _, _ =	vpop (xrf0);
	[tilespmem:v17+s12+$0x0] =	vst.idx.msk vm2, v8  }
0x1ed: {  	v23 =	vadd.s32 v19, v13;
	v17 =	vld [tilespmem:s25+$0x0];
	vm2 =	vlt.s32 v15, $0x8000;
	v19 =	vadd.s32 v22, v21;
	v13, _, _ =	vpop (xrf0)  }
0x1ee: {  	v8 =	vmovc v11;
	v21 =	vld [tilespmem:s25+$0xFFFFFFE0];
	v22 =	vadd.s32 v13, v23;
	v15 =	vnsel vm2, $0x8000, v15;
	vm2 =	vlt.s32 v19, $0x8000;
	v13 =	vmovc v18  }
0x1ef: {  	v4 =	vadd.f32 v20, v4;
	vm6 =	vlt.s32 v22, $0x8000;
	v19 =	vnsel vm2, $0x8000, v19  }
0x1f0: {  	vm2 =	vmmov vm5;
	v26 =	vshra.s32 v3, $0x1F;
	v20 =	vnsel vm6, $0x8000, v22  }
0x1f1: {  	v22 =	vor.u32 $0x80000000, v26;
	v25 =	vshra.s32 v16, $0x1F  }
0x1f2: {  	vm6 =	vlt.s32 v14, $0x8000;
	v23 =	vshra.s32 v17, $0x1F;
	v24 =	vor.u32 $0x80000000, v25;
	v11 =	vmovc v17  }
0x1f3: {  	v17 =	vxor.u32 v3, v22;
	v22 =	vor.u32 $0x80000000, v23;
	v23 =	vxor.u32 v16, v24;
	[tilespmem:v15+s12+$0x0] =	vst.idx.msk vm1, v9  }
0x1f4: {  	v15 =	vshra.s32 v21, $0x1F;
	v17 =	vshrl.u32 v17, $0x15;
	v9 =	vmovc v3;
	v22 =	vxor.u32 v11, v22;
	[tilespmem:v19+s12+$0x0] =	vst.idx.msk vm3, v10  }
0x1f5: {  	vm1 =	veq.s32 v17, v5;
	vm7 =	vgt.u32 v17, v5;
	v3 =	vshrl.u32 v22, $0x15;
	[tilespmem:v20+s12+$0x0] =	vst.idx.msk vm4, v12  }
0x1f6: {  	v15 =	vor.u32 $0x80000000, v15;
	v10 =	vmovc v16;
	v17 =	vsel vm1, $0x1, v0;
	v12 =	vmovc v21;
	vm5 =	veq.s32 v3, v5  }
0x1f7: {  	v16 =	vxor.u32 v12, v15;
	v15 =	vshrl.u32 v23, $0x15;
	v19 =	vsel vm5, $0x1, v0  }
0x1f8: {  	v20 =	vsel vm1, $0xFFFFFFFF, v0;
	v16 =	vshrl.u32 v16, $0x15;
	vm3 =	veq.s32 v15, v5;
	(xrf0) =	vadd.scan.msk.s32 $0xffff, v19  }
0x1f9: {  	vm4 =	veq.s32 v16, v5;
	vm8 =	vgt.u32 v16, v5;
	v16 =	vmpcnt.ones.xlane vm3  }
0x1fa: {  	v21 =	vmpcnt.ones.xlane vm1;
	v22 =	vmpcnt.ones.xlane vm5;
	v19 =	vnsel vm8, $0x0, v12  }
0x1fb: {  	v25 =	vsel vm3, $0x1, v0;
	v23 =	vsel vm4, $0x1, v0;
	v24 =	vmpcnt.ones.xlane vm4;
	(xrf0) =	vadd.scan.msk.s32 $0xffff, v17  }
.Ltmp7:
0x1fc: {  	v26 =	vsel vm3, $0xFFFFFFFF, v0;
	v4 =	vadd.f32 v19, v4;
	v19 =	vnsel vm7, $0x0, v9;
	(xrf0) =	vadd.scan.msk.s32 $0xffff, v25;
	(pc) =	sbr.rel @p1 .LBB2_17-.Ltmp7, $4  }
0x1fd: {  	v24 =	vadd.s32 v18, v24;
	v17 =	vnsel vm6, $0x8000, v14;
	v25 =	vsel vm5, $0xFFFFFFFF, v0;
	(xrf0) =	vadd.scan.msk.s32 $0xffff, v23  }
0x1fe: {  	v20 =	vadd.s32 v20, v24;
	v18 =	vadd.f32 v19, v4;
	v4 =	vadd.s32 v24, v21;
	v14, _, _ =	vpop (xrf0)  }
0x1ff: {  	vm6 =	vgt.u32 v3, v5;
	v21 =	vadd.s32 v25, v4;
	v19 =	vadd.s32 v4, v22  }
0x200: {  	s25 =	sadd.s32 $0x40, s25;
	v22 =	vnsel vm6, $0x0, v11;
	v14 =	vadd.s32 v14, v21;
	v21 =	vadd.s32 v26, v19  }
0x201: {  	v3, _, _ =	vpop (xrf0);
	v4 =	vsel vm4, $0xFFFFFFFF, v0;
	vm5 =	vmmov vm5  }
0x202: {  	vm15 =	vlt.s32 v14, $0x8000;
	v3 =	vadd.s32 v3, v20;
	v61, _, _ =	vpop (xrf0);
	v4 =	vadd.s32 v4, v13  }
0x203: {  	v63 =	vnsel vm15, $0x8000, v14;
	vm6 =	vlt.s32 v3, $0x8000;
	v13 =	vadd.s32 v61, v21;
	v62, _, _ =	vpop (xrf0)  }
0x204: {  	v4 =	vadd.s32 v62, v4;
	v3 =	vnsel vm6, $0x8000, v3;
	vm13 =	vlt.s32 v13, $0x8000  }
0x205: {  	v13 =	vnsel vm13, $0x8000, v13;
	vm14 =	vlt.s32 v4, $0x8000  }
0x206: {  	v4 =	vnsel vm14, $0x8000, v4  }
.Ltmp8:
0x207: {  	[tilespmem:v17+s12+$0x0] =	vst.idx.msk vm2, v8;
	(pc) =	sbr.rel @p0 .LBB2_20-.Ltmp8, $4  }
0x208: {  	[tilespmem:v63+s12+$0x0] =	vst.idx.msk vm5, v11  }
0x209: {  	[tilespmem:v3+s12+$0x0] =	vst.idx.msk vm1, v9;
	v3 =	vadd.f32 v22, v18;
	vm1 =	vgt.u32 v15, v5  }
0x20a: {  	[tilespmem:v13+s12+$0x0] =	vst.idx.msk vm3, v10;
	v8 =	vnsel vm1, $0x0, v10  }
0x20b: {  	v14 =	vadd.s32 v19, v16;
	[tilespmem:v4+s12+$0x0] =	vst.idx.msk vm4, v12;
	v9 =	vadd.f32 v8, v3  }
0x20c: {  	s0 =	smul.u32 $0x6000, s22  }
.Ltmp9:
0x20d: {  	_ = 	snop;
	(pc) =	sbr.rel .LBB2_14-.Ltmp9, $4  }
0x20e: {  	s0 =	sadd.s32 s0, s19  }
0x20f: {  	s0 =	sshrl.u32 s0, $0x3  }
0x210: {  	s22 =	sadd.s32 $0x1, s22;
	s0 =	sadd.s32 s1, s0  }
0x211: {  	[tilespmem:s9], [sflag:$0x2] =	stream.linear.gather [hbm4b:s0+s3], $0x3000, $0x38;
	[tilespmem:$0xE900] =	vst v63  }
.LBB2_20:
0x212: {  	v3 =	vnsel vm0, $0x0, v7  }
0x213: {  	(xrf0) =	vadd.scan.msk.s32 $0xffff, v3;
	_ =	sdelay $0x5  }
0x214: {  	v3, _, _ =	vpop (xrf0)  }
0x215: {  	(v2sf) =	vpush v3, $0xF;
	_ =	sdelay $0xe  }
0x216: {  	s22 =	spop (v2sf)  }
0x217: {  	p0 =	slt.s32 s22, $0x8000;
	s0 =	smov.u32 s22  }
0x218: {  	s0 =	simm.s32 @!p0 $0x8000  }
0x219: {  	v3 =	vadd.s32 s0, v2;
	_ =	sdelay $0x3  }
0x21a: {  	v4 =	vimm.f32 $NaN  }
0x21b: {  	s0 =	simm.s32 $0x40;
	[tilespmem:v3+s12+$0x0] =	vst.idx.msk $0xffff, v4  }
0x21c: {  	[tilespmem:s0+$0xFFFFFFC0] =	vst v0  }
0x21d: {  	[tilespmem:s0+$0x30] =	vst v0  }
0x21e: {  	[tilespmem:s0+$0x20] =	vst v0  }
0x21f: {  	[tilespmem:s0+$0x10] =	vst v0  }
0x220: {  	[tilespmem:s0+$0x0] =	vst v0  }
0x221: {  	[tilespmem:s0+$0xFFFFFFF0] =	vst v0  }
0x222: {  	s2 =	simm.s32 $0x0;
	[tilespmem:s0+$0xFFFFFFE0] =	vst v0  }
.LBB2_21:
0x223: {  	s2 =	sadd.s32 $0x8, s2;
	[tilespmem:s0+$0xFFFFFFD0] =	vst v0;
	s0 =	sadd.s32 $0x80, s0  }
0x224: {  	[tilespmem:s0+$0xFFFFFFC0] =	vst v0;
	p0 =	slt.u32 s2, $0x78  }
0x225: {  	[tilespmem:s0+$0x30] =	vst v0  }
.Ltmp10:
0x226: {  	[tilespmem:s0+$0x20] =	vst v0;
	(pc) =	sbr.rel @p0 .LBB2_21-.Ltmp10, $4  }
0x227: {  	[tilespmem:s0+$0x10] =	vst v0  }
0x228: {  	[tilespmem:s0+$0x0] =	vst v0  }
0x229: {  	[tilespmem:s0+$0xFFFFFFF0] =	vst v0  }
0x22a: {  	[tilespmem:s0+$0xFFFFFFE0] =	vst v0  }
0x22b: {  	(xrf2) =	vadd.scan.msk.f32 $0xffff, v9;
	_ =	sdelay $0x1  }
0x22c: {  	v3 =	vnsel vm0, $0x0, v6  }
0x22d: {  	(xrf0) =	vadd.scan.msk.s32 $0xffff, v3;
	_ =	sdelay $0x5  }
0x22e: {  	v3, _, _ =	vpop (xrf0)  }
0x22f: {  	(v2sf) =	vpush v3, $0xF;
	v3, _, _ =	vpop (xrf2)  }
0x230: {  	(v2sf) =	vpush v3, $0xF;
	_ =	sdelay $0x4  }
0x231: {  	s2 =	sadd.s32 $0xF, s22  }
0x232: {  	s23 =	sand.u32 $0xF, s2  }
0x233: {  	p0 =	slt.s32 s2, $0x1;
	p1 =	sne.s32 s23, $0x0  }
0x234: {  	s25 =	sshra.s32 s2, $0x1F;
	p0 =	por !p0, !p1  }
0x235: {  	s31 =	sshrl.u32 s25, $0x1C;
	s25 =	simm.s32 $0x1;
	p0 =	por !p0, !p0  }
0x236: {  	s25 =	simm.s32 @!p0 $0x0;
	p0 =	sgt.s32 s22, $0x8000  }
.Ltmp11:
0x237: {  	_ = 	snop;
	(pc) =	sbr.rel @p0 .LBB2_41-.Ltmp11, $4  }
0x238: {  	s2 =	sadd.s32 s31, s2  }
0x239: {  	[tilespmem:s0+$0xFFFFFFD0] =	vst v0;
	s2 =	sshra.s32 s2, $0x4;
	s0 =	simm.s32 @!p0 $0x0  }
0x23a: {  	s25 =	ssub.s32 s2, s25;
	s0 =	simm.s32 @p0 $0x1;
	s23 =	spop (v2sf)  }
0x23b: {  	p1 =	slt.s32 s25, $0x1;
	[smem:$0x7FC] =	sst s0;
	s22 =	spop (v2sf)  }
.Ltmp12:
0x23c: {  	(pc) =	sbr.rel @p1 .LBB2_27-.Ltmp12, $2  }
0x23d: {  	_ =	sdelay $0x2  }
0x23e: {  	s0 =	simm.s32 $0x6800  }
0x23f: {  	p0 =	seq.s32 s25, $0x1  }
.Ltmp13:
0x240: {  	_ = 	snop;
	(pc) =	sbr.rel @p0 .LBB2_26-.Ltmp13, $2  }
0x241: {  	_ =	sdelay $0x2  }
0x242: {  	v5 =	vld [tilespmem:s0+$0x0];
	s2 =	sadd.s32 $0xFFFFFFFF, s25  }
.LBB2_25:
0x243: {  	p0 =	seq.s32 s2, $0x1;
	_ =	sdelay $0x3  }
0x244: {  	v3 =	vshra.s32 v5, $0x1F  }
0x245: {  	v3 =	vxor.u32 v5, v3  }
0x246: {  	v3 =	vshrl.u32 v3, $0xA  }
0x247: {  	v3 =	vand.u32 $0x7FF, v3;
	_ =	sdelay $0x1  }
.Ltmp14:
0x248: {  	(pc) =	sbr.rel @!p0 .LBB2_25-.Ltmp14, $3  }
0x249: {  	_ =	sdelay $0x1  }
0x24a: {  	s0 =	sadd.s32 $0x10, s0;
	[tilespmem:v3+s3+$0x0] =	vst.idx.add.s32.msk $0xffff, v1  }
0x24b: {  	s2 =	sadd.s32 $0xFFFFFFFF, s2;
	v5 =	vld [tilespmem:s0+$0x0]  }
.LBB2_26:
0x24c: {  	_ =	sdelay $0x3  }
0x24d: {  	v3 =	vshra.s32 v5, $0x1F  }
0x24e: {  	v3 =	vxor.u32 v5, v3  }
0x24f: {  	v3 =	vshrl.u32 v3, $0xA  }
0x250: {  	v3 =	vand.u32 $0x7FF, v3;
	_ =	sdelay $0x4  }
0x251: {  	[tilespmem:v3+s3+$0x0] =	vst.idx.add.s32.msk $0xffff, v1  }
.LBB2_27:
0x252: {  	v11 =	vld [tilespmem:$0x700]  }
0x253: {  	v9 =	vld [tilespmem:$0x710]  }
0x254: {  	v10 =	vld [tilespmem:$0x720]  }
0x255: {  	v13 =	vld [tilespmem:$0x730]  }
0x256: {  	v14 =	vld [tilespmem:$0x740]  }
0x257: {  	v16 =	vld [tilespmem:$0x750]  }
0x258: {  	v18 =	vld [tilespmem:$0x760]  }
0x259: {  	v19 =	vld [tilespmem:$0x770]  }
0x25a: {  	v35 =	vld [tilespmem:$0x780]  }
0x25b: {  	v43 =	vld [tilespmem:$0x790]  }
0x25c: {  	v44 =	vld [tilespmem:$0x7A0]  }
0x25d: {  	v47 =	vld [tilespmem:$0x7B0]  }
0x25e: {  	v48 =	vld [tilespmem:$0x7C0]  }
0x25f: {  	v61 =	vld [tilespmem:$0x7D0]  }
0x260: {  	v3 =	vld [tilespmem:$0x7E0]  }
0x261: {  	v20 =	vld [tilespmem:$0x600]  }
0x262: {  	v21 =	vld [tilespmem:$0x610]  }
0x263: {  	v22 =	vld [tilespmem:$0x620]  }
0x264: {  	v23 =	vld [tilespmem:$0x630]  }
0x265: {  	v24 =	vld [tilespmem:$0x640]  }
0x266: {  	v25 =	vld [tilespmem:$0x650]  }
0x267: {  	v26 =	vld [tilespmem:$0x660]  }
0x268: {  	v27 =	vld [tilespmem:$0x670]  }
0x269: {  	v28 =	vld [tilespmem:$0x680]  }
0x26a: {  	v29 =	vld [tilespmem:$0x690]  }
0x26b: {  	v30 =	vld [tilespmem:$0x6A0]  }
0x26c: {  	v31 =	vld [tilespmem:$0x6B0]  }
0x26d: {  	v32 =	vld [tilespmem:$0x6C0]  }
0x26e: {  	v33 =	vld [tilespmem:$0x6D0]  }
0x26f: {  	v39 =	vld [tilespmem:$0x6E0]  }
0x270: {  	v41 =	vld [tilespmem:$0x6F0]  }
0x271: {  	v36 =	vld [tilespmem:$0x500]  }
0x272: {  	v37 =	vld [tilespmem:$0x510]  }
0x273: {  	v38 =	vld [tilespmem:$0x520]  }
0x274: {  	v42 =	vld [tilespmem:$0x530]  }
0x275: {  	v46 =	vld [tilespmem:$0x540]  }
0x276: {  	v49 =	vld [tilespmem:$0x550]  }
0x277: {  	v62 =	vld [tilespmem:$0x560]  }
0x278: {  	v51 =	vld [tilespmem:$0x400]  }
0x279: {  	v52 =	vld [tilespmem:$0x410]  }
0x27a: {  	v53 =	vld [tilespmem:$0x420]  }
0x27b: {  	v54 =	vld [tilespmem:$0x430]  }
0x27c: {  	[tilespmem:$0x1FDA0] =	vst v3;
	v3 =	vld [tilespmem:$0x7F0]  }
0x27d: {  	v55 =	vld [tilespmem:$0x440]  }
0x27e: {  	v56 =	vld [tilespmem:$0x450]  }
0x27f: {  	v57 =	vld [tilespmem:$0x460]  }
0x280: {  	v58 =	vld [tilespmem:$0x470]  }
0x281: {  	[tilespmem:$0x1FDB0] =	vst v3;
	v3 =	vld [tilespmem:$0x570]  }
0x282: {  	v59 =	vld [tilespmem:$0x480]  }
0x283: {  	v60 =	vld [tilespmem:$0x490]  }
0x284: {  	v4 =	vld [tilespmem:$0x300]  }
0x285: {  	v5 =	vld [tilespmem:$0x320]  }
0x286: {  	[tilespmem:$0x1FDC0] =	vst v3;
	v3 =	vld [tilespmem:$0x580]  }
0x287: {  	v6 =	vld [tilespmem:$0x330]  }
0x288: {  	v7 =	vld [tilespmem:$0x340]  }
0x289: {  	v8 =	vld [tilespmem:$0x350]  }
0x28a: {  	v12 =	vld [tilespmem:$0x360]  }
0x28b: {  	[tilespmem:$0x1FDD0] =	vst v3;
	v3 =	vld [tilespmem:$0x590]  }
0x28c: {  	v15 =	vld [tilespmem:$0x370]  }
0x28d: {  	v17 =	vld [tilespmem:$0x380]  }
0x28e: {  	v34 =	vld [tilespmem:$0x390]  }
0x28f: {  	v63 =	vld [tilespmem:$0x3D0]  }
0x290: {  	[tilespmem:$0x1FDE0] =	vst v3;
	v3 =	vld [tilespmem:$0x5A0]  }
0x291: {  	v40 =	vld [tilespmem:$0x3A0]  }
0x292: {  	v45 =	vld [tilespmem:$0x3B0]  }
0x293: {  	v50 =	vld [tilespmem:$0x3C0]  }
0x294: {  	[tilespmem:$0x1FEA0] =	vst v63;
	v63 =	vld [tilespmem:$0x3E0]  }
0x295: {  	v9 =	vadd.s32 v11, v9;
	[tilespmem:$0x1FDF0] =	vst v3;
	v3 =	vld [tilespmem:$0x5B0]  }
0x296: {  	v11 =	vld [tilespmem:$0x3F0];
	v9 =	vadd.s32 v10, v9  }
0x297: {  	v9 =	vadd.s32 v13, v9;
	v13 =	vld [tilespmem:$0x210]  }
0x298: {  	v9 =	vadd.s32 v14, v9;
	v14 =	vld [tilespmem:$0x220]  }
0x299: {  	v9 =	vadd.s32 v16, v9;
	v16 =	vld [tilespmem:$0x230]  }
0x29a: {  	[tilespmem:$0x1FE00] =	vst v3;
	v3 =	vld [tilespmem:$0x5C0]  }
0x29b: {  	[tilespmem:$0x1FEC0] =	vst v63;
	v63 =	vadd.s32 v20, v21;
	v20 =	vld [tilespmem:$0x200]  }
0x29c: {  	v9 =	vadd.s32 v18, v9;
	v18 =	vld [tilespmem:$0x240]  }
0x29d: {  	v21 =	vld [tilespmem:$0x260]  }
0x29e: {  	v9 =	vadd.s32 v19, v9;
	v19 =	vld [tilespmem:$0x250]  }
0x29f: {  	[tilespmem:$0x1FE20] =	vst v3;
	v3 =	vld [tilespmem:$0x5D0]  }
0x2a0: {  	v10 =	vadd.s32 v22, v63;
	v22 =	vld [tilespmem:$0x270]  }
0x2a1: {  	v63 =	vld [tilespmem:$0x1A0]  }
0x2a2: {  	v10 =	vadd.s32 v23, v10;
	v23 =	vld [tilespmem:$0x280]  }
0x2a3: {  	v10 =	vadd.s32 v24, v10;
	v24 =	vld [tilespmem:$0x290]  }
0x2a4: {  	v9 =	vadd.s32 v35, v9;
	[tilespmem:$0x1FE40] =	vst v3;
	v3 =	vld [tilespmem:$0x5E0]  }
0x2a5: {  	v9 =	vadd.s32 v43, v9;
	v43 =	vld [tilespmem:$0x1FDA0]  }
0x2a6: {  	v10 =	vadd.s32 v25, v10;
	v25 =	vld [tilespmem:$0x2A0]  }
0x2a7: {  	v9 =	vadd.s32 v44, v9;
	v44 =	vld [tilespmem:$0x1FDB0]  }
0x2a8: {  	v10 =	vadd.s32 v26, v10;
	v26 =	vld [tilespmem:$0x2B0]  }
0x2a9: {  	[tilespmem:$0x1FE60] =	vst v3;
	v3 =	vld [tilespmem:$0x5F0]  }
0x2aa: {  	v9 =	vadd.s32 v47, v9;
	v10 =	vadd.s32 v27, v10;
	v27 =	vld [tilespmem:$0x2C0]  }
0x2ab: {  	v47 =	vadd.s32 v36, v37;
	v9 =	vadd.s32 v48, v9;
	v48 =	vadd.s32 v51, v52;
	v51 =	vld [tilespmem:$0x1FDC0]  }
0x2ac: {  	v10 =	vadd.s32 v28, v10;
	v28 =	vadd.s32 v38, v47;
	v47 =	vld [tilespmem:$0x1F0]  }
0x2ad: {  	v10 =	vadd.s32 v29, v10;
	v29 =	vld [tilespmem:$0x2D0]  }
0x2ae: {  	v9 =	vadd.s32 v61, v9;
	[tilespmem:$0x1FE80] =	vst v3;
	v3 =	vld [tilespmem:$0x4A0]  }
0x2af: {  	v9 =	vadd.s32 v43, v9;
	v28 =	vadd.s32 v42, v28;
	v42 =	vld [tilespmem:$0x1B0]  }
0x2b0: {  	v9 =	vadd.s32 v44, v9;
	v44 =	vld [tilespmem:$0x1FEC0]  }
0x2b1: {  	v10 =	vadd.s32 v30, v10;
	v28 =	vadd.s32 v46, v28;
	v46 =	vld [tilespmem:$0x1D0]  }
0x2b2: {  	v10 =	vadd.s32 v31, v10;
	v31 =	vld [tilespmem:$0x2E0]  }
0x2b3: {  	[tilespmem:$0x1FE10] =	vst v3;
	v3 =	vld [tilespmem:$0x4B0]  }
0x2b4: {  	v28 =	vadd.s32 v49, v28;
	v49 =	vld [tilespmem:$0x0]  }
0x2b5: {  	v52 =	vld [tilespmem:$0x1FDD0]  }
0x2b6: {  	v10 =	vadd.s32 v32, v10;
	v32 =	vld [tilespmem:$0x170]  }
0x2b7: {  	v10 =	vadd.s32 v33, v10;
	v33 =	vld [tilespmem:$0x180]  }
0x2b8: {  	v28 =	vadd.s32 v62, v28;
	[tilespmem:$0x1FE30] =	vst v3;
	v3 =	vld [tilespmem:$0x4C0]  }
0x2b9: {  	v28 =	vadd.s32 v51, v28;
	v51 =	vld [tilespmem:$0x10];
	v10 =	vadd.s32 v39, v10  }
0x2ba: {  	v10 =	vadd.s32 v41, v10;
	v41 =	vld [tilespmem:$0x1FEA0]  }
0x2bb: {  	v30 =	vadd.s32 v53, v48;
	v53 =	vld [tilespmem:$0x1FDE0]  }
0x2bc: {  	v30 =	vadd.s32 v54, v30;
	v54 =	vld [tilespmem:$0x1FDF0]  }
0x2bd: {  	v30 =	vadd.s32 v55, v30;
	[tilespmem:$0x1FE50] =	vst v3;
	v3 =	vld [tilespmem:$0x4D0]  }
0x2be: {  	v30 =	vadd.s32 v56, v30;
	v55 =	vld [tilespmem:$0x1FE00]  }
0x2bf: {  	v30 =	vadd.s32 v57, v30;
	v28 =	vadd.s32 v52, v28;
	v57 =	vld [tilespmem:$0x1FE20]  }
0x2c0: {  	v30 =	vadd.s32 v58, v30;
	v28 =	vadd.s32 v53, v28;
	v53 =	vld [tilespmem:$0x20]  }
0x2c1: {  	v30 =	vadd.s32 v59, v30;
	v59 =	vld [tilespmem:$0x1FE40]  }
0x2c2: {  	v28 =	vadd.s32 v54, v28;
	[tilespmem:$0x1FE70] =	vst v3;
	v3 =	vld [tilespmem:$0x4E0]  }
0x2c3: {  	v28 =	vadd.s32 v55, v28;
	v55 =	vld [tilespmem:$0x30]  }
0x2c4: {  	v28 =	vadd.s32 v57, v28;
	v57 =	vld [tilespmem:$0x40]  }
0x2c5: {  	v61 =	vld [tilespmem:$0x1FE60]  }
0x2c6: {  	v28 =	vadd.s32 v59, v28;
	v59 =	vld [tilespmem:$0x80]  }
0x2c7: {  	[tilespmem:$0x1FE90] =	vst v3;
	v3 =	vld [tilespmem:$0x4F0]  }
0x2c8: {  	v56 =	vld [tilespmem:$0x1FE10]  }
0x2c9: {  	v58 =	vld [tilespmem:$0x1FE30]  }
0x2ca: {  	v30 =	vadd.s32 v60, v30;
	v60 =	vld [tilespmem:$0x1FE50]  }
0x2cb: {  	v62 =	vld [tilespmem:$0x1FE70]  }
0x2cc: {  	[tilespmem:$0x1FEB0] =	vst v3;
	v3 =	vld [tilespmem:$0x310]  }
0x2cd: {  	v39 =	vld [tilespmem:$0x1FE80]  }
0x2ce: {  	v13 =	vadd.s32 v20, v13;
	(xrf0) =	vadd.scan.msk.s32 $0xffff, v9;
	v9 =	vadd.s32 v61, v28;
	v61 =	vld [tilespmem:$0xB0];
	v30 =	vadd.s32 v56, v30  }
0x2cf: {  	v13 =	vadd.s32 v14, v13;
	v30 =	vadd.s32 v58, v30;
	v58 =	vld [tilespmem:$0x60]  }
0x2d0: {  	v13 =	vadd.s32 v16, v13;
	v30 =	vadd.s32 v60, v30;
	v60 =	vld [tilespmem:$0x90]  }
0x2d1: {  	v13 =	vadd.s32 v18, v13;
	v28 =	vadd.s32 v62, v30;
	v62 =	vld [tilespmem:$0xD0];
	v3 =	vadd.s32 v4, v3  }
0x2d2: {  	v13 =	vadd.s32 v19, v13;
	v3 =	vadd.s32 v5, v3;
	v5 =	vld [tilespmem:$0x100]  }
0x2d3: {  	v13 =	vadd.s32 v21, v13;
	v3 =	vadd.s32 v6, v3;
	v6 =	vld [tilespmem:$0x110]  }
0x2d4: {  	v13 =	vadd.s32 v22, v13;
	v3 =	vadd.s32 v7, v3;
	v7 =	vld [tilespmem:$0x120]  }
0x2d5: {  	v13 =	vadd.s32 v23, v13;
	v3 =	vadd.s32 v8, v3;
	v8 =	vld [tilespmem:$0x130]  }
0x2d6: {  	v13 =	vadd.s32 v24, v13;
	v3 =	vadd.s32 v12, v3;
	v12 =	vld [tilespmem:$0x140]  }
0x2d7: {  	v13 =	vadd.s32 v25, v13;
	(xrf0) =	vadd.scan.msk.s32 $0xffff, v10;
	v3 =	vadd.s32 v15, v3;
	v15 =	vld [tilespmem:$0x150]  }
0x2d8: {  	v13 =	vadd.s32 v26, v13;
	v48, _, _ =	vpop (xrf0);
	v3 =	vadd.s32 v17, v3;
	v17 =	vld [tilespmem:$0x160]  }
0x2d9: {  	(v2sf) =	vpush v48, $0xF;
	v5 =	vadd.s32 v5, v6;
	v6 =	vld [tilespmem:$0x50];
	v3 =	vadd.s32 v34, v3  }
0x2da: {  	v5 =	vadd.s32 v7, v5;
	v7 =	vadd.s32 v49, v51;
	v3 =	vadd.s32 v40, v3;
	v40 =	vld [tilespmem:$0x1FE90]  }
0x2db: {  	v9 =	vadd.s32 v39, v9;
	v43 =	vld [tilespmem:$0x1FEB0];
	v5 =	vadd.s32 v8, v5;
	v7 =	vadd.s32 v53, v7  }
0x2dc: {  	v8 =	vld [tilespmem:$0x70];
	v3 =	vadd.s32 v45, v3;
	v5 =	vadd.s32 v12, v5;
	v7 =	vadd.s32 v55, v7  }
0x2dd: {  	v34 =	vld [tilespmem:$0x190];
	v3 =	vadd.s32 v50, v3;
	v50, _, _ =	vpop (xrf0);
	v5 =	vadd.s32 v15, v5;
	v7 =	vadd.s32 v57, v7  }
0x2de: {  	v4 =	vld [tilespmem:$0x2F0];
	v3 =	vadd.s32 v41, v3;
	(v2sf) =	vpush v50, $0xF;
	v5 =	vadd.s32 v17, v5  }
0x2df: {  	v6 =	vadd.s32 v6, v7;
	v7 =	vld [tilespmem:$0xA0];
	v3 =	vadd.s32 v44, v3;
	v10 =	vadd.s32 v40, v28  }
0x2e0: {  	(xrf0) =	vadd.scan.msk.s32 $0xffff, v9;
	v45 =	vld [tilespmem:$0x1C0];
	v5 =	vadd.s32 v32, v5;
	v6 =	vadd.s32 v58, v6;
	v9 =	vadd.s32 v43, v10  }
0x2e1: {  	v3 =	vadd.s32 v11, v3;
	v5 =	vadd.s32 v33, v5;
	v6 =	vadd.s32 v8, v6;
	v8 =	vld [tilespmem:$0xC0];
	(xrf0) =	vadd.scan.msk.s32 $0xffff, v9  }
0x2e2: {  	v13 =	vadd.s32 v27, v13;
	v5 =	vadd.s32 v34, v5;
	v6 =	vadd.s32 v59, v6;
	(xrf0) =	vadd.scan.msk.s32 $0xffff, v3;
	v3 =	vld [tilespmem:$0x1E0]  }
0x2e3: {  	v13 =	vadd.s32 v29, v13;
	v5 =	vadd.s32 v63, v5;
	v6 =	vadd.s32 v60, v6;
	v63 =	vld [tilespmem:$0xE0]  }
0x2e4: {  	v13 =	vadd.s32 v31, v13;
	v5 =	vadd.s32 v42, v5;
	v6 =	vadd.s32 v7, v6;
	v7 =	vld [tilespmem:$0xF0]  }
0x2e5: {  	v4 =	vadd.s32 v4, v13;
	v5 =	vadd.s32 v45, v5;
	v6 =	vadd.s32 v61, v6  }
0x2e6: {  	v52, _, _ =	vpop (xrf0);
	(xrf0) =	vadd.scan.msk.s32 $0xffff, v4;
	v4 =	vadd.s32 v46, v5;
	v5 =	vadd.s32 v8, v6  }
0x2e7: {  	(v2sf) =	vpush v52, $0xF;
	v3 =	vadd.s32 v3, v4;
	v4 =	vadd.s32 v62, v5  }
0x2e8: {  	v54, _, _ =	vpop (xrf0);
	v3 =	vadd.s32 v47, v3;
	v4 =	vadd.s32 v63, v4  }
0x2e9: {  	(v2sf) =	vpush v54, $0xF;
	v56, _, _ =	vpop (xrf0);
	(xrf0) =	vadd.scan.msk.s32 $0xffff, v3;
	v3 =	vadd.s32 v7, v4  }
0x2ea: {  	(v2sf) =	vpush v56, $0xF;
	(xrf0) =	vadd.scan.msk.s32 $0xffff, v3;
	_ =	sdelay $0x2  }
0x2eb: {  	s0 =	simm.s32 @!p1 $0x0;
	v3, _, _ =	vpop (xrf0)  }
0x2ec: {  	s0 =	simm.s32 @p1 $0x1;
	(v2sf) =	vpush v3, $0xF  }
0x2ed: {  	[smem:$0x7FA] =	sst s0;
	s0 =	spop (v2sf);
	v3, _, _ =	vpop (xrf0)  }
0x2ee: {  	s2 =	spop (v2sf);
	(v2sf) =	vpush v3, $0xF;
	v3, _, _ =	vpop (xrf0)  }
0x2ef: {  	s26 =	ssub.s32 $0xB85, s23;
	s30 =	sadd.s32 s0, s2;
	(v2sf) =	vpush v3, $0xF  }
0x2f0: {  	p6 =	slt.s32 s0, s26;
	p2 =	sge.s32 s30, s26  }
0x2f1: {  	s28 =	simm.s32 $0x70;
	p0 =	sge.s32 s0, s26;
	p2 =	por !p6, !p2  }
0x2f2: {  	p3 =	sgt.s32 s26, $0x0;
	s28 =	simm.s32 @!p0 $0x0;
	p2 =	por !p2, !p2  }
0x2f3: {  	s28 =	simm.s32 @!p3 $0x0;
	s2 =	simm.s32 @!p2 $0x0  }
0x2f4: {  	s29 =	spop (v2sf);
	p4 =	slt.s32 s30, s26;
	s2 =	simm.s32 @p2 $0x1  }
0x2f5: {  	s28 =	simm.s32 @p2 $0x60;
	[smem:$0x7FB] =	sst s2;
	s2 =	sadd.s32 s30, s29  }
0x2f6: {  	p5 =	sge.s32 s2, s26;
	p6 =	slt.s32 s2, s26;
	s31 =	spop (v2sf)  }
0x2f7: {  	p0 =	por !p4, !p5;
	s7 =	spop (v2sf);
	s29 =	sadd.s32 s2, s31  }
0x2f8: {  	p3 =	por !p0, !p0;
	p4 =	sge.s32 s29, s26;
	s7 =	sadd.s32 s29, s7  }
0x2f9: {  	p5 =	slt.s32 s29, s26;
	p4 =	por !p6, !p4;
	p6 =	sge.s32 s7, s26  }
0x2fa: {  	s28 =	simm.s32 @p3 $0x50;
	p4 =	por !p4, !p4;
	p0 =	por !p5, !p6  }
0x2fb: {  	s31 =	spop (v2sf);
	s28 =	simm.s32 @p4 $0x40;
	p5 =	por !p0, !p0  }
0x2fc: {  	p2 =	slt.s32 s7, s26;
	s31 =	sadd.s32 s7, s31;
	s28 =	simm.s32 @p5 $0x30  }
0x2fd: {  	p6 =	sge.s32 s31, s26;
	p1 =	slt.s32 s31, s26;
	s15 =	spop (v2sf)  }
0x2fe: {  	p0 =	por !p2, !p6;
	s15 =	sadd.s32 s31, s15;
	s13 =	spop (v2sf)  }
0x2ff: {  	p6 =	por !p0, !p0;
	p2 =	sge.s32 s15, s26;
	s13 =	sadd.s32 s15, s13  }
0x300: {  	p0 =	por !p1, !p2;
	p1 =	slt.s32 s15, s26;
	p2 =	sge.s32 s13, s26  }
0x301: {  	s28 =	simm.s32 @p6 $0x20;
	p2 =	por !p1, !p2;
	p1 =	por !p0, !p0  }
0x302: {  	s28 =	simm.s32 @p1 $0x10;
	p0 =	por !p2, !p2  }
0x303: {  	s28 =	simm.s32 @p0 $0x0  }
0x304: {  	s13 =	sshll.u32 s28, $0x6  }
0x305: {  	s13 =	sshra.s32 s13, $0x2  }
0x306: {  	v5 =	vmov s13;
	_ =	sdelay $0x3  }
0x307: {  	s13 =	simm.s32 $0xF0  }
0x308: {  	v3 =	vld.idx.msk [tilespmem:v5+s13+$0x0 ss:$0x1], $0xffff;
	_ =	sdelay $0x4  }
0x309: {  	(xrf0) =	vadd.scan.msk.s32 $0xffff, v3;
	_ =	sdelay $0x5  }
0x30a: {  	s13 =	simm.s32 $0xE0;
	v3, _, _ =	vpop (xrf0)  }
0x30b: {  	(v2sf) =	vpush v3, $0xF;
	v3 =	vld.idx.msk [tilespmem:v5+s13+$0x0 ss:$0x1], $0xffff;
	_ =	sdelay $0x2  }
0x30c: {  	s13 =	simm.s32 $0xD0  }
0x30d: {  	v4 =	vld.idx.msk [tilespmem:v5+s13+$0x0 ss:$0x1], $0xffff;
	s13 =	simm.s32 $0xC0  }
0x30e: {  	v6 =	vld.idx.msk [tilespmem:v5+s13+$0x0 ss:$0x1], $0xffff;
	(xrf0) =	vadd.scan.msk.s32 $0xffff, v3;
	_ =	sdelay $0x3  }
0x30f: {  	s13 =	sld [smem:$0x7FB];
	(xrf0) =	vadd.scan.msk.s32 $0xffff, v4  }
0x310: {  	(xrf0) =	vadd.scan.msk.s32 $0xffff, v6  }
0x311: {  	v4, _, _ =	vpop (xrf0)  }
0x312: {  	p2 =	seq.s32 s13, $0x1;
	(v2sf) =	vpush v4, $0xF  }
0x313: {  	s0 =	simm.s32 @!p2 $0x0  }
0x314: {  	s0 =	smov.u32 @p3 s30  }
0x315: {  	s0 =	smov.u32 @p4 s2;
	v4, _, _ =	vpop (xrf0)  }
0x316: {  	s0 =	smov.u32 @p5 s29;
	(v2sf) =	vpush v4, $0xF;
	v4, _, _ =	vpop (xrf0)  }
0x317: {  	s0 =	smov.u32 @p6 s7;
	s7 =	simm.s32 $0xB0;
	s13 =	spop (v2sf);
	(v2sf) =	vpush v4, $0xF  }
0x318: {  	v3 =	vld.idx.msk [tilespmem:v5+s7+$0x0 ss:$0x1], $0xffff;
	_ =	sdelay $0x1  }
0x319: {  	s0 =	smov.u32 @p1 s31  }
0x31a: {  	s0 =	smov.u32 @p0 s15  }
0x31b: {  	s29 =	sadd.s32 s0, s13  }
0x31c: {  	s15 =	simm.s32 $0xA0;
	p0 =	slt.s32 s0, s26;
	(xrf0) =	vadd.scan.msk.s32 $0xffff, v3;
	p6 =	sge.s32 s29, s26  }
0x31d: {  	s30 =	simm.s32 $0x0;
	s2 =	simm.s32 $0x240;
	v6 =	vld.idx.msk [tilespmem:v5+s15+$0x0 ss:$0x1], $0xffff;
	p0 =	por !p0, !p6  }
0x31e: {  	s31 =	sadd.s32 $0xF, s28;
	s28 =	simm.s32 $0x0;
	p0 =	por !p0, !p0  }
0x31f: {  	s30 =	smov.u32 @p0 s31;
	s28 =	smov.u32 @p0 s0;
	s0 =	smov.u32 s29  }
.LBB2_28:
0x320: {  	s7 =	sshra.s32 s2, $0x2;
	s13 =	spop (v2sf);
	p0 =	sne.s32 s2, $0x0  }
.Ltmp15:
0x321: {  	s2 =	sadd.s32 $0xFFFFFFC0, s2;
	s29 =	sadd.s32 s29, s13;
	(pc) =	sbr.rel @p0 .LBB2_28-.Ltmp15, $4  }
0x322: {  	p1 =	slt.s32 s0, s26;
	(xrf0) =	vadd.scan.msk.s32 $0xffff, v6;
	v6 =	vld.idx.msk [tilespmem:v5+s7+$0x0 ss:$0x1], $0xffff;
	v3, _, _ =	vpop (xrf0);
	p2 =	sge.s32 s29, s26  }
0x323: {  	(v2sf) =	vpush v3, $0xF;
	p1 =	por !p1, !p2  }
0x324: {  	s31 =	sadd.s32 $0xFFFFFFFF, s31;
	p1 =	por !p1, !p1  }
0x325: {  	s30 =	smov.u32 @p1 s31;
	s28 =	smov.u32 @p1 s0;
	s0 =	smov.u32 s29  }
0x326: {  	_ = 	snop  }
0x327: {  	(xrf0) =	vadd.scan.msk.s32 $0xffff, v6;
	_ =	sdelay $0x4  }
0x328: {  	v3, _, _ =	vpop (xrf0)  }
0x329: {  	(v2sf) =	vpush v3, $0xF;
	v3, _, _ =	vpop (xrf0)  }
0x32a: {  	(v2sf) =	vpush v3, $0xF;
	_ =	sdelay $0x8  }
0x32b: {  	s2 =	spop (v2sf)  }
0x32c: {  	s7 =	spop (v2sf);
	s2 =	sadd.s32 s29, s2  }
0x32d: {  	p1 =	slt.s32 s0, s26;
	s7 =	sadd.s32 s2, s7;
	p2 =	sge.s32 s2, s26  }
0x32e: {  	p3 =	slt.s32 s2, s26;
	p4 =	sge.s32 s7, s26;
	s13 =	spop (v2sf)  }
0x32f: {  	p1 =	por !p1, !p2;
	p2 =	por !p3, !p4;
	s13 =	sadd.s32 s7, s13  }
0x330: {  	p3 =	slt.s32 s7, s26;
	p4 =	sge.s32 s13, s26;
	s15 =	spop (v2sf)  }
0x331: {  	p5 =	slt.s32 s13, s26;
	s15 =	sadd.s32 s13, s15;
	s29 =	spop (v2sf)  }
0x332: {  	p3 =	por !p3, !p4;
	p6 =	sge.s32 s15, s26;
	s29 =	sadd.s32 s15, s29  }
0x333: {  	p4 =	por !p5, !p6;
	p6 =	slt.s32 s15, s26;
	p0 =	sge.s32 s29, s26  }
0x334: {  	s29 =	sadd.s32 $0xFFFFFFFF, s31;
	p5 =	por !p6, !p0;
	p0 =	por !p1, !p1  }
0x335: {  	p1 =	por !p2, !p2;
	s30 =	smov.u32 @p0 s29;
	s29 =	sadd.s32 $0xFFFFFFFF, s29  }
0x336: {  	p2 =	por !p3, !p3;
	s30 =	smov.u32 @p1 s29;
	s29 =	sadd.s32 $0xFFFFFFFF, s29  }
0x337: {  	p3 =	por !p4, !p4;
	s30 =	smov.u32 @p2 s29;
	s29 =	sadd.s32 $0xFFFFFFFF, s29  }
0x338: {  	p4 =	por !p5, !p5;
	s30 =	smov.u32 @p3 s29;
	s29 =	sadd.s32 $0xFFFFFFFF, s29  }
0x339: {  	s30 =	smov.u32 @p4 s29  }
0x33a: {  	s29 =	sshll.u32 s30, $0x4;
	s30 =	simm.s32 $0x40  }
0x33b: {  	v5 =	vld [tilespmem:s29+$0x0];
	[tilespmem:s30+$0xFFFFFFC0] =	vst v0  }
0x33c: {  	[tilespmem:s30+$0x30] =	vst v0  }
0x33d: {  	s28 =	smov.u32 @p0 s0;
	[tilespmem:s30+$0x20] =	vst v0  }
0x33e: {  	s28 =	smov.u32 @p1 s2;
	[tilespmem:s30+$0x10] =	vst v0  }
0x33f: {  	s28 =	smov.u32 @p2 s7;
	[tilespmem:s30+$0x0] =	vst v0  }
0x340: {  	s28 =	smov.u32 @p3 s13;
	[tilespmem:s30+$0xFFFFFFF0] =	vst v0  }
0x341: {  	s0 =	simm.s32 $0x0;
	s28 =	smov.u32 @p4 s15;
	[tilespmem:s30+$0xFFFFFFE0] =	vst v0  }
.LBB2_30:
0x342: {  	s0 =	sadd.s32 $0x8, s0;
	[tilespmem:s30+$0xFFFFFFD0] =	vst v0;
	s30 =	sadd.s32 $0x80, s30  }
0x343: {  	[tilespmem:s30+$0xFFFFFFC0] =	vst v0;
	p0 =	slt.u32 s0, $0x78  }
0x344: {  	[tilespmem:s30+$0x30] =	vst v0  }
.Ltmp16:
0x345: {  	[tilespmem:s30+$0x20] =	vst v0;
	(pc) =	sbr.rel @p0 .LBB2_30-.Ltmp16, $4  }
0x346: {  	[tilespmem:s30+$0x10] =	vst v0  }
0x347: {  	[tilespmem:s30+$0x0] =	vst v0  }
0x348: {  	[tilespmem:s30+$0xFFFFFFF0] =	vst v0  }
0x349: {  	[tilespmem:s30+$0xFFFFFFE0] =	vst v0  }
0x34a: {  	(xrf0) =	vadd.scan.msk.s32 $0xffff, v5;
	_ =	sdelay $0x5  }
0x34b: {  	v3, _, _ =	vpop (xrf0)  }
0x34c: {  	v4 =	vbroadcast v3, $0xF;
	_ =	sdelay $0x1  }
0x34d: {  	v3 =	vsub.s32 v4, v3  }
0x34e: {  	v3 =	vadd.s32 s28, v3  }
0x34f: {  	v62 =	vadd.s32 v5, v3  }
0x350: {  	vm0 =	vlt.s32 v3, s26;
	vm1 =	vge.s32 v62, s26  }
0x351: {  	vm0 =	vmand vm0, vm1  }
0x352: {  	v63 =	vnsel vm0, $0x0, v2  }
0x353: {  	(xrf0) =	vadd.scan.msk.s32 $0xffff, v63  }
0x354: {  	v3 =	vnsel vm0, $0x0, v3  }
0x355: {  	(xrf0) =	vadd.scan.msk.s32 $0xffff, v3;
	_ =	sdelay $0x3  }
0x356: {  	v3, _, _ =	vpop (xrf0)  }
0x357: {  	(v2sf) =	vpush v3, $0xF  }
0x358: {  	v3, _, _ =	vpop (xrf0)  }
0x359: {  	(v2sf) =	vpush v3, $0xF;
	_ =	sdelay $0x5  }
0x35a: {  	[tilespmem:s30+$0xFFFFFFD0] =	vst v0  }
0x35b: {  	s30 =	sld [smem:$0x7FC];
	_ =	sdelay $0x2  }
0x35c: {  	p0 =	seq.s32 s30, $0x1  }
.Ltmp17:
0x35d: {  	_ = 	snop;
	(pc) =	sbr.rel @p0 .LBB2_51-.Ltmp17, $4  }
0x35e: {  	s31 =	sld [smem:$0x7FA]  }
0x35f: {  	s0 =	spop (v2sf)  }
0x360: {  	s2 =	sadd.s32 s29, s0;
	s0 =	sshll.u32 s24, $0xB  }
0x361: {  	p1 =	seq.s32 s31, $0x1;
	s24 =	spop (v2sf);
	s28 =	sor.u32 s0, s2  }
.Ltmp18:
0x362: {  	(pc) =	sbr.rel @p1 .LBB2_33-.Ltmp18, $1  }
0x363: {  	_ =	sdelay $0x3  }
0x364: {  	p0 =	seq.s32 s25, $0x1  }
.Ltmp19:
0x365: {  	_ = 	snop;
	(pc) =	sbr.rel @p0 .LBB2_50-.Ltmp19, $3  }
0x366: {  	_ =	sdelay $0x1  }
0x367: {  	s0 =	simm.s32 $0x6800  }
0x368: {  	v6 =	vmov s28;
	v5 =	vimm.f32 $0.0e+00;
	s18 =	sadd.s32 $0xFFFFFFFF, s25;
	v7 =	vld [tilespmem:s0+$0x0]  }
.LBB2_49:
0x369: {  	p0 =	seq.s32 s18, $0x1;
	_ =	sdelay $0x3  }
0x36a: {  	v3 =	vshra.s32 v7, $0x1F  }
0x36b: {  	v3 =	vor.u32 $0x80000000, v3  }
0x36c: {  	v3 =	vxor.u32 v7, v3  }
0x36d: {  	v4 =	vshrl.u32 v3, $0xA  }
0x36e: {  	vm0 =	veq.s32 v4, v6;
	vm1 =	vgt.u32 v4, v6  }
0x36f: {  	v3 =	vand.u32 $0x3FF, v3;
	v4 =	vnsel vm1, $0x0, v7  }
0x370: {  	v5 =	vadd.f32 v4, v5  }
.Ltmp20:
0x371: {  	(pc) =	sbr.rel @!p0 .LBB2_49-.Ltmp20, $3  }
0x372: {  	_ =	sdelay $0x1  }
0x373: {  	s0 =	sadd.s32 $0x10, s0;
	[tilespmem:v3+s3+$0x0] =	vst.idx.add.s32.msk vm0, v1  }
0x374: {  	s18 =	sadd.s32 $0xFFFFFFFF, s18;
	v7 =	vld [tilespmem:s0+$0x0]  }
.LBB2_50:
0x375: {  	_ =	sdelay $0x3  }
0x376: {  	v3 =	vshra.s32 v7, $0x1F  }
0x377: {  	v3 =	vor.u32 $0x80000000, v3  }
0x378: {  	v3 =	vxor.u32 v7, v3  }
0x379: {  	v4 =	vshrl.u32 v3, $0xA  }
0x37a: {  	vm0 =	veq.s32 v4, v6  }
0x37b: {  	v3 =	vand.u32 $0x3FF, v3  }
.Ltmp21:
0x37c: {  	_ = 	snop;
	(pc) =	sbr.rel .LBB2_34-.Ltmp21, $4  }
0x37d: {  	_ = 	snop  }
0x37e: {  	vm1 =	vgt.u32 v4, v6  }
0x37f: {  	v4 =	vnsel vm1, $0x0, v7  }
0x380: {  	v7 =	vadd.f32 v4, v5;
	[tilespmem:v3+s3+$0x0] =	vst.idx.add.s32.msk vm0, v1  }
.LBB2_41:
0x381: {  	s26 =	simm.s32 $0x0  }
0x382: {  	[tilespmem:s8], [sflag:$0x1] =	stream.linear.gather [hbm4b:s20+s26], $0x3000, $0x38;
	[tilespmem:$0xE900] =	vst v63  }
0x383: {  	_ = 	snop  }
0x384: {  	[tilespmem:s9], [sflag:$0x2] =	stream.linear.gather [hbm4b:s21+s26], $0x3000, $0x38;
	[tilespmem:$0xE900] =	vst v63  }
.LBB2_42:
0x385: {  	_ =	swait.ge [sflag:s10], $0x3000  }
0x386: {  	[sflag:s10] =	ssyncset.done $0x0  }
0x387: {  	s0 =	simm.s32 $0x820;
	[sflag:s10] =	ssyncadd.s32 $0xFFFFD000  }
0x388: {  	v3 =	vld [tilespmem:s0+$0x10]  }
0x389: {  	v4 =	vld [tilespmem:s0+$0xFFFFFFF0]  }
0x38a: {  	v6 =	vld [tilespmem:s0+$0x0];
	_ =	sdelay $0x1  }
0x38b: {  	v7 =	vld [tilespmem:s0+$0xFFFFFFE0];
	_ =	sdelay $0x2  }
0x38c: {  	v8 =	vshra.s32 v3, $0x1F;
	v9 =	vshra.s32 v4, $0x1F;
	v10 =	vshra.s32 v6, $0x1F  }
0x38d: {  	v8 =	vor.u32 $0x80000000, v8;
	v9 =	vor.u32 $0x80000000, v9;
	v10 =	vor.u32 $0x80000000, v10  }
0x38e: {  	v3 =	vxor.u32 v3, v8;
	v8 =	vshra.s32 v7, $0x1F;
	v4 =	vxor.u32 v4, v9  }
0x38f: {  	s31 =	simm.s32 $0x860;
	v6 =	vxor.u32 v6, v10;
	v11 =	vshrl.u32 v3, $0x15;
	v8 =	vor.u32 $0x80000000, v8  }
0x390: {  	v3 =	vshrl.u32 v3, $0xA;
	v13 =	vshrl.u32 v4, $0x15;
	vm2 =	veq.s32 v11, v5;
	v11 =	vld [tilespmem:s31+$0x10]  }
0x391: {  	v9 =	vld [tilespmem:s31+$0xFFFFFFF0];
	v4 =	vshrl.u32 v4, $0xA;
	v14 =	vshrl.u32 v6, $0x15;
	v7 =	vxor.u32 v7, v8  }
0x392: {  	v10 =	vld [tilespmem:s31+$0xFFFFFFE0];
	v6 =	vshrl.u32 v6, $0xA;
	v3 =	vand.u32 $0x7FF, v3;
	v12 =	vshrl.u32 v7, $0x15  }
0x393: {  	v8 =	vld [tilespmem:s31+$0x0];
	vm0 =	veq.s32 v13, v5;
	v7 =	vshrl.u32 v7, $0xA;
	vm3 =	veq.s32 v12, v5  }
0x394: {  	vm4 =	veq.s32 v14, v5;
	v6 =	vand.u32 $0x7FF, v6;
	v15 =	vand.u32 $0x7FF, v7  }
0x395: {  	vm1 =	vmmov vm0;
	v7 =	vand.u32 $0x7FF, v4;
	v4 =	vshra.s32 v11, $0x1F  }
0x396: {  	vm0 =	vmmov vm4;
	v12 =	vshra.s32 v9, $0x1F;
	v4 =	vor.u32 $0x80000000, v4  }
0x397: {  	v12 =	vor.u32 $0x80000000, v12;
	[tilespmem:v3+s3+$0x0] =	vst.idx.add.s32.msk vm2, v1;
	v3 =	vshra.s32 v10, $0x1F;
	v4 =	vxor.u32 v11, v4  }
0x398: {  	v11 =	vshra.s32 v8, $0x1F;
	v14 =	vor.u32 $0x80000000, v3;
	v16 =	vshrl.u32 v4, $0x15  }
0x399: {  	s28 =	simm.s32 $0x4;
	s0 =	simm.s32 $0x8A0;
	v11 =	vor.u32 $0x80000000, v11;
	v13 =	vshrl.u32 v4, $0xA;
	[tilespmem:v15+s3+$0x0] =	vst.idx.add.s32.msk vm3, v1;
	vm2 =	veq.s32 v16, v5  }
.LBB2_43:
0x39a: {  	v3 =	vld [tilespmem:s0+$0x10];
	s28 =	sadd.s32 $0x4, s28;
	v4 =	vxor.u32 v10, v14;
	v10 =	vxor.u32 v9, v12;
	v12 =	vand.u32 $0x7FF, v13  }
0x39b: {  	v11 =	vxor.u32 v8, v11;
	v9 =	vld [tilespmem:s0+$0xFFFFFFF0];
	p2 =	slt.u32 s28, $0x2FC;
	v13 =	vshrl.u32 v4, $0x15;
	v14 =	vshrl.u32 v10, $0x15  }
0x39c: {  	v4 =	vshrl.u32 v4, $0xA;
	v15 =	vshrl.u32 v10, $0xA;
	v16 =	vshrl.u32 v11, $0x15;
	v8 =	vld [tilespmem:s0+$0x0]  }
0x39d: {  	v11 =	vshrl.u32 v11, $0xA;
	vm3 =	veq.s32 v13, v5;
	vm4 =	veq.s32 v14, v5;
	v10 =	vld [tilespmem:s0+$0xFFFFFFE0]  }
0x39e: {  	v4 =	vand.u32 $0x7FF, v4;
	vm5 =	veq.s32 v16, v5;
	[tilespmem:v7+s3+$0x0] =	vst.idx.add.s32.msk vm1, v1;
	v7 =	vand.u32 $0x7FF, v15  }
.Ltmp22:
0x39f: {  	v11 =	vand.u32 $0x7FF, v11;
	vm1 =	vmmov vm4;
	v13 =	vshra.s32 v3, $0x1F;
	[tilespmem:v12+s3+$0x0] =	vst.idx.add.s32.msk vm2, v1;
	(pc) =	sbr.rel @p2 .LBB2_43-.Ltmp22, $4  }
0x3a0: {  	v12 =	vshra.s32 v9, $0x1F;
	v13 =	vor.u32 $0x80000000, v13;
	[tilespmem:v6+s3+$0x0] =	vst.idx.add.s32.msk vm0, v1;
	v6 =	vmovc v11;
	vm0 =	vmmov vm5  }
0x3a1: {  	v12 =	vor.u32 $0x80000000, v12;
	v11 =	vshra.s32 v8, $0x1F;
	v3 =	vxor.u32 v3, v13  }
0x3a2: {  	v13 =	vshra.s32 v10, $0x1F;
	v11 =	vor.u32 $0x80000000, v11;
	v15 =	vshrl.u32 v3, $0x15  }
0x3a3: {  	s0 =	sadd.s32 $0x40, s0;
	v14 =	vor.u32 $0x80000000, v13;
	v13 =	vshrl.u32 v3, $0xA;
	vm2 =	veq.s32 v15, v5;
	[tilespmem:v4+s3+$0x0] =	vst.idx.add.s32.msk vm3, v1  }
0x3a4: {  	v3 =	vxor.u32 v10, v14;
	v4 =	vxor.u32 v9, v12  }
0x3a5: {  	v9 =	vand.u32 $0x7FF, v13;
	v8 =	vxor.u32 v8, v11;
	v10 =	vshrl.u32 v3, $0x15  }
0x3a6: {  	v12 =	vshrl.u32 v4, $0x15;
	v3 =	vshrl.u32 v3, $0xA;
	v4 =	vshrl.u32 v4, $0xA  }
0x3a7: {  	v11 =	vshrl.u32 v8, $0x15;
	vm3 =	veq.s32 v10, v5;
	vm4 =	veq.s32 v12, v5  }
0x3a8: {  	v3 =	vand.u32 $0x7FF, v3;
	vm5 =	veq.s32 v11, v5;
	vm4 =	vmmov vm4  }
0x3a9: {  	v8 =	vshrl.u32 v8, $0xA;
	v4 =	vand.u32 $0x7FF, v4;
	vm5 =	vmmov vm5  }
0x3aa: {  	[tilespmem:v7+s3+$0x0] =	vst.idx.add.s32.msk vm1, v1;
	p2 =	seq.s32 s26, $0x5;
	v7 =	vand.u32 $0x7FF, v8  }
0x3ab: {  	[tilespmem:v6+s3+$0x0] =	vst.idx.add.s32.msk vm0, v1;
	s0 =	smul.u32 @!p2 $0x6000, s26  }
0x3ac: {  	[tilespmem:v9+s3+$0x0] =	vst.idx.add.s32.msk vm2, v1  }
0x3ad: {  	s0 =	sadd.s32 @!p2 s0, s18;
	[tilespmem:v3+s3+$0x0] =	vst.idx.add.s32.msk vm3, v1  }
0x3ae: {  	s0 =	sshrl.u32 @!p2 s0, $0x3;
	[tilespmem:v4+s3+$0x0] =	vst.idx.add.s32.msk vm4, v1  }
0x3af: {  	s2 =	simm.s32 @!p2 $0x0;
	s28 =	simm.s32 @!p2 $0x800;
	s0 =	sadd.s32 @!p2 s1, s0;
	[tilespmem:v7+s3+$0x0] =	vst.idx.add.s32.msk vm5, v1  }
0x3b0: {  	[tilespmem:s28], [sflag:$0x1] =	stream.linear.gather @!p2 [hbm4b:s0+s2], $0x3000, $0x38;
	[tilespmem:$0xE900] =	vst v63  }
0x3b1: {  	_ =	swait.ge [sflag:s11], $0x3000  }
0x3b2: {  	[sflag:s11] =	ssyncset.done $0x0  }
0x3b3: {  	s30 =	simm.s32 $0x3820;
	[sflag:s11] =	ssyncadd.s32 $0xFFFFD000  }
0x3b4: {  	v3 =	vld [tilespmem:s30+$0x10]  }
0x3b5: {  	v4 =	vld [tilespmem:s30+$0xFFFFFFF0]  }
0x3b6: {  	v6 =	vld [tilespmem:s30+$0x0];
	_ =	sdelay $0x1  }
0x3b7: {  	v7 =	vld [tilespmem:s30+$0xFFFFFFE0];
	_ =	sdelay $0x2  }
0x3b8: {  	v8 =	vshra.s32 v3, $0x1F;
	v9 =	vshra.s32 v4, $0x1F;
	v10 =	vshra.s32 v6, $0x1F  }
0x3b9: {  	v8 =	vor.u32 $0x80000000, v8;
	v9 =	vor.u32 $0x80000000, v9;
	v10 =	vor.u32 $0x80000000, v10  }
0x3ba: {  	v3 =	vxor.u32 v3, v8;
	v8 =	vshra.s32 v7, $0x1F;
	v4 =	vxor.u32 v4, v9  }
0x3bb: {  	s31 =	simm.s32 $0x3860;
	v6 =	vxor.u32 v6, v10;
	v11 =	vshrl.u32 v3, $0x15;
	v8 =	vor.u32 $0x80000000, v8  }
0x3bc: {  	v3 =	vshrl.u32 v3, $0xA;
	v13 =	vshrl.u32 v4, $0x15;
	vm2 =	veq.s32 v11, v5;
	v11 =	vld [tilespmem:s31+$0x10]  }
0x3bd: {  	v9 =	vld [tilespmem:s31+$0xFFFFFFF0];
	v4 =	vshrl.u32 v4, $0xA;
	v14 =	vshrl.u32 v6, $0x15;
	v7 =	vxor.u32 v7, v8  }
0x3be: {  	v10 =	vld [tilespmem:s31+$0xFFFFFFE0];
	v6 =	vshrl.u32 v6, $0xA;
	v3 =	vand.u32 $0x7FF, v3;
	v12 =	vshrl.u32 v7, $0x15  }
0x3bf: {  	v8 =	vld [tilespmem:s31+$0x0];
	vm0 =	veq.s32 v13, v5;
	v7 =	vshrl.u32 v7, $0xA;
	vm3 =	veq.s32 v12, v5  }
0x3c0: {  	vm15 =	veq.s32 v14, v5;
	v6 =	vand.u32 $0x7FF, v6;
	v15 =	vand.u32 $0x7FF, v7  }
0x3c1: {  	vm1 =	vmmov vm0;
	v7 =	vand.u32 $0x7FF, v4;
	v4 =	vshra.s32 v11, $0x1F  }
0x3c2: {  	vm0 =	vmmov vm15;
	v12 =	vshra.s32 v9, $0x1F;
	v4 =	vor.u32 $0x80000000, v4  }
0x3c3: {  	v12 =	vor.u32 $0x80000000, v12;
	[tilespmem:v3+s3+$0x0] =	vst.idx.add.s32.msk vm2, v1;
	v3 =	vshra.s32 v10, $0x1F;
	v4 =	vxor.u32 v11, v4  }
0x3c4: {  	v11 =	vshra.s32 v8, $0x1F;
	v14 =	vor.u32 $0x80000000, v3;
	v16 =	vshrl.u32 v4, $0x15  }
0x3c5: {  	s28 =	simm.s32 $0x4;
	s0 =	simm.s32 $0x38A0;
	v11 =	vor.u32 $0x80000000, v11;
	v13 =	vshrl.u32 v4, $0xA;
	[tilespmem:v15+s3+$0x0] =	vst.idx.add.s32.msk vm3, v1;
	vm2 =	veq.s32 v16, v5  }
.LBB2_45:
0x3c6: {  	v3 =	vld [tilespmem:s0+$0x10];
	s28 =	sadd.s32 $0x4, s28;
	v4 =	vxor.u32 v10, v14;
	v10 =	vxor.u32 v9, v12;
	v12 =	vand.u32 $0x7FF, v13  }
0x3c7: {  	v11 =	vxor.u32 v8, v11;
	v9 =	vld [tilespmem:s0+$0xFFFFFFF0];
	p3 =	slt.u32 s28, $0x2FC;
	v13 =	vshrl.u32 v4, $0x15;
	v14 =	vshrl.u32 v10, $0x15  }
0x3c8: {  	v4 =	vshrl.u32 v4, $0xA;
	v15 =	vshrl.u32 v10, $0xA;
	v16 =	vshrl.u32 v11, $0x15;
	v8 =	vld [tilespmem:s0+$0x0]  }
0x3c9: {  	v11 =	vshrl.u32 v11, $0xA;
	vm3 =	veq.s32 v13, v5;
	vm4 =	veq.s32 v14, v5;
	v10 =	vld [tilespmem:s0+$0xFFFFFFE0]  }
0x3ca: {  	v4 =	vand.u32 $0x7FF, v4;
	vm5 =	veq.s32 v16, v5;
	[tilespmem:v7+s3+$0x0] =	vst.idx.add.s32.msk vm1, v1;
	v7 =	vand.u32 $0x7FF, v15  }
.Ltmp23:
0x3cb: {  	v11 =	vand.u32 $0x7FF, v11;
	vm1 =	vmmov vm4;
	v13 =	vshra.s32 v3, $0x1F;
	[tilespmem:v12+s3+$0x0] =	vst.idx.add.s32.msk vm2, v1;
	(pc) =	sbr.rel @p3 .LBB2_45-.Ltmp23, $4  }
0x3cc: {  	v12 =	vshra.s32 v9, $0x1F;
	v13 =	vor.u32 $0x80000000, v13;
	[tilespmem:v6+s3+$0x0] =	vst.idx.add.s32.msk vm0, v1;
	v6 =	vmovc v11;
	vm0 =	vmmov vm5  }
0x3cd: {  	v12 =	vor.u32 $0x80000000, v12;
	v11 =	vshra.s32 v8, $0x1F;
	v3 =	vxor.u32 v3, v13  }
0x3ce: {  	v13 =	vshra.s32 v10, $0x1F;
	v11 =	vor.u32 $0x80000000, v11;
	v15 =	vshrl.u32 v3, $0x15  }
0x3cf: {  	s0 =	sadd.s32 $0x40, s0;
	v14 =	vor.u32 $0x80000000, v13;
	v13 =	vshrl.u32 v3, $0xA;
	vm2 =	veq.s32 v15, v5;
	[tilespmem:v4+s3+$0x0] =	vst.idx.add.s32.msk vm3, v1  }
0x3d0: {  	v3 =	vxor.u32 v10, v14;
	v4 =	vxor.u32 v9, v12  }
0x3d1: {  	v63 =	vand.u32 $0x7FF, v13;
	v8 =	vxor.u32 v8, v11;
	v10 =	vshrl.u32 v3, $0x15  }
0x3d2: {  	v12 =	vshrl.u32 v4, $0x15;
	v3 =	vshrl.u32 v3, $0xA;
	v4 =	vshrl.u32 v4, $0xA  }
0x3d3: {  	v11 =	vshrl.u32 v8, $0x15;
	vm3 =	veq.s32 v10, v5;
	vm4 =	veq.s32 v12, v5  }
0x3d4: {  	v3 =	vand.u32 $0x7FF, v3;
	vm5 =	veq.s32 v11, v5;
	vm4 =	vmmov vm4  }
0x3d5: {  	v8 =	vshrl.u32 v8, $0xA;
	v4 =	vand.u32 $0x7FF, v4;
	vm5 =	vmmov vm5  }
0x3d6: {  	[tilespmem:v7+s3+$0x0] =	vst.idx.add.s32.msk vm1, v1;
	v7 =	vand.u32 $0x7FF, v8  }
.Ltmp24:
0x3d7: {  	[tilespmem:v6+s3+$0x0] =	vst.idx.add.s32.msk vm0, v1;
	(pc) =	sbr.rel @p2 .LBB2_27-.Ltmp24, $4  }
0x3d8: {  	[tilespmem:v63+s3+$0x0] =	vst.idx.add.s32.msk vm2, v1  }
0x3d9: {  	[tilespmem:v3+s3+$0x0] =	vst.idx.add.s32.msk vm3, v1  }
0x3da: {  	[tilespmem:v4+s3+$0x0] =	vst.idx.add.s32.msk vm4, v1  }
0x3db: {  	[tilespmem:v7+s3+$0x0] =	vst.idx.add.s32.msk vm5, v1  }
0x3dc: {  	s0 =	smul.u32 $0x6000, s26  }
.Ltmp25:
0x3dd: {  	_ = 	snop;
	(pc) =	sbr.rel .LBB2_42-.Ltmp25, $4  }
0x3de: {  	s0 =	sadd.s32 s0, s19  }
0x3df: {  	s0 =	sshrl.u32 s0, $0x3  }
0x3e0: {  	s26 =	sadd.s32 $0x1, s26;
	s0 =	sadd.s32 s1, s0  }
0x3e1: {  	[tilespmem:s9], [sflag:$0x2] =	stream.linear.gather [hbm4b:s0+s3], $0x3000, $0x38;
	[tilespmem:$0xE900] =	vst v63  }
.LBB2_51:
0x3e2: {  	s25 =	simm.s32 $0x0  }
0x3e3: {  	[tilespmem:s8], [sflag:$0x1] =	stream.linear.gather [hbm4b:s20+s25], $0x3000, $0x38;
	[tilespmem:$0xE900] =	vst v63  }
0x3e4: {  	s0 =	sor.u32 $0x7FF, s0  }
0x3e5: {  	v5 =	vmov s28;
	v7 =	vimm.f32 $0.0e+00;
	v6 =	vmov s0;
	[tilespmem:s9], [sflag:$0x2] =	stream.linear.gather [hbm4b:s21+s25], $0x3000, $0x38;
	[tilespmem:$0xE900] =	vst v63  }
.LBB2_52:
0x3e6: {  	_ =	swait.ge [sflag:s10], $0x3000  }
0x3e7: {  	[sflag:s10] =	ssyncset.done $0x0  }
0x3e8: {  	s0 =	simm.s32 $0x820;
	[sflag:s10] =	ssyncadd.s32 $0xFFFFD000  }
0x3e9: {  	v9 =	vld [tilespmem:s0+$0x0]  }
0x3ea: {  	v8 =	vld [tilespmem:s0+$0x10]  }
0x3eb: {  	v3 =	vld [tilespmem:s0+$0xFFFFFFE0]  }
0x3ec: {  	v11 =	vld [tilespmem:s0+$0xFFFFFFF0];
	_ =	sdelay $0x3  }
0x3ed: {  	v4 =	vshra.s32 v3, $0x1F;
	v12 =	vshra.s32 v9, $0x1F  }
0x3ee: {  	v13 =	vshra.s32 v11, $0x1F;
	v14 =	vshra.s32 v8, $0x1F;
	v4 =	vor.u32 $0x80000000, v4  }
0x3ef: {  	v14 =	vor.u32 $0x80000000, v14;
	v13 =	vor.u32 $0x80000000, v13;
	v10 =	vxor.u32 v3, v4  }
0x3f0: {  	v4 =	vor.u32 $0x80000000, v12;
	v13 =	vxor.u32 v11, v13;
	v15 =	vshrl.u32 v10, $0xA  }
0x3f1: {  	v14 =	vxor.u32 v8, v14;
	vm0 =	vgt.u32 v15, v5;
	vm1 =	vle.u32 v15, v6  }
0x3f2: {  	v12 =	vxor.u32 v9, v4;
	v17 =	vshrl.u32 v13, $0xA;
	vm0 =	vmand vm0, vm1  }
0x3f3: {  	vm1 =	vle.u32 v17, v6;
	v3 =	vnsel vm0, $0x0, v3;
	vm0 =	vgt.u32 v17, v5  }
0x3f4: {  	s20 =	simm.s32 $0x0;
	s21 =	simm.s32 $0x860;
	v16 =	vshrl.u32 v12, $0xA;
	v18 =	vadd.f32 v3, v7;
	vm1 =	vmand vm0, vm1  }
.LBB2_53:
0x3f5: {  	v3 =	vld [tilespmem:s21+$0x0];
	v4 =	vnsel vm1, $0x0, v11;
	vm0 =	vgt.u32 v16, v5;
	vm1 =	vle.u32 v16, v6  }
0x3f6: {  	v7 =	vld [tilespmem:s21+$0x10];
	v4 =	vadd.f32 v4, v18;
	vm0 =	vmand vm0, vm1;
	v18 =	vshrl.u32 v14, $0xA  }
0x3f7: {  	s20 =	sadd.s32 $0x4, s20;
	v19 =	vld [tilespmem:s21+$0xFFFFFFE0];
	v9 =	vnsel vm0, $0x0, v9;
	vm0 =	vgt.u32 v18, v5;
	vm1 =	vle.u32 v18, v6  }
0x3f8: {  	vm3 =	veq.s32 v15, v5;
	p0 =	slt.u32 s20, $0x2FC;
	v11 =	vld [tilespmem:s21+$0xFFFFFFF0];
	v4 =	vadd.f32 v9, v4;
	vm0 =	vmand vm0, vm1  }
0x3f9: {  	vm2 =	veq.s32 v17, v5;
	vm1 =	veq.s32 v16, v5;
	v15 =	vnsel vm0, $0x0, v8  }
0x3fa: {  	v16 =	vand.u32 $0x3FF, v10;
	vm0 =	veq.s32 v18, v5;
	v4 =	vadd.f32 v15, v4;
	v9 =	vmovc v3  }
0x3fb: {  	v20 =	vand.u32 $0x3FF, v14;
	v18 =	vand.u32 $0x3FF, v12;
	v3 =	vand.u32 $0x3FF, v13;
	v8 =	vmovc v7  }
0x3fc: {  	v12 =	vshra.s32 v9, $0x1F;
	v7 =	vshra.s32 v19, $0x1F  }
0x3fd: {  	v14 =	vshra.s32 v8, $0x1F;
	v7 =	vor.u32 $0x80000000, v7;
	v13 =	vshra.s32 v11, $0x1F  }
0x3fe: {  	v14 =	vor.u32 $0x80000000, v14;
	v10 =	vxor.u32 v19, v7;
	v7 =	vor.u32 $0x80000000, v12  }
.Ltmp26:
0x3ff: {  	v13 =	vor.u32 $0x80000000, v13;
	v15 =	vshrl.u32 v10, $0xA;
	v12 =	vxor.u32 v9, v7;
	[tilespmem:v16+s3+$0x0] =	vst.idx.add.s32.msk vm3, v1;
	(pc) =	sbr.rel @p0 .LBB2_53-.Ltmp26, $4  }
0x400: {  	v13 =	vxor.u32 v11, v13;
	vm3 =	vgt.u32 v15, v5;
	vm4 =	vle.u32 v15, v6  }
0x401: {  	v14 =	vxor.u32 v8, v14;
	v17 =	vshrl.u32 v13, $0xA;
	vm3 =	vmand vm3, vm4;
	[tilespmem:v3+s3+$0x0] =	vst.idx.add.s32.msk vm2, v1  }
0x402: {  	vm2 =	vgt.u32 v17, v5;
	v3 =	vnsel vm3, $0x0, v19;
	vm3 =	vle.u32 v17, v6;
	[tilespmem:v18+s3+$0x0] =	vst.idx.add.s32.msk vm1, v1  }
0x403: {  	s21 =	sadd.s32 $0x40, s21;
	v16 =	vshrl.u32 v12, $0xA;
	v18 =	vadd.f32 v3, v4;
	vm1 =	vmand vm2, vm3;
	[tilespmem:v20+s3+$0x0] =	vst.idx.add.s32.msk vm0, v1  }
0x404: {  	vm0 =	veq.s32 v15, v5  }
0x405: {  	vm2 =	veq.s32 v17, v5;
	v3 =	vand.u32 $0x3FF, v10  }
0x406: {  	v4 =	vshrl.u32 v14, $0xA;
	vm3 =	veq.s32 v16, v5;
	v7 =	vand.u32 $0x3FF, v13  }
0x407: {  	v10 =	vand.u32 $0x3FF, v12;
	vm4 =	veq.s32 v4, v5  }
0x408: {  	v12 =	vand.u32 $0x3FF, v14;
	p0 =	seq.s32 s25, $0x5  }
0x409: {  	s0 =	smul.u32 @!p0 $0x6000, s25  }
0x40a: {  	[tilespmem:v3+s3+$0x0] =	vst.idx.add.s32.msk vm0, v1  }
0x40b: {  	s0 =	sadd.s32 @!p0 s0, s18;
	[tilespmem:v7+s3+$0x0] =	vst.idx.add.s32.msk vm2, v1  }
0x40c: {  	s0 =	sshrl.u32 @!p0 s0, $0x3;
	[tilespmem:v10+s3+$0x0] =	vst.idx.add.s32.msk vm3, v1  }
0x40d: {  	s2 =	simm.s32 @!p0 $0x0;
	s7 =	simm.s32 @!p0 $0x800;
	s0 =	sadd.s32 @!p0 s1, s0;
	[tilespmem:v12+s3+$0x0] =	vst.idx.add.s32.msk vm4, v1  }
0x40e: {  	[tilespmem:s7], [sflag:$0x1] =	stream.linear.gather @!p0 [hbm4b:s0+s2], $0x3000, $0x38;
	[tilespmem:$0xE900] =	vst v63  }
0x40f: {  	_ =	swait.ge [sflag:s11], $0x3000  }
0x410: {  	[sflag:s11] =	ssyncset.done $0x0  }
0x411: {  	s31 =	simm.s32 $0x3820;
	[sflag:s11] =	ssyncadd.s32 $0xFFFFD000  }
0x412: {  	v10 =	vld [tilespmem:s31+$0x0]  }
0x413: {  	v7 =	vld [tilespmem:s31+$0x10]  }
0x414: {  	v3 =	vnsel vm1, $0x0, v11;
	vm0 =	vgt.u32 v16, v5;
	vm1 =	vle.u32 v16, v6;
	v16 =	vld [tilespmem:s31+$0xFFFFFFE0]  }
0x415: {  	v3 =	vadd.f32 v3, v18;
	vm0 =	vmand vm0, vm1;
	v11 =	vld [tilespmem:s31+$0xFFFFFFF0]  }
0x416: {  	vm1 =	vle.u32 v4, v6;
	v9 =	vnsel vm0, $0x0, v9;
	vm0 =	vgt.u32 v4, v5  }
0x417: {  	v3 =	vadd.f32 v9, v3;
	vm0 =	vmand vm0, vm1  }
0x418: {  	v4 =	vnsel vm0, $0x0, v8  }
0x419: {  	v3 =	vadd.f32 v4, v3;
	v4 =	vshra.s32 v16, $0x1F;
	v8 =	vshra.s32 v10, $0x1F  }
0x41a: {  	v12 =	vshra.s32 v11, $0x1F;
	v13 =	vshra.s32 v7, $0x1F;
	v4 =	vor.u32 $0x80000000, v4  }
0x41b: {  	v17 =	vor.u32 $0x80000000, v13;
	v12 =	vor.u32 $0x80000000, v12;
	v9 =	vxor.u32 v16, v4  }
0x41c: {  	v4 =	vor.u32 $0x80000000, v8;
	v13 =	vxor.u32 v11, v12;
	v14 =	vshrl.u32 v9, $0xA  }
0x41d: {  	v12 =	vxor.u32 v7, v17;
	vm0 =	vgt.u32 v14, v5;
	vm1 =	vle.u32 v14, v6  }
0x41e: {  	v8 =	vxor.u32 v10, v4;
	v15 =	vshrl.u32 v13, $0xA;
	vm0 =	vmand vm0, vm1  }
0x41f: {  	vm1 =	vle.u32 v15, v6;
	v4 =	vnsel vm0, $0x0, v16;
	vm0 =	vgt.u32 v15, v5  }
0x420: {  	s20 =	simm.s32 $0x0;
	s21 =	simm.s32 $0x3860;
	v16 =	vshrl.u32 v8, $0xA;
	v17 =	vadd.f32 v4, v3;
	vm1 =	vmand vm0, vm1  }
.LBB2_55:
0x421: {  	v3 =	vld [tilespmem:s21+$0x0];
	v4 =	vnsel vm1, $0x0, v11;
	vm0 =	vgt.u32 v16, v5;
	vm1 =	vle.u32 v16, v6  }
0x422: {  	v18 =	vld [tilespmem:s21+$0x10];
	v4 =	vadd.f32 v4, v17;
	vm0 =	vmand vm0, vm1;
	v17 =	vshrl.u32 v12, $0xA  }
0x423: {  	s20 =	sadd.s32 $0x4, s20;
	v19 =	vld [tilespmem:s21+$0xFFFFFFE0];
	v10 =	vnsel vm0, $0x0, v10;
	vm0 =	vgt.u32 v17, v5;
	vm1 =	vle.u32 v17, v6  }
0x424: {  	vm3 =	veq.s32 v14, v5;
	p1 =	slt.u32 s20, $0x2FC;
	v11 =	vld [tilespmem:s21+$0xFFFFFFF0];
	v4 =	vadd.f32 v10, v4;
	vm0 =	vmand vm0, vm1  }
0x425: {  	vm2 =	veq.s32 v15, v5;
	vm1 =	veq.s32 v16, v5;
	v14 =	vnsel vm0, $0x0, v7  }
0x426: {  	v15 =	vand.u32 $0x3FF, v9;
	vm0 =	veq.s32 v17, v5;
	v4 =	vadd.f32 v14, v4;
	v10 =	vmovc v3  }
0x427: {  	v20 =	vand.u32 $0x3FF, v12;
	v16 =	vand.u32 $0x3FF, v8;
	v3 =	vand.u32 $0x3FF, v13;
	v7 =	vmovc v18  }
0x428: {  	v12 =	vshra.s32 v10, $0x1F;
	v8 =	vshra.s32 v19, $0x1F  }
0x429: {  	v14 =	vshra.s32 v7, $0x1F;
	v8 =	vor.u32 $0x80000000, v8;
	v13 =	vshra.s32 v11, $0x1F  }
0x42a: {  	v9 =	vxor.u32 v19, v8;
	v8 =	vor.u32 $0x80000000, v12;
	v12 =	vor.u32 $0x80000000, v14  }
.Ltmp27:
0x42b: {  	v13 =	vor.u32 $0x80000000, v13;
	v14 =	vshrl.u32 v9, $0xA;
	v8 =	vxor.u32 v10, v8;
	[tilespmem:v15+s3+$0x0] =	vst.idx.add.s32.msk vm3, v1;
	(pc) =	sbr.rel @p1 .LBB2_55-.Ltmp27, $4  }
0x42c: {  	v13 =	vxor.u32 v11, v13;
	vm3 =	vgt.u32 v14, v5;
	vm4 =	vle.u32 v14, v6  }
0x42d: {  	v12 =	vxor.u32 v7, v12;
	v15 =	vshrl.u32 v13, $0xA;
	vm3 =	vmand vm3, vm4;
	[tilespmem:v3+s3+$0x0] =	vst.idx.add.s32.msk vm2, v1  }
0x42e: {  	vm2 =	vgt.u32 v15, v5;
	v3 =	vnsel vm3, $0x0, v19;
	vm3 =	vle.u32 v15, v6;
	[tilespmem:v16+s3+$0x0] =	vst.idx.add.s32.msk vm1, v1  }
0x42f: {  	s21 =	sadd.s32 $0x40, s21;
	v16 =	vshrl.u32 v8, $0xA;
	v17 =	vadd.f32 v3, v4;
	vm1 =	vmand vm2, vm3;
	[tilespmem:v20+s3+$0x0] =	vst.idx.add.s32.msk vm0, v1  }
0x430: {  	vm0 =	veq.s32 v14, v5  }
0x431: {  	vm2 =	veq.s32 v15, v5;
	v3 =	vand.u32 $0x3FF, v9  }
0x432: {  	v4 =	vshrl.u32 v12, $0xA;
	vm3 =	veq.s32 v16, v5;
	v62 =	vand.u32 $0x3FF, v13  }
0x433: {  	v11 =	vnsel vm1, $0x0, v11;
	v8 =	vand.u32 $0x3FF, v8;
	vm13 =	veq.s32 v4, v5  }
0x434: {  	vm4 =	vgt.u32 v16, v5;
	vm5 =	vle.u32 v16, v6;
	v63 =	vand.u32 $0x3FF, v12  }
.Ltmp28:
0x435: {  	vm4 =	vmand vm4, vm5;
	v11 =	vadd.f32 v11, v17;
	(pc) =	sbr.rel @p0 .LBB2_34-.Ltmp28, $4  }
0x436: {  	vm14 =	vgt.u32 v4, v5;
	vm15 =	vle.u32 v4, v6;
	v10 =	vnsel vm4, $0x0, v10;
	[tilespmem:v3+s3+$0x0] =	vst.idx.add.s32.msk vm0, v1  }
0x437: {  	vm0 =	vmand vm14, vm15;
	v3 =	vadd.f32 v10, v11;
	[tilespmem:v62+s3+$0x0] =	vst.idx.add.s32.msk vm2, v1  }
0x438: {  	[tilespmem:v8+s3+$0x0] =	vst.idx.add.s32.msk vm3, v1;
	v4 =	vnsel vm0, $0x0, v7  }
0x439: {  	[tilespmem:v63+s3+$0x0] =	vst.idx.add.s32.msk vm13, v1;
	v7 =	vadd.f32 v4, v3  }
0x43a: {  	s0 =	smul.u32 $0x6000, s25  }
.Ltmp29:
0x43b: {  	_ = 	snop;
	(pc) =	sbr.rel .LBB2_52-.Ltmp29, $4  }
0x43c: {  	s0 =	sadd.s32 s0, s19  }
0x43d: {  	s0 =	sshrl.u32 s0, $0x3  }
0x43e: {  	s25 =	sadd.s32 $0x1, s25;
	s0 =	sadd.s32 s1, s0  }
0x43f: {  	[tilespmem:s9], [sflag:$0x2] =	stream.linear.gather [hbm4b:s0+s3], $0x3000, $0x38;
	[tilespmem:$0xE900] =	vst v63  }
.LBB2_33:
0x440: {  	v7 =	vimm.f32 $0.0e+00  }
.LBB2_34:
0x441: {  	v3 =	vld [tilespmem:$0x300]  }
0x442: {  	v4 =	vld [tilespmem:$0x310]  }
0x443: {  	v5 =	vld [tilespmem:$0x320]  }
0x444: {  	v6 =	vld [tilespmem:$0x330]  }
0x445: {  	v8 =	vld [tilespmem:$0x340]  }
0x446: {  	v9 =	vld [tilespmem:$0x350]  }
0x447: {  	v10 =	vld [tilespmem:$0x360]  }
0x448: {  	v11 =	vld [tilespmem:$0x370]  }
0x449: {  	v12 =	vld [tilespmem:$0x380]  }
0x44a: {  	v13 =	vld [tilespmem:$0x390]  }
0x44b: {  	v14 =	vld [tilespmem:$0x3A0]  }
0x44c: {  	v15 =	vld [tilespmem:$0x3B0]  }
0x44d: {  	v16 =	vld [tilespmem:$0x3C0]  }
0x44e: {  	v17 =	vld [tilespmem:$0x3D0]  }
0x44f: {  	v18 =	vld [tilespmem:$0x3E0]  }
0x450: {  	v19 =	vld [tilespmem:$0x3F0]  }
0x451: {  	v20 =	vld [tilespmem:$0x200]  }
0x452: {  	v21 =	vld [tilespmem:$0x210]  }
0x453: {  	v22 =	vld [tilespmem:$0x220]  }
0x454: {  	v23 =	vld [tilespmem:$0x230]  }
0x455: {  	v24 =	vld [tilespmem:$0x240]  }
0x456: {  	v25 =	vld [tilespmem:$0x250]  }
0x457: {  	v26 =	vld [tilespmem:$0x260]  }
0x458: {  	v27 =	vld [tilespmem:$0x270]  }
0x459: {  	v28 =	vld [tilespmem:$0x280]  }
0x45a: {  	v29 =	vld [tilespmem:$0x290]  }
0x45b: {  	v30 =	vld [tilespmem:$0x2A0]  }
0x45c: {  	v31 =	vld [tilespmem:$0x2B0]  }
0x45d: {  	v32 =	vld [tilespmem:$0x2C0]  }
0x45e: {  	v33 =	vld [tilespmem:$0x2D0]  }
0x45f: {  	v34 =	vld [tilespmem:$0x2E0]  }
0x460: {  	v35 =	vld [tilespmem:$0x2F0]  }
0x461: {  	v36 =	vld [tilespmem:$0x100]  }
0x462: {  	v37 =	vld [tilespmem:$0x110]  }
0x463: {  	v38 =	vld [tilespmem:$0x120]  }
0x464: {  	v39 =	vld [tilespmem:$0x130]  }
0x465: {  	v40 =	vld [tilespmem:$0x140]  }
0x466: {  	v41 =	vld [tilespmem:$0x150]  }
0x467: {  	v42 =	vld [tilespmem:$0x160]  }
0x468: {  	v43 =	vld [tilespmem:$0x1B0]  }
0x469: {  	v44 =	vld [tilespmem:$0x1C0];
	v3 =	vadd.s32 v3, v4  }
0x46a: {  	v45 =	vld [tilespmem:$0x1D0];
	v3 =	vadd.s32 v5, v3  }
0x46b: {  	v46 =	vld [tilespmem:$0x1E0];
	v3 =	vadd.s32 v6, v3  }
0x46c: {  	v47 =	vld [tilespmem:$0x1F0];
	v3 =	vadd.s32 v8, v3  }
0x46d: {  	v48 =	vld [tilespmem:$0x0];
	v3 =	vadd.s32 v9, v3  }
0x46e: {  	v49 =	vld [tilespmem:$0x10];
	v3 =	vadd.s32 v10, v3  }
0x46f: {  	v51 =	vld [tilespmem:$0x20];
	v3 =	vadd.s32 v11, v3  }
0x470: {  	v52 =	vld [tilespmem:$0x30];
	v3 =	vadd.s32 v12, v3  }
0x471: {  	v53 =	vld [tilespmem:$0x40];
	v3 =	vadd.s32 v13, v3  }
0x472: {  	v55 =	vld [tilespmem:$0x50];
	v3 =	vadd.s32 v14, v3  }
0x473: {  	v56 =	vld [tilespmem:$0x60];
	v50 =	vadd.s32 v20, v21;
	v3 =	vadd.s32 v15, v3  }
0x474: {  	v57 =	vld [tilespmem:$0x70];
	v3 =	vadd.s32 v16, v3;
	v16 =	vadd.s32 v22, v50  }
0x475: {  	v58 =	vld [tilespmem:$0x80];
	v54 =	vadd.s32 v36, v37;
	v3 =	vadd.s32 v17, v3;
	v16 =	vadd.s32 v23, v16  }
0x476: {  	v59 =	vld [tilespmem:$0x90];
	v14 =	vadd.s32 v48, v49;
	v3 =	vadd.s32 v18, v3;
	v16 =	vadd.s32 v24, v16  }
0x477: {  	v4 =	vld [tilespmem:$0x170];
	v3 =	vadd.s32 v19, v3;
	v16 =	vadd.s32 v25, v16;
	v19 =	vadd.s32 v38, v54  }
0x478: {  	v5 =	vld [tilespmem:$0x180];
	v14 =	vadd.s32 v51, v14;
	v16 =	vadd.s32 v26, v16;
	v19 =	vadd.s32 v39, v19  }
0x479: {  	v6 =	vld [tilespmem:$0x190];
	v14 =	vadd.s32 v52, v14;
	v16 =	vadd.s32 v27, v16;
	v19 =	vadd.s32 v40, v19  }
0x47a: {  	v8 =	vld [tilespmem:$0x1A0];
	v14 =	vadd.s32 v53, v14;
	v16 =	vadd.s32 v28, v16;
	v19 =	vadd.s32 v41, v19  }
0x47b: {  	v60 =	vld [tilespmem:$0xA0];
	v14 =	vadd.s32 v55, v14;
	v16 =	vadd.s32 v29, v16;
	v19 =	vadd.s32 v42, v19  }
0x47c: {  	v61 =	vld [tilespmem:$0xB0];
	(xrf2) =	vadd.scan.msk.f32 $0xffff, v7;
	v14 =	vadd.s32 v56, v14;
	v7 =	vadd.s32 v30, v16;
	v4 =	vadd.s32 v4, v19  }
0x47d: {  	v62 =	vld [tilespmem:$0xC0];
	v7 =	vadd.s32 v31, v7;
	v4 =	vadd.s32 v5, v4;
	v5 =	vadd.s32 v57, v14  }
0x47e: {  	v7 =	vadd.s32 v32, v7;
	v4 =	vadd.s32 v6, v4;
	v5 =	vadd.s32 v58, v5;
	v6 =	vld [tilespmem:$0xD0]  }
0x47f: {  	v7 =	vadd.s32 v33, v7;
	v4 =	vadd.s32 v8, v4;
	v5 =	vadd.s32 v59, v5;
	v8 =	vld [tilespmem:$0xE0]  }
0x480: {  	v63 =	vld [tilespmem:$0xF0];
	v7 =	vadd.s32 v34, v7;
	v4 =	vadd.s32 v43, v4;
	v5 =	vadd.s32 v60, v5  }
0x481: {  	(xrf0) =	vadd.scan.msk.s32 $0xffff, v3;
	v3 =	vadd.s32 v35, v7;
	v4 =	vadd.s32 v44, v4;
	v5 =	vadd.s32 v61, v5  }
0x482: {  	(xrf0) =	vadd.scan.msk.s32 $0xffff, v3;
	v3 =	vadd.s32 v45, v4;
	v4 =	vadd.s32 v62, v5  }
0x483: {  	v3 =	vadd.s32 v46, v3;
	v4 =	vadd.s32 v6, v4  }
0x484: {  	v3 =	vadd.s32 v47, v3;
	v4 =	vadd.s32 v8, v4  }
0x485: {  	(xrf0) =	vadd.scan.msk.s32 $0xffff, v3;
	v3 =	vadd.s32 v63, v4;
	_ =	sdelay $0x1  }
0x486: {  	(xrf0) =	vadd.scan.msk.s32 $0xffff, v3;
	v4, _, _ =	vpop (xrf2)  }
0x487: {  	v3, _, _ =	vpop (xrf0);
	(v2sf) =	vpush v4, $0xF  }
0x488: {  	(v2sf) =	vpush v3, $0xF;
	v3, _, _ =	vpop (xrf0)  }
0x489: {  	(v2sf) =	vpush v3, $0xF;
	_ =	sdelay $0x1  }
0x48a: {  	v3, _, _ =	vpop (xrf0)  }
0x48b: {  	(v2sf) =	vpush v3, $0xF;
	v3, _, _ =	vpop (xrf0)  }
0x48c: {  	(v2sf) =	vpush v3, $0xF;
	_ =	sdelay $0x8  }
0x48d: {  	s18 =	spop (v2sf)  }
0x48e: {  	s25 =	spop (v2sf)  }
0x48f: {  	s19 =	ssub.s32 s26, s24;
	s2 =	simm.s32 $0x30;
	s0 =	spop (v2sf)  }
0x490: {  	p0 =	sgt.s32 s19, $0x0;
	p1 =	sge.s32 s25, s19;
	s0 =	sadd.s32 s25, s0  }
0x491: {  	p6 =	slt.s32 s25, s19;
	s2 =	simm.s32 @!p1 $0x0;
	p2 =	sge.s32 s0, s19  }
0x492: {  	s2 =	simm.s32 @!p0 $0x0;
	s7 =	spop (v2sf);
	p1 =	por !p6, !p2  }
0x493: {  	s7 =	sadd.s32 s0, s7;
	s13 =	spop (v2sf);
	p2 =	slt.s32 s0, s19  }
0x494: {  	p0 =	por !p1, !p1;
	p3 =	sge.s32 s7, s19;
	s13 =	sadd.s32 s7, s13  }
0x495: {  	p4 =	slt.s32 s7, s19;
	p1 =	por !p2, !p3;
	p3 =	sge.s32 s13, s19  }
0x496: {  	s2 =	simm.s32 @p0 $0x20;
	p2 =	por !p4, !p3;
	p1 =	por !p1, !p1  }
0x497: {  	s2 =	simm.s32 @p1 $0x10;
	p2 =	por !p2, !p2  }
0x498: {  	s2 =	simm.s32 @p2 $0x0  }
0x499: {  	s31 =	sshll.u32 s2, $0x4  }
0x49a: {  	v5 =	vmov s31;
	_ =	sdelay $0x3  }
0x49b: {  	s15 =	simm.s32 $0xF0  }
0x49c: {  	v3 =	vld.idx.msk [tilespmem:v5+s15+$0x0 ss:$0x1], $0xffff;
	_ =	sdelay $0x4  }
0x49d: {  	(xrf0) =	vadd.scan.msk.s32 $0xffff, v3;
	_ =	sdelay $0x5  }
0x49e: {  	s20 =	simm.s32 $0xE0;
	v3, _, _ =	vpop (xrf0)  }
0x49f: {  	(v2sf) =	vpush v3, $0xF;
	v3 =	vld.idx.msk [tilespmem:v5+s20+$0x0 ss:$0x1], $0xffff;
	_ =	sdelay $0x2  }
0x4a0: {  	s21 =	simm.s32 $0xD0  }
0x4a1: {  	s26 =	simm.s32 $0xC0;
	v4 =	vld.idx.msk [tilespmem:v5+s21+$0x0 ss:$0x1], $0xffff  }
0x4a2: {  	v6 =	vld.idx.msk [tilespmem:v5+s26+$0x0 ss:$0x1], $0xffff;
	(xrf0) =	vadd.scan.msk.s32 $0xffff, v3;
	_ =	sdelay $0x3  }
0x4a3: {  	(xrf0) =	vadd.scan.msk.s32 $0xffff, v4  }
0x4a4: {  	(xrf0) =	vadd.scan.msk.s32 $0xffff, v6  }
0x4a5: {  	v4, _, _ =	vpop (xrf0)  }
0x4a6: {  	(v2sf) =	vpush v4, $0xF;
	_ =	sdelay $0x2  }
0x4a7: {  	v4, _, _ =	vpop (xrf0)  }
0x4a8: {  	(v2sf) =	vpush v4, $0xF;
	v4, _, _ =	vpop (xrf0)  }
0x4a9: {  	s29 =	simm.s32 $0xB0;
	s30 =	spop (v2sf);
	(v2sf) =	vpush v4, $0xF  }
0x4aa: {  	v3 =	vld.idx.msk [tilespmem:v5+s29+$0x0 ss:$0x1], $0xffff  }
0x4ab: {  	s25 =	simm.s32 @!p0 $0x0  }
0x4ac: {  	s25 =	smov.u32 @p1 s0  }
0x4ad: {  	s25 =	smov.u32 @p2 s7  }
0x4ae: {  	s0 =	sadd.s32 s25, s30  }
0x4af: {  	p5 =	slt.s32 s25, s19;
	s31 =	simm.s32 $0xA0;
	(xrf0) =	vadd.scan.msk.s32 $0xffff, v3;
	p6 =	sge.s32 s0, s19  }
0x4b0: {  	s26 =	sor.u32 $0xF, s2;
	s21 =	simm.s32 $0x0;
	v6 =	vld.idx.msk [tilespmem:v5+s31+$0x0 ss:$0x1], $0xffff;
	p0 =	por !p5, !p6  }
0x4b1: {  	s2 =	simm.s32 $0x240;
	s20 =	simm.s32 $0x0;
	p0 =	por !p0, !p0  }
0x4b2: {  	s21 =	smov.u32 @p0 s26;
	s20 =	smov.u32 @p0 s25;
	s25 =	smov.u32 s0  }
.LBB2_35:
0x4b3: {  	s7 =	sshra.s32 s2, $0x2;
	s13 =	spop (v2sf);
	p0 =	sne.s32 s2, $0x0  }
.Ltmp30:
0x4b4: {  	s2 =	sadd.s32 $0xFFFFFFC0, s2;
	s0 =	sadd.s32 s0, s13;
	(pc) =	sbr.rel @p0 .LBB2_35-.Ltmp30, $4  }
0x4b5: {  	p1 =	slt.s32 s25, s19;
	(xrf0) =	vadd.scan.msk.s32 $0xffff, v6;
	v6 =	vld.idx.msk [tilespmem:v5+s7+$0x0 ss:$0x1], $0xffff;
	v3, _, _ =	vpop (xrf0);
	p2 =	sge.s32 s0, s19  }
0x4b6: {  	(v2sf) =	vpush v3, $0xF;
	p1 =	por !p1, !p2  }
0x4b7: {  	s26 =	sadd.s32 $0xFFFFFFFF, s26;
	p1 =	por !p1, !p1  }
0x4b8: {  	s21 =	smov.u32 @p1 s26;
	s20 =	smov.u32 @p1 s25;
	s25 =	smov.u32 s0  }
0x4b9: {  	_ = 	snop  }
0x4ba: {  	(xrf0) =	vadd.scan.msk.s32 $0xffff, v6;
	_ =	sdelay $0x4  }
0x4bb: {  	v3, _, _ =	vpop (xrf0)  }
0x4bc: {  	(v2sf) =	vpush v3, $0xF;
	v3, _, _ =	vpop (xrf0)  }
0x4bd: {  	(v2sf) =	vpush v3, $0xF;
	_ =	sdelay $0x8  }
0x4be: {  	s2 =	spop (v2sf)  }
0x4bf: {  	s7 =	spop (v2sf);
	s0 =	sadd.s32 s0, s2  }
0x4c0: {  	p1 =	slt.s32 s25, s19;
	s2 =	sadd.s32 s0, s7;
	p2 =	sge.s32 s0, s19  }
0x4c1: {  	p3 =	slt.s32 s0, s19;
	p4 =	sge.s32 s2, s19;
	s30 =	spop (v2sf)  }
0x4c2: {  	p1 =	por !p1, !p2;
	p2 =	por !p3, !p4;
	s7 =	sadd.s32 s2, s30  }
0x4c3: {  	p3 =	slt.s32 s2, s19;
	p4 =	sge.s32 s7, s19;
	s13 =	spop (v2sf)  }
0x4c4: {  	p5 =	slt.s32 s7, s19;
	s13 =	sadd.s32 s7, s13;
	s15 =	spop (v2sf)  }
0x4c5: {  	p3 =	por !p3, !p4;
	p6 =	sge.s32 s13, s19;
	s15 =	sadd.s32 s13, s15  }
0x4c6: {  	p4 =	por !p5, !p6;
	p6 =	slt.s32 s13, s19;
	p0 =	sge.s32 s15, s19  }
0x4c7: {  	s15 =	sadd.s32 $0xFFFFFFFF, s26;
	p5 =	por !p6, !p0;
	p0 =	por !p1, !p1  }
0x4c8: {  	p1 =	por !p2, !p2;
	s21 =	smov.u32 @p0 s15;
	s15 =	sadd.s32 $0xFFFFFFFF, s15  }
0x4c9: {  	p2 =	por !p3, !p3;
	s21 =	smov.u32 @p1 s15;
	s15 =	sadd.s32 $0xFFFFFFFF, s15  }
0x4ca: {  	p3 =	por !p4, !p4;
	s21 =	smov.u32 @p2 s15;
	s15 =	sadd.s32 $0xFFFFFFFF, s15  }
0x4cb: {  	p4 =	por !p5, !p5;
	s21 =	smov.u32 @p3 s15;
	s15 =	sadd.s32 $0xFFFFFFFF, s15  }
0x4cc: {  	s21 =	smov.u32 @p4 s15  }
0x4cd: {  	s15 =	sshll.u32 s21, $0x4  }
0x4ce: {  	v3 =	vld [tilespmem:s15+$0x0];
	_ =	sdelay $0x4  }
0x4cf: {  	(xrf0) =	vadd.scan.msk.s32 $0xffff, v3;
	_ =	sdelay $0x4  }
0x4d0: {  	s20 =	smov.u32 @p0 s25  }
0x4d1: {  	s20 =	smov.u32 @p1 s0;
	v4, _, _ =	vpop (xrf0)  }
0x4d2: {  	s20 =	smov.u32 @p2 s2;
	v5 =	vbroadcast v4, $0xF  }
0x4d3: {  	s20 =	smov.u32 @p3 s7  }
0x4d4: {  	s20 =	smov.u32 @p4 s13;
	v4 =	vsub.s32 v5, v4  }
0x4d5: {  	v5 =	vadd.s32 s20, v4  }
0x4d6: {  	v3 =	vadd.s32 v3, v5  }
0x4d7: {  	vm0 =	vlt.s32 v5, s19;
	vm1 =	vge.s32 v3, s19  }
0x4d8: {  	vm0 =	vmand vm0, vm1  }
0x4d9: {  	v3 =	vnsel vm0, $0x0, v2  }
0x4da: {  	(xrf0) =	vadd.scan.msk.s32 $0xffff, v3;
	_ =	sdelay $0x5  }
0x4db: {  	v3, _, _ =	vpop (xrf0)  }
0x4dc: {  	(v2sf) =	vpush v3, $0xF;
	_ =	sdelay $0xa  }
0x4dd: {  	s0 =	simm.s32 $0x0  }
0x4de: {  	v3 =	vld [tilespmem:s0+$0x0];
	_ =	sdelay $0x1  }
0x4df: {  	s19 =	sshll.u32 s28, $0xA  }
0x4e0: {  	v12 =	vimm.s32 $0x80000000;
	v4 =	vmov s19;
	v9 =	vor.u32 s19, v2;
	s31 =	spop (v2sf)  }
0x4e1: {  	v6 =	vimm.f32 $0.0e+00;
	vm1 =	vgt.s32 v4, $0xFFFFFFFF;
	v11 =	vor.u32 s0, v9;
	s20 =	sadd.s32 s15, s31  }
0x4e2: {  	s2 =	simm.s32 $0x10;
	s21 =	simm.s32 $0x10;
	v8 =	vsel vm1, $0xFFFFFFFF, v12;
	v10 =	vcvt.s32.f32 v3;
	v7 =	vmov s20  }
.LBB2_37:
0x4e3: {  	v3 =	vld [tilespmem:s21+$0x0];
	p0 =	sne.s32 s2, $0x3F0;
	v4 =	vxor.u32 v8, v11;
	s7 =	smov.u32 s2;
	s2 =	sadd.s32 $0x10, s2  }
.Ltmp31:
0x4e4: {  	v11 =	vor.u32 s0, v2;
	v4 =	vmul.f32 v10, v4;
	s0 =	smov.u32 s7;
	(pc) =	sbr.rel @p0 .LBB2_37-.Ltmp31, $4  }
0x4e5: {  	vm1 =	vgt.s32 v11, v7  }
0x4e6: {  	v4 =	vnsel vm1, $0x0, v4  }
0x4e7: {  	v6 =	vadd.f32 v4, v6  }
0x4e8: {  	s21 =	sadd.s32 $0x10, s21;
	v11 =	vor.u32 s0, v9;
	v10 =	vcvt.s32.f32 v3  }
0x4e9: {  	v3 =	vnsel vm0, $0x0, v5  }
0x4ea: {  	(xrf0) =	vadd.scan.msk.s32 $0xffff, v3;
	_ =	sdelay $0x5  }
0x4eb: {  	v3, _, _ =	vpop (xrf0)  }
0x4ec: {  	(v2sf) =	vpush v3, $0xF;
	_ =	sdelay $0xe  }
0x4ed: {  	s7 =	sor.u32 s19, s20;
	s13 =	sadd.s32 s24, s23;
	v3 =	vxor.u32 v8, v11;
	s2 =	spop (v2sf)  }
0x4ee: {  	v4 =	vor.u32 s0, v2;
	v62 =	vmov s7;
	v3 =	vmul.f32 v10, v3;
	s25 =	sadd.s32 s2, s13  }
0x4ef: {  	vm14 =	vgt.s32 v4, v7;
	vm1 =	vgt.s32 v62, $0xFFFFFFFF;
	s0 =	ssub.s32 $0xB85, s25  }
0x4f0: {  	v63 =	vsel vm1, $0xFFFFFFFF, v12;
	v3 =	vnsel vm14, $0x0, v3;
	s0 =	scvt.s32.f32 s0  }
0x4f1: {  	v4 =	vxor.u32 s7, v63;
	v3 =	vadd.f32 v3, v6  }
0x4f2: {  	v4 =	vmul.f32 s0, v4  }
0x4f3: {  	vm15 =	vmmov $0x1;
	(xrf2) =	vadd.scan.msk.f32 $0xffff, v3  }
0x4f4: {  	v3 =	vnsel vm15, $0x0, v4  }
0x4f5: {  	(xrf2) =	vadd.scan.msk.f32 $0xffff, v3;
	_ =	sdelay $0x7  }
0x4f6: {  	v3, _, _ =	vpop (xrf2)  }
0x4f7: {  	(v2sf) =	vpush v3, $0xF  }
0x4f8: {  	v3, _, _ =	vpop (xrf2)  }
0x4f9: {  	(v2sf) =	vpush v3, $0xF;
	_ =	sdelay $0xb  }
0x4fa: {  	s26 =	sadd.f32 s18, s22  }
0x4fb: {  	s28 =	spop (v2sf)  }
0x4fc: {  	s0 =	sadd.f32 s28, s26  }
0x4fd: {  	s29 =	spop (v2sf)  }
0x4fe: {  	s0 =	sadd.f32 s0, s29;
	_ =	sdelay $0x1  }
0x4ff: {  	s0 =	smul.f32 $3.390980130e-04, s0  }
0x500: {  	s16 =	sadd.s32 $0x1, s16  }
0x501: {  	s30 =	sshll.u32 s17, $0x4;
	p0 =	sne.s32 s16, $0xC;
	v3 =	vmov s0  }
.Ltmp32:
0x502: {  	s31 =	simm.s32 $0xE880;
	s0 =	sadd.s32 s4, s30;
	[tilespmem:$0xE880] =	vst v3;
	(pc) =	sbr.rel @p0 .LBB2_2-.Ltmp32, $4  }
0x503: {  	[hbm4b:s0+s3] =	stream.linear.scatter [tilespmem:s31], [sflag:$0x3], $0x80, $0x38;
	[tilespmem:$0xE900] =	vst v63  }
0x504: {  	_ =	swait.ge [sflag:s14], $0x80  }
0x505: {  	[sflag:s14] =	ssyncset.done $0x0  }
0x506: {  	[sflag:s14] =	ssyncadd.s32 $0xFFFFFF80  }
0x507: {  	s2 =	rddreg [dreg:$0x4]  }
0x508: {  	s0 =	rddreg [dreg:$0x3];
	s2 =	sadd.s32 $0x1, s2  }
0x509: {  	p0 =	sne.s32 s2, s0  }
.Ltmp33:
0x50a: {  	_ = 	snop;
	(pc) =	sbr.rel @p0 .LBB2_1-.Ltmp33, $1  }
0x50b: {  	_ =	sdelay $0x3  }
0x50c: {  	_ =	sfence.sel $0x180000  }
0x50d: {  	[bflag:$0x0] =	sbarrier.arrive $0xFFFF  }
0x50e: {  	_ =	strace $0x90000047  }
0x50f: {  	s0 =	stileid.u32;
	[bflag:$0x2] =	sbarrier.arrive $0xFFFF  }
0x510: {  	p0 =	sne.s32 s0, $0x0;
	s0 =	rddreg [dreg:$0x2]  }
0x511: {  	s0 =	sadd.s32 @!p0 $0x100000, s0  }
0x512: {  	[sflag:s0] =	ssyncadd.tile.s32 @!p0 $0x1;
	_ =	shalt  }
.Lfunc_end2:
_tile_overlayer_lowered:
.L_overlay_start_2:
0x513: {  	(tag) =	ssettag $0x2  }
0x514: {  	s0 =	rddreg [dreg:$0x0];
	s2 =	stileid.u32  }
0x515: {  	s1 =	rddreg [dreg:$0x1];
	p0 =	sne.s32 s2, $0x0  }
0x516: {  	s3 =	rddreg [dreg:$0x2];
	[bflag:$0x3] =	sbarrier.arrive $0xFFFF;
	s2 =	simm.s32 @!p0 $0x1C03  }
0x517: {  	[timem:s3], [sflag:s2] =	dma.local @!p0 [hbm:s0], s1  }
0x518: {  	s0 =	simm.s32 @!p0 $0x3  }
0x519: {  	_ =	swait.ge @!p0 [sflag:s0], s1  }
0x51a: {  	s1 =	ssub.s32 @!p0 $0x0, s1;
	[sflag:s0] =	ssyncset.done @!p0 $0x0  }
0x51b: {  	[sflag:s0] =	ssyncadd.s32 @!p0 s1  }
0x51c: {  	[bflag:$0x3] =	sbarrier.arrive $0xFFFF  }
0x51d: {  	_ =	shalt  }

</sc_bundles>
